<compile_context>
chip_gen: v7x
topology: tpu7x:2x2x1
jax: 0.10.2.dev20260603
libtpu: 0.0.44.dev20260713+nightly
codegen_flags: <defaults>
</compile_context>

<pallas_src>
import functools

import jax
import jax.numpy as jnp
from jax import lax
from jax.experimental import pallas as pl
from jax.experimental.pallas import tpu as pltpu
from jax.experimental.pallas import tpu_sc as plsc

_B = 4194304
_ROWS = 4096
_COLS = 1024
_BLK_R = 256
_GRID = _ROWS // _BLK_R

_NW = 32
_L = 16
_PER_W = _B // _NW
_CH = 32768
_NCH = _PER_W // _CH
_NB1 = 2048
_NB2 = 4096


def _tc_pass1(x0_ref, x1_ref, t_ref, v_ref, an_ref, ap_ref, al_ref):
    @pl.when(pl.program_id(0) == 0)
    def _init():
        an_ref[...] = jnp.zeros_like(an_ref)
        ap_ref[...] = jnp.zeros_like(ap_ref)
        al_ref[...] = jnp.zeros_like(al_ref)

    d = x0_ref[...] - x1_ref[...]
    tf = t_ref[...].astype(jnp.float32)
    sp_n = jnp.maximum(-d, 0.0) + jnp.log1p(jnp.exp(-jnp.abs(d)))
    sp_p = d + sp_n
    v = sp_n * (1.0 - tf)
    v_ref[...] = v

    def fold(z):
        acc = z[:, 0:128]
        for k in range(1, 8):
            acc = acc + z[:, 128 * k:128 * (k + 1)]
        acc8 = acc[0:8, :]
        for k in range(1, _BLK_R // 8):
            acc8 = acc8 + acc[8 * k:8 * (k + 1), :]
        return acc8

    an_ref[...] += fold(tf)
    ap_ref[...] += fold(sp_p * tf)
    al_ref[...] += fold(v)


def _run_tc_pass1(x0, x1, t):
    return pl.pallas_call(
        _tc_pass1,
        grid=(_GRID,),
        in_specs=[
            pl.BlockSpec((_BLK_R, _COLS), lambda i: (i, 0)),
            pl.BlockSpec((_BLK_R, _COLS), lambda i: (i, 0)),
            pl.BlockSpec((_BLK_R, _COLS), lambda i: (i, 0)),
        ],
        out_specs=[
            pl.BlockSpec((_BLK_R, _COLS), lambda i: (i, 0)),
            pl.BlockSpec((8, 128), lambda i: (0, 0)),
            pl.BlockSpec((8, 128), lambda i: (0, 0)),
            pl.BlockSpec((8, 128), lambda i: (0, 0)),
        ],
        out_shape=[
            jax.ShapeDtypeStruct((_ROWS, _COLS), jnp.float32),
            jax.ShapeDtypeStruct((8, 128), jnp.float32),
            jax.ShapeDtypeStruct((8, 128), jnp.float32),
            jax.ShapeDtypeStruct((8, 128), jnp.float32),
        ],
    )(x0, x1, t)


def _sc_hist1_body(v_hbm, cnt_hbm, buf0, buf1, cnt_v, sem0, sem1):
    wid = lax.axis_index("s") * 2 + lax.axis_index("c")
    base = wid * _PER_W

    def zero_body(i, _):
        cnt_v[pl.ds(i * _L, _L)] = jnp.zeros((_L,), jnp.float32)
        return 0

    lax.fori_loop(0, _NB1 // _L, zero_body, 0)

    ones = jnp.ones((_L,), jnp.float32)
    bufs = (buf0, buf1)
    sems = (sem0, sem1)
    copies = [None, None]
    copies[0] = pltpu.async_copy(v_hbm.at[pl.ds(base, _CH)], buf0, sem0)
    for c in range(_NCH):
        if c + 1 < _NCH:
            copies[(c + 1) % 2] = pltpu.async_copy(
                v_hbm.at[pl.ds(base + (c + 1) * _CH, _CH)],
                bufs[(c + 1) % 2], sems[(c + 1) % 2])
        copies[c % 2].wait()
        buf = bufs[c % 2]

        def vec_body(i, _):
            v = buf[pl.ds(i * _L, _L)]
            bits = lax.bitcast_convert_type(v, jnp.int32)
            b = lax.shift_right_logical(bits, 21)
            plsc.addupdate_scatter(cnt_v, [b], ones)
            return 0

        lax.fori_loop(0, _CH // _L, vec_body, 0, unroll=16)
    pltpu.sync_copy(cnt_v, cnt_hbm.at[wid])


def _run_sc_hist1(v):
    mesh = plsc.VectorSubcoreMesh(core_axis_name="c", subcore_axis_name="s")
    kern = functools.partial(
        pl.kernel,
        mesh=mesh,
        out_type=jax.ShapeDtypeStruct((_NW, _NB1), jnp.float32),
        scratch_types=[
            pltpu.VMEM((_CH,), jnp.float32),
            pltpu.VMEM((_CH,), jnp.float32),
            pltpu.VMEM((_NB1,), jnp.float32),
            pltpu.SemaphoreType.DMA,
            pltpu.SemaphoreType.DMA,
        ],
        compiler_params=pltpu.CompilerParams(needs_layout_passes=False),
    )(_sc_hist1_body)
    return kern(v.reshape(_B))


def _suffix_2d(h2d, rows, cols):
    ri = lax.broadcasted_iota(jnp.int32, (rows, rows), 0)
    rj = lax.broadcasted_iota(jnp.int32, (rows, rows), 1)
    m_rows = (ri < rj).astype(jnp.float32)
    ci = lax.broadcasted_iota(jnp.int32, (cols, cols), 0)
    cj = lax.broadcasted_iota(jnp.int32, (cols, cols), 1)
    m_cols = (ci > cj).astype(jnp.float32)
    rs = jnp.sum(h2d, axis=1, keepdims=True)
    rows_after = jax.lax.dot_general(
        m_rows, rs, (((1,), (0,)), ((), ())),
        preferred_element_type=jnp.float32,
        precision=lax.Precision.HIGHEST)
    within = jax.lax.dot_general(
        h2d, m_cols, (((1,), (0,)), ((), ())),
        preferred_element_type=jnp.float32,
        precision=lax.Precision.HIGHEST)
    return rows_after + within


def _select_bucket(cnt2d, rank, rows, cols):
    g = _suffix_2d(cnt2d, rows, cols)
    m = jnp.logical_and(g < rank, g + cnt2d >= rank).astype(jnp.float32)
    ri = lax.broadcasted_iota(jnp.int32, (rows, cols), 0)
    ci = lax.broadcasted_iota(jnp.int32, (rows, cols), 1)
    idx = jnp.sum((ri * cols + ci).astype(jnp.float32) * m)
    r_in = jnp.sum(m * (rank - g))
    return idx, r_in


def _tc_decide1(cnt_ref, an_ref, j_ref, r_ref):
    cnt2d = jnp.sum(cnt_ref[...], axis=0)
    n = jnp.sum(an_ref[...])
    idx, r_in = _select_bucket(cnt2d, n, 16, 128)
    j_ref[...] = jnp.full((8, 128), idx.astype(jnp.int32), jnp.int32)
    r_ref[...] = jnp.full((8, 128), r_in, jnp.float32)


def _run_tc_decide1(cnt1, an):
    return pl.pallas_call(
        _tc_decide1,
        out_shape=[
            jax.ShapeDtypeStruct((8, 128), jnp.int32),
            jax.ShapeDtypeStruct((8, 128), jnp.float32),
        ],
    )(cnt1.reshape(_NW, 16, 128), an)


def _sc_hist2_body(v_hbm, j_hbm, cnt_hbm, buf0, buf1, jbuf, cnt_v,
                   sem0, sem1):
    wid = lax.axis_index("s") * 2 + lax.axis_index("c")
    base = wid * _PER_W

    def zero_body(i, _):
        cnt_v[pl.ds(i * _L, _L)] = jnp.zeros((_L,), jnp.float32)
        return 0

    lax.fori_loop(0, _NB2 // _L, zero_body, 0)

    pltpu.sync_copy(j_hbm, jbuf)
    jv = jbuf[...]
    ones = jnp.ones((_L,), jnp.float32)
    bufs = (buf0, buf1)
    sems = (sem0, sem1)
    copies = [None, None]
    copies[0] = pltpu.async_copy(v_hbm.at[pl.ds(base, _CH)], buf0, sem0)
    for c in range(_NCH):
        if c + 1 < _NCH:
            copies[(c + 1) % 2] = pltpu.async_copy(
                v_hbm.at[pl.ds(base + (c + 1) * _CH, _CH)],
                bufs[(c + 1) % 2], sems[(c + 1) % 2])
        copies[c % 2].wait()
        buf = bufs[c % 2]

        def vec_body(i, _):
            v = buf[pl.ds(i * _L, _L)]
            bits = lax.bitcast_convert_type(v, jnp.int32)
            hi = lax.shift_right_logical(bits, 21)
            msk = hi == jv
            sub = jnp.bitwise_and(lax.shift_right_logical(bits, 9), _NB2 - 1)
            plsc.addupdate_scatter(cnt_v, [sub], ones, mask=msk)
            return 0

        lax.fori_loop(0, _CH // _L, vec_body, 0, unroll=16)
    pltpu.sync_copy(cnt_v, cnt_hbm.at[wid])


def _run_sc_hist2(v, jvec):
    mesh = plsc.VectorSubcoreMesh(core_axis_name="c", subcore_axis_name="s")
    kern = functools.partial(
        pl.kernel,
        mesh=mesh,
        out_type=jax.ShapeDtypeStruct((_NW, _NB2), jnp.float32),
        scratch_types=[
            pltpu.VMEM((_CH,), jnp.float32),
            pltpu.VMEM((_CH,), jnp.float32),
            pltpu.VMEM((_L,), jnp.int32),
            pltpu.VMEM((_NB2,), jnp.float32),
            pltpu.SemaphoreType.DMA,
            pltpu.SemaphoreType.DMA,
        ],
        compiler_params=pltpu.CompilerParams(needs_layout_passes=False),
    )(_sc_hist2_body)
    return kern(v.reshape(_B), jvec)


def _tc_decide2(cnt_ref, j_ref, r_ref, t_ref):
    cnt2d = jnp.sum(cnt_ref[...], axis=0)
    rank = r_ref[0, 0]
    idx, _ = _select_bucket(cnt2d, rank, 32, 128)
    jstar = j_ref[0, 0]
    tbits = jnp.bitwise_or(lax.shift_left(jstar, 21),
                           lax.shift_left(idx.astype(jnp.int32), 9))
    tval = lax.bitcast_convert_type(tbits, jnp.float32)
    t_ref[...] = jnp.full((8, 128), tval, jnp.float32)


def _run_tc_decide2(cnt2, jout, rout):
    return pl.pallas_call(
        _tc_decide2,
        out_shape=jax.ShapeDtypeStruct((8, 128), jnp.float32),
    )(cnt2.reshape(_NW, 32, 128), jout, rout)


def _tc_final(v_ref, t_ref, an_ref, ap_ref, al_ref, out_ref, cs_ref, cc_ref):
    @pl.when(pl.program_id(0) == 0)
    def _init():
        cs_ref[...] = jnp.zeros_like(cs_ref)
        cc_ref[...] = jnp.zeros_like(cc_ref)

    tval = t_ref[0, 0]
    v = v_ref[...]
    gt = (v > tval).astype(jnp.float32)

    def fold(z):
        acc = z[:, 0:128]
        for k in range(1, 8):
            acc = acc + z[:, 128 * k:128 * (k + 1)]
        acc8 = acc[0:8, :]
        for k in range(1, _BLK_R // 8):
            acc8 = acc8 + acc[8 * k:8 * (k + 1), :]
        return acc8

    cs_ref[...] += fold(v * gt)
    cc_ref[...] += fold(gt)

    @pl.when(pl.program_id(0) == _GRID - 1)
    def _finish():
        n = jnp.sum(an_ref[...])
        loss_pos = jnp.sum(ap_ref[...])
        loss_all_neg = jnp.sum(al_ref[...])
        sum_gt = jnp.sum(cs_ref[...])
        cnt_gt = jnp.sum(cc_ref[...])
        t_sum = sum_gt + (n - cnt_gt) * tval
        ce = (loss_pos + loss_all_neg) / jnp.float32(_B)
        res = (loss_pos + t_sum) / (2.0 * n) + ce
        out_ref[...] = jnp.full((1, 1), res, jnp.float32)


def _run_tc_final(v, tout, an, ap, al):
    return pl.pallas_call(
        _tc_final,
        grid=(_GRID,),
        in_specs=[
            pl.BlockSpec((_BLK_R, _COLS), lambda i: (i, 0)),
            pl.BlockSpec((8, 128), lambda i: (0, 0)),
            pl.BlockSpec((8, 128), lambda i: (0, 0)),
            pl.BlockSpec((8, 128), lambda i: (0, 0)),
            pl.BlockSpec((8, 128), lambda i: (0, 0)),
        ],
        out_specs=pl.BlockSpec((1, 1), lambda i: (0, 0)),
        out_shape=jax.ShapeDtypeStruct((1, 1), jnp.float32),
        scratch_shapes=[
            pltpu.VMEM((8, 128), jnp.float32),
            pltpu.VMEM((8, 128), jnp.float32),
        ],
    )(v, tout, an, ap, al)


def kernel(input, target):
    x0 = input[:, 0].reshape(_ROWS, _COLS)
    x1 = input[:, 1].reshape(_ROWS, _COLS)
    t = target.reshape(_ROWS, _COLS)
    v, an, ap, al = _run_tc_pass1(x0, x1, t)
    cnt1 = _run_sc_hist1(v)
    jout, rout = _run_tc_decide1(cnt1, an)
    jvec = jout[0, :_L].reshape(_L)
    cnt2 = _run_sc_hist2(v, jvec)
    tout = _run_tc_decide2(cnt2, jout, rout)
    out = _run_tc_final(v, tout, an, ap, al)
    return out.reshape(())

# --- scband reference (transcript-rebuilt; emitter-appended) ---
"""Pipeline reference for scband-balance-nllloss-72164040507522 (READ-ONLY COPY).

The authoritative reference and input builder live on the scoring server;
editing this copy changes nothing except your own understanding.
"""

import jax, jax.numpy as jnp
import numpy as np

B = 4194304

def setup_inputs(seed: int = 0) -> dict:
    key = jax.random.key(seed)
    k1, k2 = jax.random.split(key)
    inp = jax.random.normal(k1, (B, 2), dtype=jnp.float32)
    target = jax.random.randint(k2, (B,), 0, 2, dtype=jnp.int32)
    return {"input": inp, "target": target}

def reference(input, target):
    # -F.log_softmax(input, 1)
    input_log_sm = -jax.nn.log_softmax(input, axis=1)
    tf = target.astype(input.dtype)
    # positive loss
    loss_pos = jnp.sum(input_log_sm[:, 1] * tf)
    N = jnp.sum(target)
    # negative candidates
    log_neg = jnp.ravel(input_log_sm[:, 0] * (1.0 - tf))
    neg_values, _ = jax.lax.top_k(log_neg, log_neg.shape[0])
    topn_mask = jnp.arange(log_neg.shape[0]) < N
    loss_neg = jnp.sum(jnp.where(topn_mask, neg_values, jnp.zeros_like(neg_values)))
    # F.cross_entropy(input, target) with mean reduction
    ce = jnp.mean(jnp.take_along_axis(input_log_sm, target[:, None].astype(jnp.int32), axis=1))
    return (loss_pos + loss_neg) / (2.0 * N.astype(input.dtype)) + ce

if __name__ == "__main__":
    import jax
    _d = setup_inputs()
    print(jax.jit(kernel)(*tuple(_d.values())))

</pallas_src>

<mosaic_0001>
#map = affine_map<(d0, d1) -> (0)>
#map1 = affine_map<(d0, d1) -> (0, 0)>
module attributes {stable_mosaic.version = 14 : i64} {
  func.func @_sc_hist2_body(%arg0: i32, %arg1: i32, %arg2: memref<4194304xf32, #tpu.memory_space<hbm>>, %arg3: memref<16xi32, #tpu.memory_space<hbm>>, %arg4: memref<32x4096xf32, #tpu.memory_space<hbm>>, %arg5: memref<32768xf32, #tpu.memory_space<vmem>>, %arg6: memref<32768xf32, #tpu.memory_space<vmem>>, %arg7: memref<16xi32, #tpu.memory_space<vmem>>, %arg8: memref<4096xf32, #tpu.memory_space<vmem>>, %arg9: memref<!tpu.dma_semaphore, #tpu.memory_space<semaphore_mem>>, %arg10: memref<!tpu.dma_semaphore, #tpu.memory_space<semaphore_mem>>) attributes {dimension_semantics = [#tpu.dimension_semantics<core_parallel>, #tpu.dimension_semantics<subcore_parallel>], iteration_bounds = array<i64: 2, 16>, scalar_prefetch = 0 : i64, scratch_operands = 6 : i64, tpu.core_type = #tpu.core_type<sc_vector_subcore>, window_params = [{transform_indices = #map}, {transform_indices = #map}, {transform_indices = #map1}]} {
    %mul3A = arith.constant 2 : i32
    %mul3A_0 = arith.muli %arg1, %mul3A : i32
    %add3A = arith.addi %mul3A_0, %arg0 : i32
    %mul3A_1 = arith.constant 131072 : i32
    %mul3A_2 = arith.muli %add3A, %mul3A_1 : i32
    %scan3A = arith.constant 0 : i32
    %scan3A_3 = arith.constant 0 : i32
    %scan3A_4 = arith.constant 256 : i32
    %scan3A_5 = arith.addi %scan3A_3, %scan3A_4 : i32
    %scan3A_6 = arith.constant 1 : i32
    %scan3A_7 = scf.for %scan3A_59 = %scan3A_3 to %scan3A_5 step %scan3A_6 iter_args(%scan3A_60 = %scan3A) -> (i32)  : i32 {
      %broadcast_in_dim3A_61 = arith.constant 0.000000e+00 : f32
      %broadcast_in_dim3A_62 = vector.broadcast %broadcast_in_dim3A_61 : f32 to vector<16xf32>
      %mul3A_63 = arith.constant 16 : i32
      %mul3A_64 = arith.muli %scan3A_59, %mul3A_63 : i32
      %swap3A = arith.index_cast %mul3A_64 : i32 to index
      %swap3A_65 = tpu.vector_load %arg8[%swap3A] {strides = array<i32>} : memref<4096xf32, #tpu.memory_space<vmem>>, vector<16xf32>,
      tpu.vector_store %arg8[%swap3A], %broadcast_in_dim3A_62 {strides = array<i32>} : memref<4096xf32, #tpu.memory_space<vmem>>, vector<16xf32>,
      %scan3A_66 = arith.constant 0 : i32
      scf.yield %scan3A_66 : i32
    }
    %scan3A_8 = arith.constant 256 : i32
    "tpu.region"() ({
      %run_scoped3A = tpu.sem_alloc : memref<!tpu.dma_semaphore, #tpu.memory_space<semaphore_mem>>
      tpu.enqueue_dma source(%arg3 : memref<16xi32, #tpu.memory_space<hbm>>) target(%arg7 : memref<16xi32, #tpu.memory_space<vmem>>) target_semaphore(%run_scoped3A : memref<!tpu.dma_semaphore, #tpu.memory_space<semaphore_mem>>)
      tpu.wait_dma2 semaphore(%run_scoped3A : memref<!tpu.dma_semaphore, #tpu.memory_space<semaphore_mem>>) src(%arg3 : memref<16xi32, #tpu.memory_space<hbm>>) dst(%arg7 : memref<16xi32, #tpu.memory_space<vmem>>)
      tpu.yield
    }) : () -> ()
    %get3A = arith.constant 0 : index
    %get3A_9 = tpu.vector_load %arg7[%get3A] {strides = array<i32>} : memref<16xi32, #tpu.memory_space<vmem>>, vector<16xi32>,
    %broadcast_in_dim3A = arith.constant 1.000000e+00 : f32
    %broadcast_in_dim3A_10 = vector.broadcast %broadcast_in_dim3A : f32 to vector<16xf32>
    %dma_start3A = tpu.memref_slice %arg2[%mul3A_2] : memref<4194304xf32, #tpu.memory_space<hbm>> -> memref<32768xf32, #tpu.memory_space<hbm>>
    %dma_start3A_11 = tpu.memref_slice %arg2[%mul3A_2] : memref<4194304xf32, #tpu.memory_space<hbm>> -> memref<32768xf32, #tpu.memory_space<hbm>>
    tpu.enqueue_dma source(%dma_start3A_11 : memref<32768xf32, #tpu.memory_space<hbm>>) target(%arg5 : memref<32768xf32, #tpu.memory_space<vmem>>) target_semaphore(%arg9 : memref<!tpu.dma_semaphore, #tpu.memory_space<semaphore_mem>>)
    %add3A_12 = arith.constant 32768 : i32
    %add3A_13 = arith.addi %mul3A_2, %add3A_12 : i32
    %dma_start3A_14 = tpu.memref_slice %arg2[%add3A_13] : memref<4194304xf32, #tpu.memory_space<hbm>> -> memref<32768xf32, #tpu.memory_space<hbm>>
    %dma_start3A_15 = tpu.memref_slice %arg2[%add3A_13] : memref<4194304xf32, #tpu.memory_space<hbm>> -> memref<32768xf32, #tpu.memory_space<hbm>>
    tpu.enqueue_dma source(%dma_start3A_15 : memref<32768xf32, #tpu.memory_space<hbm>>) target(%arg6 : memref<32768xf32, #tpu.memory_space<vmem>>) target_semaphore(%arg10 : memref<!tpu.dma_semaphore, #tpu.memory_space<semaphore_mem>>)
    %dma_wait3A = tpu.memref_slice %arg2[%mul3A_2] : memref<4194304xf32, #tpu.memory_space<hbm>> -> memref<32768xf32, #tpu.memory_space<hbm>>
    %dma_wait3A_16 = tpu.memref_slice %arg2[%mul3A_2] : memref<4194304xf32, #tpu.memory_space<hbm>> -> memref<32768xf32, #tpu.memory_space<hbm>>
    tpu.wait_dma2 semaphore(%arg9 : memref<!tpu.dma_semaphore, #tpu.memory_space<semaphore_mem>>) src(%dma_wait3A_16 : memref<32768xf32, #tpu.memory_space<hbm>>) dst(%arg5 : memref<32768xf32, #tpu.memory_space<vmem>>)
    %scan3A_17 = arith.constant 0 : i32
    %scan3A_18 = arith.constant 0 : i32
    %scan3A_19 = arith.constant 2048 : i32
    %scan3A_20 = arith.addi %scan3A_18, %scan3A_19 : i32
    %scan3A_21 = arith.constant 16 : i32
    %scan3A_22 = scf.for %scan3A_59 = %scan3A_18 to %scan3A_20 step %scan3A_21 iter_args(%scan3A_60 = %scan3A_17) -> (i32)  : i32 {
      %mul3A_61 = arith.constant 16 : i32
      %mul3A_62 = arith.muli %scan3A_59, %mul3A_61 : i32
      %get3A_63 = arith.index_cast %mul3A_62 : i32 to index
      %get3A_64 = tpu.vector_load %arg5[%get3A_63] {strides = array<i32>} : memref<32768xf32, #tpu.memory_space<vmem>>, vector<16xf32>,
      %bitcast_convert_type3A = tpu.bitcast %get3A_64 : vector<16xf32> -> vector<16xi32>
      %shift_right_logical3A = arith.constant 21 : i32
      %shift_right_logical3A_65 = vector.broadcast %shift_right_logical3A : i32 to vector<16xi32>
      %shift_right_logical3A_66 = arith.shrui %bitcast_convert_type3A, %shift_right_logical3A_65 : vector<16xi32>
      %eq3A = arith.cmpi eq, %shift_right_logical3A_66, %get3A_9 : vector<16xi32>
      %shift_right_logical3A_67 = arith.constant 9 : i32
      %shift_right_logical3A_68 = vector.broadcast %shift_right_logical3A_67 : i32 to vector<16xi32>
      %shift_right_logical3A_69 = arith.shrui %bitcast_convert_type3A, %shift_right_logical3A_68 : vector<16xi32>
      %and3A = arith.constant 4095 : i32
      %and3A_70 = vector.broadcast %and3A : i32 to vector<16xi32>
      %and3A_71 = arith.andi %shift_right_logical3A_69, %and3A_70 : vector<16xi32>
      tpu.vector_store_idx %arg8[%and3A_71], %broadcast_in_dim3A_10 masked %eq3A {add = true} : memref<4096xf32, #tpu.memory_space<vmem>>[vector<16xi32>], vector<16xf32>, vector<16xi1>
      %scan3A_72 = arith.constant 0 : i32
      %scan3A_73 = arith.constant 1 : i32
      %scan3A_74 = arith.addi %scan3A_59, %scan3A_73 : i32
      %mul3A_75 = arith.constant 16 : i32
      %mul3A_76 = arith.muli %scan3A_74, %mul3A_75 : i32
      %get3A_77 = arith.index_cast %mul3A_76 : i32 to index
      %get3A_78 = tpu.vector_load %arg5[%get3A_77] {strides = array<i32>} : memref<32768xf32, #tpu.memory_space<vmem>>, vector<16xf32>,
      %bitcast_convert_type3A_79 = tpu.bitcast %get3A_78 : vector<16xf32> -> vector<16xi32>
      %shift_right_logical3A_80 = arith.constant 21 : i32
      %shift_right_logical3A_81 = vector.broadcast %shift_right_logical3A_80 : i32 to vector<16xi32>
      %shift_right_logical3A_82 = arith.shrui %bitcast_convert_type3A_79, %shift_right_logical3A_81 : vector<16xi32>
      %eq3A_83 = arith.cmpi eq, %shift_right_logical3A_82, %get3A_9 : vector<16xi32>
      %shift_right_logical3A_84 = arith.constant 9 : i32
      %shift_right_logical3A_85 = vector.broadcast %shift_right_logical3A_84 : i32 to vector<16xi32>
      %shift_right_logical3A_86 = arith.shrui %bitcast_convert_type3A_79, %shift_right_logical3A_85 : vector<16xi32>
      %and3A_87 = arith.constant 4095 : i32
      %and3A_88 = vector.broadcast %and3A_87 : i32 to vector<16xi32>
      %and3A_89 = arith.andi %shift_right_logical3A_86, %and3A_88 : vector<16xi32>
      tpu.vector_store_idx %arg8[%and3A_89], %broadcast_in_dim3A_10 masked %eq3A_83 {add = true} : memref<4096xf32, #tpu.memory_space<vmem>>[vector<16xi32>], vector<16xf32>, vector<16xi1>
      %scan3A_90 = arith.constant 0 : i32
      %scan3A_91 = arith.constant 2 : i32
      %scan3A_92 = arith.addi %scan3A_59, %scan3A_91 : i32
      %mul3A_93 = arith.constant 16 : i32
      %mul3A_94 = arith.muli %scan3A_92, %mul3A_93 : i32
      %get3A_95 = arith.index_cast %mul3A_94 : i32 to index
      %get3A_96 = tpu.vector_load %arg5[%get3A_95] {strides = array<i32>} : memref<32768xf32, #tpu.memory_space<vmem>>, vector<16xf32>,
      %bitcast_convert_type3A_97 = tpu.bitcast %get3A_96 : vector<16xf32> -> vector<16xi32>
      %shift_right_logical3A_98 = arith.constant 21 : i32
      %shift_right_logical3A_99 = vector.broadcast %shift_right_logical3A_98 : i32 to vector<16xi32>
      %shift_right_logical3A_100 = arith.shrui %bitcast_convert_type3A_97, %shift_right_logical3A_99 : vector<16xi32>
      %eq3A_101 = arith.cmpi eq, %shift_right_logical3A_100, %get3A_9 : vector<16xi32>
      %shift_right_logical3A_102 = arith.constant 9 : i32
      %shift_right_logical3A_103 = vector.broadcast %shift_right_logical3A_102 : i32 to vector<16xi32>
      %shift_right_logical3A_104 = arith.shrui %bitcast_convert_type3A_97, %shift_right_logical3A_103 : vector<16xi32>
      %and3A_105 = arith.constant 4095 : i32
      %and3A_106 = vector.broadcast %and3A_105 : i32 to vector<16xi32>
      %and3A_107 = arith.andi %shift_right_logical3A_104, %and3A_106 : vector<16xi32>
      tpu.vector_store_idx %arg8[%and3A_107], %broadcast_in_dim3A_10 masked %eq3A_101 {add = true} : memref<4096xf32, #tpu.memory_space<vmem>>[vector<16xi32>], vector<16xf32>, vector<16xi1>
      %scan3A_108 = arith.constant 0 : i32
      %scan3A_109 = arith.constant 3 : i32
      %scan3A_110 = arith.addi %scan3A_59, %scan3A_109 : i32
      %mul3A_111 = arith.constant 16 : i32
      %mul3A_112 = arith.muli %scan3A_110, %mul3A_111 : i32
      %get3A_113 = arith.index_cast %mul3A_112 : i32 to index
      %get3A_114 = tpu.vector_load %arg5[%get3A_113] {strides = array<i32>} : memref<32768xf32, #tpu.memory_space<vmem>>, vector<16xf32>,
      %bitcast_convert_type3A_115 = tpu.bitcast %get3A_114 : vector<16xf32> -> vector<16xi32>
      %shift_right_logical3A_116 = arith.constant 21 : i32
      %shift_right_logical3A_117 = vector.broadcast %shift_right_logical3A_116 : i32 to vector<16xi32>
      %shift_right_logical3A_118 = arith.shrui %bitcast_convert_type3A_115, %shift_right_logical3A_117 : vector<16xi32>
      %eq3A_119 = arith.cmpi eq, %shift_right_logical3A_118, %get3A_9 : vector<16xi32>
      %shift_right_logical3A_120 = arith.constant 9 : i32
      %shift_right_logical3A_121 = vector.broadcast %shift_right_logical3A_120 : i32 to vector<16xi32>
      %shift_right_logical3A_122 = arith.shrui %bitcast_convert_type3A_115, %shift_right_logical3A_121 : vector<16xi32>
      %and3A_123 = arith.constant 4095 : i32
      %and3A_124 = vector.broadcast %and3A_123 : i32 to vector<16xi32>
      %and3A_125 = arith.andi %shift_right_logical3A_122, %and3A_124 : vector<16xi32>
      tpu.vector_store_idx %arg8[%and3A_125], %broadcast_in_dim3A_10 masked %eq3A_119 {add = true} : memref<4096xf32, #tpu.memory_space<vmem>>[vector<16xi32>], vector<16xf32>, vector<16xi1>
      %scan3A_126 = arith.constant 0 : i32
      %scan3A_127 = arith.constant 4 : i32
      %scan3A_128 = arith.addi %scan3A_59, %scan3A_127 : i32
      %mul3A_129 = arith.constant 16 : i32
      %mul3A_130 = arith.muli %scan3A_128, %mul3A_129 : i32
      %get3A_131 = arith.index_cast %mul3A_130 : i32 to index
      %get3A_132 = tpu.vector_load %arg5[%get3A_131] {strides = array<i32>} : memref<32768xf32, #tpu.memory_space<vmem>>, vector<16xf32>,
      %bitcast_convert_type3A_133 = tpu.bitcast %get3A_132 : vector<16xf32> -> vector<16xi32>
      %shift_right_logical3A_134 = arith.constant 21 : i32
      %shift_right_logical3A_135 = vector.broadcast %shift_right_logical3A_134 : i32 to vector<16xi32>
      %shift_right_logical3A_136 = arith.shrui %bitcast_convert_type3A_133, %shift_right_logical3A_135 : vector<16xi32>
      %eq3A_137 = arith.cmpi eq, %shift_right_logical3A_136, %get3A_9 : vector<16xi32>
      %shift_right_logical3A_138 = arith.constant 9 : i32
      %shift_right_logical3A_139 = vector.broadcast %shift_right_logical3A_138 : i32 to vector<16xi32>
      %shift_right_logical3A_140 = arith.shrui %bitcast_convert_type3A_133, %shift_right_logical3A_139 : vector<16xi32>
      %and3A_141 = arith.constant 4095 : i32
      %and3A_142 = vector.broadcast %and3A_141 : i32 to vector<16xi32>
      %and3A_143 = arith.andi %shift_right_logical3A_140, %and3A_142 : vector<16xi32>
      tpu.vector_store_idx %arg8[%and3A_143], %broadcast_in_dim3A_10 masked %eq3A_137 {add = true} : memref<4096xf32, #tpu.memory_space<vmem>>[vector<16xi32>], vector<16xf32>, vector<16xi1>
      %scan3A_144 = arith.constant 0 : i32
      %scan3A_145 = arith.constant 5 : i32
      %scan3A_146 = arith.addi %scan3A_59, %scan3A_145 : i32
      %mul3A_147 = arith.constant 16 : i32
      %mul3A_148 = arith.muli %scan3A_146, %mul3A_147 : i32
      %get3A_149 = arith.index_cast %mul3A_148 : i32 to index
      %get3A_150 = tpu.vector_load %arg5[%get3A_149] {strides = array<i32>} : memref<32768xf32, #tpu.memory_space<vmem>>, vector<16xf32>,
      %bitcast_convert_type3A_151 = tpu.bitcast %get3A_150 : vector<16xf32> -> vector<16xi32>
      %shift_right_logical3A_152 = arith.constant 21 : i32
      %shift_right_logical3A_153 = vector.broadcast %shift_right_logical3A_152 : i32 to vector<16xi32>
      %shift_right_logical3A_154 = arith.shrui %bitcast_convert_type3A_151, %shift_right_logical3A_153 : vector<16xi32>
      %eq3A_155 = arith.cmpi eq, %shift_right_logical3A_154, %get3A_9 : vector<16xi32>
      %shift_right_logical3A_156 = arith.constant 9 : i32
      %shift_right_logical3A_157 = vector.broadcast %shift_right_logical3A_156 : i32 to vector<16xi32>
      %shift_right_logical3A_158 = arith.shrui %bitcast_convert_type3A_151, %shift_right_logical3A_157 : vector<16xi32>
      %and3A_159 = arith.constant 4095 : i32
      %and3A_160 = vector.broadcast %and3A_159 : i32 to vector<16xi32>
      %and3A_161 = arith.andi %shift_right_logical3A_158, %and3A_160 : vector<16xi32>
      tpu.vector_store_idx %arg8[%and3A_161], %broadcast_in_dim3A_10 masked %eq3A_155 {add = true} : memref<4096xf32, #tpu.memory_space<vmem>>[vector<16xi32>], vector<16xf32>, vector<16xi1>
      %scan3A_162 = arith.constant 0 : i32
      %scan3A_163 = arith.constant 6 : i32
      %scan3A_164 = arith.addi %scan3A_59, %scan3A_163 : i32
      %mul3A_165 = arith.constant 16 : i32
      %mul3A_166 = arith.muli %scan3A_164, %mul3A_165 : i32
      %get3A_167 = arith.index_cast %mul3A_166 : i32 to index
      %get3A_168 = tpu.vector_load %arg5[%get3A_167] {strides = array<i32>} : memref<32768xf32, #tpu.memory_space<vmem>>, vector<16xf32>,
      %bitcast_convert_type3A_169 = tpu.bitcast %get3A_168 : vector<16xf32> -> vector<16xi32>
      %shift_right_logical3A_170 = arith.constant 21 : i32
      %shift_right_logical3A_171 = vector.broadcast %shift_right_logical3A_170 : i32 to vector<16xi32>
      %shift_right_logical3A_172 = arith.shrui %bitcast_convert_type3A_169, %shift_right_logical3A_171 : vector<16xi32>
      %eq3A_173 = arith.cmpi eq, %shift_right_logical3A_172, %get3A_9 : vector<16xi32>
      %shift_right_logical3A_174 = arith.constant 9 : i32
      %shift_right_logical3A_175 = vector.broadcast %shift_right_logical3A_174 : i32 to vector<16xi32>
      %shift_right_logical3A_176 = arith.shrui %bitcast_convert_type3A_169, %shift_right_logical3A_175 : vector<16xi32>
      %and3A_177 = arith.constant 4095 : i32
      %and3A_178 = vector.broadcast %and3A_177 : i32 to vector<16xi32>
      %and3A_179 = arith.andi %shift_right_logical3A_176, %and3A_178 : vector<16xi32>
      tpu.vector_store_idx %arg8[%and3A_179], %broadcast_in_dim3A_10 masked %eq3A_173 {add = true} : memref<4096xf32, #tpu.memory_space<vmem>>[vector<16xi32>], vector<16xf32>, vector<16xi1>
      %scan3A_180 = arith.constant 0 : i32
      %scan3A_181 = arith.constant 7 : i32
      %scan3A_182 = arith.addi %scan3A_59, %scan3A_181 : i32
      %mul3A_183 = arith.constant 16 : i32
      %mul3A_184 = arith.muli %scan3A_182, %mul3A_183 : i32
      %get3A_185 = arith.index_cast %mul3A_184 : i32 to index
      %get3A_186 = tpu.vector_load %arg5[%get3A_185] {strides = array<i32>} : memref<32768xf32, #tpu.memory_space<vmem>>, vector<16xf32>,
      %bitcast_convert_type3A_187 = tpu.bitcast %get3A_186 : vector<16xf32> -> vector<16xi32>
      %shift_right_logical3A_188 = arith.constant 21 : i32
      %shift_right_logical3A_189 = vector.broadcast %shift_right_logical3A_188 : i32 to vector<16xi32>
      %shift_right_logical3A_190 = arith.shrui %bitcast_convert_type3A_187, %shift_right_logical3A_189 : vector<16xi32>
      %eq3A_191 = arith.cmpi eq, %shift_right_logical3A_190, %get3A_9 : vector<16xi32>
      %shift_right_logical3A_192 = arith.constant 9 : i32
      %shift_right_logical3A_193 = vector.broadcast %shift_right_logical3A_192 : i32 to vector<16xi32>
      %shift_right_logical3A_194 = arith.shrui %bitcast_convert_type3A_187, %shift_right_logical3A_193 : vector<16xi32>
      %and3A_195 = arith.constant 4095 : i32
      %and3A_196 = vector.broadcast %and3A_195 : i32 to vector<16xi32>
      %and3A_197 = arith.andi %shift_right_logical3A_194, %and3A_196 : vector<16xi32>
      tpu.vector_store_idx %arg8[%and3A_197], %broadcast_in_dim3A_10 masked %eq3A_191 {add = true} : memref<4096xf32, #tpu.memory_space<vmem>>[vector<16xi32>], vector<16xf32>, vector<16xi1>
      %scan3A_198 = arith.constant 0 : i32
      %scan3A_199 = arith.constant 8 : i32
      %scan3A_200 = arith.addi %scan3A_59, %scan3A_199 : i32
      %mul3A_201 = arith.constant 16 : i32
      %mul3A_202 = arith.muli %scan3A_200, %mul3A_201 : i32
      %get3A_203 = arith.index_cast %mul3A_202 : i32 to index
      %get3A_204 = tpu.vector_load %arg5[%get3A_203] {strides = array<i32>} : memref<32768xf32, #tpu.memory_space<vmem>>, vector<16xf32>,
      %bitcast_convert_type3A_205 = tpu.bitcast %get3A_204 : vector<16xf32> -> vector<16xi32>
      %shift_right_logical3A_206 = arith.constant 21 : i32
      %shift_right_logical3A_207 = vector.broadcast %shift_right_logical3A_206 : i32 to vector<16xi32>
      %shift_right_logical3A_208 = arith.shrui %bitcast_convert_type3A_205, %shift_right_logical3A_207 : vector<16xi32>
      %eq3A_209 = arith.cmpi eq, %shift_right_logical3A_208, %get3A_9 : vector<16xi32>
      %shift_right_logical3A_210 = arith.constant 9 : i32
      %shift_right_logical3A_211 = vector.broadcast %shift_right_logical3A_210 : i32 to vector<16xi32>
      %shift_right_logical3A_212 = arith.shrui %bitcast_convert_type3A_205, %shift_right_logical3A_211 : vector<16xi32>
      %and3A_213 = arith.constant 4095 : i32
      %and3A_214 = vector.broadcast %and3A_213 : i32 to vector<16xi32>
      %and3A_215 = arith.andi %shift_right_logical3A_212, %and3A_214 : vector<16xi32>
      tpu.vector_store_idx %arg8[%and3A_215], %broadcast_in_dim3A_10 masked %eq3A_209 {add = true} : memref<4096xf32, #tpu.memory_space<vmem>>[vector<16xi32>], vector<16xf32>, vector<16xi1>
      %scan3A_216 = arith.constant 0 : i32
      %scan3A_217 = arith.constant 9 : i32
      %scan3A_218 = arith.addi %scan3A_59, %scan3A_217 : i32
      %mul3A_219 = arith.constant 16 : i32
      %mul3A_220 = arith.muli %scan3A_218, %mul3A_219 : i32
      %get3A_221 = arith.index_cast %mul3A_220 : i32 to index
      %get3A_222 = tpu.vector_load %arg5[%get3A_221] {strides = array<i32>} : memref<32768xf32, #tpu.memory_space<vmem>>, vector<16xf32>,
      %bitcast_convert_type3A_223 = tpu.bitcast %get3A_222 : vector<16xf32> -> vector<16xi32>
      %shift_right_logical3A_224 = arith.constant 21 : i32
      %shift_right_logical3A_225 = vector.broadcast %shift_right_logical3A_224 : i32 to vector<16xi32>
      %shift_right_logical3A_226 = arith.shrui %bitcast_convert_type3A_223, %shift_right_logical3A_225 : vector<16xi32>
      %eq3A_227 = arith.cmpi eq, %shift_right_logical3A_226, %get3A_9 : vector<16xi32>
      %shift_right_logical3A_228 = arith.constant 9 : i32
      %shift_right_logical3A_229 = vector.broadcast %shift_right_logical3A_228 : i32 to vector<16xi32>
      %shift_right_logical3A_230 = arith.shrui %bitcast_convert_type3A_223, %shift_right_logical3A_229 : vector<16xi32>
      %and3A_231 = arith.constant 4095 : i32
      %and3A_232 = vector.broadcast %and3A_231 : i32 to vector<16xi32>
      %and3A_233 = arith.andi %shift_right_logical3A_230, %and3A_232 : vector<16xi32>
      tpu.vector_store_idx %arg8[%and3A_233], %broadcast_in_dim3A_10 masked %eq3A_227 {add = true} : memref<4096xf32, #tpu.memory_space<vmem>>[vector<16xi32>], vector<16xf32>, vector<16xi1>
      %scan3A_234 = arith.constant 0 : i32
      %scan3A_235 = arith.constant 10 : i32
      %scan3A_236 = arith.addi %scan3A_59, %scan3A_235 : i32
      %mul3A_237 = arith.constant 16 : i32
      %mul3A_238 = arith.muli %scan3A_236, %mul3A_237 : i32
      %get3A_239 = arith.index_cast %mul3A_238 : i32 to index
      %get3A_240 = tpu.vector_load %arg5[%get3A_239] {strides = array<i32>} : memref<32768xf32, #tpu.memory_space<vmem>>, vector<16xf32>,
      %bitcast_convert_type3A_241 = tpu.bitcast %get3A_240 : vector<16xf32> -> vector<16xi32>
      %shift_right_logical3A_242 = arith.constant 21 : i32
      %shift_right_logical3A_243 = vector.broadcast %shift_right_logical3A_242 : i32 to vector<16xi32>
      %shift_right_logical3A_244 = arith.shrui %bitcast_convert_type3A_241, %shift_right_logical3A_243 : vector<16xi32>
      %eq3A_245 = arith.cmpi eq, %shift_right_logical3A_244, %get3A_9 : vector<16xi32>
      %shift_right_logical3A_246 = arith.constant 9 : i32
      %shift_right_logical3A_247 = vector.broadcast %shift_right_logical3A_246 : i32 to vector<16xi32>
      %shift_right_logical3A_248 = arith.shrui %bitcast_convert_type3A_241, %shift_right_logical3A_247 : vector<16xi32>
      %and3A_249 = arith.constant 4095 : i32
      %and3A_250 = vector.broadcast %and3A_249 : i32 to vector<16xi32>
      %and3A_251 = arith.andi %shift_right_logical3A_248, %and3A_250 : vector<16xi32>
      tpu.vector_store_idx %arg8[%and3A_251], %broadcast_in_dim3A_10 masked %eq3A_245 {add = true} : memref<4096xf32, #tpu.memory_space<vmem>>[vector<16xi32>], vector<16xf32>, vector<16xi1>
      %scan3A_252 = arith.constant 0 : i32
      %scan3A_253 = arith.constant 11 : i32
      %scan3A_254 = arith.addi %scan3A_59, %scan3A_253 : i32
      %mul3A_255 = arith.constant 16 : i32
      %mul3A_256 = arith.muli %scan3A_254, %mul3A_255 : i32
      %get3A_257 = arith.index_cast %mul3A_256 : i32 to index
      %get3A_258 = tpu.vector_load %arg5[%get3A_257] {strides = array<i32>} : memref<32768xf32, #tpu.memory_space<vmem>>, vector<16xf32>,
      %bitcast_convert_type3A_259 = tpu.bitcast %get3A_258 : vector<16xf32> -> vector<16xi32>
      %shift_right_logical3A_260 = arith.constant 21 : i32
      %shift_right_logical3A_261 = vector.broadcast %shift_right_logical3A_260 : i32 to vector<16xi32>
      %shift_right_logical3A_262 = arith.shrui %bitcast_convert_type3A_259, %shift_right_logical3A_261 : vector<16xi32>
      %eq3A_263 = arith.cmpi eq, %shift_right_logical3A_262, %get3A_9 : vector<16xi32>
      %shift_right_logical3A_264 = arith.constant 9 : i32
      %shift_right_logical3A_265 = vector.broadcast %shift_right_logical3A_264 : i32 to vector<16xi32>
      %shift_right_logical3A_266 = arith.shrui %bitcast_convert_type3A_259, %shift_right_logical3A_265 : vector<16xi32>
      %and3A_267 = arith.constant 4095 : i32
      %and3A_268 = vector.broadcast %and3A_267 : i32 to vector<16xi32>
      %and3A_269 = arith.andi %shift_right_logical3A_266, %and3A_268 : vector<16xi32>
      tpu.vector_store_idx %arg8[%and3A_269], %broadcast_in_dim3A_10 masked %eq3A_263 {add = true} : memref<4096xf32, #tpu.memory_space<vmem>>[vector<16xi32>], vector<16xf32>, vector<16xi1>
      %scan3A_270 = arith.constant 0 : i32
      %scan3A_271 = arith.constant 12 : i32
      %scan3A_272 = arith.addi %scan3A_59, %scan3A_271 : i32
      %mul3A_273 = arith.constant 16 : i32
      %mul3A_274 = arith.muli %scan3A_272, %mul3A_273 : i32
      %get3A_275 = arith.index_cast %mul3A_274 : i32 to index
      %get3A_276 = tpu.vector_load %arg5[%get3A_275] {strides = array<i32>} : memref<32768xf32, #tpu.memory_space<vmem>>, vector<16xf32>,
      %bitcast_convert_type3A_277 = tpu.bitcast %get3A_276 : vector<16xf32> -> vector<16xi32>
      %shift_right_logical3A_278 = arith.constant 21 : i32
      %shift_right_logical3A_279 = vector.broadcast %shift_right_logical3A_278 : i32 to vector<16xi32>
      %shift_right_logical3A_280 = arith.shrui %bitcast_convert_type3A_277, %shift_right_logical3A_279 : vector<16xi32>
      %eq3A_281 = arith.cmpi eq, %shift_right_logical3A_280, %get3A_9 : vector<16xi32>
      %shift_right_logical3A_282 = arith.constant 9 : i32
      %shift_right_logical3A_283 = vector.broadcast %shift_right_logical3A_282 : i32 to vector<16xi32>
      %shift_right_logical3A_284 = arith.shrui %bitcast_convert_type3A_277, %shift_right_logical3A_283 : vector<16xi32>
      %and3A_285 = arith.constant 4095 : i32
      %and3A_286 = vector.broadcast %and3A_285 : i32 to vector<16xi32>
      %and3A_287 = arith.andi %shift_right_logical3A_284, %and3A_286 : vector<16xi32>
      tpu.vector_store_idx %arg8[%and3A_287], %broadcast_in_dim3A_10 masked %eq3A_281 {add = true} : memref<4096xf32, #tpu.memory_space<vmem>>[vector<16xi32>], vector<16xf32>, vector<16xi1>
      %scan3A_288 = arith.constant 0 : i32
      %scan3A_289 = arith.constant 13 : i32
      %scan3A_290 = arith.addi %scan3A_59, %scan3A_289 : i32
      %mul3A_291 = arith.constant 16 : i32
      %mul3A_292 = arith.muli %scan3A_290, %mul3A_291 : i32
      %get3A_293 = arith.index_cast %mul3A_292 : i32 to index
      %get3A_294 = tpu.vector_load %arg5[%get3A_293] {strides = array<i32>} : memref<32768xf32, #tpu.memory_space<vmem>>, vector<16xf32>,
      %bitcast_convert_type3A_295 = tpu.bitcast %get3A_294 : vector<16xf32> -> vector<16xi32>
      %shift_right_logical3A_296 = arith.constant 21 : i32
      %shift_right_logical3A_297 = vector.broadcast %shift_right_logical3A_296 : i32 to vector<16xi32>
      %shift_right_logical3A_298 = arith.shrui %bitcast_convert_type3A_295, %shift_right_logical3A_297 : vector<16xi32>
      %eq3A_299 = arith.cmpi eq, %shift_right_logical3A_298, %get3A_9 : vector<16xi32>
      %shift_right_logical3A_300 = arith.constant 9 : i32
      %shift_right_logical3A_301 = vector.broadcast %shift_right_logical3A_300 : i32 to vector<16xi32>
      %shift_right_logical3A_302 = arith.shrui %bitcast_convert_type3A_295, %shift_right_logical3A_301 : vector<16xi32>
      %and3A_303 = arith.constant 4095 : i32
      %and3A_304 = vector.broadcast %and3A_303 : i32 to vector<16xi32>
      %and3A_305 = arith.andi %shift_right_logical3A_302, %and3A_304 : vector<16xi32>
      tpu.vector_store_idx %arg8[%and3A_305], %broadcast_in_dim3A_10 masked %eq3A_299 {add = true} : memref<4096xf32, #tpu.memory_space<vmem>>[vector<16xi32>], vector<16xf32>, vector<16xi1>
      %scan3A_306 = arith.constant 0 : i32
      %scan3A_307 = arith.constant 14 : i32
      %scan3A_308 = arith.addi %scan3A_59, %scan3A_307 : i32
      %mul3A_309 = arith.constant 16 : i32
      %mul3A_310 = arith.muli %scan3A_308, %mul3A_309 : i32
      %get3A_311 = arith.index_cast %mul3A_310 : i32 to index
      %get3A_312 = tpu.vector_load %arg5[%get3A_311] {strides = array<i32>} : memref<32768xf32, #tpu.memory_space<vmem>>, vector<16xf32>,
      %bitcast_convert_type3A_313 = tpu.bitcast %get3A_312 : vector<16xf32> -> vector<16xi32>
      %shift_right_logical3A_314 = arith.constant 21 : i32
      %shift_right_logical3A_315 = vector.broadcast %shift_right_logical3A_314 : i32 to vector<16xi32>
      %shift_right_logical3A_316 = arith.shrui %bitcast_convert_type3A_313, %shift_right_logical3A_315 : vector<16xi32>
      %eq3A_317 = arith.cmpi eq, %shift_right_logical3A_316, %get3A_9 : vector<16xi32>
      %shift_right_logical3A_318 = arith.constant 9 : i32
      %shift_right_logical3A_319 = vector.broadcast %shift_right_logical3A_318 : i32 to vector<16xi32>
      %shift_right_logical3A_320 = arith.shrui %bitcast_convert_type3A_313, %shift_right_logical3A_319 : vector<16xi32>
      %and3A_321 = arith.constant 4095 : i32
      %and3A_322 = vector.broadcast %and3A_321 : i32 to vector<16xi32>
      %and3A_323 = arith.andi %shift_right_logical3A_320, %and3A_322 : vector<16xi32>
      tpu.vector_store_idx %arg8[%and3A_323], %broadcast_in_dim3A_10 masked %eq3A_317 {add = true} : memref<4096xf32, #tpu.memory_space<vmem>>[vector<16xi32>], vector<16xf32>, vector<16xi1>
      %scan3A_324 = arith.constant 0 : i32
      %scan3A_325 = arith.constant 15 : i32
      %scan3A_326 = arith.addi %scan3A_59, %scan3A_325 : i32
      %mul3A_327 = arith.constant 16 : i32
      %mul3A_328 = arith.muli %scan3A_326, %mul3A_327 : i32
      %get3A_329 = arith.index_cast %mul3A_328 : i32 to index
      %get3A_330 = tpu.vector_load %arg5[%get3A_329] {strides = array<i32>} : memref<32768xf32, #tpu.memory_space<vmem>>, vector<16xf32>,
      %bitcast_convert_type3A_331 = tpu.bitcast %get3A_330 : vector<16xf32> -> vector<16xi32>
      %shift_right_logical3A_332 = arith.constant 21 : i32
      %shift_right_logical3A_333 = vector.broadcast %shift_right_logical3A_332 : i32 to vector<16xi32>
      %shift_right_logical3A_334 = arith.shrui %bitcast_convert_type3A_331, %shift_right_logical3A_333 : vector<16xi32>
      %eq3A_335 = arith.cmpi eq, %shift_right_logical3A_334, %get3A_9 : vector<16xi32>
      %shift_right_logical3A_336 = arith.constant 9 : i32
      %shift_right_logical3A_337 = vector.broadcast %shift_right_logical3A_336 : i32 to vector<16xi32>
      %shift_right_logical3A_338 = arith.shrui %bitcast_convert_type3A_331, %shift_right_logical3A_337 : vector<16xi32>
      %and3A_339 = arith.constant 4095 : i32
      %and3A_340 = vector.broadcast %and3A_339 : i32 to vector<16xi32>
      %and3A_341 = arith.andi %shift_right_logical3A_338, %and3A_340 : vector<16xi32>
      tpu.vector_store_idx %arg8[%and3A_341], %broadcast_in_dim3A_10 masked %eq3A_335 {add = true} : memref<4096xf32, #tpu.memory_space<vmem>>[vector<16xi32>], vector<16xf32>, vector<16xi1>
      %scan3A_342 = arith.constant 0 : i32
      scf.yield %scan3A_342 : i32
    }
    %scan3A_23 = arith.constant 2048 : i32
    %add3A_24 = arith.constant 65536 : i32
    %add3A_25 = arith.addi %mul3A_2, %add3A_24 : i32
    %dma_start3A_26 = tpu.memref_slice %arg2[%add3A_25] : memref<4194304xf32, #tpu.memory_space<hbm>> -> memref<32768xf32, #tpu.memory_space<hbm>>
    %dma_start3A_27 = tpu.memref_slice %arg2[%add3A_25] : memref<4194304xf32, #tpu.memory_space<hbm>> -> memref<32768xf32, #tpu.memory_space<hbm>>
    tpu.enqueue_dma source(%dma_start3A_27 : memref<32768xf32, #tpu.memory_space<hbm>>) target(%arg5 : memref<32768xf32, #tpu.memory_space<vmem>>) target_semaphore(%arg9 : memref<!tpu.dma_semaphore, #tpu.memory_space<semaphore_mem>>)
    %dma_wait3A_28 = tpu.memref_slice %arg2[%add3A_13] : memref<4194304xf32, #tpu.memory_space<hbm>> -> memref<32768xf32, #tpu.memory_space<hbm>>
    %dma_wait3A_29 = tpu.memref_slice %arg2[%add3A_13] : memref<4194304xf32, #tpu.memory_space<hbm>> -> memref<32768xf32, #tpu.memory_space<hbm>>
    tpu.wait_dma2 semaphore(%arg10 : memref<!tpu.dma_semaphore, #tpu.memory_space<semaphore_mem>>) src(%dma_wait3A_29 : memref<32768xf32, #tpu.memory_space<hbm>>) dst(%arg6 : memref<32768xf32, #tpu.memory_space<vmem>>)
    %scan3A_30 = arith.constant 0 : i32
    %scan3A_31 = arith.constant 0 : i32
    %scan3A_32 = arith.constant 2048 : i32
    %scan3A_33 = arith.addi %scan3A_31, %scan3A_32 : i32
    %scan3A_34 = arith.constant 16 : i32
    %scan3A_35 = scf.for %scan3A_59 = %scan3A_31 to %scan3A_33 step %scan3A_34 iter_args(%scan3A_60 = %scan3A_30) -> (i32)  : i32 {
      %mul3A_61 = arith.constant 16 : i32
      %mul3A_62 = arith.muli %scan3A_59, %mul3A_61 : i32
      %get3A_63 = arith.index_cast %mul3A_62 : i32 to index
      %get3A_64 = tpu.vector_load %arg6[%get3A_63] {strides = array<i32>} : memref<32768xf32, #tpu.memory_space<vmem>>, vector<16xf32>,
      %bitcast_convert_type3A = tpu.bitcast %get3A_64 : vector<16xf32> -> vector<16xi32>
      %shift_right_logical3A = arith.constant 21 : i32
      %shift_right_logical3A_65 = vector.broadcast %shift_right_logical3A : i32 to vector<16xi32>
      %shift_right_logical3A_66 = arith.shrui %bitcast_convert_type3A, %shift_right_logical3A_65 : vector<16xi32>
      %eq3A = arith.cmpi eq, %shift_right_logical3A_66, %get3A_9 : vector<16xi32>
      %shift_right_logical3A_67 = arith.constant 9 : i32
      %shift_right_logical3A_68 = vector.broadcast %shift_right_logical3A_67 : i32 to vector<16xi32>
      %shift_right_logical3A_69 = arith.shrui %bitcast_convert_type3A, %shift_right_logical3A_68 : vector<16xi32>
      %and3A = arith.constant 4095 : i32
      %and3A_70 = vector.broadcast %and3A : i32 to vector<16xi32>
      %and3A_71 = arith.andi %shift_right_logical3A_69, %and3A_70 : vector<16xi32>
      tpu.vector_store_idx %arg8[%and3A_71], %broadcast_in_dim3A_10 masked %eq3A {add = true} : memref<4096xf32, #tpu.memory_space<vmem>>[vector<16xi32>], vector<16xf32>, vector<16xi1>
      %scan3A_72 = arith.constant 0 : i32
      %scan3A_73 = arith.constant 1 : i32
      %scan3A_74 = arith.addi %scan3A_59, %scan3A_73 : i32
      %mul3A_75 = arith.constant 16 : i32
      %mul3A_76 = arith.muli %scan3A_74, %mul3A_75 : i32
      %get3A_77 = arith.index_cast %mul3A_76 : i32 to index
      %get3A_78 = tpu.vector_load %arg6[%get3A_77] {strides = array<i32>} : memref<32768xf32, #tpu.memory_space<vmem>>, vector<16xf32>,
      %bitcast_convert_type3A_79 = tpu.bitcast %get3A_78 : vector<16xf32> -> vector<16xi32>
      %shift_right_logical3A_80 = arith.constant 21 : i32
      %shift_right_logical3A_81 = vector.broadcast %shift_right_logical3A_80 : i32 to vector<16xi32>
      %shift_right_logical3A_82 = arith.shrui %bitcast_convert_type3A_79, %shift_right_logical3A_81 : vector<16xi32>
      %eq3A_83 = arith.cmpi eq, %shift_right_logical3A_82, %get3A_9 : vector<16xi32>
      %shift_right_logical3A_84 = arith.constant 9 : i32
      %shift_right_logical3A_85 = vector.broadcast %shift_right_logical3A_84 : i32 to vector<16xi32>
      %shift_right_logical3A_86 = arith.shrui %bitcast_convert_type3A_79, %shift_right_logical3A_85 : vector<16xi32>
      %and3A_87 = arith.constant 4095 : i32
      %and3A_88 = vector.broadcast %and3A_87 : i32 to vector<16xi32>
      %and3A_89 = arith.andi %shift_right_logical3A_86, %and3A_88 : vector<16xi32>
      tpu.vector_store_idx %arg8[%and3A_89], %broadcast_in_dim3A_10 masked %eq3A_83 {add = true} : memref<4096xf32, #tpu.memory_space<vmem>>[vector<16xi32>], vector<16xf32>, vector<16xi1>
      %scan3A_90 = arith.constant 0 : i32
      %scan3A_91 = arith.constant 2 : i32
      %scan3A_92 = arith.addi %scan3A_59, %scan3A_91 : i32
      %mul3A_93 = arith.constant 16 : i32
      %mul3A_94 = arith.muli %scan3A_92, %mul3A_93 : i32
      %get3A_95 = arith.index_cast %mul3A_94 : i32 to index
      %get3A_96 = tpu.vector_load %arg6[%get3A_95] {strides = array<i32>} : memref<32768xf32, #tpu.memory_space<vmem>>, vector<16xf32>,
      %bitcast_convert_type3A_97 = tpu.bitcast %get3A_96 : vector<16xf32> -> vector<16xi32>
      %shift_right_logical3A_98 = arith.constant 21 : i32
      %shift_right_logical3A_99 = vector.broadcast %shift_right_logical3A_98 : i32 to vector<16xi32>
      %shift_right_logical3A_100 = arith.shrui %bitcast_convert_type3A_97, %shift_right_logical3A_99 : vector<16xi32>
      %eq3A_101 = arith.cmpi eq, %shift_right_logical3A_100, %get3A_9 : vector<16xi32>
      %shift_right_logical3A_102 = arith.constant 9 : i32
      %shift_right_logical3A_103 = vector.broadcast %shift_right_logical3A_102 : i32 to vector<16xi32>
      %shift_right_logical3A_104 = arith.shrui %bitcast_convert_type3A_97, %shift_right_logical3A_103 : vector<16xi32>
      %and3A_105 = arith.constant 4095 : i32
      %and3A_106 = vector.broadcast %and3A_105 : i32 to vector<16xi32>
      %and3A_107 = arith.andi %shift_right_logical3A_104, %and3A_106 : vector<16xi32>
      tpu.vector_store_idx %arg8[%and3A_107], %broadcast_in_dim3A_10 masked %eq3A_101 {add = true} : memref<4096xf32, #tpu.memory_space<vmem>>[vector<16xi32>], vector<16xf32>, vector<16xi1>
      %scan3A_108 = arith.constant 0 : i32
      %scan3A_109 = arith.constant 3 : i32
      %scan3A_110 = arith.addi %scan3A_59, %scan3A_109 : i32
      %mul3A_111 = arith.constant 16 : i32
      %mul3A_112 = arith.muli %scan3A_110, %mul3A_111 : i32
      %get3A_113 = arith.index_cast %mul3A_112 : i32 to index
      %get3A_114 = tpu.vector_load %arg6[%get3A_113] {strides = array<i32>} : memref<32768xf32, #tpu.memory_space<vmem>>, vector<16xf32>,
      %bitcast_convert_type3A_115 = tpu.bitcast %get3A_114 : vector<16xf32> -> vector<16xi32>
      %shift_right_logical3A_116 = arith.constant 21 : i32
      %shift_right_logical3A_117 = vector.broadcast %shift_right_logical3A_116 : i32 to vector<16xi32>
      %shift_right_logical3A_118 = arith.shrui %bitcast_convert_type3A_115, %shift_right_logical3A_117 : vector<16xi32>
      %eq3A_119 = arith.cmpi eq, %shift_right_logical3A_118, %get3A_9 : vector<16xi32>
      %shift_right_logical3A_120 = arith.constant 9 : i32
      %shift_right_logical3A_121 = vector.broadcast %shift_right_logical3A_120 : i32 to vector<16xi32>
      %shift_right_logical3A_122 = arith.shrui %bitcast_convert_type3A_115, %shift_right_logical3A_121 : vector<16xi32>
      %and3A_123 = arith.constant 4095 : i32
      %and3A_124 = vector.broadcast %and3A_123 : i32 to vector<16xi32>
      %and3A_125 = arith.andi %shift_right_logical3A_122, %and3A_124 : vector<16xi32>
      tpu.vector_store_idx %arg8[%and3A_125], %broadcast_in_dim3A_10 masked %eq3A_119 {add = true} : memref<4096xf32, #tpu.memory_space<vmem>>[vector<16xi32>], vector<16xf32>, vector<16xi1>
      %scan3A_126 = arith.constant 0 : i32
      %scan3A_127 = arith.constant 4 : i32
      %scan3A_128 = arith.addi %scan3A_59, %scan3A_127 : i32
      %mul3A_129 = arith.constant 16 : i32
      %mul3A_130 = arith.muli %scan3A_128, %mul3A_129 : i32
      %get3A_131 = arith.index_cast %mul3A_130 : i32 to index
      %get3A_132 = tpu.vector_load %arg6[%get3A_131] {strides = array<i32>} : memref<32768xf32, #tpu.memory_space<vmem>>, vector<16xf32>,
      %bitcast_convert_type3A_133 = tpu.bitcast %get3A_132 : vector<16xf32> -> vector<16xi32>
      %shift_right_logical3A_134 = arith.constant 21 : i32
      %shift_right_logical3A_135 = vector.broadcast %shift_right_logical3A_134 : i32 to vector<16xi32>
      %shift_right_logical3A_136 = arith.shrui %bitcast_convert_type3A_133, %shift_right_logical3A_135 : vector<16xi32>
      %eq3A_137 = arith.cmpi eq, %shift_right_logical3A_136, %get3A_9 : vector<16xi32>
      %shift_right_logical3A_138 = arith.constant 9 : i32
      %shift_right_logical3A_139 = vector.broadcast %shift_right_logical3A_138 : i32 to vector<16xi32>
      %shift_right_logical3A_140 = arith.shrui %bitcast_convert_type3A_133, %shift_right_logical3A_139 : vector<16xi32>
      %and3A_141 = arith.constant 4095 : i32
      %and3A_142 = vector.broadcast %and3A_141 : i32 to vector<16xi32>
      %and3A_143 = arith.andi %shift_right_logical3A_140, %and3A_142 : vector<16xi32>
      tpu.vector_store_idx %arg8[%and3A_143], %broadcast_in_dim3A_10 masked %eq3A_137 {add = true} : memref<4096xf32, #tpu.memory_space<vmem>>[vector<16xi32>], vector<16xf32>, vector<16xi1>
      %scan3A_144 = arith.constant 0 : i32
      %scan3A_145 = arith.constant 5 : i32
      %scan3A_146 = arith.addi %scan3A_59, %scan3A_145 : i32
      %mul3A_147 = arith.constant 16 : i32
      %mul3A_148 = arith.muli %scan3A_146, %mul3A_147 : i32
      %get3A_149 = arith.index_cast %mul3A_148 : i32 to index
      %get3A_150 = tpu.vector_load %arg6[%get3A_149] {strides = array<i32>} : memref<32768xf32, #tpu.memory_space<vmem>>, vector<16xf32>,
      %bitcast_convert_type3A_151 = tpu.bitcast %get3A_150 : vector<16xf32> -> vector<16xi32>
      %shift_right_logical3A_152 = arith.constant 21 : i32
      %shift_right_logical3A_153 = vector.broadcast %shift_right_logical3A_152 : i32 to vector<16xi32>
      %shift_right_logical3A_154 = arith.shrui %bitcast_convert_type3A_151, %shift_right_logical3A_153 : vector<16xi32>
      %eq3A_155 = arith.cmpi eq, %shift_right_logical3A_154, %get3A_9 : vector<16xi32>
      %shift_right_logical3A_156 = arith.constant 9 : i32
      %shift_right_logical3A_157 = vector.broadcast %shift_right_logical3A_156 : i32 to vector<16xi32>
      %shift_right_logical3A_158 = arith.shrui %bitcast_convert_type3A_151, %shift_right_logical3A_157 : vector<16xi32>
      %and3A_159 = arith.constant 4095 : i32
      %and3A_160 = vector.broadcast %and3A_159 : i32 to vector<16xi32>
      %and3A_161 = arith.andi %shift_right_logical3A_158, %and3A_160 : vector<16xi32>
      tpu.vector_store_idx %arg8[%and3A_161], %broadcast_in_dim3A_10 masked %eq3A_155 {add = true} : memref<4096xf32, #tpu.memory_space<vmem>>[vector<16xi32>], vector<16xf32>, vector<16xi1>
      %scan3A_162 = arith.constant 0 : i32
      %scan3A_163 = arith.constant 6 : i32
      %scan3A_164 = arith.addi %scan3A_59, %scan3A_163 : i32
      %mul3A_165 = arith.constant 16 : i32
      %mul3A_166 = arith.muli %scan3A_164, %mul3A_165 : i32
      %get3A_167 = arith.index_cast %mul3A_166 : i32 to index
      %get3A_168 = tpu.vector_load %arg6[%get3A_167] {strides = array<i32>} : memref<32768xf32, #tpu.memory_space<vmem>>, vector<16xf32>,
      %bitcast_convert_type3A_169 = tpu.bitcast %get3A_168 : vector<16xf32> -> vector<16xi32>
      %shift_right_logical3A_170 = arith.constant 21 : i32
      %shift_right_logical3A_171 = vector.broadcast %shift_right_logical3A_170 : i32 to vector<16xi32>
      %shift_right_logical3A_172 = arith.shrui %bitcast_convert_type3A_169, %shift_right_logical3A_171 : vector<16xi32>
      %eq3A_173 = arith.cmpi eq, %shift_right_logical3A_172, %get3A_9 : vector<16xi32>
      %shift_right_logical3A_174 = arith.constant 9 : i32
      %shift_right_logical3A_175 = vector.broadcast %shift_right_logical3A_174 : i32 to vector<16xi32>
      %shift_right_logical3A_176 = arith.shrui %bitcast_convert_type3A_169, %shift_right_logical3A_175 : vector<16xi32>
      %and3A_177 = arith.constant 4095 : i32
      %and3A_178 = vector.broadcast %and3A_177 : i32 to vector<16xi32>
      %and3A_179 = arith.andi %shift_right_logical3A_176, %and3A_178 : vector<16xi32>
      tpu.vector_store_idx %arg8[%and3A_179], %broadcast_in_dim3A_10 masked %eq3A_173 {add = true} : memref<4096xf32, #tpu.memory_space<vmem>>[vector<16xi32>], vector<16xf32>, vector<16xi1>
      %scan3A_180 = arith.constant 0 : i32
      %scan3A_181 = arith.constant 7 : i32
      %scan3A_182 = arith.addi %scan3A_59, %scan3A_181 : i32
      %mul3A_183 = arith.constant 16 : i32
      %mul3A_184 = arith.muli %scan3A_182, %mul3A_183 : i32
      %get3A_185 = arith.index_cast %mul3A_184 : i32 to index
      %get3A_186 = tpu.vector_load %arg6[%get3A_185] {strides = array<i32>} : memref<32768xf32, #tpu.memory_space<vmem>>, vector<16xf32>,
      %bitcast_convert_type3A_187 = tpu.bitcast %get3A_186 : vector<16xf32> -> vector<16xi32>
      %shift_right_logical3A_188 = arith.constant 21 : i32
      %shift_right_logical3A_189 = vector.broadcast %shift_right_logical3A_188 : i32 to vector<16xi32>
      %shift_right_logical3A_190 = arith.shrui %bitcast_convert_type3A_187, %shift_right_logical3A_189 : vector<16xi32>
      %eq3A_191 = arith.cmpi eq, %shift_right_logical3A_190, %get3A_9 : vector<16xi32>
      %shift_right_logical3A_192 = arith.constant 9 : i32
      %shift_right_logical3A_193 = vector.broadcast %shift_right_logical3A_192 : i32 to vector<16xi32>
      %shift_right_logical3A_194 = arith.shrui %bitcast_convert_type3A_187, %shift_right_logical3A_193 : vector<16xi32>
      %and3A_195 = arith.constant 4095 : i32
      %and3A_196 = vector.broadcast %and3A_195 : i32 to vector<16xi32>
      %and3A_197 = arith.andi %shift_right_logical3A_194, %and3A_196 : vector<16xi32>
      tpu.vector_store_idx %arg8[%and3A_197], %broadcast_in_dim3A_10 masked %eq3A_191 {add = true} : memref<4096xf32, #tpu.memory_space<vmem>>[vector<16xi32>], vector<16xf32>, vector<16xi1>
      %scan3A_198 = arith.constant 0 : i32
      %scan3A_199 = arith.constant 8 : i32
      %scan3A_200 = arith.addi %scan3A_59, %scan3A_199 : i32
      %mul3A_201 = arith.constant 16 : i32
      %mul3A_202 = arith.muli %scan3A_200, %mul3A_201 : i32
      %get3A_203 = arith.index_cast %mul3A_202 : i32 to index
      %get3A_204 = tpu.vector_load %arg6[%get3A_203] {strides = array<i32>} : memref<32768xf32, #tpu.memory_space<vmem>>, vector<16xf32>,
      %bitcast_convert_type3A_205 = tpu.bitcast %get3A_204 : vector<16xf32> -> vector<16xi32>
      %shift_right_logical3A_206 = arith.constant 21 : i32
      %shift_right_logical3A_207 = vector.broadcast %shift_right_logical3A_206 : i32 to vector<16xi32>
      %shift_right_logical3A_208 = arith.shrui %bitcast_convert_type3A_205, %shift_right_logical3A_207 : vector<16xi32>
      %eq3A_209 = arith.cmpi eq, %shift_right_logical3A_208, %get3A_9 : vector<16xi32>
      %shift_right_logical3A_210 = arith.constant 9 : i32
      %shift_right_logical3A_211 = vector.broadcast %shift_right_logical3A_210 : i32 to vector<16xi32>
      %shift_right_logical3A_212 = arith.shrui %bitcast_convert_type3A_205, %shift_right_logical3A_211 : vector<16xi32>
      %and3A_213 = arith.constant 4095 : i32
      %and3A_214 = vector.broadcast %and3A_213 : i32 to vector<16xi32>
      %and3A_215 = arith.andi %shift_right_logical3A_212, %and3A_214 : vector<16xi32>
      tpu.vector_store_idx %arg8[%and3A_215], %broadcast_in_dim3A_10 masked %eq3A_209 {add = true} : memref<4096xf32, #tpu.memory_space<vmem>>[vector<16xi32>], vector<16xf32>, vector<16xi1>
      %scan3A_216 = arith.constant 0 : i32
      %scan3A_217 = arith.constant 9 : i32
      %scan3A_218 = arith.addi %scan3A_59, %scan3A_217 : i32
      %mul3A_219 = arith.constant 16 : i32
      %mul3A_220 = arith.muli %scan3A_218, %mul3A_219 : i32
      %get3A_221 = arith.index_cast %mul3A_220 : i32 to index
      %get3A_222 = tpu.vector_load %arg6[%get3A_221] {strides = array<i32>} : memref<32768xf32, #tpu.memory_space<vmem>>, vector<16xf32>,
      %bitcast_convert_type3A_223 = tpu.bitcast %get3A_222 : vector<16xf32> -> vector<16xi32>
      %shift_right_logical3A_224 = arith.constant 21 : i32
      %shift_right_logical3A_225 = vector.broadcast %shift_right_logical3A_224 : i32 to vector<16xi32>
      %shift_right_logical3A_226 = arith.shrui %bitcast_convert_type3A_223, %shift_right_logical3A_225 : vector<16xi32>
      %eq3A_227 = arith.cmpi eq, %shift_right_logical3A_226, %get3A_9 : vector<16xi32>
      %shift_right_logical3A_228 = arith.constant 9 : i32
      %shift_right_logical3A_229 = vector.broadcast %shift_right_logical3A_228 : i32 to vector<16xi32>
      %shift_right_logical3A_230 = arith.shrui %bitcast_convert_type3A_223, %shift_right_logical3A_229 : vector<16xi32>
      %and3A_231 = arith.constant 4095 : i32
      %and3A_232 = vector.broadcast %and3A_231 : i32 to vector<16xi32>
      %and3A_233 = arith.andi %shift_right_logical3A_230, %and3A_232 : vector<16xi32>
      tpu.vector_store_idx %arg8[%and3A_233], %broadcast_in_dim3A_10 masked %eq3A_227 {add = true} : memref<4096xf32, #tpu.memory_space<vmem>>[vector<16xi32>], vector<16xf32>, vector<16xi1>
      %scan3A_234 = arith.constant 0 : i32
      %scan3A_235 = arith.constant 10 : i32
      %scan3A_236 = arith.addi %scan3A_59, %scan3A_235 : i32
      %mul3A_237 = arith.constant 16 : i32
      %mul3A_238 = arith.muli %scan3A_236, %mul3A_237 : i32
      %get3A_239 = arith.index_cast %mul3A_238 : i32 to index
      %get3A_240 = tpu.vector_load %arg6[%get3A_239] {strides = array<i32>} : memref<32768xf32, #tpu.memory_space<vmem>>, vector<16xf32>,
      %bitcast_convert_type3A_241 = tpu.bitcast %get3A_240 : vector<16xf32> -> vector<16xi32>
      %shift_right_logical3A_242 = arith.constant 21 : i32
      %shift_right_logical3A_243 = vector.broadcast %shift_right_logical3A_242 : i32 to vector<16xi32>
      %shift_right_logical3A_244 = arith.shrui %bitcast_convert_type3A_241, %shift_right_logical3A_243 : vector<16xi32>
      %eq3A_245 = arith.cmpi eq, %shift_right_logical3A_244, %get3A_9 : vector<16xi32>
      %shift_right_logical3A_246 = arith.constant 9 : i32
      %shift_right_logical3A_247 = vector.broadcast %shift_right_logical3A_246 : i32 to vector<16xi32>
      %shift_right_logical3A_248 = arith.shrui %bitcast_convert_type3A_241, %shift_right_logical3A_247 : vector<16xi32>
      %and3A_249 = arith.constant 4095 : i32
      %and3A_250 = vector.broadcast %and3A_249 : i32 to vector<16xi32>
      %and3A_251 = arith.andi %shift_right_logical3A_248, %and3A_250 : vector<16xi32>
      tpu.vector_store_idx %arg8[%and3A_251], %broadcast_in_dim3A_10 masked %eq3A_245 {add = true} : memref<4096xf32, #tpu.memory_space<vmem>>[vector<16xi32>], vector<16xf32>, vector<16xi1>
      %scan3A_252 = arith.constant 0 : i32
      %scan3A_253 = arith.constant 11 : i32
      %scan3A_254 = arith.addi %scan3A_59, %scan3A_253 : i32
      %mul3A_255 = arith.constant 16 : i32
      %mul3A_256 = arith.muli %scan3A_254, %mul3A_255 : i32
      %get3A_257 = arith.index_cast %mul3A_256 : i32 to index
      %get3A_258 = tpu.vector_load %arg6[%get3A_257] {strides = array<i32>} : memref<32768xf32, #tpu.memory_space<vmem>>, vector<16xf32>,
      %bitcast_convert_type3A_259 = tpu.bitcast %get3A_258 : vector<16xf32> -> vector<16xi32>
      %shift_right_logical3A_260 = arith.constant 21 : i32
      %shift_right_logical3A_261 = vector.broadcast %shift_right_logical3A_260 : i32 to vector<16xi32>
      %shift_right_logical3A_262 = arith.shrui %bitcast_convert_type3A_259, %shift_right_logical3A_261 : vector<16xi32>
      %eq3A_263 = arith.cmpi eq, %shift_right_logical3A_262, %get3A_9 : vector<16xi32>
      %shift_right_logical3A_264 = arith.constant 9 : i32
      %shift_right_logical3A_265 = vector.broadcast %shift_right_logical3A_264 : i32 to vector<16xi32>
      %shift_right_logical3A_266 = arith.shrui %bitcast_convert_type3A_259, %shift_right_logical3A_265 : vector<16xi32>
      %and3A_267 = arith.constant 4095 : i32
      %and3A_268 = vector.broadcast %and3A_267 : i32 to vector<16xi32>
      %and3A_269 = arith.andi %shift_right_logical3A_266, %and3A_268 : vector<16xi32>
      tpu.vector_store_idx %arg8[%and3A_269], %broadcast_in_dim3A_10 masked %eq3A_263 {add = true} : memref<4096xf32, #tpu.memory_space<vmem>>[vector<16xi32>], vector<16xf32>, vector<16xi1>
      %scan3A_270 = arith.constant 0 : i32
      %scan3A_271 = arith.constant 12 : i32
      %scan3A_272 = arith.addi %scan3A_59, %scan3A_271 : i32
      %mul3A_273 = arith.constant 16 : i32
      %mul3A_274 = arith.muli %scan3A_272, %mul3A_273 : i32
      %get3A_275 = arith.index_cast %mul3A_274 : i32 to index
      %get3A_276 = tpu.vector_load %arg6[%get3A_275] {strides = array<i32>} : memref<32768xf32, #tpu.memory_space<vmem>>, vector<16xf32>,
      %bitcast_convert_type3A_277 = tpu.bitcast %get3A_276 : vector<16xf32> -> vector<16xi32>
      %shift_right_logical3A_278 = arith.constant 21 : i32
      %shift_right_logical3A_279 = vector.broadcast %shift_right_logical3A_278 : i32 to vector<16xi32>
      %shift_right_logical3A_280 = arith.shrui %bitcast_convert_type3A_277, %shift_right_logical3A_279 : vector<16xi32>
      %eq3A_281 = arith.cmpi eq, %shift_right_logical3A_280, %get3A_9 : vector<16xi32>
      %shift_right_logical3A_282 = arith.constant 9 : i32
      %shift_right_logical3A_283 = vector.broadcast %shift_right_logical3A_282 : i32 to vector<16xi32>
      %shift_right_logical3A_284 = arith.shrui %bitcast_convert_type3A_277, %shift_right_logical3A_283 : vector<16xi32>
      %and3A_285 = arith.constant 4095 : i32
      %and3A_286 = vector.broadcast %and3A_285 : i32 to vector<16xi32>
      %and3A_287 = arith.andi %shift_right_logical3A_284, %and3A_286 : vector<16xi32>
      tpu.vector_store_idx %arg8[%and3A_287], %broadcast_in_dim3A_10 masked %eq3A_281 {add = true} : memref<4096xf32, #tpu.memory_space<vmem>>[vector<16xi32>], vector<16xf32>, vector<16xi1>
      %scan3A_288 = arith.constant 0 : i32
      %scan3A_289 = arith.constant 13 : i32
      %scan3A_290 = arith.addi %scan3A_59, %scan3A_289 : i32
      %mul3A_291 = arith.constant 16 : i32
      %mul3A_292 = arith.muli %scan3A_290, %mul3A_291 : i32
      %get3A_293 = arith.index_cast %mul3A_292 : i32 to index
      %get3A_294 = tpu.vector_load %arg6[%get3A_293] {strides = array<i32>} : memref<32768xf32, #tpu.memory_space<vmem>>, vector<16xf32>,
      %bitcast_convert_type3A_295 = tpu.bitcast %get3A_294 : vector<16xf32> -> vector<16xi32>
      %shift_right_logical3A_296 = arith.constant 21 : i32
      %shift_right_logical3A_297 = vector.broadcast %shift_right_logical3A_296 : i32 to vector<16xi32>
      %shift_right_logical3A_298 = arith.shrui %bitcast_convert_type3A_295, %shift_right_logical3A_297 : vector<16xi32>
      %eq3A_299 = arith.cmpi eq, %shift_right_logical3A_298, %get3A_9 : vector<16xi32>
      %shift_right_logical3A_300 = arith.constant 9 : i32
      %shift_right_logical3A_301 = vector.broadcast %shift_right_logical3A_300 : i32 to vector<16xi32>
      %shift_right_logical3A_302 = arith.shrui %bitcast_convert_type3A_295, %shift_right_logical3A_301 : vector<16xi32>
      %and3A_303 = arith.constant 4095 : i32
      %and3A_304 = vector.broadcast %and3A_303 : i32 to vector<16xi32>
      %and3A_305 = arith.andi %shift_right_logical3A_302, %and3A_304 : vector<16xi32>
      tpu.vector_store_idx %arg8[%and3A_305], %broadcast_in_dim3A_10 masked %eq3A_299 {add = true} : memref<4096xf32, #tpu.memory_space<vmem>>[vector<16xi32>], vector<16xf32>, vector<16xi1>
      %scan3A_306 = arith.constant 0 : i32
      %scan3A_307 = arith.constant 14 : i32
      %scan3A_308 = arith.addi %scan3A_59, %scan3A_307 : i32
      %mul3A_309 = arith.constant 16 : i32
      %mul3A_310 = arith.muli %scan3A_308, %mul3A_309 : i32
      %get3A_311 = arith.index_cast %mul3A_310 : i32 to index
      %get3A_312 = tpu.vector_load %arg6[%get3A_311] {strides = array<i32>} : memref<32768xf32, #tpu.memory_space<vmem>>, vector<16xf32>,
      %bitcast_convert_type3A_313 = tpu.bitcast %get3A_312 : vector<16xf32> -> vector<16xi32>
      %shift_right_logical3A_314 = arith.constant 21 : i32
      %shift_right_logical3A_315 = vector.broadcast %shift_right_logical3A_314 : i32 to vector<16xi32>
      %shift_right_logical3A_316 = arith.shrui %bitcast_convert_type3A_313, %shift_right_logical3A_315 : vector<16xi32>
      %eq3A_317 = arith.cmpi eq, %shift_right_logical3A_316, %get3A_9 : vector<16xi32>
      %shift_right_logical3A_318 = arith.constant 9 : i32
      %shift_right_logical3A_319 = vector.broadcast %shift_right_logical3A_318 : i32 to vector<16xi32>
      %shift_right_logical3A_320 = arith.shrui %bitcast_convert_type3A_313, %shift_right_logical3A_319 : vector<16xi32>
      %and3A_321 = arith.constant 4095 : i32
      %and3A_322 = vector.broadcast %and3A_321 : i32 to vector<16xi32>
      %and3A_323 = arith.andi %shift_right_logical3A_320, %and3A_322 : vector<16xi32>
      tpu.vector_store_idx %arg8[%and3A_323], %broadcast_in_dim3A_10 masked %eq3A_317 {add = true} : memref<4096xf32, #tpu.memory_space<vmem>>[vector<16xi32>], vector<16xf32>, vector<16xi1>
      %scan3A_324 = arith.constant 0 : i32
      %scan3A_325 = arith.constant 15 : i32
      %scan3A_326 = arith.addi %scan3A_59, %scan3A_325 : i32
      %mul3A_327 = arith.constant 16 : i32
      %mul3A_328 = arith.muli %scan3A_326, %mul3A_327 : i32
      %get3A_329 = arith.index_cast %mul3A_328 : i32 to index
      %get3A_330 = tpu.vector_load %arg6[%get3A_329] {strides = array<i32>} : memref<32768xf32, #tpu.memory_space<vmem>>, vector<16xf32>,
      %bitcast_convert_type3A_331 = tpu.bitcast %get3A_330 : vector<16xf32> -> vector<16xi32>
      %shift_right_logical3A_332 = arith.constant 21 : i32
      %shift_right_logical3A_333 = vector.broadcast %shift_right_logical3A_332 : i32 to vector<16xi32>
      %shift_right_logical3A_334 = arith.shrui %bitcast_convert_type3A_331, %shift_right_logical3A_333 : vector<16xi32>
      %eq3A_335 = arith.cmpi eq, %shift_right_logical3A_334, %get3A_9 : vector<16xi32>
      %shift_right_logical3A_336 = arith.constant 9 : i32
      %shift_right_logical3A_337 = vector.broadcast %shift_right_logical3A_336 : i32 to vector<16xi32>
      %shift_right_logical3A_338 = arith.shrui %bitcast_convert_type3A_331, %shift_right_logical3A_337 : vector<16xi32>
      %and3A_339 = arith.constant 4095 : i32
      %and3A_340 = vector.broadcast %and3A_339 : i32 to vector<16xi32>
      %and3A_341 = arith.andi %shift_right_logical3A_338, %and3A_340 : vector<16xi32>
      tpu.vector_store_idx %arg8[%and3A_341], %broadcast_in_dim3A_10 masked %eq3A_335 {add = true} : memref<4096xf32, #tpu.memory_space<vmem>>[vector<16xi32>], vector<16xf32>, vector<16xi1>
      %scan3A_342 = arith.constant 0 : i32
      scf.yield %scan3A_342 : i32
    }
    %scan3A_36 = arith.constant 2048 : i32
    %add3A_37 = arith.constant 98304 : i32
    %add3A_38 = arith.addi %mul3A_2, %add3A_37 : i32
    %dma_start3A_39 = tpu.memref_slice %arg2[%add3A_38] : memref<4194304xf32, #tpu.memory_space<hbm>> -> memref<32768xf32, #tpu.memory_space<hbm>>
    %dma_start3A_40 = tpu.memref_slice %arg2[%add3A_38] : memref<4194304xf32, #tpu.memory_space<hbm>> -> memref<32768xf32, #tpu.memory_space<hbm>>
    tpu.enqueue_dma source(%dma_start3A_40 : memref<32768xf32, #tpu.memory_space<hbm>>) target(%arg6 : memref<32768xf32, #tpu.memory_space<vmem>>) target_semaphore(%arg10 : memref<!tpu.dma_semaphore, #tpu.memory_space<semaphore_mem>>)
    %dma_wait3A_41 = tpu.memref_slice %arg2[%add3A_25] : memref<4194304xf32, #tpu.memory_space<hbm>> -> memref<32768xf32, #tpu.memory_space<hbm>>
    %dma_wait3A_42 = tpu.memref_slice %arg2[%add3A_25] : memref<4194304xf32, #tpu.memory_space<hbm>> -> memref<32768xf32, #tpu.memory_space<hbm>>
    tpu.wait_dma2 semaphore(%arg9 : memref<!tpu.dma_semaphore, #tpu.memory_space<semaphore_mem>>) src(%dma_wait3A_42 : memref<32768xf32, #tpu.memory_space<hbm>>) dst(%arg5 : memref<32768xf32, #tpu.memory_space<vmem>>)
    %scan3A_43 = arith.constant 0 : i32
    %scan3A_44 = arith.constant 0 : i32
    %scan3A_45 = arith.constant 2048 : i32
    %scan3A_46 = arith.addi %scan3A_44, %scan3A_45 : i32
    %scan3A_47 = arith.constant 16 : i32
    %scan3A_48 = scf.for %scan3A_59 = %scan3A_44 to %scan3A_46 step %scan3A_47 iter_args(%scan3A_60 = %scan3A_43) -> (i32)  : i32 {
      %mul3A_61 = arith.constant 16 : i32
      %mul3A_62 = arith.muli %scan3A_59, %mul3A_61 : i32
      %get3A_63 = arith.index_cast %mul3A_62 : i32 to index
      %get3A_64 = tpu.vector_load %arg5[%get3A_63] {strides = array<i32>} : memref<32768xf32, #tpu.memory_space<vmem>>, vector<16xf32>,
      %bitcast_convert_type3A = tpu.bitcast %get3A_64 : vector<16xf32> -> vector<16xi32>
      %shift_right_logical3A = arith.constant 21 : i32
      %shift_right_logical3A_65 = vector.broadcast %shift_right_logical3A : i32 to vector<16xi32>
      %shift_right_logical3A_66 = arith.shrui %bitcast_convert_type3A, %shift_right_logical3A_65 : vector<16xi32>
      %eq3A = arith.cmpi eq, %shift_right_logical3A_66, %get3A_9 : vector<16xi32>
      %shift_right_logical3A_67 = arith.constant 9 : i32
      %shift_right_logical3A_68 = vector.broadcast %shift_right_logical3A_67 : i32 to vector<16xi32>
      %shift_right_logical3A_69 = arith.shrui %bitcast_convert_type3A, %shift_right_logical3A_68 : vector<16xi32>
      %and3A = arith.constant 4095 : i32
      %and3A_70 = vector.broadcast %and3A : i32 to vector<16xi32>
      %and3A_71 = arith.andi %shift_right_logical3A_69, %and3A_70 : vector<16xi32>
      tpu.vector_store_idx %arg8[%and3A_71], %broadcast_in_dim3A_10 masked %eq3A {add = true} : memref<4096xf32, #tpu.memory_space<vmem>>[vector<16xi32>], vector<16xf32>, vector<16xi1>
      %scan3A_72 = arith.constant 0 : i32
      %scan3A_73 = arith.constant 1 : i32
      %scan3A_74 = arith.addi %scan3A_59, %scan3A_73 : i32
      %mul3A_75 = arith.constant 16 : i32
      %mul3A_76 = arith.muli %scan3A_74, %mul3A_75 : i32
      %get3A_77 = arith.index_cast %mul3A_76 : i32 to index
      %get3A_78 = tpu.vector_load %arg5[%get3A_77] {strides = array<i32>} : memref<32768xf32, #tpu.memory_space<vmem>>, vector<16xf32>,
      %bitcast_convert_type3A_79 = tpu.bitcast %get3A_78 : vector<16xf32> -> vector<16xi32>
      %shift_right_logical3A_80 = arith.constant 21 : i32
      %shift_right_logical3A_81 = vector.broadcast %shift_right_logical3A_80 : i32 to vector<16xi32>
      %shift_right_logical3A_82 = arith.shrui %bitcast_convert_type3A_79, %shift_right_logical3A_81 : vector<16xi32>
      %eq3A_83 = arith.cmpi eq, %shift_right_logical3A_82, %get3A_9 : vector<16xi32>
      %shift_right_logical3A_84 = arith.constant 9 : i32
      %shift_right_logical3A_85 = vector.broadcast %shift_right_logical3A_84 : i32 to vector<16xi32>
      %shift_right_logical3A_86 = arith.shrui %bitcast_convert_type3A_79, %shift_right_logical3A_85 : vector<16xi32>
      %and3A_87 = arith.constant 4095 : i32
      %and3A_88 = vector.broadcast %and3A_87 : i32 to vector<16xi32>
      %and3A_89 = arith.andi %shift_right_logical3A_86, %and3A_88 : vector<16xi32>
      tpu.vector_store_idx %arg8[%and3A_89], %broadcast_in_dim3A_10 masked %eq3A_83 {add = true} : memref<4096xf32, #tpu.memory_space<vmem>>[vector<16xi32>], vector<16xf32>, vector<16xi1>
      %scan3A_90 = arith.constant 0 : i32
      %scan3A_91 = arith.constant 2 : i32
      %scan3A_92 = arith.addi %scan3A_59, %scan3A_91 : i32
      %mul3A_93 = arith.constant 16 : i32
      %mul3A_94 = arith.muli %scan3A_92, %mul3A_93 : i32
      %get3A_95 = arith.index_cast %mul3A_94 : i32 to index
      %get3A_96 = tpu.vector_load %arg5[%get3A_95] {strides = array<i32>} : memref<32768xf32, #tpu.memory_space<vmem>>, vector<16xf32>,
      %bitcast_convert_type3A_97 = tpu.bitcast %get3A_96 : vector<16xf32> -> vector<16xi32>
      %shift_right_logical3A_98 = arith.constant 21 : i32
      %shift_right_logical3A_99 = vector.broadcast %shift_right_logical3A_98 : i32 to vector<16xi32>
      %shift_right_logical3A_100 = arith.shrui %bitcast_convert_type3A_97, %shift_right_logical3A_99 : vector<16xi32>
      %eq3A_101 = arith.cmpi eq, %shift_right_logical3A_100, %get3A_9 : vector<16xi32>
      %shift_right_logical3A_102 = arith.constant 9 : i32
      %shift_right_logical3A_103 = vector.broadcast %shift_right_logical3A_102 : i32 to vector<16xi32>
      %shift_right_logical3A_104 = arith.shrui %bitcast_convert_type3A_97, %shift_right_logical3A_103 : vector<16xi32>
      %and3A_105 = arith.constant 4095 : i32
      %and3A_106 = vector.broadcast %and3A_105 : i32 to vector<16xi32>
      %and3A_107 = arith.andi %shift_right_logical3A_104, %and3A_106 : vector<16xi32>
      tpu.vector_store_idx %arg8[%and3A_107], %broadcast_in_dim3A_10 masked %eq3A_101 {add = true} : memref<4096xf32, #tpu.memory_space<vmem>>[vector<16xi32>], vector<16xf32>, vector<16xi1>
      %scan3A_108 = arith.constant 0 : i32
      %scan3A_109 = arith.constant 3 : i32
      %scan3A_110 = arith.addi %scan3A_59, %scan3A_109 : i32
      %mul3A_111 = arith.constant 16 : i32
      %mul3A_112 = arith.muli %scan3A_110, %mul3A_111 : i32
      %get3A_113 = arith.index_cast %mul3A_112 : i32 to index
      %get3A_114 = tpu.vector_load %arg5[%get3A_113] {strides = array<i32>} : memref<32768xf32, #tpu.memory_space<vmem>>, vector<16xf32>,
      %bitcast_convert_type3A_115 = tpu.bitcast %get3A_114 : vector<16xf32> -> vector<16xi32>
      %shift_right_logical3A_116 = arith.constant 21 : i32
      %shift_right_logical3A_117 = vector.broadcast %shift_right_logical3A_116 : i32 to vector<16xi32>
      %shift_right_logical3A_118 = arith.shrui %bitcast_convert_type3A_115, %shift_right_logical3A_117 : vector<16xi32>
      %eq3A_119 = arith.cmpi eq, %shift_right_logical3A_118, %get3A_9 : vector<16xi32>
      %shift_right_logical3A_120 = arith.constant 9 : i32
      %shift_right_logical3A_121 = vector.broadcast %shift_right_logical3A_120 : i32 to vector<16xi32>
      %shift_right_logical3A_122 = arith.shrui %bitcast_convert_type3A_115, %shift_right_logical3A_121 : vector<16xi32>
      %and3A_123 = arith.constant 4095 : i32
      %and3A_124 = vector.broadcast %and3A_123 : i32 to vector<16xi32>
      %and3A_125 = arith.andi %shift_right_logical3A_122, %and3A_124 : vector<16xi32>
      tpu.vector_store_idx %arg8[%and3A_125], %broadcast_in_dim3A_10 masked %eq3A_119 {add = true} : memref<4096xf32, #tpu.memory_space<vmem>>[vector<16xi32>], vector<16xf32>, vector<16xi1>
      %scan3A_126 = arith.constant 0 : i32
      %scan3A_127 = arith.constant 4 : i32
      %scan3A_128 = arith.addi %scan3A_59, %scan3A_127 : i32
      %mul3A_129 = arith.constant 16 : i32
      %mul3A_130 = arith.muli %scan3A_128, %mul3A_129 : i32
      %get3A_131 = arith.index_cast %mul3A_130 : i32 to index
      %get3A_132 = tpu.vector_load %arg5[%get3A_131] {strides = array<i32>} : memref<32768xf32, #tpu.memory_space<vmem>>, vector<16xf32>,
      %bitcast_convert_type3A_133 = tpu.bitcast %get3A_132 : vector<16xf32> -> vector<16xi32>
      %shift_right_logical3A_134 = arith.constant 21 : i32
      %shift_right_logical3A_135 = vector.broadcast %shift_right_logical3A_134 : i32 to vector<16xi32>
      %shift_right_logical3A_136 = arith.shrui %bitcast_convert_type3A_133, %shift_right_logical3A_135 : vector<16xi32>
      %eq3A_137 = arith.cmpi eq, %shift_right_logical3A_136, %get3A_9 : vector<16xi32>
      %shift_right_logical3A_138 = arith.constant 9 : i32
      %shift_right_logical3A_139 = vector.broadcast %shift_right_logical3A_138 : i32 to vector<16xi32>
      %shift_right_logical3A_140 = arith.shrui %bitcast_convert_type3A_133, %shift_right_logical3A_139 : vector<16xi32>
      %and3A_141 = arith.constant 4095 : i32
      %and3A_142 = vector.broadcast %and3A_141 : i32 to vector<16xi32>
      %and3A_143 = arith.andi %shift_right_logical3A_140, %and3A_142 : vector<16xi32>
      tpu.vector_store_idx %arg8[%and3A_143], %broadcast_in_dim3A_10 masked %eq3A_137 {add = true} : memref<4096xf32, #tpu.memory_space<vmem>>[vector<16xi32>], vector<16xf32>, vector<16xi1>
      %scan3A_144 = arith.constant 0 : i32
      %scan3A_145 = arith.constant 5 : i32
      %scan3A_146 = arith.addi %scan3A_59, %scan3A_145 : i32
      %mul3A_147 = arith.constant 16 : i32
      %mul3A_148 = arith.muli %scan3A_146, %mul3A_147 : i32
      %get3A_149 = arith.index_cast %mul3A_148 : i32 to index
      %get3A_150 = tpu.vector_load %arg5[%get3A_149] {strides = array<i32>} : memref<32768xf32, #tpu.memory_space<vmem>>, vector<16xf32>,
      %bitcast_convert_type3A_151 = tpu.bitcast %get3A_150 : vector<16xf32> -> vector<16xi32>
      %shift_right_logical3A_152 = arith.constant 21 : i32
      %shift_right_logical3A_153 = vector.broadcast %shift_right_logical3A_152 : i32 to vector<16xi32>
      %shift_right_logical3A_154 = arith.shrui %bitcast_convert_type3A_151, %shift_right_logical3A_153 : vector<16xi32>
      %eq3A_155 = arith.cmpi eq, %shift_right_logical3A_154, %get3A_9 : vector<16xi32>
      %shift_right_logical3A_156 = arith.constant 9 : i32
      %shift_right_logical3A_157 = vector.broadcast %shift_right_logical3A_156 : i32 to vector<16xi32>
      %shift_right_logical3A_158 = arith.shrui %bitcast_convert_type3A_151, %shift_right_logical3A_157 : vector<16xi32>
      %and3A_159 = arith.constant 4095 : i32
      %and3A_160 = vector.broadcast %and3A_159 : i32 to vector<16xi32>
      %and3A_161 = arith.andi %shift_right_logical3A_158, %and3A_160 : vector<16xi32>
      tpu.vector_store_idx %arg8[%and3A_161], %broadcast_in_dim3A_10 masked %eq3A_155 {add = true} : memref<4096xf32, #tpu.memory_space<vmem>>[vector<16xi32>], vector<16xf32>, vector<16xi1>
      %scan3A_162 = arith.constant 0 : i32
      %scan3A_163 = arith.constant 6 : i32
      %scan3A_164 = arith.addi %scan3A_59, %scan3A_163 : i32
      %mul3A_165 = arith.constant 16 : i32
      %mul3A_166 = arith.muli %scan3A_164, %mul3A_165 : i32
      %get3A_167 = arith.index_cast %mul3A_166 : i32 to index
      %get3A_168 = tpu.vector_load %arg5[%get3A_167] {strides = array<i32>} : memref<32768xf32, #tpu.memory_space<vmem>>, vector<16xf32>,
      %bitcast_convert_type3A_169 = tpu.bitcast %get3A_168 : vector<16xf32> -> vector<16xi32>
      %shift_right_logical3A_170 = arith.constant 21 : i32
      %shift_right_logical3A_171 = vector.broadcast %shift_right_logical3A_170 : i32 to vector<16xi32>
      %shift_right_logical3A_172 = arith.shrui %bitcast_convert_type3A_169, %shift_right_logical3A_171 : vector<16xi32>
      %eq3A_173 = arith.cmpi eq, %shift_right_logical3A_172, %get3A_9 : vector<16xi32>
      %shift_right_logical3A_174 = arith.constant 9 : i32
      %shift_right_logical3A_175 = vector.broadcast %shift_right_logical3A_174 : i32 to vector<16xi32>
      %shift_right_logical3A_176 = arith.shrui %bitcast_convert_type3A_169, %shift_right_logical3A_175 : vector<16xi32>
      %and3A_177 = arith.constant 4095 : i32
      %and3A_178 = vector.broadcast %and3A_177 : i32 to vector<16xi32>
      %and3A_179 = arith.andi %shift_right_logical3A_176, %and3A_178 : vector<16xi32>
      tpu.vector_store_idx %arg8[%and3A_179], %broadcast_in_dim3A_10 masked %eq3A_173 {add = true} : memref<4096xf32, #tpu.memory_space<vmem>>[vector<16xi32>], vector<16xf32>, vector<16xi1>
      %scan3A_180 = arith.constant 0 : i32
      %scan3A_181 = arith.constant 7 : i32
      %scan3A_182 = arith.addi %scan3A_59, %scan3A_181 : i32
      %mul3A_183 = arith.constant 16 : i32
      %mul3A_184 = arith.muli %scan3A_182, %mul3A_183 : i32
      %get3A_185 = arith.index_cast %mul3A_184 : i32 to index
      %get3A_186 = tpu.vector_load %arg5[%get3A_185] {strides = array<i32>} : memref<32768xf32, #tpu.memory_space<vmem>>, vector<16xf32>,
      %bitcast_convert_type3A_187 = tpu.bitcast %get3A_186 : vector<16xf32> -> vector<16xi32>
      %shift_right_logical3A_188 = arith.constant 21 : i32
      %shift_right_logical3A_189 = vector.broadcast %shift_right_logical3A_188 : i32 to vector<16xi32>
      %shift_right_logical3A_190 = arith.shrui %bitcast_convert_type3A_187, %shift_right_logical3A_189 : vector<16xi32>
      %eq3A_191 = arith.cmpi eq, %shift_right_logical3A_190, %get3A_9 : vector<16xi32>
      %shift_right_logical3A_192 = arith.constant 9 : i32
      %shift_right_logical3A_193 = vector.broadcast %shift_right_logical3A_192 : i32 to vector<16xi32>
      %shift_right_logical3A_194 = arith.shrui %bitcast_convert_type3A_187, %shift_right_logical3A_193 : vector<16xi32>
      %and3A_195 = arith.constant 4095 : i32
      %and3A_196 = vector.broadcast %and3A_195 : i32 to vector<16xi32>
      %and3A_197 = arith.andi %shift_right_logical3A_194, %and3A_196 : vector<16xi32>
      tpu.vector_store_idx %arg8[%and3A_197], %broadcast_in_dim3A_10 masked %eq3A_191 {add = true} : memref<4096xf32, #tpu.memory_space<vmem>>[vector<16xi32>], vector<16xf32>, vector<16xi1>
      %scan3A_198 = arith.constant 0 : i32
      %scan3A_199 = arith.constant 8 : i32
      %scan3A_200 = arith.addi %scan3A_59, %scan3A_199 : i32
      %mul3A_201 = arith.constant 16 : i32
      %mul3A_202 = arith.muli %scan3A_200, %mul3A_201 : i32
      %get3A_203 = arith.index_cast %mul3A_202 : i32 to index
      %get3A_204 = tpu.vector_load %arg5[%get3A_203] {strides = array<i32>} : memref<32768xf32, #tpu.memory_space<vmem>>, vector<16xf32>,
      %bitcast_convert_type3A_205 = tpu.bitcast %get3A_204 : vector<16xf32> -> vector<16xi32>
      %shift_right_logical3A_206 = arith.constant 21 : i32
      %shift_right_logical3A_207 = vector.broadcast %shift_right_logical3A_206 : i32 to vector<16xi32>
      %shift_right_logical3A_208 = arith.shrui %bitcast_convert_type3A_205, %shift_right_logical3A_207 : vector<16xi32>
      %eq3A_209 = arith.cmpi eq, %shift_right_logical3A_208, %get3A_9 : vector<16xi32>
      %shift_right_logical3A_210 = arith.constant 9 : i32
      %shift_right_logical3A_211 = vector.broadcast %shift_right_logical3A_210 : i32 to vector<16xi32>
      %shift_right_logical3A_212 = arith.shrui %bitcast_convert_type3A_205, %shift_right_logical3A_211 : vector<16xi32>
      %and3A_213 = arith.constant 4095 : i32
      %and3A_214 = vector.broadcast %and3A_213 : i32 to vector<16xi32>
      %and3A_215 = arith.andi %shift_right_logical3A_212, %and3A_214 : vector<16xi32>
      tpu.vector_store_idx %arg8[%and3A_215], %broadcast_in_dim3A_10 masked %eq3A_209 {add = true} : memref<4096xf32, #tpu.memory_space<vmem>>[vector<16xi32>], vector<16xf32>, vector<16xi1>
      %scan3A_216 = arith.constant 0 : i32
      %scan3A_217 = arith.constant 9 : i32
      %scan3A_218 = arith.addi %scan3A_59, %scan3A_217 : i32
      %mul3A_219 = arith.constant 16 : i32
      %mul3A_220 = arith.muli %scan3A_218, %mul3A_219 : i32
      %get3A_221 = arith.index_cast %mul3A_220 : i32 to index
      %get3A_222 = tpu.vector_load %arg5[%get3A_221] {strides = array<i32>} : memref<32768xf32, #tpu.memory_space<vmem>>, vector<16xf32>,
      %bitcast_convert_type3A_223 = tpu.bitcast %get3A_222 : vector<16xf32> -> vector<16xi32>
      %shift_right_logical3A_224 = arith.constant 21 : i32
      %shift_right_logical3A_225 = vector.broadcast %shift_right_logical3A_224 : i32 to vector<16xi32>
      %shift_right_logical3A_226 = arith.shrui %bitcast_convert_type3A_223, %shift_right_logical3A_225 : vector<16xi32>
      %eq3A_227 = arith.cmpi eq, %shift_right_logical3A_226, %get3A_9 : vector<16xi32>
      %shift_right_logical3A_228 = arith.constant 9 : i32
      %shift_right_logical3A_229 = vector.broadcast %shift_right_logical3A_228 : i32 to vector<16xi32>
      %shift_right_logical3A_230 = arith.shrui %bitcast_convert_type3A_223, %shift_right_logical3A_229 : vector<16xi32>
      %and3A_231 = arith.constant 4095 : i32
      %and3A_232 = vector.broadcast %and3A_231 : i32 to vector<16xi32>
      %and3A_233 = arith.andi %shift_right_logical3A_230, %and3A_232 : vector<16xi32>
      tpu.vector_store_idx %arg8[%and3A_233], %broadcast_in_dim3A_10 masked %eq3A_227 {add = true} : memref<4096xf32, #tpu.memory_space<vmem>>[vector<16xi32>], vector<16xf32>, vector<16xi1>
      %scan3A_234 = arith.constant 0 : i32
      %scan3A_235 = arith.constant 10 : i32
      %scan3A_236 = arith.addi %scan3A_59, %scan3A_235 : i32
      %mul3A_237 = arith.constant 16 : i32
      %mul3A_238 = arith.muli %scan3A_236, %mul3A_237 : i32
      %get3A_239 = arith.index_cast %mul3A_238 : i32 to index
      %get3A_240 = tpu.vector_load %arg5[%get3A_239] {strides = array<i32>} : memref<32768xf32, #tpu.memory_space<vmem>>, vector<16xf32>,
      %bitcast_convert_type3A_241 = tpu.bitcast %get3A_240 : vector<16xf32> -> vector<16xi32>
      %shift_right_logical3A_242 = arith.constant 21 : i32
      %shift_right_logical3A_243 = vector.broadcast %shift_right_logical3A_242 : i32 to vector<16xi32>
      %shift_right_logical3A_244 = arith.shrui %bitcast_convert_type3A_241, %shift_right_logical3A_243 : vector<16xi32>
      %eq3A_245 = arith.cmpi eq, %shift_right_logical3A_244, %get3A_9 : vector<16xi32>
      %shift_right_logical3A_246 = arith.constant 9 : i32
      %shift_right_logical3A_247 = vector.broadcast %shift_right_logical3A_246 : i32 to vector<16xi32>
      %shift_right_logical3A_248 = arith.shrui %bitcast_convert_type3A_241, %shift_right_logical3A_247 : vector<16xi32>
      %and3A_249 = arith.constant 4095 : i32
      %and3A_250 = vector.broadcast %and3A_249 : i32 to vector<16xi32>
      %and3A_251 = arith.andi %shift_right_logical3A_248, %and3A_250 : vector<16xi32>
      tpu.vector_store_idx %arg8[%and3A_251], %broadcast_in_dim3A_10 masked %eq3A_245 {add = true} : memref<4096xf32, #tpu.memory_space<vmem>>[vector<16xi32>], vector<16xf32>, vector<16xi1>
      %scan3A_252 = arith.constant 0 : i32
      %scan3A_253 = arith.constant 11 : i32
      %scan3A_254 = arith.addi %scan3A_59, %scan3A_253 : i32
      %mul3A_255 = arith.constant 16 : i32
      %mul3A_256 = arith.muli %scan3A_254, %mul3A_255 : i32
      %get3A_257 = arith.index_cast %mul3A_256 : i32 to index
      %get3A_258 = tpu.vector_load %arg5[%get3A_257] {strides = array<i32>} : memref<32768xf32, #tpu.memory_space<vmem>>, vector<16xf32>,
      %bitcast_convert_type3A_259 = tpu.bitcast %get3A_258 : vector<16xf32> -> vector<16xi32>
      %shift_right_logical3A_260 = arith.constant 21 : i32
      %shift_right_logical3A_261 = vector.broadcast %shift_right_logical3A_260 : i32 to vector<16xi32>
      %shift_right_logical3A_262 = arith.shrui %bitcast_convert_type3A_259, %shift_right_logical3A_261 : vector<16xi32>
      %eq3A_263 = arith.cmpi eq, %shift_right_logical3A_262, %get3A_9 : vector<16xi32>
      %shift_right_logical3A_264 = arith.constant 9 : i32
      %shift_right_logical3A_265 = vector.broadcast %shift_right_logical3A_264 : i32 to vector<16xi32>
      %shift_right_logical3A_266 = arith.shrui %bitcast_convert_type3A_259, %shift_right_logical3A_265 : vector<16xi32>
      %and3A_267 = arith.constant 4095 : i32
      %and3A_268 = vector.broadcast %and3A_267 : i32 to vector<16xi32>
      %and3A_269 = arith.andi %shift_right_logical3A_266, %and3A_268 : vector<16xi32>
      tpu.vector_store_idx %arg8[%and3A_269], %broadcast_in_dim3A_10 masked %eq3A_263 {add = true} : memref<4096xf32, #tpu.memory_space<vmem>>[vector<16xi32>], vector<16xf32>, vector<16xi1>
      %scan3A_270 = arith.constant 0 : i32
      %scan3A_271 = arith.constant 12 : i32
      %scan3A_272 = arith.addi %scan3A_59, %scan3A_271 : i32
      %mul3A_273 = arith.constant 16 : i32
      %mul3A_274 = arith.muli %scan3A_272, %mul3A_273 : i32
      %get3A_275 = arith.index_cast %mul3A_274 : i32 to index
      %get3A_276 = tpu.vector_load %arg5[%get3A_275] {strides = array<i32>} : memref<32768xf32, #tpu.memory_space<vmem>>, vector<16xf32>,
      %bitcast_convert_type3A_277 = tpu.bitcast %get3A_276 : vector<16xf32> -> vector<16xi32>
      %shift_right_logical3A_278 = arith.constant 21 : i32
      %shift_right_logical3A_279 = vector.broadcast %shift_right_logical3A_278 : i32 to vector<16xi32>
      %shift_right_logical3A_280 = arith.shrui %bitcast_convert_type3A_277, %shift_right_logical3A_279 : vector<16xi32>
      %eq3A_281 = arith.cmpi eq, %shift_right_logical3A_280, %get3A_9 : vector<16xi32>
      %shift_right_logical3A_282 = arith.constant 9 : i32
      %shift_right_logical3A_283 = vector.broadcast %shift_right_logical3A_282 : i32 to vector<16xi32>
      %shift_right_logical3A_284 = arith.shrui %bitcast_convert_type3A_277, %shift_right_logical3A_283 : vector<16xi32>
      %and3A_285 = arith.constant 4095 : i32
      %and3A_286 = vector.broadcast %and3A_285 : i32 to vector<16xi32>
      %and3A_287 = arith.andi %shift_right_logical3A_284, %and3A_286 : vector<16xi32>
      tpu.vector_store_idx %arg8[%and3A_287], %broadcast_in_dim3A_10 masked %eq3A_281 {add = true} : memref<4096xf32, #tpu.memory_space<vmem>>[vector<16xi32>], vector<16xf32>, vector<16xi1>
      %scan3A_288 = arith.constant 0 : i32
      %scan3A_289 = arith.constant 13 : i32
      %scan3A_290 = arith.addi %scan3A_59, %scan3A_289 : i32
      %mul3A_291 = arith.constant 16 : i32
      %mul3A_292 = arith.muli %scan3A_290, %mul3A_291 : i32
      %get3A_293 = arith.index_cast %mul3A_292 : i32 to index
      %get3A_294 = tpu.vector_load %arg5[%get3A_293] {strides = array<i32>} : memref<32768xf32, #tpu.memory_space<vmem>>, vector<16xf32>,
      %bitcast_convert_type3A_295 = tpu.bitcast %get3A_294 : vector<16xf32> -> vector<16xi32>
      %shift_right_logical3A_296 = arith.constant 21 : i32
      %shift_right_logical3A_297 = vector.broadcast %shift_right_logical3A_296 : i32 to vector<16xi32>
      %shift_right_logical3A_298 = arith.shrui %bitcast_convert_type3A_295, %shift_right_logical3A_297 : vector<16xi32>
      %eq3A_299 = arith.cmpi eq, %shift_right_logical3A_298, %get3A_9 : vector<16xi32>
      %shift_right_logical3A_300 = arith.constant 9 : i32
      %shift_right_logical3A_301 = vector.broadcast %shift_right_logical3A_300 : i32 to vector<16xi32>
      %shift_right_logical3A_302 = arith.shrui %bitcast_convert_type3A_295, %shift_right_logical3A_301 : vector<16xi32>
      %and3A_303 = arith.constant 4095 : i32
      %and3A_304 = vector.broadcast %and3A_303 : i32 to vector<16xi32>
      %and3A_305 = arith.andi %shift_right_logical3A_302, %and3A_304 : vector<16xi32>
      tpu.vector_store_idx %arg8[%and3A_305], %broadcast_in_dim3A_10 masked %eq3A_299 {add = true} : memref<4096xf32, #tpu.memory_space<vmem>>[vector<16xi32>], vector<16xf32>, vector<16xi1>
      %scan3A_306 = arith.constant 0 : i32
      %scan3A_307 = arith.constant 14 : i32
      %scan3A_308 = arith.addi %scan3A_59, %scan3A_307 : i32
      %mul3A_309 = arith.constant 16 : i32
      %mul3A_310 = arith.muli %scan3A_308, %mul3A_309 : i32
      %get3A_311 = arith.index_cast %mul3A_310 : i32 to index
      %get3A_312 = tpu.vector_load %arg5[%get3A_311] {strides = array<i32>} : memref<32768xf32, #tpu.memory_space<vmem>>, vector<16xf32>,
      %bitcast_convert_type3A_313 = tpu.bitcast %get3A_312 : vector<16xf32> -> vector<16xi32>
      %shift_right_logical3A_314 = arith.constant 21 : i32
      %shift_right_logical3A_315 = vector.broadcast %shift_right_logical3A_314 : i32 to vector<16xi32>
      %shift_right_logical3A_316 = arith.shrui %bitcast_convert_type3A_313, %shift_right_logical3A_315 : vector<16xi32>
      %eq3A_317 = arith.cmpi eq, %shift_right_logical3A_316, %get3A_9 : vector<16xi32>
      %shift_right_logical3A_318 = arith.constant 9 : i32
      %shift_right_logical3A_319 = vector.broadcast %shift_right_logical3A_318 : i32 to vector<16xi32>
      %shift_right_logical3A_320 = arith.shrui %bitcast_convert_type3A_313, %shift_right_logical3A_319 : vector<16xi32>
      %and3A_321 = arith.constant 4095 : i32
      %and3A_322 = vector.broadcast %and3A_321 : i32 to vector<16xi32>
      %and3A_323 = arith.andi %shift_right_logical3A_320, %and3A_322 : vector<16xi32>
      tpu.vector_store_idx %arg8[%and3A_323], %broadcast_in_dim3A_10 masked %eq3A_317 {add = true} : memref<4096xf32, #tpu.memory_space<vmem>>[vector<16xi32>], vector<16xf32>, vector<16xi1>
      %scan3A_324 = arith.constant 0 : i32
      %scan3A_325 = arith.constant 15 : i32
      %scan3A_326 = arith.addi %scan3A_59, %scan3A_325 : i32
      %mul3A_327 = arith.constant 16 : i32
      %mul3A_328 = arith.muli %scan3A_326, %mul3A_327 : i32
      %get3A_329 = arith.index_cast %mul3A_328 : i32 to index
      %get3A_330 = tpu.vector_load %arg5[%get3A_329] {strides = array<i32>} : memref<32768xf32, #tpu.memory_space<vmem>>, vector<16xf32>,
      %bitcast_convert_type3A_331 = tpu.bitcast %get3A_330 : vector<16xf32> -> vector<16xi32>
      %shift_right_logical3A_332 = arith.constant 21 : i32
      %shift_right_logical3A_333 = vector.broadcast %shift_right_logical3A_332 : i32 to vector<16xi32>
      %shift_right_logical3A_334 = arith.shrui %bitcast_convert_type3A_331, %shift_right_logical3A_333 : vector<16xi32>
      %eq3A_335 = arith.cmpi eq, %shift_right_logical3A_334, %get3A_9 : vector<16xi32>
      %shift_right_logical3A_336 = arith.constant 9 : i32
      %shift_right_logical3A_337 = vector.broadcast %shift_right_logical3A_336 : i32 to vector<16xi32>
      %shift_right_logical3A_338 = arith.shrui %bitcast_convert_type3A_331, %shift_right_logical3A_337 : vector<16xi32>
      %and3A_339 = arith.constant 4095 : i32
      %and3A_340 = vector.broadcast %and3A_339 : i32 to vector<16xi32>
      %and3A_341 = arith.andi %shift_right_logical3A_338, %and3A_340 : vector<16xi32>
      tpu.vector_store_idx %arg8[%and3A_341], %broadcast_in_dim3A_10 masked %eq3A_335 {add = true} : memref<4096xf32, #tpu.memory_space<vmem>>[vector<16xi32>], vector<16xf32>, vector<16xi1>
      %scan3A_342 = arith.constant 0 : i32
      scf.yield %scan3A_342 : i32
    }
    %scan3A_49 = arith.constant 2048 : i32
    %dma_wait3A_50 = tpu.memref_slice %arg2[%add3A_38] : memref<4194304xf32, #tpu.memory_space<hbm>> -> memref<32768xf32, #tpu.memory_space<hbm>>
    %dma_wait3A_51 = tpu.memref_slice %arg2[%add3A_38] : memref<4194304xf32, #tpu.memory_space<hbm>> -> memref<32768xf32, #tpu.memory_space<hbm>>
    tpu.wait_dma2 semaphore(%arg10 : memref<!tpu.dma_semaphore, #tpu.memory_space<semaphore_mem>>) src(%dma_wait3A_51 : memref<32768xf32, #tpu.memory_space<hbm>>) dst(%arg6 : memref<32768xf32, #tpu.memory_space<vmem>>)
    %scan3A_52 = arith.constant 0 : i32
    %scan3A_53 = arith.constant 0 : i32
    %scan3A_54 = arith.constant 2048 : i32
    %scan3A_55 = arith.addi %scan3A_53, %scan3A_54 : i32
    %scan3A_56 = arith.constant 16 : i32
    %scan3A_57 = scf.for %scan3A_59 = %scan3A_53 to %scan3A_55 step %scan3A_56 iter_args(%scan3A_60 = %scan3A_52) -> (i32)  : i32 {
      %mul3A_61 = arith.constant 16 : i32
      %mul3A_62 = arith.muli %scan3A_59, %mul3A_61 : i32
      %get3A_63 = arith.index_cast %mul3A_62 : i32 to index
      %get3A_64 = tpu.vector_load %arg6[%get3A_63] {strides = array<i32>} : memref<32768xf32, #tpu.memory_space<vmem>>, vector<16xf32>,
      %bitcast_convert_type3A = tpu.bitcast %get3A_64 : vector<16xf32> -> vector<16xi32>
      %shift_right_logical3A = arith.constant 21 : i32
      %shift_right_logical3A_65 = vector.broadcast %shift_right_logical3A : i32 to vector<16xi32>
      %shift_right_logical3A_66 = arith.shrui %bitcast_convert_type3A, %shift_right_logical3A_65 : vector<16xi32>
      %eq3A = arith.cmpi eq, %shift_right_logical3A_66, %get3A_9 : vector<16xi32>
      %shift_right_logical3A_67 = arith.constant 9 : i32
      %shift_right_logical3A_68 = vector.broadcast %shift_right_logical3A_67 : i32 to vector<16xi32>
      %shift_right_logical3A_69 = arith.shrui %bitcast_convert_type3A, %shift_right_logical3A_68 : vector<16xi32>
      %and3A = arith.constant 4095 : i32
      %and3A_70 = vector.broadcast %and3A : i32 to vector<16xi32>
      %and3A_71 = arith.andi %shift_right_logical3A_69, %and3A_70 : vector<16xi32>
      tpu.vector_store_idx %arg8[%and3A_71], %broadcast_in_dim3A_10 masked %eq3A {add = true} : memref<4096xf32, #tpu.memory_space<vmem>>[vector<16xi32>], vector<16xf32>, vector<16xi1>
      %scan3A_72 = arith.constant 0 : i32
      %scan3A_73 = arith.constant 1 : i32
      %scan3A_74 = arith.addi %scan3A_59, %scan3A_73 : i32
      %mul3A_75 = arith.constant 16 : i32
      %mul3A_76 = arith.muli %scan3A_74, %mul3A_75 : i32
      %get3A_77 = arith.index_cast %mul3A_76 : i32 to index
      %get3A_78 = tpu.vector_load %arg6[%get3A_77] {strides = array<i32>} : memref<32768xf32, #tpu.memory_space<vmem>>, vector<16xf32>,
      %bitcast_convert_type3A_79 = tpu.bitcast %get3A_78 : vector<16xf32> -> vector<16xi32>
      %shift_right_logical3A_80 = arith.constant 21 : i32
      %shift_right_logical3A_81 = vector.broadcast %shift_right_logical3A_80 : i32 to vector<16xi32>
      %shift_right_logical3A_82 = arith.shrui %bitcast_convert_type3A_79, %shift_right_logical3A_81 : vector<16xi32>
      %eq3A_83 = arith.cmpi eq, %shift_right_logical3A_82, %get3A_9 : vector<16xi32>
      %shift_right_logical3A_84 = arith.constant 9 : i32
      %shift_right_logical3A_85 = vector.broadcast %shift_right_logical3A_84 : i32 to vector<16xi32>
      %shift_right_logical3A_86 = arith.shrui %bitcast_convert_type3A_79, %shift_right_logical3A_85 : vector<16xi32>
      %and3A_87 = arith.constant 4095 : i32
      %and3A_88 = vector.broadcast %and3A_87 : i32 to vector<16xi32>
      %and3A_89 = arith.andi %shift_right_logical3A_86, %and3A_88 : vector<16xi32>
      tpu.vector_store_idx %arg8[%and3A_89], %broadcast_in_dim3A_10 masked %eq3A_83 {add = true} : memref<4096xf32, #tpu.memory_space<vmem>>[vector<16xi32>], vector<16xf32>, vector<16xi1>
      %scan3A_90 = arith.constant 0 : i32
      %scan3A_91 = arith.constant 2 : i32
      %scan3A_92 = arith.addi %scan3A_59, %scan3A_91 : i32
      %mul3A_93 = arith.constant 16 : i32
      %mul3A_94 = arith.muli %scan3A_92, %mul3A_93 : i32
      %get3A_95 = arith.index_cast %mul3A_94 : i32 to index
      %get3A_96 = tpu.vector_load %arg6[%get3A_95] {strides = array<i32>} : memref<32768xf32, #tpu.memory_space<vmem>>, vector<16xf32>,
      %bitcast_convert_type3A_97 = tpu.bitcast %get3A_96 : vector<16xf32> -> vector<16xi32>
      %shift_right_logical3A_98 = arith.constant 21 : i32
      %shift_right_logical3A_99 = vector.broadcast %shift_right_logical3A_98 : i32 to vector<16xi32>
      %shift_right_logical3A_100 = arith.shrui %bitcast_convert_type3A_97, %shift_right_logical3A_99 : vector<16xi32>
      %eq3A_101 = arith.cmpi eq, %shift_right_logical3A_100, %get3A_9 : vector<16xi32>
      %shift_right_logical3A_102 = arith.constant 9 : i32
      %shift_right_logical3A_103 = vector.broadcast %shift_right_logical3A_102 : i32 to vector<16xi32>
      %shift_right_logical3A_104 = arith.shrui %bitcast_convert_type3A_97, %shift_right_logical3A_103 : vector<16xi32>
      %and3A_105 = arith.constant 4095 : i32
      %and3A_106 = vector.broadcast %and3A_105 : i32 to vector<16xi32>
      %and3A_107 = arith.andi %shift_right_logical3A_104, %and3A_106 : vector<16xi32>
      tpu.vector_store_idx %arg8[%and3A_107], %broadcast_in_dim3A_10 masked %eq3A_101 {add = true} : memref<4096xf32, #tpu.memory_space<vmem>>[vector<16xi32>], vector<16xf32>, vector<16xi1>
      %scan3A_108 = arith.constant 0 : i32
      %scan3A_109 = arith.constant 3 : i32
      %scan3A_110 = arith.addi %scan3A_59, %scan3A_109 : i32
      %mul3A_111 = arith.constant 16 : i32
      %mul3A_112 = arith.muli %scan3A_110, %mul3A_111 : i32
      %get3A_113 = arith.index_cast %mul3A_112 : i32 to index
      %get3A_114 = tpu.vector_load %arg6[%get3A_113] {strides = array<i32>} : memref<32768xf32, #tpu.memory_space<vmem>>, vector<16xf32>,
      %bitcast_convert_type3A_115 = tpu.bitcast %get3A_114 : vector<16xf32> -> vector<16xi32>
      %shift_right_logical3A_116 = arith.constant 21 : i32
      %shift_right_logical3A_117 = vector.broadcast %shift_right_logical3A_116 : i32 to vector<16xi32>
      %shift_right_logical3A_118 = arith.shrui %bitcast_convert_type3A_115, %shift_right_logical3A_117 : vector<16xi32>
      %eq3A_119 = arith.cmpi eq, %shift_right_logical3A_118, %get3A_9 : vector<16xi32>
      %shift_right_logical3A_120 = arith.constant 9 : i32
      %shift_right_logical3A_121 = vector.broadcast %shift_right_logical3A_120 : i32 to vector<16xi32>
      %shift_right_logical3A_122 = arith.shrui %bitcast_convert_type3A_115, %shift_right_logical3A_121 : vector<16xi32>
      %and3A_123 = arith.constant 4095 : i32
      %and3A_124 = vector.broadcast %and3A_123 : i32 to vector<16xi32>
      %and3A_125 = arith.andi %shift_right_logical3A_122, %and3A_124 : vector<16xi32>
      tpu.vector_store_idx %arg8[%and3A_125], %broadcast_in_dim3A_10 masked %eq3A_119 {add = true} : memref<4096xf32, #tpu.memory_space<vmem>>[vector<16xi32>], vector<16xf32>, vector<16xi1>
      %scan3A_126 = arith.constant 0 : i32
      %scan3A_127 = arith.constant 4 : i32
      %scan3A_128 = arith.addi %scan3A_59, %scan3A_127 : i32
      %mul3A_129 = arith.constant 16 : i32
      %mul3A_130 = arith.muli %scan3A_128, %mul3A_129 : i32
      %get3A_131 = arith.index_cast %mul3A_130 : i32 to index
      %get3A_132 = tpu.vector_load %arg6[%get3A_131] {strides = array<i32>} : memref<32768xf32, #tpu.memory_space<vmem>>, vector<16xf32>,
      %bitcast_convert_type3A_133 = tpu.bitcast %get3A_132 : vector<16xf32> -> vector<16xi32>
      %shift_right_logical3A_134 = arith.constant 21 : i32
      %shift_right_logical3A_135 = vector.broadcast %shift_right_logical3A_134 : i32 to vector<16xi32>
      %shift_right_logical3A_136 = arith.shrui %bitcast_convert_type3A_133, %shift_right_logical3A_135 : vector<16xi32>
      %eq3A_137 = arith.cmpi eq, %shift_right_logical3A_136, %get3A_9 : vector<16xi32>
      %shift_right_logical3A_138 = arith.constant 9 : i32
      %shift_right_logical3A_139 = vector.broadcast %shift_right_logical3A_138 : i32 to vector<16xi32>
      %shift_right_logical3A_140 = arith.shrui %bitcast_convert_type3A_133, %shift_right_logical3A_139 : vector<16xi32>
      %and3A_141 = arith.constant 4095 : i32
      %and3A_142 = vector.broadcast %and3A_141 : i32 to vector<16xi32>
      %and3A_143 = arith.andi %shift_right_logical3A_140, %and3A_142 : vector<16xi32>
      tpu.vector_store_idx %arg8[%and3A_143], %broadcast_in_dim3A_10 masked %eq3A_137 {add = true} : memref<4096xf32, #tpu.memory_space<vmem>>[vector<16xi32>], vector<16xf32>, vector<16xi1>
      %scan3A_144 = arith.constant 0 : i32
      %scan3A_145 = arith.constant 5 : i32
      %scan3A_146 = arith.addi %scan3A_59, %scan3A_145 : i32
      %mul3A_147 = arith.constant 16 : i32
      %mul3A_148 = arith.muli %scan3A_146, %mul3A_147 : i32
      %get3A_149 = arith.index_cast %mul3A_148 : i32 to index
      %get3A_150 = tpu.vector_load %arg6[%get3A_149] {strides = array<i32>} : memref<32768xf32, #tpu.memory_space<vmem>>, vector<16xf32>,
      %bitcast_convert_type3A_151 = tpu.bitcast %get3A_150 : vector<16xf32> -> vector<16xi32>
      %shift_right_logical3A_152 = arith.constant 21 : i32
      %shift_right_logical3A_153 = vector.broadcast %shift_right_logical3A_152 : i32 to vector<16xi32>
      %shift_right_logical3A_154 = arith.shrui %bitcast_convert_type3A_151, %shift_right_logical3A_153 : vector<16xi32>
      %eq3A_155 = arith.cmpi eq, %shift_right_logical3A_154, %get3A_9 : vector<16xi32>
      %shift_right_logical3A_156 = arith.constant 9 : i32
      %shift_right_logical3A_157 = vector.broadcast %shift_right_logical3A_156 : i32 to vector<16xi32>
      %shift_right_logical3A_158 = arith.shrui %bitcast_convert_type3A_151, %shift_right_logical3A_157 : vector<16xi32>
      %and3A_159 = arith.constant 4095 : i32
      %and3A_160 = vector.broadcast %and3A_159 : i32 to vector<16xi32>
      %and3A_161 = arith.andi %shift_right_logical3A_158, %and3A_160 : vector<16xi32>
      tpu.vector_store_idx %arg8[%and3A_161], %broadcast_in_dim3A_10 masked %eq3A_155 {add = true} : memref<4096xf32, #tpu.memory_space<vmem>>[vector<16xi32>], vector<16xf32>, vector<16xi1>
      %scan3A_162 = arith.constant 0 : i32
      %scan3A_163 = arith.constant 6 : i32
      %scan3A_164 = arith.addi %scan3A_59, %scan3A_163 : i32
      %mul3A_165 = arith.constant 16 : i32
      %mul3A_166 = arith.muli %scan3A_164, %mul3A_165 : i32
      %get3A_167 = arith.index_cast %mul3A_166 : i32 to index
      %get3A_168 = tpu.vector_load %arg6[%get3A_167] {strides = array<i32>} : memref<32768xf32, #tpu.memory_space<vmem>>, vector<16xf32>,
      %bitcast_convert_type3A_169 = tpu.bitcast %get3A_168 : vector<16xf32> -> vector<16xi32>
      %shift_right_logical3A_170 = arith.constant 21 : i32
      %shift_right_logical3A_171 = vector.broadcast %shift_right_logical3A_170 : i32 to vector<16xi32>
      %shift_right_logical3A_172 = arith.shrui %bitcast_convert_type3A_169, %shift_right_logical3A_171 : vector<16xi32>
      %eq3A_173 = arith.cmpi eq, %shift_right_logical3A_172, %get3A_9 : vector<16xi32>
      %shift_right_logical3A_174 = arith.constant 9 : i32
      %shift_right_logical3A_175 = vector.broadcast %shift_right_logical3A_174 : i32 to vector<16xi32>
      %shift_right_logical3A_176 = arith.shrui %bitcast_convert_type3A_169, %shift_right_logical3A_175 : vector<16xi32>
      %and3A_177 = arith.constant 4095 : i32
      %and3A_178 = vector.broadcast %and3A_177 : i32 to vector<16xi32>
      %and3A_179 = arith.andi %shift_right_logical3A_176, %and3A_178 : vector<16xi32>
      tpu.vector_store_idx %arg8[%and3A_179], %broadcast_in_dim3A_10 masked %eq3A_173 {add = true} : memref<4096xf32, #tpu.memory_space<vmem>>[vector<16xi32>], vector<16xf32>, vector<16xi1>
      %scan3A_180 = arith.constant 0 : i32
      %scan3A_181 = arith.constant 7 : i32
      %scan3A_182 = arith.addi %scan3A_59, %scan3A_181 : i32
      %mul3A_183 = arith.constant 16 : i32
      %mul3A_184 = arith.muli %scan3A_182, %mul3A_183 : i32
      %get3A_185 = arith.index_cast %mul3A_184 : i32 to index
      %get3A_186 = tpu.vector_load %arg6[%get3A_185] {strides = array<i32>} : memref<32768xf32, #tpu.memory_space<vmem>>, vector<16xf32>,
      %bitcast_convert_type3A_187 = tpu.bitcast %get3A_186 : vector<16xf32> -> vector<16xi32>
      %shift_right_logical3A_188 = arith.constant 21 : i32
      %shift_right_logical3A_189 = vector.broadcast %shift_right_logical3A_188 : i32 to vector<16xi32>
      %shift_right_logical3A_190 = arith.shrui %bitcast_convert_type3A_187, %shift_right_logical3A_189 : vector<16xi32>
      %eq3A_191 = arith.cmpi eq, %shift_right_logical3A_190, %get3A_9 : vector<16xi32>
      %shift_right_logical3A_192 = arith.constant 9 : i32
      %shift_right_logical3A_193 = vector.broadcast %shift_right_logical3A_192 : i32 to vector<16xi32>
      %shift_right_logical3A_194 = arith.shrui %bitcast_convert_type3A_187, %shift_right_logical3A_193 : vector<16xi32>
      %and3A_195 = arith.constant 4095 : i32
      %and3A_196 = vector.broadcast %and3A_195 : i32 to vector<16xi32>
      %and3A_197 = arith.andi %shift_right_logical3A_194, %and3A_196 : vector<16xi32>
      tpu.vector_store_idx %arg8[%and3A_197], %broadcast_in_dim3A_10 masked %eq3A_191 {add = true} : memref<4096xf32, #tpu.memory_space<vmem>>[vector<16xi32>], vector<16xf32>, vector<16xi1>
      %scan3A_198 = arith.constant 0 : i32
      %scan3A_199 = arith.constant 8 : i32
      %scan3A_200 = arith.addi %scan3A_59, %scan3A_199 : i32
      %mul3A_201 = arith.constant 16 : i32
      %mul3A_202 = arith.muli %scan3A_200, %mul3A_201 : i32
      %get3A_203 = arith.index_cast %mul3A_202 : i32 to index
      %get3A_204 = tpu.vector_load %arg6[%get3A_203] {strides = array<i32>} : memref<32768xf32, #tpu.memory_space<vmem>>, vector<16xf32>,
      %bitcast_convert_type3A_205 = tpu.bitcast %get3A_204 : vector<16xf32> -> vector<16xi32>
      %shift_right_logical3A_206 = arith.constant 21 : i32
      %shift_right_logical3A_207 = vector.broadcast %shift_right_logical3A_206 : i32 to vector<16xi32>
      %shift_right_logical3A_208 = arith.shrui %bitcast_convert_type3A_205, %shift_right_logical3A_207 : vector<16xi32>
      %eq3A_209 = arith.cmpi eq, %shift_right_logical3A_208, %get3A_9 : vector<16xi32>
      %shift_right_logical3A_210 = arith.constant 9 : i32
      %shift_right_logical3A_211 = vector.broadcast %shift_right_logical3A_210 : i32 to vector<16xi32>
      %shift_right_logical3A_212 = arith.shrui %bitcast_convert_type3A_205, %shift_right_logical3A_211 : vector<16xi32>
      %and3A_213 = arith.constant 4095 : i32
      %and3A_214 = vector.broadcast %and3A_213 : i32 to vector<16xi32>
      %and3A_215 = arith.andi %shift_right_logical3A_212, %and3A_214 : vector<16xi32>
      tpu.vector_store_idx %arg8[%and3A_215], %broadcast_in_dim3A_10 masked %eq3A_209 {add = true} : memref<4096xf32, #tpu.memory_space<vmem>>[vector<16xi32>], vector<16xf32>, vector<16xi1>
      %scan3A_216 = arith.constant 0 : i32
      %scan3A_217 = arith.constant 9 : i32
      %scan3A_218 = arith.addi %scan3A_59, %scan3A_217 : i32
      %mul3A_219 = arith.constant 16 : i32
      %mul3A_220 = arith.muli %scan3A_218, %mul3A_219 : i32
      %get3A_221 = arith.index_cast %mul3A_220 : i32 to index
      %get3A_222 = tpu.vector_load %arg6[%get3A_221] {strides = array<i32>} : memref<32768xf32, #tpu.memory_space<vmem>>, vector<16xf32>,
      %bitcast_convert_type3A_223 = tpu.bitcast %get3A_222 : vector<16xf32> -> vector<16xi32>
      %shift_right_logical3A_224 = arith.constant 21 : i32
      %shift_right_logical3A_225 = vector.broadcast %shift_right_logical3A_224 : i32 to vector<16xi32>
      %shift_right_logical3A_226 = arith.shrui %bitcast_convert_type3A_223, %shift_right_logical3A_225 : vector<16xi32>
      %eq3A_227 = arith.cmpi eq, %shift_right_logical3A_226, %get3A_9 : vector<16xi32>
      %shift_right_logical3A_228 = arith.constant 9 : i32
      %shift_right_logical3A_229 = vector.broadcast %shift_right_logical3A_228 : i32 to vector<16xi32>
      %shift_right_logical3A_230 = arith.shrui %bitcast_convert_type3A_223, %shift_right_logical3A_229 : vector<16xi32>
      %and3A_231 = arith.constant 4095 : i32
      %and3A_232 = vector.broadcast %and3A_231 : i32 to vector<16xi32>
      %and3A_233 = arith.andi %shift_right_logical3A_230, %and3A_232 : vector<16xi32>
      tpu.vector_store_idx %arg8[%and3A_233], %broadcast_in_dim3A_10 masked %eq3A_227 {add = true} : memref<4096xf32, #tpu.memory_space<vmem>>[vector<16xi32>], vector<16xf32>, vector<16xi1>
      %scan3A_234 = arith.constant 0 : i32
      %scan3A_235 = arith.constant 10 : i32
      %scan3A_236 = arith.addi %scan3A_59, %scan3A_235 : i32
      %mul3A_237 = arith.constant 16 : i32
      %mul3A_238 = arith.muli %scan3A_236, %mul3A_237 : i32
      %get3A_239 = arith.index_cast %mul3A_238 : i32 to index
      %get3A_240 = tpu.vector_load %arg6[%get3A_239] {strides = array<i32>} : memref<32768xf32, #tpu.memory_space<vmem>>, vector<16xf32>,
      %bitcast_convert_type3A_241 = tpu.bitcast %get3A_240 : vector<16xf32> -> vector<16xi32>
      %shift_right_logical3A_242 = arith.constant 21 : i32
      %shift_right_logical3A_243 = vector.broadcast %shift_right_logical3A_242 : i32 to vector<16xi32>
      %shift_right_logical3A_244 = arith.shrui %bitcast_convert_type3A_241, %shift_right_logical3A_243 : vector<16xi32>
      %eq3A_245 = arith.cmpi eq, %shift_right_logical3A_244, %get3A_9 : vector<16xi32>
      %shift_right_logical3A_246 = arith.constant 9 : i32
      %shift_right_logical3A_247 = vector.broadcast %shift_right_logical3A_246 : i32 to vector<16xi32>
      %shift_right_logical3A_248 = arith.shrui %bitcast_convert_type3A_241, %shift_right_logical3A_247 : vector<16xi32>
      %and3A_249 = arith.constant 4095 : i32
      %and3A_250 = vector.broadcast %and3A_249 : i32 to vector<16xi32>
      %and3A_251 = arith.andi %shift_right_logical3A_248, %and3A_250 : vector<16xi32>
      tpu.vector_store_idx %arg8[%and3A_251], %broadcast_in_dim3A_10 masked %eq3A_245 {add = true} : memref<4096xf32, #tpu.memory_space<vmem>>[vector<16xi32>], vector<16xf32>, vector<16xi1>
      %scan3A_252 = arith.constant 0 : i32
      %scan3A_253 = arith.constant 11 : i32
      %scan3A_254 = arith.addi %scan3A_59, %scan3A_253 : i32
      %mul3A_255 = arith.constant 16 : i32
      %mul3A_256 = arith.muli %scan3A_254, %mul3A_255 : i32
      %get3A_257 = arith.index_cast %mul3A_256 : i32 to index
      %get3A_258 = tpu.vector_load %arg6[%get3A_257] {strides = array<i32>} : memref<32768xf32, #tpu.memory_space<vmem>>, vector<16xf32>,
      %bitcast_convert_type3A_259 = tpu.bitcast %get3A_258 : vector<16xf32> -> vector<16xi32>
      %shift_right_logical3A_260 = arith.constant 21 : i32
      %shift_right_logical3A_261 = vector.broadcast %shift_right_logical3A_260 : i32 to vector<16xi32>
      %shift_right_logical3A_262 = arith.shrui %bitcast_convert_type3A_259, %shift_right_logical3A_261 : vector<16xi32>
      %eq3A_263 = arith.cmpi eq, %shift_right_logical3A_262, %get3A_9 : vector<16xi32>
      %shift_right_logical3A_264 = arith.constant 9 : i32
      %shift_right_logical3A_265 = vector.broadcast %shift_right_logical3A_264 : i32 to vector<16xi32>
      %shift_right_logical3A_266 = arith.shrui %bitcast_convert_type3A_259, %shift_right_logical3A_265 : vector<16xi32>
      %and3A_267 = arith.constant 4095 : i32
      %and3A_268 = vector.broadcast %and3A_267 : i32 to vector<16xi32>
      %and3A_269 = arith.andi %shift_right_logical3A_266, %and3A_268 : vector<16xi32>
      tpu.vector_store_idx %arg8[%and3A_269], %broadcast_in_dim3A_10 masked %eq3A_263 {add = true} : memref<4096xf32, #tpu.memory_space<vmem>>[vector<16xi32>], vector<16xf32>, vector<16xi1>
      %scan3A_270 = arith.constant 0 : i32
      %scan3A_271 = arith.constant 12 : i32
      %scan3A_272 = arith.addi %scan3A_59, %scan3A_271 : i32
      %mul3A_273 = arith.constant 16 : i32
      %mul3A_274 = arith.muli %scan3A_272, %mul3A_273 : i32
      %get3A_275 = arith.index_cast %mul3A_274 : i32 to index
      %get3A_276 = tpu.vector_load %arg6[%get3A_275] {strides = array<i32>} : memref<32768xf32, #tpu.memory_space<vmem>>, vector<16xf32>,
      %bitcast_convert_type3A_277 = tpu.bitcast %get3A_276 : vector<16xf32> -> vector<16xi32>
      %shift_right_logical3A_278 = arith.constant 21 : i32
      %shift_right_logical3A_279 = vector.broadcast %shift_right_logical3A_278 : i32 to vector<16xi32>
      %shift_right_logical3A_280 = arith.shrui %bitcast_convert_type3A_277, %shift_right_logical3A_279 : vector<16xi32>
      %eq3A_281 = arith.cmpi eq, %shift_right_logical3A_280, %get3A_9 : vector<16xi32>
      %shift_right_logical3A_282 = arith.constant 9 : i32
      %shift_right_logical3A_283 = vector.broadcast %shift_right_logical3A_282 : i32 to vector<16xi32>
      %shift_right_logical3A_284 = arith.shrui %bitcast_convert_type3A_277, %shift_right_logical3A_283 : vector<16xi32>
      %and3A_285 = arith.constant 4095 : i32
      %and3A_286 = vector.broadcast %and3A_285 : i32 to vector<16xi32>
      %and3A_287 = arith.andi %shift_right_logical3A_284, %and3A_286 : vector<16xi32>
      tpu.vector_store_idx %arg8[%and3A_287], %broadcast_in_dim3A_10 masked %eq3A_281 {add = true} : memref<4096xf32, #tpu.memory_space<vmem>>[vector<16xi32>], vector<16xf32>, vector<16xi1>
      %scan3A_288 = arith.constant 0 : i32
      %scan3A_289 = arith.constant 13 : i32
      %scan3A_290 = arith.addi %scan3A_59, %scan3A_289 : i32
      %mul3A_291 = arith.constant 16 : i32
      %mul3A_292 = arith.muli %scan3A_290, %mul3A_291 : i32
      %get3A_293 = arith.index_cast %mul3A_292 : i32 to index
      %get3A_294 = tpu.vector_load %arg6[%get3A_293] {strides = array<i32>} : memref<32768xf32, #tpu.memory_space<vmem>>, vector<16xf32>,
      %bitcast_convert_type3A_295 = tpu.bitcast %get3A_294 : vector<16xf32> -> vector<16xi32>
      %shift_right_logical3A_296 = arith.constant 21 : i32
      %shift_right_logical3A_297 = vector.broadcast %shift_right_logical3A_296 : i32 to vector<16xi32>
      %shift_right_logical3A_298 = arith.shrui %bitcast_convert_type3A_295, %shift_right_logical3A_297 : vector<16xi32>
      %eq3A_299 = arith.cmpi eq, %shift_right_logical3A_298, %get3A_9 : vector<16xi32>
      %shift_right_logical3A_300 = arith.constant 9 : i32
      %shift_right_logical3A_301 = vector.broadcast %shift_right_logical3A_300 : i32 to vector<16xi32>
      %shift_right_logical3A_302 = arith.shrui %bitcast_convert_type3A_295, %shift_right_logical3A_301 : vector<16xi32>
      %and3A_303 = arith.constant 4095 : i32
      %and3A_304 = vector.broadcast %and3A_303 : i32 to vector<16xi32>
      %and3A_305 = arith.andi %shift_right_logical3A_302, %and3A_304 : vector<16xi32>
      tpu.vector_store_idx %arg8[%and3A_305], %broadcast_in_dim3A_10 masked %eq3A_299 {add = true} : memref<4096xf32, #tpu.memory_space<vmem>>[vector<16xi32>], vector<16xf32>, vector<16xi1>
      %scan3A_306 = arith.constant 0 : i32
      %scan3A_307 = arith.constant 14 : i32
      %scan3A_308 = arith.addi %scan3A_59, %scan3A_307 : i32
      %mul3A_309 = arith.constant 16 : i32
      %mul3A_310 = arith.muli %scan3A_308, %mul3A_309 : i32
      %get3A_311 = arith.index_cast %mul3A_310 : i32 to index
      %get3A_312 = tpu.vector_load %arg6[%get3A_311] {strides = array<i32>} : memref<32768xf32, #tpu.memory_space<vmem>>, vector<16xf32>,
      %bitcast_convert_type3A_313 = tpu.bitcast %get3A_312 : vector<16xf32> -> vector<16xi32>
      %shift_right_logical3A_314 = arith.constant 21 : i32
      %shift_right_logical3A_315 = vector.broadcast %shift_right_logical3A_314 : i32 to vector<16xi32>
      %shift_right_logical3A_316 = arith.shrui %bitcast_convert_type3A_313, %shift_right_logical3A_315 : vector<16xi32>
      %eq3A_317 = arith.cmpi eq, %shift_right_logical3A_316, %get3A_9 : vector<16xi32>
      %shift_right_logical3A_318 = arith.constant 9 : i32
      %shift_right_logical3A_319 = vector.broadcast %shift_right_logical3A_318 : i32 to vector<16xi32>
      %shift_right_logical3A_320 = arith.shrui %bitcast_convert_type3A_313, %shift_right_logical3A_319 : vector<16xi32>
      %and3A_321 = arith.constant 4095 : i32
      %and3A_322 = vector.broadcast %and3A_321 : i32 to vector<16xi32>
      %and3A_323 = arith.andi %shift_right_logical3A_320, %and3A_322 : vector<16xi32>
      tpu.vector_store_idx %arg8[%and3A_323], %broadcast_in_dim3A_10 masked %eq3A_317 {add = true} : memref<4096xf32, #tpu.memory_space<vmem>>[vector<16xi32>], vector<16xf32>, vector<16xi1>
      %scan3A_324 = arith.constant 0 : i32
      %scan3A_325 = arith.constant 15 : i32
      %scan3A_326 = arith.addi %scan3A_59, %scan3A_325 : i32
      %mul3A_327 = arith.constant 16 : i32
      %mul3A_328 = arith.muli %scan3A_326, %mul3A_327 : i32
      %get3A_329 = arith.index_cast %mul3A_328 : i32 to index
      %get3A_330 = tpu.vector_load %arg6[%get3A_329] {strides = array<i32>} : memref<32768xf32, #tpu.memory_space<vmem>>, vector<16xf32>,
      %bitcast_convert_type3A_331 = tpu.bitcast %get3A_330 : vector<16xf32> -> vector<16xi32>
      %shift_right_logical3A_332 = arith.constant 21 : i32
      %shift_right_logical3A_333 = vector.broadcast %shift_right_logical3A_332 : i32 to vector<16xi32>
      %shift_right_logical3A_334 = arith.shrui %bitcast_convert_type3A_331, %shift_right_logical3A_333 : vector<16xi32>
      %eq3A_335 = arith.cmpi eq, %shift_right_logical3A_334, %get3A_9 : vector<16xi32>
      %shift_right_logical3A_336 = arith.constant 9 : i32
      %shift_right_logical3A_337 = vector.broadcast %shift_right_logical3A_336 : i32 to vector<16xi32>
      %shift_right_logical3A_338 = arith.shrui %bitcast_convert_type3A_331, %shift_right_logical3A_337 : vector<16xi32>
      %and3A_339 = arith.constant 4095 : i32
      %and3A_340 = vector.broadcast %and3A_339 : i32 to vector<16xi32>
      %and3A_341 = arith.andi %shift_right_logical3A_338, %and3A_340 : vector<16xi32>
      tpu.vector_store_idx %arg8[%and3A_341], %broadcast_in_dim3A_10 masked %eq3A_335 {add = true} : memref<4096xf32, #tpu.memory_space<vmem>>[vector<16xi32>], vector<16xf32>, vector<16xi1>
      %scan3A_342 = arith.constant 0 : i32
      scf.yield %scan3A_342 : i32
    }
    %scan3A_58 = arith.constant 2048 : i32
    "tpu.region"() ({
      %run_scoped3A = tpu.sem_alloc : memref<!tpu.dma_semaphore, #tpu.memory_space<semaphore_mem>>
      %dma_start3A_59 = arith.constant 0 : i32
      %dma_start3A_60 = tpu.memref_slice %arg4[%add3A, %dma_start3A_59] : memref<32x4096xf32, #tpu.memory_space<hbm>> -> memref<1x4096xf32, #tpu.memory_space<hbm>>
      %dma_start3A_61 = tpu.memref_squeeze %dma_start3A_60 : memref<1x4096xf32, #tpu.memory_space<hbm>> -> memref<4096xf32, #tpu.memory_space<hbm>>
      %dma_start3A_62 = arith.constant 0 : i32
      %dma_start3A_63 = tpu.memref_slice %arg4[%add3A, %dma_start3A_62] : memref<32x4096xf32, #tpu.memory_space<hbm>> -> memref<1x4096xf32, #tpu.memory_space<hbm>>
      %dma_start3A_64 = tpu.memref_squeeze %dma_start3A_63 : memref<1x4096xf32, #tpu.memory_space<hbm>> -> memref<4096xf32, #tpu.memory_space<hbm>>
      tpu.enqueue_dma source(%arg8 : memref<4096xf32, #tpu.memory_space<vmem>>) target(%dma_start3A_64 : memref<4096xf32, #tpu.memory_space<hbm>>) target_semaphore(%run_scoped3A : memref<!tpu.dma_semaphore, #tpu.memory_space<semaphore_mem>>)
      %dma_wait3A_65 = arith.constant 0 : i32
      %dma_wait3A_66 = tpu.memref_slice %arg4[%add3A, %dma_wait3A_65] : memref<32x4096xf32, #tpu.memory_space<hbm>> -> memref<1x4096xf32, #tpu.memory_space<hbm>>
      %dma_wait3A_67 = tpu.memref_squeeze %dma_wait3A_66 : memref<1x4096xf32, #tpu.memory_space<hbm>> -> memref<4096xf32, #tpu.memory_space<hbm>>
      %dma_wait3A_68 = arith.constant 0 : i32
      %dma_wait3A_69 = tpu.memref_slice %arg4[%add3A, %dma_wait3A_68] : memref<32x4096xf32, #tpu.memory_space<hbm>> -> memref<1x4096xf32, #tpu.memory_space<hbm>>
      %dma_wait3A_70 = tpu.memref_squeeze %dma_wait3A_69 : memref<1x4096xf32, #tpu.memory_space<hbm>> -> memref<4096xf32, #tpu.memory_space<hbm>>
      tpu.wait_dma2 semaphore(%run_scoped3A : memref<!tpu.dma_semaphore, #tpu.memory_space<semaphore_mem>>) src(%arg8 : memref<4096xf32, #tpu.memory_space<vmem>>) dst(%dma_wait3A_70 : memref<4096xf32, #tpu.memory_space<hbm>>)
      tpu.yield
    }) : () -> ()
    return
  }
}

#map = affine_map<(d0, d1) -> (0)>
#map1 = affine_map<(d0, d1) -> (0, 0)>
module attributes {stable_mosaic.version = 14 : i64} {
  func.func @_sc_hist1_body(%arg0: i32, %arg1: i32, %arg2: memref<4194304xf32, #tpu.memory_space<hbm>>, %arg3: memref<32x2048xf32, #tpu.memory_space<hbm>>, %arg4: memref<32768xf32, #tpu.memory_space<vmem>>, %arg5: memref<32768xf32, #tpu.memory_space<vmem>>, %arg6: memref<2048xf32, #tpu.memory_space<vmem>>, %arg7: memref<!tpu.dma_semaphore, #tpu.memory_space<semaphore_mem>>, %arg8: memref<!tpu.dma_semaphore, #tpu.memory_space<semaphore_mem>>) attributes {dimension_semantics = [#tpu.dimension_semantics<core_parallel>, #tpu.dimension_semantics<subcore_parallel>], iteration_bounds = array<i64: 2, 16>, scalar_prefetch = 0 : i64, scratch_operands = 5 : i64, tpu.core_type = #tpu.core_type<sc_vector_subcore>, window_params = [{transform_indices = #map}, {transform_indices = #map1}]} {
    %mul3A = arith.constant 2 : i32
    %mul3A_0 = arith.muli %arg1, %mul3A : i32
    %add3A = arith.addi %mul3A_0, %arg0 : i32
    %mul3A_1 = arith.constant 131072 : i32
    %mul3A_2 = arith.muli %add3A, %mul3A_1 : i32
    %scan3A = arith.constant 0 : i32
    %scan3A_3 = arith.constant 0 : i32
    %scan3A_4 = arith.constant 128 : i32
    %scan3A_5 = arith.addi %scan3A_3, %scan3A_4 : i32
    %scan3A_6 = arith.constant 1 : i32
    %scan3A_7 = scf.for %scan3A_58 = %scan3A_3 to %scan3A_5 step %scan3A_6 iter_args(%scan3A_59 = %scan3A) -> (i32)  : i32 {
      %broadcast_in_dim3A_60 = arith.constant 0.000000e+00 : f32
      %broadcast_in_dim3A_61 = vector.broadcast %broadcast_in_dim3A_60 : f32 to vector<16xf32>
      %mul3A_62 = arith.constant 16 : i32
      %mul3A_63 = arith.muli %scan3A_58, %mul3A_62 : i32
      %swap3A = arith.index_cast %mul3A_63 : i32 to index
      %swap3A_64 = tpu.vector_load %arg6[%swap3A] {strides = array<i32>} : memref<2048xf32, #tpu.memory_space<vmem>>, vector<16xf32>,
      tpu.vector_store %arg6[%swap3A], %broadcast_in_dim3A_61 {strides = array<i32>} : memref<2048xf32, #tpu.memory_space<vmem>>, vector<16xf32>,
      %scan3A_65 = arith.constant 0 : i32
      scf.yield %scan3A_65 : i32
    }
    %scan3A_8 = arith.constant 128 : i32
    %broadcast_in_dim3A = arith.constant 1.000000e+00 : f32
    %broadcast_in_dim3A_9 = vector.broadcast %broadcast_in_dim3A : f32 to vector<16xf32>
    %dma_start3A = tpu.memref_slice %arg2[%mul3A_2] : memref<4194304xf32, #tpu.memory_space<hbm>> -> memref<32768xf32, #tpu.memory_space<hbm>>
    %dma_start3A_10 = tpu.memref_slice %arg2[%mul3A_2] : memref<4194304xf32, #tpu.memory_space<hbm>> -> memref<32768xf32, #tpu.memory_space<hbm>>
    tpu.enqueue_dma source(%dma_start3A_10 : memref<32768xf32, #tpu.memory_space<hbm>>) target(%arg4 : memref<32768xf32, #tpu.memory_space<vmem>>) target_semaphore(%arg7 : memref<!tpu.dma_semaphore, #tpu.memory_space<semaphore_mem>>)
    %add3A_11 = arith.constant 32768 : i32
    %add3A_12 = arith.addi %mul3A_2, %add3A_11 : i32
    %dma_start3A_13 = tpu.memref_slice %arg2[%add3A_12] : memref<4194304xf32, #tpu.memory_space<hbm>> -> memref<32768xf32, #tpu.memory_space<hbm>>
    %dma_start3A_14 = tpu.memref_slice %arg2[%add3A_12] : memref<4194304xf32, #tpu.memory_space<hbm>> -> memref<32768xf32, #tpu.memory_space<hbm>>
    tpu.enqueue_dma source(%dma_start3A_14 : memref<32768xf32, #tpu.memory_space<hbm>>) target(%arg5 : memref<32768xf32, #tpu.memory_space<vmem>>) target_semaphore(%arg8 : memref<!tpu.dma_semaphore, #tpu.memory_space<semaphore_mem>>)
    %dma_wait3A = tpu.memref_slice %arg2[%mul3A_2] : memref<4194304xf32, #tpu.memory_space<hbm>> -> memref<32768xf32, #tpu.memory_space<hbm>>
    %dma_wait3A_15 = tpu.memref_slice %arg2[%mul3A_2] : memref<4194304xf32, #tpu.memory_space<hbm>> -> memref<32768xf32, #tpu.memory_space<hbm>>
    tpu.wait_dma2 semaphore(%arg7 : memref<!tpu.dma_semaphore, #tpu.memory_space<semaphore_mem>>) src(%dma_wait3A_15 : memref<32768xf32, #tpu.memory_space<hbm>>) dst(%arg4 : memref<32768xf32, #tpu.memory_space<vmem>>)
    %scan3A_16 = arith.constant 0 : i32
    %scan3A_17 = arith.constant 0 : i32
    %scan3A_18 = arith.constant 2048 : i32
    %scan3A_19 = arith.addi %scan3A_17, %scan3A_18 : i32
    %scan3A_20 = arith.constant 16 : i32
    %scan3A_21 = scf.for %scan3A_58 = %scan3A_17 to %scan3A_19 step %scan3A_20 iter_args(%scan3A_59 = %scan3A_16) -> (i32)  : i32 {
      %mul3A_60 = arith.constant 16 : i32
      %mul3A_61 = arith.muli %scan3A_58, %mul3A_60 : i32
      %get3A = arith.index_cast %mul3A_61 : i32 to index
      %get3A_62 = tpu.vector_load %arg4[%get3A] {strides = array<i32>} : memref<32768xf32, #tpu.memory_space<vmem>>, vector<16xf32>,
      %bitcast_convert_type3A = tpu.bitcast %get3A_62 : vector<16xf32> -> vector<16xi32>
      %shift_right_logical3A = arith.constant 21 : i32
      %shift_right_logical3A_63 = vector.broadcast %shift_right_logical3A : i32 to vector<16xi32>
      %shift_right_logical3A_64 = arith.shrui %bitcast_convert_type3A, %shift_right_logical3A_63 : vector<16xi32>
      tpu.vector_store_idx %arg6[%shift_right_logical3A_64], %broadcast_in_dim3A_9 {add = true} : memref<2048xf32, #tpu.memory_space<vmem>>[vector<16xi32>], vector<16xf32>,
      %scan3A_65 = arith.constant 0 : i32
      %scan3A_66 = arith.constant 1 : i32
      %scan3A_67 = arith.addi %scan3A_58, %scan3A_66 : i32
      %mul3A_68 = arith.constant 16 : i32
      %mul3A_69 = arith.muli %scan3A_67, %mul3A_68 : i32
      %get3A_70 = arith.index_cast %mul3A_69 : i32 to index
      %get3A_71 = tpu.vector_load %arg4[%get3A_70] {strides = array<i32>} : memref<32768xf32, #tpu.memory_space<vmem>>, vector<16xf32>,
      %bitcast_convert_type3A_72 = tpu.bitcast %get3A_71 : vector<16xf32> -> vector<16xi32>
      %shift_right_logical3A_73 = arith.constant 21 : i32
      %shift_right_logical3A_74 = vector.broadcast %shift_right_logical3A_73 : i32 to vector<16xi32>
      %shift_right_logical3A_75 = arith.shrui %bitcast_convert_type3A_72, %shift_right_logical3A_74 : vector<16xi32>
      tpu.vector_store_idx %arg6[%shift_right_logical3A_75], %broadcast_in_dim3A_9 {add = true} : memref<2048xf32, #tpu.memory_space<vmem>>[vector<16xi32>], vector<16xf32>,
      %scan3A_76 = arith.constant 0 : i32
      %scan3A_77 = arith.constant 2 : i32
      %scan3A_78 = arith.addi %scan3A_58, %scan3A_77 : i32
      %mul3A_79 = arith.constant 16 : i32
      %mul3A_80 = arith.muli %scan3A_78, %mul3A_79 : i32
      %get3A_81 = arith.index_cast %mul3A_80 : i32 to index
      %get3A_82 = tpu.vector_load %arg4[%get3A_81] {strides = array<i32>} : memref<32768xf32, #tpu.memory_space<vmem>>, vector<16xf32>,
      %bitcast_convert_type3A_83 = tpu.bitcast %get3A_82 : vector<16xf32> -> vector<16xi32>
      %shift_right_logical3A_84 = arith.constant 21 : i32
      %shift_right_logical3A_85 = vector.broadcast %shift_right_logical3A_84 : i32 to vector<16xi32>
      %shift_right_logical3A_86 = arith.shrui %bitcast_convert_type3A_83, %shift_right_logical3A_85 : vector<16xi32>
      tpu.vector_store_idx %arg6[%shift_right_logical3A_86], %broadcast_in_dim3A_9 {add = true} : memref<2048xf32, #tpu.memory_space<vmem>>[vector<16xi32>], vector<16xf32>,
      %scan3A_87 = arith.constant 0 : i32
      %scan3A_88 = arith.constant 3 : i32
      %scan3A_89 = arith.addi %scan3A_58, %scan3A_88 : i32
      %mul3A_90 = arith.constant 16 : i32
      %mul3A_91 = arith.muli %scan3A_89, %mul3A_90 : i32
      %get3A_92 = arith.index_cast %mul3A_91 : i32 to index
      %get3A_93 = tpu.vector_load %arg4[%get3A_92] {strides = array<i32>} : memref<32768xf32, #tpu.memory_space<vmem>>, vector<16xf32>,
      %bitcast_convert_type3A_94 = tpu.bitcast %get3A_93 : vector<16xf32> -> vector<16xi32>
      %shift_right_logical3A_95 = arith.constant 21 : i32
      %shift_right_logical3A_96 = vector.broadcast %shift_right_logical3A_95 : i32 to vector<16xi32>
      %shift_right_logical3A_97 = arith.shrui %bitcast_convert_type3A_94, %shift_right_logical3A_96 : vector<16xi32>
      tpu.vector_store_idx %arg6[%shift_right_logical3A_97], %broadcast_in_dim3A_9 {add = true} : memref<2048xf32, #tpu.memory_space<vmem>>[vector<16xi32>], vector<16xf32>,
      %scan3A_98 = arith.constant 0 : i32
      %scan3A_99 = arith.constant 4 : i32
      %scan3A_100 = arith.addi %scan3A_58, %scan3A_99 : i32
      %mul3A_101 = arith.constant 16 : i32
      %mul3A_102 = arith.muli %scan3A_100, %mul3A_101 : i32
      %get3A_103 = arith.index_cast %mul3A_102 : i32 to index
      %get3A_104 = tpu.vector_load %arg4[%get3A_103] {strides = array<i32>} : memref<32768xf32, #tpu.memory_space<vmem>>, vector<16xf32>,
      %bitcast_convert_type3A_105 = tpu.bitcast %get3A_104 : vector<16xf32> -> vector<16xi32>
      %shift_right_logical3A_106 = arith.constant 21 : i32
      %shift_right_logical3A_107 = vector.broadcast %shift_right_logical3A_106 : i32 to vector<16xi32>
      %shift_right_logical3A_108 = arith.shrui %bitcast_convert_type3A_105, %shift_right_logical3A_107 : vector<16xi32>
      tpu.vector_store_idx %arg6[%shift_right_logical3A_108], %broadcast_in_dim3A_9 {add = true} : memref<2048xf32, #tpu.memory_space<vmem>>[vector<16xi32>], vector<16xf32>,
      %scan3A_109 = arith.constant 0 : i32
      %scan3A_110 = arith.constant 5 : i32
      %scan3A_111 = arith.addi %scan3A_58, %scan3A_110 : i32
      %mul3A_112 = arith.constant 16 : i32
      %mul3A_113 = arith.muli %scan3A_111, %mul3A_112 : i32
      %get3A_114 = arith.index_cast %mul3A_113 : i32 to index
      %get3A_115 = tpu.vector_load %arg4[%get3A_114] {strides = array<i32>} : memref<32768xf32, #tpu.memory_space<vmem>>, vector<16xf32>,
      %bitcast_convert_type3A_116 = tpu.bitcast %get3A_115 : vector<16xf32> -> vector<16xi32>
      %shift_right_logical3A_117 = arith.constant 21 : i32
      %shift_right_logical3A_118 = vector.broadcast %shift_right_logical3A_117 : i32 to vector<16xi32>
      %shift_right_logical3A_119 = arith.shrui %bitcast_convert_type3A_116, %shift_right_logical3A_118 : vector<16xi32>
      tpu.vector_store_idx %arg6[%shift_right_logical3A_119], %broadcast_in_dim3A_9 {add = true} : memref<2048xf32, #tpu.memory_space<vmem>>[vector<16xi32>], vector<16xf32>,
      %scan3A_120 = arith.constant 0 : i32
      %scan3A_121 = arith.constant 6 : i32
      %scan3A_122 = arith.addi %scan3A_58, %scan3A_121 : i32
      %mul3A_123 = arith.constant 16 : i32
      %mul3A_124 = arith.muli %scan3A_122, %mul3A_123 : i32
      %get3A_125 = arith.index_cast %mul3A_124 : i32 to index
      %get3A_126 = tpu.vector_load %arg4[%get3A_125] {strides = array<i32>} : memref<32768xf32, #tpu.memory_space<vmem>>, vector<16xf32>,
      %bitcast_convert_type3A_127 = tpu.bitcast %get3A_126 : vector<16xf32> -> vector<16xi32>
      %shift_right_logical3A_128 = arith.constant 21 : i32
      %shift_right_logical3A_129 = vector.broadcast %shift_right_logical3A_128 : i32 to vector<16xi32>
      %shift_right_logical3A_130 = arith.shrui %bitcast_convert_type3A_127, %shift_right_logical3A_129 : vector<16xi32>
      tpu.vector_store_idx %arg6[%shift_right_logical3A_130], %broadcast_in_dim3A_9 {add = true} : memref<2048xf32, #tpu.memory_space<vmem>>[vector<16xi32>], vector<16xf32>,
      %scan3A_131 = arith.constant 0 : i32
      %scan3A_132 = arith.constant 7 : i32
      %scan3A_133 = arith.addi %scan3A_58, %scan3A_132 : i32
      %mul3A_134 = arith.constant 16 : i32
      %mul3A_135 = arith.muli %scan3A_133, %mul3A_134 : i32
      %get3A_136 = arith.index_cast %mul3A_135 : i32 to index
      %get3A_137 = tpu.vector_load %arg4[%get3A_136] {strides = array<i32>} : memref<32768xf32, #tpu.memory_space<vmem>>, vector<16xf32>,
      %bitcast_convert_type3A_138 = tpu.bitcast %get3A_137 : vector<16xf32> -> vector<16xi32>
      %shift_right_logical3A_139 = arith.constant 21 : i32
      %shift_right_logical3A_140 = vector.broadcast %shift_right_logical3A_139 : i32 to vector<16xi32>
      %shift_right_logical3A_141 = arith.shrui %bitcast_convert_type3A_138, %shift_right_logical3A_140 : vector<16xi32>
      tpu.vector_store_idx %arg6[%shift_right_logical3A_141], %broadcast_in_dim3A_9 {add = true} : memref<2048xf32, #tpu.memory_space<vmem>>[vector<16xi32>], vector<16xf32>,
      %scan3A_142 = arith.constant 0 : i32
      %scan3A_143 = arith.constant 8 : i32
      %scan3A_144 = arith.addi %scan3A_58, %scan3A_143 : i32
      %mul3A_145 = arith.constant 16 : i32
      %mul3A_146 = arith.muli %scan3A_144, %mul3A_145 : i32
      %get3A_147 = arith.index_cast %mul3A_146 : i32 to index
      %get3A_148 = tpu.vector_load %arg4[%get3A_147] {strides = array<i32>} : memref<32768xf32, #tpu.memory_space<vmem>>, vector<16xf32>,
      %bitcast_convert_type3A_149 = tpu.bitcast %get3A_148 : vector<16xf32> -> vector<16xi32>
      %shift_right_logical3A_150 = arith.constant 21 : i32
      %shift_right_logical3A_151 = vector.broadcast %shift_right_logical3A_150 : i32 to vector<16xi32>
      %shift_right_logical3A_152 = arith.shrui %bitcast_convert_type3A_149, %shift_right_logical3A_151 : vector<16xi32>
      tpu.vector_store_idx %arg6[%shift_right_logical3A_152], %broadcast_in_dim3A_9 {add = true} : memref<2048xf32, #tpu.memory_space<vmem>>[vector<16xi32>], vector<16xf32>,
      %scan3A_153 = arith.constant 0 : i32
      %scan3A_154 = arith.constant 9 : i32
      %scan3A_155 = arith.addi %scan3A_58, %scan3A_154 : i32
      %mul3A_156 = arith.constant 16 : i32
      %mul3A_157 = arith.muli %scan3A_155, %mul3A_156 : i32
      %get3A_158 = arith.index_cast %mul3A_157 : i32 to index
      %get3A_159 = tpu.vector_load %arg4[%get3A_158] {strides = array<i32>} : memref<32768xf32, #tpu.memory_space<vmem>>, vector<16xf32>,
      %bitcast_convert_type3A_160 = tpu.bitcast %get3A_159 : vector<16xf32> -> vector<16xi32>
      %shift_right_logical3A_161 = arith.constant 21 : i32
      %shift_right_logical3A_162 = vector.broadcast %shift_right_logical3A_161 : i32 to vector<16xi32>
      %shift_right_logical3A_163 = arith.shrui %bitcast_convert_type3A_160, %shift_right_logical3A_162 : vector<16xi32>
      tpu.vector_store_idx %arg6[%shift_right_logical3A_163], %broadcast_in_dim3A_9 {add = true} : memref<2048xf32, #tpu.memory_space<vmem>>[vector<16xi32>], vector<16xf32>,
      %scan3A_164 = arith.constant 0 : i32
      %scan3A_165 = arith.constant 10 : i32
      %scan3A_166 = arith.addi %scan3A_58, %scan3A_165 : i32
      %mul3A_167 = arith.constant 16 : i32
      %mul3A_168 = arith.muli %scan3A_166, %mul3A_167 : i32
      %get3A_169 = arith.index_cast %mul3A_168 : i32 to index
      %get3A_170 = tpu.vector_load %arg4[%get3A_169] {strides = array<i32>} : memref<32768xf32, #tpu.memory_space<vmem>>, vector<16xf32>,
      %bitcast_convert_type3A_171 = tpu.bitcast %get3A_170 : vector<16xf32> -> vector<16xi32>
      %shift_right_logical3A_172 = arith.constant 21 : i32
      %shift_right_logical3A_173 = vector.broadcast %shift_right_logical3A_172 : i32 to vector<16xi32>
      %shift_right_logical3A_174 = arith.shrui %bitcast_convert_type3A_171, %shift_right_logical3A_173 : vector<16xi32>
      tpu.vector_store_idx %arg6[%shift_right_logical3A_174], %broadcast_in_dim3A_9 {add = true} : memref<2048xf32, #tpu.memory_space<vmem>>[vector<16xi32>], vector<16xf32>,
      %scan3A_175 = arith.constant 0 : i32
      %scan3A_176 = arith.constant 11 : i32
      %scan3A_177 = arith.addi %scan3A_58, %scan3A_176 : i32
      %mul3A_178 = arith.constant 16 : i32
      %mul3A_179 = arith.muli %scan3A_177, %mul3A_178 : i32
      %get3A_180 = arith.index_cast %mul3A_179 : i32 to index
      %get3A_181 = tpu.vector_load %arg4[%get3A_180] {strides = array<i32>} : memref<32768xf32, #tpu.memory_space<vmem>>, vector<16xf32>,
      %bitcast_convert_type3A_182 = tpu.bitcast %get3A_181 : vector<16xf32> -> vector<16xi32>
      %shift_right_logical3A_183 = arith.constant 21 : i32
      %shift_right_logical3A_184 = vector.broadcast %shift_right_logical3A_183 : i32 to vector<16xi32>
      %shift_right_logical3A_185 = arith.shrui %bitcast_convert_type3A_182, %shift_right_logical3A_184 : vector<16xi32>
      tpu.vector_store_idx %arg6[%shift_right_logical3A_185], %broadcast_in_dim3A_9 {add = true} : memref<2048xf32, #tpu.memory_space<vmem>>[vector<16xi32>], vector<16xf32>,
      %scan3A_186 = arith.constant 0 : i32
      %scan3A_187 = arith.constant 12 : i32
      %scan3A_188 = arith.addi %scan3A_58, %scan3A_187 : i32
      %mul3A_189 = arith.constant 16 : i32
      %mul3A_190 = arith.muli %scan3A_188, %mul3A_189 : i32
      %get3A_191 = arith.index_cast %mul3A_190 : i32 to index
      %get3A_192 = tpu.vector_load %arg4[%get3A_191] {strides = array<i32>} : memref<32768xf32, #tpu.memory_space<vmem>>, vector<16xf32>,
      %bitcast_convert_type3A_193 = tpu.bitcast %get3A_192 : vector<16xf32> -> vector<16xi32>
      %shift_right_logical3A_194 = arith.constant 21 : i32
      %shift_right_logical3A_195 = vector.broadcast %shift_right_logical3A_194 : i32 to vector<16xi32>
      %shift_right_logical3A_196 = arith.shrui %bitcast_convert_type3A_193, %shift_right_logical3A_195 : vector<16xi32>
      tpu.vector_store_idx %arg6[%shift_right_logical3A_196], %broadcast_in_dim3A_9 {add = true} : memref<2048xf32, #tpu.memory_space<vmem>>[vector<16xi32>], vector<16xf32>,
      %scan3A_197 = arith.constant 0 : i32
      %scan3A_198 = arith.constant 13 : i32
      %scan3A_199 = arith.addi %scan3A_58, %scan3A_198 : i32
      %mul3A_200 = arith.constant 16 : i32
      %mul3A_201 = arith.muli %scan3A_199, %mul3A_200 : i32
      %get3A_202 = arith.index_cast %mul3A_201 : i32 to index
      %get3A_203 = tpu.vector_load %arg4[%get3A_202] {strides = array<i32>} : memref<32768xf32, #tpu.memory_space<vmem>>, vector<16xf32>,
      %bitcast_convert_type3A_204 = tpu.bitcast %get3A_203 : vector<16xf32> -> vector<16xi32>
      %shift_right_logical3A_205 = arith.constant 21 : i32
      %shift_right_logical3A_206 = vector.broadcast %shift_right_logical3A_205 : i32 to vector<16xi32>
      %shift_right_logical3A_207 = arith.shrui %bitcast_convert_type3A_204, %shift_right_logical3A_206 : vector<16xi32>
      tpu.vector_store_idx %arg6[%shift_right_logical3A_207], %broadcast_in_dim3A_9 {add = true} : memref<2048xf32, #tpu.memory_space<vmem>>[vector<16xi32>], vector<16xf32>,
      %scan3A_208 = arith.constant 0 : i32
      %scan3A_209 = arith.constant 14 : i32
      %scan3A_210 = arith.addi %scan3A_58, %scan3A_209 : i32
      %mul3A_211 = arith.constant 16 : i32
      %mul3A_212 = arith.muli %scan3A_210, %mul3A_211 : i32
      %get3A_213 = arith.index_cast %mul3A_212 : i32 to index
      %get3A_214 = tpu.vector_load %arg4[%get3A_213] {strides = array<i32>} : memref<32768xf32, #tpu.memory_space<vmem>>, vector<16xf32>,
      %bitcast_convert_type3A_215 = tpu.bitcast %get3A_214 : vector<16xf32> -> vector<16xi32>
      %shift_right_logical3A_216 = arith.constant 21 : i32
      %shift_right_logical3A_217 = vector.broadcast %shift_right_logical3A_216 : i32 to vector<16xi32>
      %shift_right_logical3A_218 = arith.shrui %bitcast_convert_type3A_215, %shift_right_logical3A_217 : vector<16xi32>
      tpu.vector_store_idx %arg6[%shift_right_logical3A_218], %broadcast_in_dim3A_9 {add = true} : memref<2048xf32, #tpu.memory_space<vmem>>[vector<16xi32>], vector<16xf32>,
      %scan3A_219 = arith.constant 0 : i32
      %scan3A_220 = arith.constant 15 : i32
      %scan3A_221 = arith.addi %scan3A_58, %scan3A_220 : i32
      %mul3A_222 = arith.constant 16 : i32
      %mul3A_223 = arith.muli %scan3A_221, %mul3A_222 : i32
      %get3A_224 = arith.index_cast %mul3A_223 : i32 to index
      %get3A_225 = tpu.vector_load %arg4[%get3A_224] {strides = array<i32>} : memref<32768xf32, #tpu.memory_space<vmem>>, vector<16xf32>,
      %bitcast_convert_type3A_226 = tpu.bitcast %get3A_225 : vector<16xf32> -> vector<16xi32>
      %shift_right_logical3A_227 = arith.constant 21 : i32
      %shift_right_logical3A_228 = vector.broadcast %shift_right_logical3A_227 : i32 to vector<16xi32>
      %shift_right_logical3A_229 = arith.shrui %bitcast_convert_type3A_226, %shift_right_logical3A_228 : vector<16xi32>
      tpu.vector_store_idx %arg6[%shift_right_logical3A_229], %broadcast_in_dim3A_9 {add = true} : memref<2048xf32, #tpu.memory_space<vmem>>[vector<16xi32>], vector<16xf32>,
      %scan3A_230 = arith.constant 0 : i32
      scf.yield %scan3A_230 : i32
    }
    %scan3A_22 = arith.constant 2048 : i32
    %add3A_23 = arith.constant 65536 : i32
    %add3A_24 = arith.addi %mul3A_2, %add3A_23 : i32
    %dma_start3A_25 = tpu.memref_slice %arg2[%add3A_24] : memref<4194304xf32, #tpu.memory_space<hbm>> -> memref<32768xf32, #tpu.memory_space<hbm>>
    %dma_start3A_26 = tpu.memref_slice %arg2[%add3A_24] : memref<4194304xf32, #tpu.memory_space<hbm>> -> memref<32768xf32, #tpu.memory_space<hbm>>
    tpu.enqueue_dma source(%dma_start3A_26 : memref<32768xf32, #tpu.memory_space<hbm>>) target(%arg4 : memref<32768xf32, #tpu.memory_space<vmem>>) target_semaphore(%arg7 : memref<!tpu.dma_semaphore, #tpu.memory_space<semaphore_mem>>)
    %dma_wait3A_27 = tpu.memref_slice %arg2[%add3A_12] : memref<4194304xf32, #tpu.memory_space<hbm>> -> memref<32768xf32, #tpu.memory_space<hbm>>
    %dma_wait3A_28 = tpu.memref_slice %arg2[%add3A_12] : memref<4194304xf32, #tpu.memory_space<hbm>> -> memref<32768xf32, #tpu.memory_space<hbm>>
    tpu.wait_dma2 semaphore(%arg8 : memref<!tpu.dma_semaphore, #tpu.memory_space<semaphore_mem>>) src(%dma_wait3A_28 : memref<32768xf32, #tpu.memory_space<hbm>>) dst(%arg5 : memref<32768xf32, #tpu.memory_space<vmem>>)
    %scan3A_29 = arith.constant 0 : i32
    %scan3A_30 = arith.constant 0 : i32
    %scan3A_31 = arith.constant 2048 : i32
    %scan3A_32 = arith.addi %scan3A_30, %scan3A_31 : i32
    %scan3A_33 = arith.constant 16 : i32
    %scan3A_34 = scf.for %scan3A_58 = %scan3A_30 to %scan3A_32 step %scan3A_33 iter_args(%scan3A_59 = %scan3A_29) -> (i32)  : i32 {
      %mul3A_60 = arith.constant 16 : i32
      %mul3A_61 = arith.muli %scan3A_58, %mul3A_60 : i32
      %get3A = arith.index_cast %mul3A_61 : i32 to index
      %get3A_62 = tpu.vector_load %arg5[%get3A] {strides = array<i32>} : memref<32768xf32, #tpu.memory_space<vmem>>, vector<16xf32>,
      %bitcast_convert_type3A = tpu.bitcast %get3A_62 : vector<16xf32> -> vector<16xi32>
      %shift_right_logical3A = arith.constant 21 : i32
      %shift_right_logical3A_63 = vector.broadcast %shift_right_logical3A : i32 to vector<16xi32>
      %shift_right_logical3A_64 = arith.shrui %bitcast_convert_type3A, %shift_right_logical3A_63 : vector<16xi32>
      tpu.vector_store_idx %arg6[%shift_right_logical3A_64], %broadcast_in_dim3A_9 {add = true} : memref<2048xf32, #tpu.memory_space<vmem>>[vector<16xi32>], vector<16xf32>,
      %scan3A_65 = arith.constant 0 : i32
      %scan3A_66 = arith.constant 1 : i32
      %scan3A_67 = arith.addi %scan3A_58, %scan3A_66 : i32
      %mul3A_68 = arith.constant 16 : i32
      %mul3A_69 = arith.muli %scan3A_67, %mul3A_68 : i32
      %get3A_70 = arith.index_cast %mul3A_69 : i32 to index
      %get3A_71 = tpu.vector_load %arg5[%get3A_70] {strides = array<i32>} : memref<32768xf32, #tpu.memory_space<vmem>>, vector<16xf32>,
      %bitcast_convert_type3A_72 = tpu.bitcast %get3A_71 : vector<16xf32> -> vector<16xi32>
      %shift_right_logical3A_73 = arith.constant 21 : i32
      %shift_right_logical3A_74 = vector.broadcast %shift_right_logical3A_73 : i32 to vector<16xi32>
      %shift_right_logical3A_75 = arith.shrui %bitcast_convert_type3A_72, %shift_right_logical3A_74 : vector<16xi32>
      tpu.vector_store_idx %arg6[%shift_right_logical3A_75], %broadcast_in_dim3A_9 {add = true} : memref<2048xf32, #tpu.memory_space<vmem>>[vector<16xi32>], vector<16xf32>,
      %scan3A_76 = arith.constant 0 : i32
      %scan3A_77 = arith.constant 2 : i32
      %scan3A_78 = arith.addi %scan3A_58, %scan3A_77 : i32
      %mul3A_79 = arith.constant 16 : i32
      %mul3A_80 = arith.muli %scan3A_78, %mul3A_79 : i32
      %get3A_81 = arith.index_cast %mul3A_80 : i32 to index
      %get3A_82 = tpu.vector_load %arg5[%get3A_81] {strides = array<i32>} : memref<32768xf32, #tpu.memory_space<vmem>>, vector<16xf32>,
      %bitcast_convert_type3A_83 = tpu.bitcast %get3A_82 : vector<16xf32> -> vector<16xi32>
      %shift_right_logical3A_84 = arith.constant 21 : i32
      %shift_right_logical3A_85 = vector.broadcast %shift_right_logical3A_84 : i32 to vector<16xi32>
      %shift_right_logical3A_86 = arith.shrui %bitcast_convert_type3A_83, %shift_right_logical3A_85 : vector<16xi32>
      tpu.vector_store_idx %arg6[%shift_right_logical3A_86], %broadcast_in_dim3A_9 {add = true} : memref<2048xf32, #tpu.memory_space<vmem>>[vector<16xi32>], vector<16xf32>,
      %scan3A_87 = arith.constant 0 : i32
      %scan3A_88 = arith.constant 3 : i32
      %scan3A_89 = arith.addi %scan3A_58, %scan3A_88 : i32
      %mul3A_90 = arith.constant 16 : i32
      %mul3A_91 = arith.muli %scan3A_89, %mul3A_90 : i32
      %get3A_92 = arith.index_cast %mul3A_91 : i32 to index
      %get3A_93 = tpu.vector_load %arg5[%get3A_92] {strides = array<i32>} : memref<32768xf32, #tpu.memory_space<vmem>>, vector<16xf32>,
      %bitcast_convert_type3A_94 = tpu.bitcast %get3A_93 : vector<16xf32> -> vector<16xi32>
      %shift_right_logical3A_95 = arith.constant 21 : i32
      %shift_right_logical3A_96 = vector.broadcast %shift_right_logical3A_95 : i32 to vector<16xi32>
      %shift_right_logical3A_97 = arith.shrui %bitcast_convert_type3A_94, %shift_right_logical3A_96 : vector<16xi32>
      tpu.vector_store_idx %arg6[%shift_right_logical3A_97], %broadcast_in_dim3A_9 {add = true} : memref<2048xf32, #tpu.memory_space<vmem>>[vector<16xi32>], vector<16xf32>,
      %scan3A_98 = arith.constant 0 : i32
      %scan3A_99 = arith.constant 4 : i32
      %scan3A_100 = arith.addi %scan3A_58, %scan3A_99 : i32
      %mul3A_101 = arith.constant 16 : i32
      %mul3A_102 = arith.muli %scan3A_100, %mul3A_101 : i32
      %get3A_103 = arith.index_cast %mul3A_102 : i32 to index
      %get3A_104 = tpu.vector_load %arg5[%get3A_103] {strides = array<i32>} : memref<32768xf32, #tpu.memory_space<vmem>>, vector<16xf32>,
      %bitcast_convert_type3A_105 = tpu.bitcast %get3A_104 : vector<16xf32> -> vector<16xi32>
      %shift_right_logical3A_106 = arith.constant 21 : i32
      %shift_right_logical3A_107 = vector.broadcast %shift_right_logical3A_106 : i32 to vector<16xi32>
      %shift_right_logical3A_108 = arith.shrui %bitcast_convert_type3A_105, %shift_right_logical3A_107 : vector<16xi32>
      tpu.vector_store_idx %arg6[%shift_right_logical3A_108], %broadcast_in_dim3A_9 {add = true} : memref<2048xf32, #tpu.memory_space<vmem>>[vector<16xi32>], vector<16xf32>,
      %scan3A_109 = arith.constant 0 : i32
      %scan3A_110 = arith.constant 5 : i32
      %scan3A_111 = arith.addi %scan3A_58, %scan3A_110 : i32
      %mul3A_112 = arith.constant 16 : i32
      %mul3A_113 = arith.muli %scan3A_111, %mul3A_112 : i32
      %get3A_114 = arith.index_cast %mul3A_113 : i32 to index
      %get3A_115 = tpu.vector_load %arg5[%get3A_114] {strides = array<i32>} : memref<32768xf32, #tpu.memory_space<vmem>>, vector<16xf32>,
      %bitcast_convert_type3A_116 = tpu.bitcast %get3A_115 : vector<16xf32> -> vector<16xi32>
      %shift_right_logical3A_117 = arith.constant 21 : i32
      %shift_right_logical3A_118 = vector.broadcast %shift_right_logical3A_117 : i32 to vector<16xi32>
      %shift_right_logical3A_119 = arith.shrui %bitcast_convert_type3A_116, %shift_right_logical3A_118 : vector<16xi32>
      tpu.vector_store_idx %arg6[%shift_right_logical3A_119], %broadcast_in_dim3A_9 {add = true} : memref<2048xf32, #tpu.memory_space<vmem>>[vector<16xi32>], vector<16xf32>,
      %scan3A_120 = arith.constant 0 : i32
      %scan3A_121 = arith.constant 6 : i32
      %scan3A_122 = arith.addi %scan3A_58, %scan3A_121 : i32
      %mul3A_123 = arith.constant 16 : i32
      %mul3A_124 = arith.muli %scan3A_122, %mul3A_123 : i32
      %get3A_125 = arith.index_cast %mul3A_124 : i32 to index
      %get3A_126 = tpu.vector_load %arg5[%get3A_125] {strides = array<i32>} : memref<32768xf32, #tpu.memory_space<vmem>>, vector<16xf32>,
      %bitcast_convert_type3A_127 = tpu.bitcast %get3A_126 : vector<16xf32> -> vector<16xi32>
      %shift_right_logical3A_128 = arith.constant 21 : i32
      %shift_right_logical3A_129 = vector.broadcast %shift_right_logical3A_128 : i32 to vector<16xi32>
      %shift_right_logical3A_130 = arith.shrui %bitcast_convert_type3A_127, %shift_right_logical3A_129 : vector<16xi32>
      tpu.vector_store_idx %arg6[%shift_right_logical3A_130], %broadcast_in_dim3A_9 {add = true} : memref<2048xf32, #tpu.memory_space<vmem>>[vector<16xi32>], vector<16xf32>,
      %scan3A_131 = arith.constant 0 : i32
      %scan3A_132 = arith.constant 7 : i32
      %scan3A_133 = arith.addi %scan3A_58, %scan3A_132 : i32
      %mul3A_134 = arith.constant 16 : i32
      %mul3A_135 = arith.muli %scan3A_133, %mul3A_134 : i32
      %get3A_136 = arith.index_cast %mul3A_135 : i32 to index
      %get3A_137 = tpu.vector_load %arg5[%get3A_136] {strides = array<i32>} : memref<32768xf32, #tpu.memory_space<vmem>>, vector<16xf32>,
      %bitcast_convert_type3A_138 = tpu.bitcast %get3A_137 : vector<16xf32> -> vector<16xi32>
      %shift_right_logical3A_139 = arith.constant 21 : i32
      %shift_right_logical3A_140 = vector.broadcast %shift_right_logical3A_139 : i32 to vector<16xi32>
      %shift_right_logical3A_141 = arith.shrui %bitcast_convert_type3A_138, %shift_right_logical3A_140 : vector<16xi32>
      tpu.vector_store_idx %arg6[%shift_right_logical3A_141], %broadcast_in_dim3A_9 {add = true} : memref<2048xf32, #tpu.memory_space<vmem>>[vector<16xi32>], vector<16xf32>,
      %scan3A_142 = arith.constant 0 : i32
      %scan3A_143 = arith.constant 8 : i32
      %scan3A_144 = arith.addi %scan3A_58, %scan3A_143 : i32
      %mul3A_145 = arith.constant 16 : i32
      %mul3A_146 = arith.muli %scan3A_144, %mul3A_145 : i32
      %get3A_147 = arith.index_cast %mul3A_146 : i32 to index
      %get3A_148 = tpu.vector_load %arg5[%get3A_147] {strides = array<i32>} : memref<32768xf32, #tpu.memory_space<vmem>>, vector<16xf32>,
      %bitcast_convert_type3A_149 = tpu.bitcast %get3A_148 : vector<16xf32> -> vector<16xi32>
      %shift_right_logical3A_150 = arith.constant 21 : i32
      %shift_right_logical3A_151 = vector.broadcast %shift_right_logical3A_150 : i32 to vector<16xi32>
      %shift_right_logical3A_152 = arith.shrui %bitcast_convert_type3A_149, %shift_right_logical3A_151 : vector<16xi32>
      tpu.vector_store_idx %arg6[%shift_right_logical3A_152], %broadcast_in_dim3A_9 {add = true} : memref<2048xf32, #tpu.memory_space<vmem>>[vector<16xi32>], vector<16xf32>,
      %scan3A_153 = arith.constant 0 : i32
      %scan3A_154 = arith.constant 9 : i32
      %scan3A_155 = arith.addi %scan3A_58, %scan3A_154 : i32
      %mul3A_156 = arith.constant 16 : i32
      %mul3A_157 = arith.muli %scan3A_155, %mul3A_156 : i32
      %get3A_158 = arith.index_cast %mul3A_157 : i32 to index
      %get3A_159 = tpu.vector_load %arg5[%get3A_158] {strides = array<i32>} : memref<32768xf32, #tpu.memory_space<vmem>>, vector<16xf32>,
      %bitcast_convert_type3A_160 = tpu.bitcast %get3A_159 : vector<16xf32> -> vector<16xi32>
      %shift_right_logical3A_161 = arith.constant 21 : i32
      %shift_right_logical3A_162 = vector.broadcast %shift_right_logical3A_161 : i32 to vector<16xi32>
      %shift_right_logical3A_163 = arith.shrui %bitcast_convert_type3A_160, %shift_right_logical3A_162 : vector<16xi32>
      tpu.vector_store_idx %arg6[%shift_right_logical3A_163], %broadcast_in_dim3A_9 {add = true} : memref<2048xf32, #tpu.memory_space<vmem>>[vector<16xi32>], vector<16xf32>,
      %scan3A_164 = arith.constant 0 : i32
      %scan3A_165 = arith.constant 10 : i32
      %scan3A_166 = arith.addi %scan3A_58, %scan3A_165 : i32
      %mul3A_167 = arith.constant 16 : i32
      %mul3A_168 = arith.muli %scan3A_166, %mul3A_167 : i32
      %get3A_169 = arith.index_cast %mul3A_168 : i32 to index
      %get3A_170 = tpu.vector_load %arg5[%get3A_169] {strides = array<i32>} : memref<32768xf32, #tpu.memory_space<vmem>>, vector<16xf32>,
      %bitcast_convert_type3A_171 = tpu.bitcast %get3A_170 : vector<16xf32> -> vector<16xi32>
      %shift_right_logical3A_172 = arith.constant 21 : i32
      %shift_right_logical3A_173 = vector.broadcast %shift_right_logical3A_172 : i32 to vector<16xi32>
      %shift_right_logical3A_174 = arith.shrui %bitcast_convert_type3A_171, %shift_right_logical3A_173 : vector<16xi32>
      tpu.vector_store_idx %arg6[%shift_right_logical3A_174], %broadcast_in_dim3A_9 {add = true} : memref<2048xf32, #tpu.memory_space<vmem>>[vector<16xi32>], vector<16xf32>,
      %scan3A_175 = arith.constant 0 : i32
      %scan3A_176 = arith.constant 11 : i32
      %scan3A_177 = arith.addi %scan3A_58, %scan3A_176 : i32
      %mul3A_178 = arith.constant 16 : i32
      %mul3A_179 = arith.muli %scan3A_177, %mul3A_178 : i32
      %get3A_180 = arith.index_cast %mul3A_179 : i32 to index
      %get3A_181 = tpu.vector_load %arg5[%get3A_180] {strides = array<i32>} : memref<32768xf32, #tpu.memory_space<vmem>>, vector<16xf32>,
      %bitcast_convert_type3A_182 = tpu.bitcast %get3A_181 : vector<16xf32> -> vector<16xi32>
      %shift_right_logical3A_183 = arith.constant 21 : i32
      %shift_right_logical3A_184 = vector.broadcast %shift_right_logical3A_183 : i32 to vector<16xi32>
      %shift_right_logical3A_185 = arith.shrui %bitcast_convert_type3A_182, %shift_right_logical3A_184 : vector<16xi32>
      tpu.vector_store_idx %arg6[%shift_right_logical3A_185], %broadcast_in_dim3A_9 {add = true} : memref<2048xf32, #tpu.memory_space<vmem>>[vector<16xi32>], vector<16xf32>,
      %scan3A_186 = arith.constant 0 : i32
      %scan3A_187 = arith.constant 12 : i32
      %scan3A_188 = arith.addi %scan3A_58, %scan3A_187 : i32
      %mul3A_189 = arith.constant 16 : i32
      %mul3A_190 = arith.muli %scan3A_188, %mul3A_189 : i32
      %get3A_191 = arith.index_cast %mul3A_190 : i32 to index
      %get3A_192 = tpu.vector_load %arg5[%get3A_191] {strides = array<i32>} : memref<32768xf32, #tpu.memory_space<vmem>>, vector<16xf32>,
      %bitcast_convert_type3A_193 = tpu.bitcast %get3A_192 : vector<16xf32> -> vector<16xi32>
      %shift_right_logical3A_194 = arith.constant 21 : i32
      %shift_right_logical3A_195 = vector.broadcast %shift_right_logical3A_194 : i32 to vector<16xi32>
      %shift_right_logical3A_196 = arith.shrui %bitcast_convert_type3A_193, %shift_right_logical3A_195 : vector<16xi32>
      tpu.vector_store_idx %arg6[%shift_right_logical3A_196], %broadcast_in_dim3A_9 {add = true} : memref<2048xf32, #tpu.memory_space<vmem>>[vector<16xi32>], vector<16xf32>,
      %scan3A_197 = arith.constant 0 : i32
      %scan3A_198 = arith.constant 13 : i32
      %scan3A_199 = arith.addi %scan3A_58, %scan3A_198 : i32
      %mul3A_200 = arith.constant 16 : i32
      %mul3A_201 = arith.muli %scan3A_199, %mul3A_200 : i32
      %get3A_202 = arith.index_cast %mul3A_201 : i32 to index
      %get3A_203 = tpu.vector_load %arg5[%get3A_202] {strides = array<i32>} : memref<32768xf32, #tpu.memory_space<vmem>>, vector<16xf32>,
      %bitcast_convert_type3A_204 = tpu.bitcast %get3A_203 : vector<16xf32> -> vector<16xi32>
      %shift_right_logical3A_205 = arith.constant 21 : i32
      %shift_right_logical3A_206 = vector.broadcast %shift_right_logical3A_205 : i32 to vector<16xi32>
      %shift_right_logical3A_207 = arith.shrui %bitcast_convert_type3A_204, %shift_right_logical3A_206 : vector<16xi32>
      tpu.vector_store_idx %arg6[%shift_right_logical3A_207], %broadcast_in_dim3A_9 {add = true} : memref<2048xf32, #tpu.memory_space<vmem>>[vector<16xi32>], vector<16xf32>,
      %scan3A_208 = arith.constant 0 : i32
      %scan3A_209 = arith.constant 14 : i32
      %scan3A_210 = arith.addi %scan3A_58, %scan3A_209 : i32
      %mul3A_211 = arith.constant 16 : i32
      %mul3A_212 = arith.muli %scan3A_210, %mul3A_211 : i32
      %get3A_213 = arith.index_cast %mul3A_212 : i32 to index
      %get3A_214 = tpu.vector_load %arg5[%get3A_213] {strides = array<i32>} : memref<32768xf32, #tpu.memory_space<vmem>>, vector<16xf32>,
      %bitcast_convert_type3A_215 = tpu.bitcast %get3A_214 : vector<16xf32> -> vector<16xi32>
      %shift_right_logical3A_216 = arith.constant 21 : i32
      %shift_right_logical3A_217 = vector.broadcast %shift_right_logical3A_216 : i32 to vector<16xi32>
      %shift_right_logical3A_218 = arith.shrui %bitcast_convert_type3A_215, %shift_right_logical3A_217 : vector<16xi32>
      tpu.vector_store_idx %arg6[%shift_right_logical3A_218], %broadcast_in_dim3A_9 {add = true} : memref<2048xf32, #tpu.memory_space<vmem>>[vector<16xi32>], vector<16xf32>,
      %scan3A_219 = arith.constant 0 : i32
      %scan3A_220 = arith.constant 15 : i32
      %scan3A_221 = arith.addi %scan3A_58, %scan3A_220 : i32
      %mul3A_222 = arith.constant 16 : i32
      %mul3A_223 = arith.muli %scan3A_221, %mul3A_222 : i32
      %get3A_224 = arith.index_cast %mul3A_223 : i32 to index
      %get3A_225 = tpu.vector_load %arg5[%get3A_224] {strides = array<i32>} : memref<32768xf32, #tpu.memory_space<vmem>>, vector<16xf32>,
      %bitcast_convert_type3A_226 = tpu.bitcast %get3A_225 : vector<16xf32> -> vector<16xi32>
      %shift_right_logical3A_227 = arith.constant 21 : i32
      %shift_right_logical3A_228 = vector.broadcast %shift_right_logical3A_227 : i32 to vector<16xi32>
      %shift_right_logical3A_229 = arith.shrui %bitcast_convert_type3A_226, %shift_right_logical3A_228 : vector<16xi32>
      tpu.vector_store_idx %arg6[%shift_right_logical3A_229], %broadcast_in_dim3A_9 {add = true} : memref<2048xf32, #tpu.memory_space<vmem>>[vector<16xi32>], vector<16xf32>,
      %scan3A_230 = arith.constant 0 : i32
      scf.yield %scan3A_230 : i32
    }
    %scan3A_35 = arith.constant 2048 : i32
    %add3A_36 = arith.constant 98304 : i32
    %add3A_37 = arith.addi %mul3A_2, %add3A_36 : i32
    %dma_start3A_38 = tpu.memref_slice %arg2[%add3A_37] : memref<4194304xf32, #tpu.memory_space<hbm>> -> memref<32768xf32, #tpu.memory_space<hbm>>
    %dma_start3A_39 = tpu.memref_slice %arg2[%add3A_37] : memref<4194304xf32, #tpu.memory_space<hbm>> -> memref<32768xf32, #tpu.memory_space<hbm>>
    tpu.enqueue_dma source(%dma_start3A_39 : memref<32768xf32, #tpu.memory_space<hbm>>) target(%arg5 : memref<32768xf32, #tpu.memory_space<vmem>>) target_semaphore(%arg8 : memref<!tpu.dma_semaphore, #tpu.memory_space<semaphore_mem>>)
    %dma_wait3A_40 = tpu.memref_slice %arg2[%add3A_24] : memref<4194304xf32, #tpu.memory_space<hbm>> -> memref<32768xf32, #tpu.memory_space<hbm>>
    %dma_wait3A_41 = tpu.memref_slice %arg2[%add3A_24] : memref<4194304xf32, #tpu.memory_space<hbm>> -> memref<32768xf32, #tpu.memory_space<hbm>>
    tpu.wait_dma2 semaphore(%arg7 : memref<!tpu.dma_semaphore, #tpu.memory_space<semaphore_mem>>) src(%dma_wait3A_41 : memref<32768xf32, #tpu.memory_space<hbm>>) dst(%arg4 : memref<32768xf32, #tpu.memory_space<vmem>>)
    %scan3A_42 = arith.constant 0 : i32
    %scan3A_43 = arith.constant 0 : i32
    %scan3A_44 = arith.constant 2048 : i32
    %scan3A_45 = arith.addi %scan3A_43, %scan3A_44 : i32
    %scan3A_46 = arith.constant 16 : i32
    %scan3A_47 = scf.for %scan3A_58 = %scan3A_43 to %scan3A_45 step %scan3A_46 iter_args(%scan3A_59 = %scan3A_42) -> (i32)  : i32 {
      %mul3A_60 = arith.constant 16 : i32
      %mul3A_61 = arith.muli %scan3A_58, %mul3A_60 : i32
      %get3A = arith.index_cast %mul3A_61 : i32 to index
      %get3A_62 = tpu.vector_load %arg4[%get3A] {strides = array<i32>} : memref<32768xf32, #tpu.memory_space<vmem>>, vector<16xf32>,
      %bitcast_convert_type3A = tpu.bitcast %get3A_62 : vector<16xf32> -> vector<16xi32>
      %shift_right_logical3A = arith.constant 21 : i32
      %shift_right_logical3A_63 = vector.broadcast %shift_right_logical3A : i32 to vector<16xi32>
      %shift_right_logical3A_64 = arith.shrui %bitcast_convert_type3A, %shift_right_logical3A_63 : vector<16xi32>
      tpu.vector_store_idx %arg6[%shift_right_logical3A_64], %broadcast_in_dim3A_9 {add = true} : memref<2048xf32, #tpu.memory_space<vmem>>[vector<16xi32>], vector<16xf32>,
      %scan3A_65 = arith.constant 0 : i32
      %scan3A_66 = arith.constant 1 : i32
      %scan3A_67 = arith.addi %scan3A_58, %scan3A_66 : i32
      %mul3A_68 = arith.constant 16 : i32
      %mul3A_69 = arith.muli %scan3A_67, %mul3A_68 : i32
      %get3A_70 = arith.index_cast %mul3A_69 : i32 to index
      %get3A_71 = tpu.vector_load %arg4[%get3A_70] {strides = array<i32>} : memref<32768xf32, #tpu.memory_space<vmem>>, vector<16xf32>,
      %bitcast_convert_type3A_72 = tpu.bitcast %get3A_71 : vector<16xf32> -> vector<16xi32>
      %shift_right_logical3A_73 = arith.constant 21 : i32
      %shift_right_logical3A_74 = vector.broadcast %shift_right_logical3A_73 : i32 to vector<16xi32>
      %shift_right_logical3A_75 = arith.shrui %bitcast_convert_type3A_72, %shift_right_logical3A_74 : vector<16xi32>
      tpu.vector_store_idx %arg6[%shift_right_logical3A_75], %broadcast_in_dim3A_9 {add = true} : memref<2048xf32, #tpu.memory_space<vmem>>[vector<16xi32>], vector<16xf32>,
      %scan3A_76 = arith.constant 0 : i32
      %scan3A_77 = arith.constant 2 : i32
      %scan3A_78 = arith.addi %scan3A_58, %scan3A_77 : i32
      %mul3A_79 = arith.constant 16 : i32
      %mul3A_80 = arith.muli %scan3A_78, %mul3A_79 : i32
      %get3A_81 = arith.index_cast %mul3A_80 : i32 to index
      %get3A_82 = tpu.vector_load %arg4[%get3A_81] {strides = array<i32>} : memref<32768xf32, #tpu.memory_space<vmem>>, vector<16xf32>,
      %bitcast_convert_type3A_83 = tpu.bitcast %get3A_82 : vector<16xf32> -> vector<16xi32>
      %shift_right_logical3A_84 = arith.constant 21 : i32
      %shift_right_logical3A_85 = vector.broadcast %shift_right_logical3A_84 : i32 to vector<16xi32>
      %shift_right_logical3A_86 = arith.shrui %bitcast_convert_type3A_83, %shift_right_logical3A_85 : vector<16xi32>
      tpu.vector_store_idx %arg6[%shift_right_logical3A_86], %broadcast_in_dim3A_9 {add = true} : memref<2048xf32, #tpu.memory_space<vmem>>[vector<16xi32>], vector<16xf32>,
      %scan3A_87 = arith.constant 0 : i32
      %scan3A_88 = arith.constant 3 : i32
      %scan3A_89 = arith.addi %scan3A_58, %scan3A_88 : i32
      %mul3A_90 = arith.constant 16 : i32
      %mul3A_91 = arith.muli %scan3A_89, %mul3A_90 : i32
      %get3A_92 = arith.index_cast %mul3A_91 : i32 to index
      %get3A_93 = tpu.vector_load %arg4[%get3A_92] {strides = array<i32>} : memref<32768xf32, #tpu.memory_space<vmem>>, vector<16xf32>,
      %bitcast_convert_type3A_94 = tpu.bitcast %get3A_93 : vector<16xf32> -> vector<16xi32>
      %shift_right_logical3A_95 = arith.constant 21 : i32
      %shift_right_logical3A_96 = vector.broadcast %shift_right_logical3A_95 : i32 to vector<16xi32>
      %shift_right_logical3A_97 = arith.shrui %bitcast_convert_type3A_94, %shift_right_logical3A_96 : vector<16xi32>
      tpu.vector_store_idx %arg6[%shift_right_logical3A_97], %broadcast_in_dim3A_9 {add = true} : memref<2048xf32, #tpu.memory_space<vmem>>[vector<16xi32>], vector<16xf32>,
      %scan3A_98 = arith.constant 0 : i32
      %scan3A_99 = arith.constant 4 : i32
      %scan3A_100 = arith.addi %scan3A_58, %scan3A_99 : i32
      %mul3A_101 = arith.constant 16 : i32
      %mul3A_102 = arith.muli %scan3A_100, %mul3A_101 : i32
      %get3A_103 = arith.index_cast %mul3A_102 : i32 to index
      %get3A_104 = tpu.vector_load %arg4[%get3A_103] {strides = array<i32>} : memref<32768xf32, #tpu.memory_space<vmem>>, vector<16xf32>,
      %bitcast_convert_type3A_105 = tpu.bitcast %get3A_104 : vector<16xf32> -> vector<16xi32>
      %shift_right_logical3A_106 = arith.constant 21 : i32
      %shift_right_logical3A_107 = vector.broadcast %shift_right_logical3A_106 : i32 to vector<16xi32>
      %shift_right_logical3A_108 = arith.shrui %bitcast_convert_type3A_105, %shift_right_logical3A_107 : vector<16xi32>
      tpu.vector_store_idx %arg6[%shift_right_logical3A_108], %broadcast_in_dim3A_9 {add = true} : memref<2048xf32, #tpu.memory_space<vmem>>[vector<16xi32>], vector<16xf32>,
      %scan3A_109 = arith.constant 0 : i32
      %scan3A_110 = arith.constant 5 : i32
      %scan3A_111 = arith.addi %scan3A_58, %scan3A_110 : i32
      %mul3A_112 = arith.constant 16 : i32
      %mul3A_113 = arith.muli %scan3A_111, %mul3A_112 : i32
      %get3A_114 = arith.index_cast %mul3A_113 : i32 to index
      %get3A_115 = tpu.vector_load %arg4[%get3A_114] {strides = array<i32>} : memref<32768xf32, #tpu.memory_space<vmem>>, vector<16xf32>,
      %bitcast_convert_type3A_116 = tpu.bitcast %get3A_115 : vector<16xf32> -> vector<16xi32>
      %shift_right_logical3A_117 = arith.constant 21 : i32
      %shift_right_logical3A_118 = vector.broadcast %shift_right_logical3A_117 : i32 to vector<16xi32>
      %shift_right_logical3A_119 = arith.shrui %bitcast_convert_type3A_116, %shift_right_logical3A_118 : vector<16xi32>
      tpu.vector_store_idx %arg6[%shift_right_logical3A_119], %broadcast_in_dim3A_9 {add = true} : memref<2048xf32, #tpu.memory_space<vmem>>[vector<16xi32>], vector<16xf32>,
      %scan3A_120 = arith.constant 0 : i32
      %scan3A_121 = arith.constant 6 : i32
      %scan3A_122 = arith.addi %scan3A_58, %scan3A_121 : i32
      %mul3A_123 = arith.constant 16 : i32
      %mul3A_124 = arith.muli %scan3A_122, %mul3A_123 : i32
      %get3A_125 = arith.index_cast %mul3A_124 : i32 to index
      %get3A_126 = tpu.vector_load %arg4[%get3A_125] {strides = array<i32>} : memref<32768xf32, #tpu.memory_space<vmem>>, vector<16xf32>,
      %bitcast_convert_type3A_127 = tpu.bitcast %get3A_126 : vector<16xf32> -> vector<16xi32>
      %shift_right_logical3A_128 = arith.constant 21 : i32
      %shift_right_logical3A_129 = vector.broadcast %shift_right_logical3A_128 : i32 to vector<16xi32>
      %shift_right_logical3A_130 = arith.shrui %bitcast_convert_type3A_127, %shift_right_logical3A_129 : vector<16xi32>
      tpu.vector_store_idx %arg6[%shift_right_logical3A_130], %broadcast_in_dim3A_9 {add = true} : memref<2048xf32, #tpu.memory_space<vmem>>[vector<16xi32>], vector<16xf32>,
      %scan3A_131 = arith.constant 0 : i32
      %scan3A_132 = arith.constant 7 : i32
      %scan3A_133 = arith.addi %scan3A_58, %scan3A_132 : i32
      %mul3A_134 = arith.constant 16 : i32
      %mul3A_135 = arith.muli %scan3A_133, %mul3A_134 : i32
      %get3A_136 = arith.index_cast %mul3A_135 : i32 to index
      %get3A_137 = tpu.vector_load %arg4[%get3A_136] {strides = array<i32>} : memref<32768xf32, #tpu.memory_space<vmem>>, vector<16xf32>,
      %bitcast_convert_type3A_138 = tpu.bitcast %get3A_137 : vector<16xf32> -> vector<16xi32>
      %shift_right_logical3A_139 = arith.constant 21 : i32
      %shift_right_logical3A_140 = vector.broadcast %shift_right_logical3A_139 : i32 to vector<16xi32>
      %shift_right_logical3A_141 = arith.shrui %bitcast_convert_type3A_138, %shift_right_logical3A_140 : vector<16xi32>
      tpu.vector_store_idx %arg6[%shift_right_logical3A_141], %broadcast_in_dim3A_9 {add = true} : memref<2048xf32, #tpu.memory_space<vmem>>[vector<16xi32>], vector<16xf32>,
      %scan3A_142 = arith.constant 0 : i32
      %scan3A_143 = arith.constant 8 : i32
      %scan3A_144 = arith.addi %scan3A_58, %scan3A_143 : i32
      %mul3A_145 = arith.constant 16 : i32
      %mul3A_146 = arith.muli %scan3A_144, %mul3A_145 : i32
      %get3A_147 = arith.index_cast %mul3A_146 : i32 to index
      %get3A_148 = tpu.vector_load %arg4[%get3A_147] {strides = array<i32>} : memref<32768xf32, #tpu.memory_space<vmem>>, vector<16xf32>,
      %bitcast_convert_type3A_149 = tpu.bitcast %get3A_148 : vector<16xf32> -> vector<16xi32>
      %shift_right_logical3A_150 = arith.constant 21 : i32
      %shift_right_logical3A_151 = vector.broadcast %shift_right_logical3A_150 : i32 to vector<16xi32>
      %shift_right_logical3A_152 = arith.shrui %bitcast_convert_type3A_149, %shift_right_logical3A_151 : vector<16xi32>
      tpu.vector_store_idx %arg6[%shift_right_logical3A_152], %broadcast_in_dim3A_9 {add = true} : memref<2048xf32, #tpu.memory_space<vmem>>[vector<16xi32>], vector<16xf32>,
      %scan3A_153 = arith.constant 0 : i32
      %scan3A_154 = arith.constant 9 : i32
      %scan3A_155 = arith.addi %scan3A_58, %scan3A_154 : i32
      %mul3A_156 = arith.constant 16 : i32
      %mul3A_157 = arith.muli %scan3A_155, %mul3A_156 : i32
      %get3A_158 = arith.index_cast %mul3A_157 : i32 to index
      %get3A_159 = tpu.vector_load %arg4[%get3A_158] {strides = array<i32>} : memref<32768xf32, #tpu.memory_space<vmem>>, vector<16xf32>,
      %bitcast_convert_type3A_160 = tpu.bitcast %get3A_159 : vector<16xf32> -> vector<16xi32>
      %shift_right_logical3A_161 = arith.constant 21 : i32
      %shift_right_logical3A_162 = vector.broadcast %shift_right_logical3A_161 : i32 to vector<16xi32>
      %shift_right_logical3A_163 = arith.shrui %bitcast_convert_type3A_160, %shift_right_logical3A_162 : vector<16xi32>
      tpu.vector_store_idx %arg6[%shift_right_logical3A_163], %broadcast_in_dim3A_9 {add = true} : memref<2048xf32, #tpu.memory_space<vmem>>[vector<16xi32>], vector<16xf32>,
      %scan3A_164 = arith.constant 0 : i32
      %scan3A_165 = arith.constant 10 : i32
      %scan3A_166 = arith.addi %scan3A_58, %scan3A_165 : i32
      %mul3A_167 = arith.constant 16 : i32
      %mul3A_168 = arith.muli %scan3A_166, %mul3A_167 : i32
      %get3A_169 = arith.index_cast %mul3A_168 : i32 to index
      %get3A_170 = tpu.vector_load %arg4[%get3A_169] {strides = array<i32>} : memref<32768xf32, #tpu.memory_space<vmem>>, vector<16xf32>,
      %bitcast_convert_type3A_171 = tpu.bitcast %get3A_170 : vector<16xf32> -> vector<16xi32>
      %shift_right_logical3A_172 = arith.constant 21 : i32
      %shift_right_logical3A_173 = vector.broadcast %shift_right_logical3A_172 : i32 to vector<16xi32>
      %shift_right_logical3A_174 = arith.shrui %bitcast_convert_type3A_171, %shift_right_logical3A_173 : vector<16xi32>
      tpu.vector_store_idx %arg6[%shift_right_logical3A_174], %broadcast_in_dim3A_9 {add = true} : memref<2048xf32, #tpu.memory_space<vmem>>[vector<16xi32>], vector<16xf32>,
      %scan3A_175 = arith.constant 0 : i32
      %scan3A_176 = arith.constant 11 : i32
      %scan3A_177 = arith.addi %scan3A_58, %scan3A_176 : i32
      %mul3A_178 = arith.constant 16 : i32
      %mul3A_179 = arith.muli %scan3A_177, %mul3A_178 : i32
      %get3A_180 = arith.index_cast %mul3A_179 : i32 to index
      %get3A_181 = tpu.vector_load %arg4[%get3A_180] {strides = array<i32>} : memref<32768xf32, #tpu.memory_space<vmem>>, vector<16xf32>,
      %bitcast_convert_type3A_182 = tpu.bitcast %get3A_181 : vector<16xf32> -> vector<16xi32>
      %shift_right_logical3A_183 = arith.constant 21 : i32
      %shift_right_logical3A_184 = vector.broadcast %shift_right_logical3A_183 : i32 to vector<16xi32>
      %shift_right_logical3A_185 = arith.shrui %bitcast_convert_type3A_182, %shift_right_logical3A_184 : vector<16xi32>
      tpu.vector_store_idx %arg6[%shift_right_logical3A_185], %broadcast_in_dim3A_9 {add = true} : memref<2048xf32, #tpu.memory_space<vmem>>[vector<16xi32>], vector<16xf32>,
      %scan3A_186 = arith.constant 0 : i32
      %scan3A_187 = arith.constant 12 : i32
      %scan3A_188 = arith.addi %scan3A_58, %scan3A_187 : i32
      %mul3A_189 = arith.constant 16 : i32
      %mul3A_190 = arith.muli %scan3A_188, %mul3A_189 : i32
      %get3A_191 = arith.index_cast %mul3A_190 : i32 to index
      %get3A_192 = tpu.vector_load %arg4[%get3A_191] {strides = array<i32>} : memref<32768xf32, #tpu.memory_space<vmem>>, vector<16xf32>,
      %bitcast_convert_type3A_193 = tpu.bitcast %get3A_192 : vector<16xf32> -> vector<16xi32>
      %shift_right_logical3A_194 = arith.constant 21 : i32
      %shift_right_logical3A_195 = vector.broadcast %shift_right_logical3A_194 : i32 to vector<16xi32>
      %shift_right_logical3A_196 = arith.shrui %bitcast_convert_type3A_193, %shift_right_logical3A_195 : vector<16xi32>
      tpu.vector_store_idx %arg6[%shift_right_logical3A_196], %broadcast_in_dim3A_9 {add = true} : memref<2048xf32, #tpu.memory_space<vmem>>[vector<16xi32>], vector<16xf32>,
      %scan3A_197 = arith.constant 0 : i32
      %scan3A_198 = arith.constant 13 : i32
      %scan3A_199 = arith.addi %scan3A_58, %scan3A_198 : i32
      %mul3A_200 = arith.constant 16 : i32
      %mul3A_201 = arith.muli %scan3A_199, %mul3A_200 : i32
      %get3A_202 = arith.index_cast %mul3A_201 : i32 to index
      %get3A_203 = tpu.vector_load %arg4[%get3A_202] {strides = array<i32>} : memref<32768xf32, #tpu.memory_space<vmem>>, vector<16xf32>,
      %bitcast_convert_type3A_204 = tpu.bitcast %get3A_203 : vector<16xf32> -> vector<16xi32>
      %shift_right_logical3A_205 = arith.constant 21 : i32
      %shift_right_logical3A_206 = vector.broadcast %shift_right_logical3A_205 : i32 to vector<16xi32>
      %shift_right_logical3A_207 = arith.shrui %bitcast_convert_type3A_204, %shift_right_logical3A_206 : vector<16xi32>
      tpu.vector_store_idx %arg6[%shift_right_logical3A_207], %broadcast_in_dim3A_9 {add = true} : memref<2048xf32, #tpu.memory_space<vmem>>[vector<16xi32>], vector<16xf32>,
      %scan3A_208 = arith.constant 0 : i32
      %scan3A_209 = arith.constant 14 : i32
      %scan3A_210 = arith.addi %scan3A_58, %scan3A_209 : i32
      %mul3A_211 = arith.constant 16 : i32
      %mul3A_212 = arith.muli %scan3A_210, %mul3A_211 : i32
      %get3A_213 = arith.index_cast %mul3A_212 : i32 to index
      %get3A_214 = tpu.vector_load %arg4[%get3A_213] {strides = array<i32>} : memref<32768xf32, #tpu.memory_space<vmem>>, vector<16xf32>,
      %bitcast_convert_type3A_215 = tpu.bitcast %get3A_214 : vector<16xf32> -> vector<16xi32>
      %shift_right_logical3A_216 = arith.constant 21 : i32
      %shift_right_logical3A_217 = vector.broadcast %shift_right_logical3A_216 : i32 to vector<16xi32>
      %shift_right_logical3A_218 = arith.shrui %bitcast_convert_type3A_215, %shift_right_logical3A_217 : vector<16xi32>
      tpu.vector_store_idx %arg6[%shift_right_logical3A_218], %broadcast_in_dim3A_9 {add = true} : memref<2048xf32, #tpu.memory_space<vmem>>[vector<16xi32>], vector<16xf32>,
      %scan3A_219 = arith.constant 0 : i32
      %scan3A_220 = arith.constant 15 : i32
      %scan3A_221 = arith.addi %scan3A_58, %scan3A_220 : i32
      %mul3A_222 = arith.constant 16 : i32
      %mul3A_223 = arith.muli %scan3A_221, %mul3A_222 : i32
      %get3A_224 = arith.index_cast %mul3A_223 : i32 to index
      %get3A_225 = tpu.vector_load %arg4[%get3A_224] {strides = array<i32>} : memref<32768xf32, #tpu.memory_space<vmem>>, vector<16xf32>,
      %bitcast_convert_type3A_226 = tpu.bitcast %get3A_225 : vector<16xf32> -> vector<16xi32>
      %shift_right_logical3A_227 = arith.constant 21 : i32
      %shift_right_logical3A_228 = vector.broadcast %shift_right_logical3A_227 : i32 to vector<16xi32>
      %shift_right_logical3A_229 = arith.shrui %bitcast_convert_type3A_226, %shift_right_logical3A_228 : vector<16xi32>
      tpu.vector_store_idx %arg6[%shift_right_logical3A_229], %broadcast_in_dim3A_9 {add = true} : memref<2048xf32, #tpu.memory_space<vmem>>[vector<16xi32>], vector<16xf32>,
      %scan3A_230 = arith.constant 0 : i32
      scf.yield %scan3A_230 : i32
    }
    %scan3A_48 = arith.constant 2048 : i32
    %dma_wait3A_49 = tpu.memref_slice %arg2[%add3A_37] : memref<4194304xf32, #tpu.memory_space<hbm>> -> memref<32768xf32, #tpu.memory_space<hbm>>
    %dma_wait3A_50 = tpu.memref_slice %arg2[%add3A_37] : memref<4194304xf32, #tpu.memory_space<hbm>> -> memref<32768xf32, #tpu.memory_space<hbm>>
    tpu.wait_dma2 semaphore(%arg8 : memref<!tpu.dma_semaphore, #tpu.memory_space<semaphore_mem>>) src(%dma_wait3A_50 : memref<32768xf32, #tpu.memory_space<hbm>>) dst(%arg5 : memref<32768xf32, #tpu.memory_space<vmem>>)
    %scan3A_51 = arith.constant 0 : i32
    %scan3A_52 = arith.constant 0 : i32
    %scan3A_53 = arith.constant 2048 : i32
    %scan3A_54 = arith.addi %scan3A_52, %scan3A_53 : i32
    %scan3A_55 = arith.constant 16 : i32
    %scan3A_56 = scf.for %scan3A_58 = %scan3A_52 to %scan3A_54 step %scan3A_55 iter_args(%scan3A_59 = %scan3A_51) -> (i32)  : i32 {
      %mul3A_60 = arith.constant 16 : i32
      %mul3A_61 = arith.muli %scan3A_58, %mul3A_60 : i32
      %get3A = arith.index_cast %mul3A_61 : i32 to index
      %get3A_62 = tpu.vector_load %arg5[%get3A] {strides = array<i32>} : memref<32768xf32, #tpu.memory_space<vmem>>, vector<16xf32>,
      %bitcast_convert_type3A = tpu.bitcast %get3A_62 : vector<16xf32> -> vector<16xi32>
      %shift_right_logical3A = arith.constant 21 : i32
      %shift_right_logical3A_63 = vector.broadcast %shift_right_logical3A : i32 to vector<16xi32>
      %shift_right_logical3A_64 = arith.shrui %bitcast_convert_type3A, %shift_right_logical3A_63 : vector<16xi32>
      tpu.vector_store_idx %arg6[%shift_right_logical3A_64], %broadcast_in_dim3A_9 {add = true} : memref<2048xf32, #tpu.memory_space<vmem>>[vector<16xi32>], vector<16xf32>,
      %scan3A_65 = arith.constant 0 : i32
      %scan3A_66 = arith.constant 1 : i32
      %scan3A_67 = arith.addi %scan3A_58, %scan3A_66 : i32
      %mul3A_68 = arith.constant 16 : i32
      %mul3A_69 = arith.muli %scan3A_67, %mul3A_68 : i32
      %get3A_70 = arith.index_cast %mul3A_69 : i32 to index
      %get3A_71 = tpu.vector_load %arg5[%get3A_70] {strides = array<i32>} : memref<32768xf32, #tpu.memory_space<vmem>>, vector<16xf32>,
      %bitcast_convert_type3A_72 = tpu.bitcast %get3A_71 : vector<16xf32> -> vector<16xi32>
      %shift_right_logical3A_73 = arith.constant 21 : i32
      %shift_right_logical3A_74 = vector.broadcast %shift_right_logical3A_73 : i32 to vector<16xi32>
      %shift_right_logical3A_75 = arith.shrui %bitcast_convert_type3A_72, %shift_right_logical3A_74 : vector<16xi32>
      tpu.vector_store_idx %arg6[%shift_right_logical3A_75], %broadcast_in_dim3A_9 {add = true} : memref<2048xf32, #tpu.memory_space<vmem>>[vector<16xi32>], vector<16xf32>,
      %scan3A_76 = arith.constant 0 : i32
      %scan3A_77 = arith.constant 2 : i32
      %scan3A_78 = arith.addi %scan3A_58, %scan3A_77 : i32
      %mul3A_79 = arith.constant 16 : i32
      %mul3A_80 = arith.muli %scan3A_78, %mul3A_79 : i32
      %get3A_81 = arith.index_cast %mul3A_80 : i32 to index
      %get3A_82 = tpu.vector_load %arg5[%get3A_81] {strides = array<i32>} : memref<32768xf32, #tpu.memory_space<vmem>>, vector<16xf32>,
      %bitcast_convert_type3A_83 = tpu.bitcast %get3A_82 : vector<16xf32> -> vector<16xi32>
      %shift_right_logical3A_84 = arith.constant 21 : i32
      %shift_right_logical3A_85 = vector.broadcast %shift_right_logical3A_84 : i32 to vector<16xi32>
      %shift_right_logical3A_86 = arith.shrui %bitcast_convert_type3A_83, %shift_right_logical3A_85 : vector<16xi32>
      tpu.vector_store_idx %arg6[%shift_right_logical3A_86], %broadcast_in_dim3A_9 {add = true} : memref<2048xf32, #tpu.memory_space<vmem>>[vector<16xi32>], vector<16xf32>,
      %scan3A_87 = arith.constant 0 : i32
      %scan3A_88 = arith.constant 3 : i32
      %scan3A_89 = arith.addi %scan3A_58, %scan3A_88 : i32
      %mul3A_90 = arith.constant 16 : i32
      %mul3A_91 = arith.muli %scan3A_89, %mul3A_90 : i32
      %get3A_92 = arith.index_cast %mul3A_91 : i32 to index
      %get3A_93 = tpu.vector_load %arg5[%get3A_92] {strides = array<i32>} : memref<32768xf32, #tpu.memory_space<vmem>>, vector<16xf32>,
      %bitcast_convert_type3A_94 = tpu.bitcast %get3A_93 : vector<16xf32> -> vector<16xi32>
      %shift_right_logical3A_95 = arith.constant 21 : i32
      %shift_right_logical3A_96 = vector.broadcast %shift_right_logical3A_95 : i32 to vector<16xi32>
      %shift_right_logical3A_97 = arith.shrui %bitcast_convert_type3A_94, %shift_right_logical3A_96 : vector<16xi32>
      tpu.vector_store_idx %arg6[%shift_right_logical3A_97], %broadcast_in_dim3A_9 {add = true} : memref<2048xf32, #tpu.memory_space<vmem>>[vector<16xi32>], vector<16xf32>,
      %scan3A_98 = arith.constant 0 : i32
      %scan3A_99 = arith.constant 4 : i32
      %scan3A_100 = arith.addi %scan3A_58, %scan3A_99 : i32
      %mul3A_101 = arith.constant 16 : i32
      %mul3A_102 = arith.muli %scan3A_100, %mul3A_101 : i32
      %get3A_103 = arith.index_cast %mul3A_102 : i32 to index
      %get3A_104 = tpu.vector_load %arg5[%get3A_103] {strides = array<i32>} : memref<32768xf32, #tpu.memory_space<vmem>>, vector<16xf32>,
      %bitcast_convert_type3A_105 = tpu.bitcast %get3A_104 : vector<16xf32> -> vector<16xi32>
      %shift_right_logical3A_106 = arith.constant 21 : i32
      %shift_right_logical3A_107 = vector.broadcast %shift_right_logical3A_106 : i32 to vector<16xi32>
      %shift_right_logical3A_108 = arith.shrui %bitcast_convert_type3A_105, %shift_right_logical3A_107 : vector<16xi32>
      tpu.vector_store_idx %arg6[%shift_right_logical3A_108], %broadcast_in_dim3A_9 {add = true} : memref<2048xf32, #tpu.memory_space<vmem>>[vector<16xi32>], vector<16xf32>,
      %scan3A_109 = arith.constant 0 : i32
      %scan3A_110 = arith.constant 5 : i32
      %scan3A_111 = arith.addi %scan3A_58, %scan3A_110 : i32
      %mul3A_112 = arith.constant 16 : i32
      %mul3A_113 = arith.muli %scan3A_111, %mul3A_112 : i32
      %get3A_114 = arith.index_cast %mul3A_113 : i32 to index
      %get3A_115 = tpu.vector_load %arg5[%get3A_114] {strides = array<i32>} : memref<32768xf32, #tpu.memory_space<vmem>>, vector<16xf32>,
      %bitcast_convert_type3A_116 = tpu.bitcast %get3A_115 : vector<16xf32> -> vector<16xi32>
      %shift_right_logical3A_117 = arith.constant 21 : i32
      %shift_right_logical3A_118 = vector.broadcast %shift_right_logical3A_117 : i32 to vector<16xi32>
      %shift_right_logical3A_119 = arith.shrui %bitcast_convert_type3A_116, %shift_right_logical3A_118 : vector<16xi32>
      tpu.vector_store_idx %arg6[%shift_right_logical3A_119], %broadcast_in_dim3A_9 {add = true} : memref<2048xf32, #tpu.memory_space<vmem>>[vector<16xi32>], vector<16xf32>,
      %scan3A_120 = arith.constant 0 : i32
      %scan3A_121 = arith.constant 6 : i32
      %scan3A_122 = arith.addi %scan3A_58, %scan3A_121 : i32
      %mul3A_123 = arith.constant 16 : i32
      %mul3A_124 = arith.muli %scan3A_122, %mul3A_123 : i32
      %get3A_125 = arith.index_cast %mul3A_124 : i32 to index
      %get3A_126 = tpu.vector_load %arg5[%get3A_125] {strides = array<i32>} : memref<32768xf32, #tpu.memory_space<vmem>>, vector<16xf32>,
      %bitcast_convert_type3A_127 = tpu.bitcast %get3A_126 : vector<16xf32> -> vector<16xi32>
      %shift_right_logical3A_128 = arith.constant 21 : i32
      %shift_right_logical3A_129 = vector.broadcast %shift_right_logical3A_128 : i32 to vector<16xi32>
      %shift_right_logical3A_130 = arith.shrui %bitcast_convert_type3A_127, %shift_right_logical3A_129 : vector<16xi32>
      tpu.vector_store_idx %arg6[%shift_right_logical3A_130], %broadcast_in_dim3A_9 {add = true} : memref<2048xf32, #tpu.memory_space<vmem>>[vector<16xi32>], vector<16xf32>,
      %scan3A_131 = arith.constant 0 : i32
      %scan3A_132 = arith.constant 7 : i32
      %scan3A_133 = arith.addi %scan3A_58, %scan3A_132 : i32
      %mul3A_134 = arith.constant 16 : i32
      %mul3A_135 = arith.muli %scan3A_133, %mul3A_134 : i32
      %get3A_136 = arith.index_cast %mul3A_135 : i32 to index
      %get3A_137 = tpu.vector_load %arg5[%get3A_136] {strides = array<i32>} : memref<32768xf32, #tpu.memory_space<vmem>>, vector<16xf32>,
      %bitcast_convert_type3A_138 = tpu.bitcast %get3A_137 : vector<16xf32> -> vector<16xi32>
      %shift_right_logical3A_139 = arith.constant 21 : i32
      %shift_right_logical3A_140 = vector.broadcast %shift_right_logical3A_139 : i32 to vector<16xi32>
      %shift_right_logical3A_141 = arith.shrui %bitcast_convert_type3A_138, %shift_right_logical3A_140 : vector<16xi32>
      tpu.vector_store_idx %arg6[%shift_right_logical3A_141], %broadcast_in_dim3A_9 {add = true} : memref<2048xf32, #tpu.memory_space<vmem>>[vector<16xi32>], vector<16xf32>,
      %scan3A_142 = arith.constant 0 : i32
      %scan3A_143 = arith.constant 8 : i32
      %scan3A_144 = arith.addi %scan3A_58, %scan3A_143 : i32
      %mul3A_145 = arith.constant 16 : i32
      %mul3A_146 = arith.muli %scan3A_144, %mul3A_145 : i32
      %get3A_147 = arith.index_cast %mul3A_146 : i32 to index
      %get3A_148 = tpu.vector_load %arg5[%get3A_147] {strides = array<i32>} : memref<32768xf32, #tpu.memory_space<vmem>>, vector<16xf32>,
      %bitcast_convert_type3A_149 = tpu.bitcast %get3A_148 : vector<16xf32> -> vector<16xi32>
      %shift_right_logical3A_150 = arith.constant 21 : i32
      %shift_right_logical3A_151 = vector.broadcast %shift_right_logical3A_150 : i32 to vector<16xi32>
      %shift_right_logical3A_152 = arith.shrui %bitcast_convert_type3A_149, %shift_right_logical3A_151 : vector<16xi32>
      tpu.vector_store_idx %arg6[%shift_right_logical3A_152], %broadcast_in_dim3A_9 {add = true} : memref<2048xf32, #tpu.memory_space<vmem>>[vector<16xi32>], vector<16xf32>,
      %scan3A_153 = arith.constant 0 : i32
      %scan3A_154 = arith.constant 9 : i32
      %scan3A_155 = arith.addi %scan3A_58, %scan3A_154 : i32
      %mul3A_156 = arith.constant 16 : i32
      %mul3A_157 = arith.muli %scan3A_155, %mul3A_156 : i32
      %get3A_158 = arith.index_cast %mul3A_157 : i32 to index
      %get3A_159 = tpu.vector_load %arg5[%get3A_158] {strides = array<i32>} : memref<32768xf32, #tpu.memory_space<vmem>>, vector<16xf32>,
      %bitcast_convert_type3A_160 = tpu.bitcast %get3A_159 : vector<16xf32> -> vector<16xi32>
      %shift_right_logical3A_161 = arith.constant 21 : i32
      %shift_right_logical3A_162 = vector.broadcast %shift_right_logical3A_161 : i32 to vector<16xi32>
      %shift_right_logical3A_163 = arith.shrui %bitcast_convert_type3A_160, %shift_right_logical3A_162 : vector<16xi32>
      tpu.vector_store_idx %arg6[%shift_right_logical3A_163], %broadcast_in_dim3A_9 {add = true} : memref<2048xf32, #tpu.memory_space<vmem>>[vector<16xi32>], vector<16xf32>,
      %scan3A_164 = arith.constant 0 : i32
      %scan3A_165 = arith.constant 10 : i32
      %scan3A_166 = arith.addi %scan3A_58, %scan3A_165 : i32
      %mul3A_167 = arith.constant 16 : i32
      %mul3A_168 = arith.muli %scan3A_166, %mul3A_167 : i32
      %get3A_169 = arith.index_cast %mul3A_168 : i32 to index
      %get3A_170 = tpu.vector_load %arg5[%get3A_169] {strides = array<i32>} : memref<32768xf32, #tpu.memory_space<vmem>>, vector<16xf32>,
      %bitcast_convert_type3A_171 = tpu.bitcast %get3A_170 : vector<16xf32> -> vector<16xi32>
      %shift_right_logical3A_172 = arith.constant 21 : i32
      %shift_right_logical3A_173 = vector.broadcast %shift_right_logical3A_172 : i32 to vector<16xi32>
      %shift_right_logical3A_174 = arith.shrui %bitcast_convert_type3A_171, %shift_right_logical3A_173 : vector<16xi32>
      tpu.vector_store_idx %arg6[%shift_right_logical3A_174], %broadcast_in_dim3A_9 {add = true} : memref<2048xf32, #tpu.memory_space<vmem>>[vector<16xi32>], vector<16xf32>,
      %scan3A_175 = arith.constant 0 : i32
      %scan3A_176 = arith.constant 11 : i32
      %scan3A_177 = arith.addi %scan3A_58, %scan3A_176 : i32
      %mul3A_178 = arith.constant 16 : i32
      %mul3A_179 = arith.muli %scan3A_177, %mul3A_178 : i32
      %get3A_180 = arith.index_cast %mul3A_179 : i32 to index
      %get3A_181 = tpu.vector_load %arg5[%get3A_180] {strides = array<i32>} : memref<32768xf32, #tpu.memory_space<vmem>>, vector<16xf32>,
      %bitcast_convert_type3A_182 = tpu.bitcast %get3A_181 : vector<16xf32> -> vector<16xi32>
      %shift_right_logical3A_183 = arith.constant 21 : i32
      %shift_right_logical3A_184 = vector.broadcast %shift_right_logical3A_183 : i32 to vector<16xi32>
      %shift_right_logical3A_185 = arith.shrui %bitcast_convert_type3A_182, %shift_right_logical3A_184 : vector<16xi32>
      tpu.vector_store_idx %arg6[%shift_right_logical3A_185], %broadcast_in_dim3A_9 {add = true} : memref<2048xf32, #tpu.memory_space<vmem>>[vector<16xi32>], vector<16xf32>,
      %scan3A_186 = arith.constant 0 : i32
      %scan3A_187 = arith.constant 12 : i32
      %scan3A_188 = arith.addi %scan3A_58, %scan3A_187 : i32
      %mul3A_189 = arith.constant 16 : i32
      %mul3A_190 = arith.muli %scan3A_188, %mul3A_189 : i32
      %get3A_191 = arith.index_cast %mul3A_190 : i32 to index
      %get3A_192 = tpu.vector_load %arg5[%get3A_191] {strides = array<i32>} : memref<32768xf32, #tpu.memory_space<vmem>>, vector<16xf32>,
      %bitcast_convert_type3A_193 = tpu.bitcast %get3A_192 : vector<16xf32> -> vector<16xi32>
      %shift_right_logical3A_194 = arith.constant 21 : i32
      %shift_right_logical3A_195 = vector.broadcast %shift_right_logical3A_194 : i32 to vector<16xi32>
      %shift_right_logical3A_196 = arith.shrui %bitcast_convert_type3A_193, %shift_right_logical3A_195 : vector<16xi32>
      tpu.vector_store_idx %arg6[%shift_right_logical3A_196], %broadcast_in_dim3A_9 {add = true} : memref<2048xf32, #tpu.memory_space<vmem>>[vector<16xi32>], vector<16xf32>,
      %scan3A_197 = arith.constant 0 : i32
      %scan3A_198 = arith.constant 13 : i32
      %scan3A_199 = arith.addi %scan3A_58, %scan3A_198 : i32
      %mul3A_200 = arith.constant 16 : i32
      %mul3A_201 = arith.muli %scan3A_199, %mul3A_200 : i32
      %get3A_202 = arith.index_cast %mul3A_201 : i32 to index
      %get3A_203 = tpu.vector_load %arg5[%get3A_202] {strides = array<i32>} : memref<32768xf32, #tpu.memory_space<vmem>>, vector<16xf32>,
      %bitcast_convert_type3A_204 = tpu.bitcast %get3A_203 : vector<16xf32> -> vector<16xi32>
      %shift_right_logical3A_205 = arith.constant 21 : i32
      %shift_right_logical3A_206 = vector.broadcast %shift_right_logical3A_205 : i32 to vector<16xi32>
      %shift_right_logical3A_207 = arith.shrui %bitcast_convert_type3A_204, %shift_right_logical3A_206 : vector<16xi32>
      tpu.vector_store_idx %arg6[%shift_right_logical3A_207], %broadcast_in_dim3A_9 {add = true} : memref<2048xf32, #tpu.memory_space<vmem>>[vector<16xi32>], vector<16xf32>,
      %scan3A_208 = arith.constant 0 : i32
      %scan3A_209 = arith.constant 14 : i32
      %scan3A_210 = arith.addi %scan3A_58, %scan3A_209 : i32
      %mul3A_211 = arith.constant 16 : i32
      %mul3A_212 = arith.muli %scan3A_210, %mul3A_211 : i32
      %get3A_213 = arith.index_cast %mul3A_212 : i32 to index
      %get3A_214 = tpu.vector_load %arg5[%get3A_213] {strides = array<i32>} : memref<32768xf32, #tpu.memory_space<vmem>>, vector<16xf32>,
      %bitcast_convert_type3A_215 = tpu.bitcast %get3A_214 : vector<16xf32> -> vector<16xi32>
      %shift_right_logical3A_216 = arith.constant 21 : i32
      %shift_right_logical3A_217 = vector.broadcast %shift_right_logical3A_216 : i32 to vector<16xi32>
      %shift_right_logical3A_218 = arith.shrui %bitcast_convert_type3A_215, %shift_right_logical3A_217 : vector<16xi32>
      tpu.vector_store_idx %arg6[%shift_right_logical3A_218], %broadcast_in_dim3A_9 {add = true} : memref<2048xf32, #tpu.memory_space<vmem>>[vector<16xi32>], vector<16xf32>,
      %scan3A_219 = arith.constant 0 : i32
      %scan3A_220 = arith.constant 15 : i32
      %scan3A_221 = arith.addi %scan3A_58, %scan3A_220 : i32
      %mul3A_222 = arith.constant 16 : i32
      %mul3A_223 = arith.muli %scan3A_221, %mul3A_222 : i32
      %get3A_224 = arith.index_cast %mul3A_223 : i32 to index
      %get3A_225 = tpu.vector_load %arg5[%get3A_224] {strides = array<i32>} : memref<32768xf32, #tpu.memory_space<vmem>>, vector<16xf32>,
      %bitcast_convert_type3A_226 = tpu.bitcast %get3A_225 : vector<16xf32> -> vector<16xi32>
      %shift_right_logical3A_227 = arith.constant 21 : i32
      %shift_right_logical3A_228 = vector.broadcast %shift_right_logical3A_227 : i32 to vector<16xi32>
      %shift_right_logical3A_229 = arith.shrui %bitcast_convert_type3A_226, %shift_right_logical3A_228 : vector<16xi32>
      tpu.vector_store_idx %arg6[%shift_right_logical3A_229], %broadcast_in_dim3A_9 {add = true} : memref<2048xf32, #tpu.memory_space<vmem>>[vector<16xi32>], vector<16xf32>,
      %scan3A_230 = arith.constant 0 : i32
      scf.yield %scan3A_230 : i32
    }
    %scan3A_57 = arith.constant 2048 : i32
    "tpu.region"() ({
      %run_scoped3A = tpu.sem_alloc : memref<!tpu.dma_semaphore, #tpu.memory_space<semaphore_mem>>
      %dma_start3A_58 = arith.constant 0 : i32
      %dma_start3A_59 = tpu.memref_slice %arg3[%add3A, %dma_start3A_58] : memref<32x2048xf32, #tpu.memory_space<hbm>> -> memref<1x2048xf32, #tpu.memory_space<hbm>>
      %dma_start3A_60 = tpu.memref_squeeze %dma_start3A_59 : memref<1x2048xf32, #tpu.memory_space<hbm>> -> memref<2048xf32, #tpu.memory_space<hbm>>
      %dma_start3A_61 = arith.constant 0 : i32
      %dma_start3A_62 = tpu.memref_slice %arg3[%add3A, %dma_start3A_61] : memref<32x2048xf32, #tpu.memory_space<hbm>> -> memref<1x2048xf32, #tpu.memory_space<hbm>>
      %dma_start3A_63 = tpu.memref_squeeze %dma_start3A_62 : memref<1x2048xf32, #tpu.memory_space<hbm>> -> memref<2048xf32, #tpu.memory_space<hbm>>
      tpu.enqueue_dma source(%arg6 : memref<2048xf32, #tpu.memory_space<vmem>>) target(%dma_start3A_63 : memref<2048xf32, #tpu.memory_space<hbm>>) target_semaphore(%run_scoped3A : memref<!tpu.dma_semaphore, #tpu.memory_space<semaphore_mem>>)
      %dma_wait3A_64 = arith.constant 0 : i32
      %dma_wait3A_65 = tpu.memref_slice %arg3[%add3A, %dma_wait3A_64] : memref<32x2048xf32, #tpu.memory_space<hbm>> -> memref<1x2048xf32, #tpu.memory_space<hbm>>
      %dma_wait3A_66 = tpu.memref_squeeze %dma_wait3A_65 : memref<1x2048xf32, #tpu.memory_space<hbm>> -> memref<2048xf32, #tpu.memory_space<hbm>>
      %dma_wait3A_67 = arith.constant 0 : i32
      %dma_wait3A_68 = tpu.memref_slice %arg3[%add3A, %dma_wait3A_67] : memref<32x2048xf32, #tpu.memory_space<hbm>> -> memref<1x2048xf32, #tpu.memory_space<hbm>>
      %dma_wait3A_69 = tpu.memref_squeeze %dma_wait3A_68 : memref<1x2048xf32, #tpu.memory_space<hbm>> -> memref<2048xf32, #tpu.memory_space<hbm>>
      tpu.wait_dma2 semaphore(%run_scoped3A : memref<!tpu.dma_semaphore, #tpu.memory_space<semaphore_mem>>) src(%arg6 : memref<2048xf32, #tpu.memory_space<vmem>>) dst(%dma_wait3A_69 : memref<2048xf32, #tpu.memory_space<hbm>>)
      tpu.yield
    }) : () -> ()
    return
  }
}

module attributes {stable_mosaic.version = 14 : i64} {
  func.func @_tc_pass1(%arg0: i32, %arg1: memref<256x1024xf32, #tpu.memory_space<vmem>>, %arg2: memref<256x1024xf32, #tpu.memory_space<vmem>>, %arg3: memref<256x1024xi32, #tpu.memory_space<vmem>>, %arg4: memref<256x1024xf32, #tpu.memory_space<vmem>>, %arg5: memref<8x128xf32, #tpu.memory_space<vmem>>, %arg6: memref<8x128xf32, #tpu.memory_space<vmem>>, %arg7: memref<8x128xf32, #tpu.memory_space<vmem>>) attributes {dimension_semantics = [#tpu.dimension_semantics<arbitrary>], iteration_bounds = array<i64: 16>, scalar_prefetch = 0 : i64, scratch_operands = 0 : i64, tpu.core_type = #tpu.core_type<tc>, window_params = [{transform_indices = @transform_0, window_bounds = array<i64: 256, 1024>}, {transform_indices = @transform_1, window_bounds = array<i64: 256, 1024>}, {transform_indices = @transform_2, window_bounds = array<i64: 256, 1024>}, {transform_indices = @transform_3, window_bounds = array<i64: 256, 1024>}, {pipeline_mode = #tpu.pipeline_mode<synchronous>, transform_indices = @transform_4, window_bounds = array<i64: 8, 128>}, {pipeline_mode = #tpu.pipeline_mode<synchronous>, transform_indices = @transform_5, window_bounds = array<i64: 8, 128>}, {pipeline_mode = #tpu.pipeline_mode<synchronous>, transform_indices = @transform_6, window_bounds = array<i64: 8, 128>}]} {
    %eq3A = arith.constant 0 : i32
    %eq3A_0 = arith.cmpi eq, %arg0, %eq3A : i32
    %convert_element_type3A = arith.extui %eq3A_0 : i1 to i32
    %cond3A = arith.constant 0 : i32
    %cond3A_1 = arith.cmpi ne, %convert_element_type3A, %cond3A : i32
    scf.if %cond3A_1 {
      %broadcast_in_dim3A = arith.constant 0.000000e+00 : f32
      %broadcast_in_dim3A_279 = vector.broadcast %broadcast_in_dim3A : f32 to vector<8x128xf32>
      %swap3A_280 = arith.constant 0 : index
      %swap3A_281 = arith.constant 0 : index
      %swap3A_282 = vector.load %arg5[%swap3A_280, %swap3A_281] : memref<8x128xf32, #tpu.memory_space<vmem>>, vector<8x128xf32>
      tpu.vector_store %arg5[%swap3A_280, %swap3A_281], %broadcast_in_dim3A_279 {strides = array<i32>} : memref<8x128xf32, #tpu.memory_space<vmem>>, vector<8x128xf32>,
      %broadcast_in_dim3A_283 = arith.constant 0.000000e+00 : f32
      %broadcast_in_dim3A_284 = vector.broadcast %broadcast_in_dim3A_283 : f32 to vector<8x128xf32>
      %swap3A_285 = arith.constant 0 : index
      %swap3A_286 = arith.constant 0 : index
      %swap3A_287 = vector.load %arg6[%swap3A_285, %swap3A_286] : memref<8x128xf32, #tpu.memory_space<vmem>>, vector<8x128xf32>
      tpu.vector_store %arg6[%swap3A_285, %swap3A_286], %broadcast_in_dim3A_284 {strides = array<i32>} : memref<8x128xf32, #tpu.memory_space<vmem>>, vector<8x128xf32>,
      %broadcast_in_dim3A_288 = arith.constant 0.000000e+00 : f32
      %broadcast_in_dim3A_289 = vector.broadcast %broadcast_in_dim3A_288 : f32 to vector<8x128xf32>
      %swap3A_290 = arith.constant 0 : index
      %swap3A_291 = arith.constant 0 : index
      %swap3A_292 = vector.load %arg7[%swap3A_290, %swap3A_291] : memref<8x128xf32, #tpu.memory_space<vmem>>, vector<8x128xf32>
      tpu.vector_store %arg7[%swap3A_290, %swap3A_291], %broadcast_in_dim3A_289 {strides = array<i32>} : memref<8x128xf32, #tpu.memory_space<vmem>>, vector<8x128xf32>,
    } else {
    }
    %get3A = arith.constant 0 : index
    %get3A_2 = arith.constant 0 : index
    %get3A_3 = vector.load %arg1[%get3A, %get3A_2] : memref<256x1024xf32, #tpu.memory_space<vmem>>, vector<256x1024xf32>
    %get3A_4 = arith.constant 0 : index
    %get3A_5 = arith.constant 0 : index
    %get3A_6 = vector.load %arg2[%get3A_4, %get3A_5] : memref<256x1024xf32, #tpu.memory_space<vmem>>, vector<256x1024xf32>
    %sub3A = arith.subf %get3A_3, %get3A_6 : vector<256x1024xf32>
    %get3A_7 = arith.constant 0 : index
    %get3A_8 = arith.constant 0 : index
    %get3A_9 = vector.load %arg3[%get3A_7, %get3A_8] : memref<256x1024xi32, #tpu.memory_space<vmem>>, vector<256x1024xi32>
    %convert_element_type3A_10 = arith.sitofp %get3A_9 : vector<256x1024xi32> to vector<256x1024xf32>
    %neg3A = arith.constant 0.000000e+00 : f32
    %neg3A_11 = vector.broadcast %neg3A : f32 to vector<256x1024xf32>
    %neg3A_12 = arith.subf %neg3A_11, %sub3A : vector<256x1024xf32>
    %max3A = arith.constant 0.000000e+00 : f32
    %max3A_13 = vector.broadcast %max3A : f32 to vector<256x1024xf32>
    %max3A_14 = arith.maximumf %neg3A_12, %max3A_13 : vector<256x1024xf32>
    %abs3A = math.absf %sub3A : vector<256x1024xf32>
    %neg3A_15 = arith.constant 0.000000e+00 : f32
    %neg3A_16 = vector.broadcast %neg3A_15 : f32 to vector<256x1024xf32>
    %neg3A_17 = arith.subf %neg3A_16, %abs3A : vector<256x1024xf32>
    %exp3A = math.exp %neg3A_17 : vector<256x1024xf32>
    %log1p3A = math.log1p %exp3A : vector<256x1024xf32>
    %add3A = arith.addf %max3A_14, %log1p3A : vector<256x1024xf32>
    %add3A_18 = arith.addf %sub3A, %add3A : vector<256x1024xf32>
    %sub3A_19 = arith.constant 1.000000e+00 : f32
    %sub3A_20 = vector.broadcast %sub3A_19 : f32 to vector<256x1024xf32>
    %sub3A_21 = arith.subf %sub3A_20, %convert_element_type3A_10 : vector<256x1024xf32>
    %mul3A = arith.mulf %add3A, %sub3A_21 : vector<256x1024xf32>
    %swap3A = arith.constant 0 : index
    %swap3A_22 = arith.constant 0 : index
    %swap3A_23 = vector.load %arg4[%swap3A, %swap3A_22] : memref<256x1024xf32, #tpu.memory_space<vmem>>, vector<256x1024xf32>
    tpu.vector_store %arg4[%swap3A, %swap3A_22], %mul3A {strides = array<i32>} : memref<256x1024xf32, #tpu.memory_space<vmem>>, vector<256x1024xf32>,
    %get3A_24 = arith.constant 0 : index
    %get3A_25 = arith.constant 0 : index
    %get3A_26 = vector.load %arg5[%get3A_24, %get3A_25] : memref<8x128xf32, #tpu.memory_space<vmem>>, vector<8x128xf32>
    %slice3A = vector.extract_strided_slice %convert_element_type3A_10 {offsets = [0, 0], sizes = [256, 128], strides = [1, 1]} : vector<256x1024xf32> to vector<256x128xf32>
    %slice3A_27 = vector.extract_strided_slice %convert_element_type3A_10 {offsets = [0, 128], sizes = [256, 128], strides = [1, 1]} : vector<256x1024xf32> to vector<256x128xf32>
    %add3A_28 = arith.addf %slice3A, %slice3A_27 : vector<256x128xf32>
    %slice3A_29 = vector.extract_strided_slice %convert_element_type3A_10 {offsets = [0, 256], sizes = [256, 128], strides = [1, 1]} : vector<256x1024xf32> to vector<256x128xf32>
    %add3A_30 = arith.addf %add3A_28, %slice3A_29 : vector<256x128xf32>
    %slice3A_31 = vector.extract_strided_slice %convert_element_type3A_10 {offsets = [0, 384], sizes = [256, 128], strides = [1, 1]} : vector<256x1024xf32> to vector<256x128xf32>
    %add3A_32 = arith.addf %add3A_30, %slice3A_31 : vector<256x128xf32>
    %slice3A_33 = vector.extract_strided_slice %convert_element_type3A_10 {offsets = [0, 512], sizes = [256, 128], strides = [1, 1]} : vector<256x1024xf32> to vector<256x128xf32>
    %add3A_34 = arith.addf %add3A_32, %slice3A_33 : vector<256x128xf32>
    %slice3A_35 = vector.extract_strided_slice %convert_element_type3A_10 {offsets = [0, 640], sizes = [256, 128], strides = [1, 1]} : vector<256x1024xf32> to vector<256x128xf32>
    %add3A_36 = arith.addf %add3A_34, %slice3A_35 : vector<256x128xf32>
    %slice3A_37 = vector.extract_strided_slice %convert_element_type3A_10 {offsets = [0, 768], sizes = [256, 128], strides = [1, 1]} : vector<256x1024xf32> to vector<256x128xf32>
    %add3A_38 = arith.addf %add3A_36, %slice3A_37 : vector<256x128xf32>
    %slice3A_39 = vector.extract_strided_slice %convert_element_type3A_10 {offsets = [0, 896], sizes = [256, 128], strides = [1, 1]} : vector<256x1024xf32> to vector<256x128xf32>
    %add3A_40 = arith.addf %add3A_38, %slice3A_39 : vector<256x128xf32>
    %slice3A_41 = vector.extract_strided_slice %add3A_40 {offsets = [0, 0], sizes = [8, 128], strides = [1, 1]} : vector<256x128xf32> to vector<8x128xf32>
    %slice3A_42 = vector.extract_strided_slice %add3A_40 {offsets = [8, 0], sizes = [8, 128], strides = [1, 1]} : vector<256x128xf32> to vector<8x128xf32>
    %add3A_43 = arith.addf %slice3A_41, %slice3A_42 : vector<8x128xf32>
    %slice3A_44 = vector.extract_strided_slice %add3A_40 {offsets = [16, 0], sizes = [8, 128], strides = [1, 1]} : vector<256x128xf32> to vector<8x128xf32>
    %add3A_45 = arith.addf %add3A_43, %slice3A_44 : vector<8x128xf32>
    %slice3A_46 = vector.extract_strided_slice %add3A_40 {offsets = [24, 0], sizes = [8, 128], strides = [1, 1]} : vector<256x128xf32> to vector<8x128xf32>
    %add3A_47 = arith.addf %add3A_45, %slice3A_46 : vector<8x128xf32>
    %slice3A_48 = vector.extract_strided_slice %add3A_40 {offsets = [32, 0], sizes = [8, 128], strides = [1, 1]} : vector<256x128xf32> to vector<8x128xf32>
    %add3A_49 = arith.addf %add3A_47, %slice3A_48 : vector<8x128xf32>
    %slice3A_50 = vector.extract_strided_slice %add3A_40 {offsets = [40, 0], sizes = [8, 128], strides = [1, 1]} : vector<256x128xf32> to vector<8x128xf32>
    %add3A_51 = arith.addf %add3A_49, %slice3A_50 : vector<8x128xf32>
    %slice3A_52 = vector.extract_strided_slice %add3A_40 {offsets = [48, 0], sizes = [8, 128], strides = [1, 1]} : vector<256x128xf32> to vector<8x128xf32>
    %add3A_53 = arith.addf %add3A_51, %slice3A_52 : vector<8x128xf32>
    %slice3A_54 = vector.extract_strided_slice %add3A_40 {offsets = [56, 0], sizes = [8, 128], strides = [1, 1]} : vector<256x128xf32> to vector<8x128xf32>
    %add3A_55 = arith.addf %add3A_53, %slice3A_54 : vector<8x128xf32>
    %slice3A_56 = vector.extract_strided_slice %add3A_40 {offsets = [64, 0], sizes = [8, 128], strides = [1, 1]} : vector<256x128xf32> to vector<8x128xf32>
    %add3A_57 = arith.addf %add3A_55, %slice3A_56 : vector<8x128xf32>
    %slice3A_58 = vector.extract_strided_slice %add3A_40 {offsets = [72, 0], sizes = [8, 128], strides = [1, 1]} : vector<256x128xf32> to vector<8x128xf32>
    %add3A_59 = arith.addf %add3A_57, %slice3A_58 : vector<8x128xf32>
    %slice3A_60 = vector.extract_strided_slice %add3A_40 {offsets = [80, 0], sizes = [8, 128], strides = [1, 1]} : vector<256x128xf32> to vector<8x128xf32>
    %add3A_61 = arith.addf %add3A_59, %slice3A_60 : vector<8x128xf32>
    %slice3A_62 = vector.extract_strided_slice %add3A_40 {offsets = [88, 0], sizes = [8, 128], strides = [1, 1]} : vector<256x128xf32> to vector<8x128xf32>
    %add3A_63 = arith.addf %add3A_61, %slice3A_62 : vector<8x128xf32>
    %slice3A_64 = vector.extract_strided_slice %add3A_40 {offsets = [96, 0], sizes = [8, 128], strides = [1, 1]} : vector<256x128xf32> to vector<8x128xf32>
    %add3A_65 = arith.addf %add3A_63, %slice3A_64 : vector<8x128xf32>
    %slice3A_66 = vector.extract_strided_slice %add3A_40 {offsets = [104, 0], sizes = [8, 128], strides = [1, 1]} : vector<256x128xf32> to vector<8x128xf32>
    %add3A_67 = arith.addf %add3A_65, %slice3A_66 : vector<8x128xf32>
    %slice3A_68 = vector.extract_strided_slice %add3A_40 {offsets = [112, 0], sizes = [8, 128], strides = [1, 1]} : vector<256x128xf32> to vector<8x128xf32>
    %add3A_69 = arith.addf %add3A_67, %slice3A_68 : vector<8x128xf32>
    %slice3A_70 = vector.extract_strided_slice %add3A_40 {offsets = [120, 0], sizes = [8, 128], strides = [1, 1]} : vector<256x128xf32> to vector<8x128xf32>
    %add3A_71 = arith.addf %add3A_69, %slice3A_70 : vector<8x128xf32>
    %slice3A_72 = vector.extract_strided_slice %add3A_40 {offsets = [128, 0], sizes = [8, 128], strides = [1, 1]} : vector<256x128xf32> to vector<8x128xf32>
    %add3A_73 = arith.addf %add3A_71, %slice3A_72 : vector<8x128xf32>
    %slice3A_74 = vector.extract_strided_slice %add3A_40 {offsets = [136, 0], sizes = [8, 128], strides = [1, 1]} : vector<256x128xf32> to vector<8x128xf32>
    %add3A_75 = arith.addf %add3A_73, %slice3A_74 : vector<8x128xf32>
    %slice3A_76 = vector.extract_strided_slice %add3A_40 {offsets = [144, 0], sizes = [8, 128], strides = [1, 1]} : vector<256x128xf32> to vector<8x128xf32>
    %add3A_77 = arith.addf %add3A_75, %slice3A_76 : vector<8x128xf32>
    %slice3A_78 = vector.extract_strided_slice %add3A_40 {offsets = [152, 0], sizes = [8, 128], strides = [1, 1]} : vector<256x128xf32> to vector<8x128xf32>
    %add3A_79 = arith.addf %add3A_77, %slice3A_78 : vector<8x128xf32>
    %slice3A_80 = vector.extract_strided_slice %add3A_40 {offsets = [160, 0], sizes = [8, 128], strides = [1, 1]} : vector<256x128xf32> to vector<8x128xf32>
    %add3A_81 = arith.addf %add3A_79, %slice3A_80 : vector<8x128xf32>
    %slice3A_82 = vector.extract_strided_slice %add3A_40 {offsets = [168, 0], sizes = [8, 128], strides = [1, 1]} : vector<256x128xf32> to vector<8x128xf32>
    %add3A_83 = arith.addf %add3A_81, %slice3A_82 : vector<8x128xf32>
    %slice3A_84 = vector.extract_strided_slice %add3A_40 {offsets = [176, 0], sizes = [8, 128], strides = [1, 1]} : vector<256x128xf32> to vector<8x128xf32>
    %add3A_85 = arith.addf %add3A_83, %slice3A_84 : vector<8x128xf32>
    %slice3A_86 = vector.extract_strided_slice %add3A_40 {offsets = [184, 0], sizes = [8, 128], strides = [1, 1]} : vector<256x128xf32> to vector<8x128xf32>
    %add3A_87 = arith.addf %add3A_85, %slice3A_86 : vector<8x128xf32>
    %slice3A_88 = vector.extract_strided_slice %add3A_40 {offsets = [192, 0], sizes = [8, 128], strides = [1, 1]} : vector<256x128xf32> to vector<8x128xf32>
    %add3A_89 = arith.addf %add3A_87, %slice3A_88 : vector<8x128xf32>
    %slice3A_90 = vector.extract_strided_slice %add3A_40 {offsets = [200, 0], sizes = [8, 128], strides = [1, 1]} : vector<256x128xf32> to vector<8x128xf32>
    %add3A_91 = arith.addf %add3A_89, %slice3A_90 : vector<8x128xf32>
    %slice3A_92 = vector.extract_strided_slice %add3A_40 {offsets = [208, 0], sizes = [8, 128], strides = [1, 1]} : vector<256x128xf32> to vector<8x128xf32>
    %add3A_93 = arith.addf %add3A_91, %slice3A_92 : vector<8x128xf32>
    %slice3A_94 = vector.extract_strided_slice %add3A_40 {offsets = [216, 0], sizes = [8, 128], strides = [1, 1]} : vector<256x128xf32> to vector<8x128xf32>
    %add3A_95 = arith.addf %add3A_93, %slice3A_94 : vector<8x128xf32>
    %slice3A_96 = vector.extract_strided_slice %add3A_40 {offsets = [224, 0], sizes = [8, 128], strides = [1, 1]} : vector<256x128xf32> to vector<8x128xf32>
    %add3A_97 = arith.addf %add3A_95, %slice3A_96 : vector<8x128xf32>
    %slice3A_98 = vector.extract_strided_slice %add3A_40 {offsets = [232, 0], sizes = [8, 128], strides = [1, 1]} : vector<256x128xf32> to vector<8x128xf32>
    %add3A_99 = arith.addf %add3A_97, %slice3A_98 : vector<8x128xf32>
    %slice3A_100 = vector.extract_strided_slice %add3A_40 {offsets = [240, 0], sizes = [8, 128], strides = [1, 1]} : vector<256x128xf32> to vector<8x128xf32>
    %add3A_101 = arith.addf %add3A_99, %slice3A_100 : vector<8x128xf32>
    %slice3A_102 = vector.extract_strided_slice %add3A_40 {offsets = [248, 0], sizes = [8, 128], strides = [1, 1]} : vector<256x128xf32> to vector<8x128xf32>
    %add3A_103 = arith.addf %add3A_101, %slice3A_102 : vector<8x128xf32>
    %add3A_104 = arith.addf %get3A_26, %add3A_103 : vector<8x128xf32>
    %swap3A_105 = arith.constant 0 : index
    %swap3A_106 = arith.constant 0 : index
    %swap3A_107 = vector.load %arg5[%swap3A_105, %swap3A_106] : memref<8x128xf32, #tpu.memory_space<vmem>>, vector<8x128xf32>
    tpu.vector_store %arg5[%swap3A_105, %swap3A_106], %add3A_104 {strides = array<i32>} : memref<8x128xf32, #tpu.memory_space<vmem>>, vector<8x128xf32>,
    %get3A_108 = arith.constant 0 : index
    %get3A_109 = arith.constant 0 : index
    %get3A_110 = vector.load %arg6[%get3A_108, %get3A_109] : memref<8x128xf32, #tpu.memory_space<vmem>>, vector<8x128xf32>
    %mul3A_111 = arith.mulf %add3A_18, %convert_element_type3A_10 : vector<256x1024xf32>
    %slice3A_112 = vector.extract_strided_slice %mul3A_111 {offsets = [0, 0], sizes = [256, 128], strides = [1, 1]} : vector<256x1024xf32> to vector<256x128xf32>
    %slice3A_113 = vector.extract_strided_slice %mul3A_111 {offsets = [0, 128], sizes = [256, 128], strides = [1, 1]} : vector<256x1024xf32> to vector<256x128xf32>
    %add3A_114 = arith.addf %slice3A_112, %slice3A_113 : vector<256x128xf32>
    %slice3A_115 = vector.extract_strided_slice %mul3A_111 {offsets = [0, 256], sizes = [256, 128], strides = [1, 1]} : vector<256x1024xf32> to vector<256x128xf32>
    %add3A_116 = arith.addf %add3A_114, %slice3A_115 : vector<256x128xf32>
    %slice3A_117 = vector.extract_strided_slice %mul3A_111 {offsets = [0, 384], sizes = [256, 128], strides = [1, 1]} : vector<256x1024xf32> to vector<256x128xf32>
    %add3A_118 = arith.addf %add3A_116, %slice3A_117 : vector<256x128xf32>
    %slice3A_119 = vector.extract_strided_slice %mul3A_111 {offsets = [0, 512], sizes = [256, 128], strides = [1, 1]} : vector<256x1024xf32> to vector<256x128xf32>
    %add3A_120 = arith.addf %add3A_118, %slice3A_119 : vector<256x128xf32>
    %slice3A_121 = vector.extract_strided_slice %mul3A_111 {offsets = [0, 640], sizes = [256, 128], strides = [1, 1]} : vector<256x1024xf32> to vector<256x128xf32>
    %add3A_122 = arith.addf %add3A_120, %slice3A_121 : vector<256x128xf32>
    %slice3A_123 = vector.extract_strided_slice %mul3A_111 {offsets = [0, 768], sizes = [256, 128], strides = [1, 1]} : vector<256x1024xf32> to vector<256x128xf32>
    %add3A_124 = arith.addf %add3A_122, %slice3A_123 : vector<256x128xf32>
    %slice3A_125 = vector.extract_strided_slice %mul3A_111 {offsets = [0, 896], sizes = [256, 128], strides = [1, 1]} : vector<256x1024xf32> to vector<256x128xf32>
    %add3A_126 = arith.addf %add3A_124, %slice3A_125 : vector<256x128xf32>
    %slice3A_127 = vector.extract_strided_slice %add3A_126 {offsets = [0, 0], sizes = [8, 128], strides = [1, 1]} : vector<256x128xf32> to vector<8x128xf32>
    %slice3A_128 = vector.extract_strided_slice %add3A_126 {offsets = [8, 0], sizes = [8, 128], strides = [1, 1]} : vector<256x128xf32> to vector<8x128xf32>
    %add3A_129 = arith.addf %slice3A_127, %slice3A_128 : vector<8x128xf32>
    %slice3A_130 = vector.extract_strided_slice %add3A_126 {offsets = [16, 0], sizes = [8, 128], strides = [1, 1]} : vector<256x128xf32> to vector<8x128xf32>
    %add3A_131 = arith.addf %add3A_129, %slice3A_130 : vector<8x128xf32>
    %slice3A_132 = vector.extract_strided_slice %add3A_126 {offsets = [24, 0], sizes = [8, 128], strides = [1, 1]} : vector<256x128xf32> to vector<8x128xf32>
    %add3A_133 = arith.addf %add3A_131, %slice3A_132 : vector<8x128xf32>
    %slice3A_134 = vector.extract_strided_slice %add3A_126 {offsets = [32, 0], sizes = [8, 128], strides = [1, 1]} : vector<256x128xf32> to vector<8x128xf32>
    %add3A_135 = arith.addf %add3A_133, %slice3A_134 : vector<8x128xf32>
    %slice3A_136 = vector.extract_strided_slice %add3A_126 {offsets = [40, 0], sizes = [8, 128], strides = [1, 1]} : vector<256x128xf32> to vector<8x128xf32>
    %add3A_137 = arith.addf %add3A_135, %slice3A_136 : vector<8x128xf32>
    %slice3A_138 = vector.extract_strided_slice %add3A_126 {offsets = [48, 0], sizes = [8, 128], strides = [1, 1]} : vector<256x128xf32> to vector<8x128xf32>
    %add3A_139 = arith.addf %add3A_137, %slice3A_138 : vector<8x128xf32>
    %slice3A_140 = vector.extract_strided_slice %add3A_126 {offsets = [56, 0], sizes = [8, 128], strides = [1, 1]} : vector<256x128xf32> to vector<8x128xf32>
    %add3A_141 = arith.addf %add3A_139, %slice3A_140 : vector<8x128xf32>
    %slice3A_142 = vector.extract_strided_slice %add3A_126 {offsets = [64, 0], sizes = [8, 128], strides = [1, 1]} : vector<256x128xf32> to vector<8x128xf32>
    %add3A_143 = arith.addf %add3A_141, %slice3A_142 : vector<8x128xf32>
    %slice3A_144 = vector.extract_strided_slice %add3A_126 {offsets = [72, 0], sizes = [8, 128], strides = [1, 1]} : vector<256x128xf32> to vector<8x128xf32>
    %add3A_145 = arith.addf %add3A_143, %slice3A_144 : vector<8x128xf32>
    %slice3A_146 = vector.extract_strided_slice %add3A_126 {offsets = [80, 0], sizes = [8, 128], strides = [1, 1]} : vector<256x128xf32> to vector<8x128xf32>
    %add3A_147 = arith.addf %add3A_145, %slice3A_146 : vector<8x128xf32>
    %slice3A_148 = vector.extract_strided_slice %add3A_126 {offsets = [88, 0], sizes = [8, 128], strides = [1, 1]} : vector<256x128xf32> to vector<8x128xf32>
    %add3A_149 = arith.addf %add3A_147, %slice3A_148 : vector<8x128xf32>
    %slice3A_150 = vector.extract_strided_slice %add3A_126 {offsets = [96, 0], sizes = [8, 128], strides = [1, 1]} : vector<256x128xf32> to vector<8x128xf32>
    %add3A_151 = arith.addf %add3A_149, %slice3A_150 : vector<8x128xf32>
    %slice3A_152 = vector.extract_strided_slice %add3A_126 {offsets = [104, 0], sizes = [8, 128], strides = [1, 1]} : vector<256x128xf32> to vector<8x128xf32>
    %add3A_153 = arith.addf %add3A_151, %slice3A_152 : vector<8x128xf32>
    %slice3A_154 = vector.extract_strided_slice %add3A_126 {offsets = [112, 0], sizes = [8, 128], strides = [1, 1]} : vector<256x128xf32> to vector<8x128xf32>
    %add3A_155 = arith.addf %add3A_153, %slice3A_154 : vector<8x128xf32>
    %slice3A_156 = vector.extract_strided_slice %add3A_126 {offsets = [120, 0], sizes = [8, 128], strides = [1, 1]} : vector<256x128xf32> to vector<8x128xf32>
    %add3A_157 = arith.addf %add3A_155, %slice3A_156 : vector<8x128xf32>
    %slice3A_158 = vector.extract_strided_slice %add3A_126 {offsets = [128, 0], sizes = [8, 128], strides = [1, 1]} : vector<256x128xf32> to vector<8x128xf32>
    %add3A_159 = arith.addf %add3A_157, %slice3A_158 : vector<8x128xf32>
    %slice3A_160 = vector.extract_strided_slice %add3A_126 {offsets = [136, 0], sizes = [8, 128], strides = [1, 1]} : vector<256x128xf32> to vector<8x128xf32>
    %add3A_161 = arith.addf %add3A_159, %slice3A_160 : vector<8x128xf32>
    %slice3A_162 = vector.extract_strided_slice %add3A_126 {offsets = [144, 0], sizes = [8, 128], strides = [1, 1]} : vector<256x128xf32> to vector<8x128xf32>
    %add3A_163 = arith.addf %add3A_161, %slice3A_162 : vector<8x128xf32>
    %slice3A_164 = vector.extract_strided_slice %add3A_126 {offsets = [152, 0], sizes = [8, 128], strides = [1, 1]} : vector<256x128xf32> to vector<8x128xf32>
    %add3A_165 = arith.addf %add3A_163, %slice3A_164 : vector<8x128xf32>
    %slice3A_166 = vector.extract_strided_slice %add3A_126 {offsets = [160, 0], sizes = [8, 128], strides = [1, 1]} : vector<256x128xf32> to vector<8x128xf32>
    %add3A_167 = arith.addf %add3A_165, %slice3A_166 : vector<8x128xf32>
    %slice3A_168 = vector.extract_strided_slice %add3A_126 {offsets = [168, 0], sizes = [8, 128], strides = [1, 1]} : vector<256x128xf32> to vector<8x128xf32>
    %add3A_169 = arith.addf %add3A_167, %slice3A_168 : vector<8x128xf32>
    %slice3A_170 = vector.extract_strided_slice %add3A_126 {offsets = [176, 0], sizes = [8, 128], strides = [1, 1]} : vector<256x128xf32> to vector<8x128xf32>
    %add3A_171 = arith.addf %add3A_169, %slice3A_170 : vector<8x128xf32>
    %slice3A_172 = vector.extract_strided_slice %add3A_126 {offsets = [184, 0], sizes = [8, 128], strides = [1, 1]} : vector<256x128xf32> to vector<8x128xf32>
    %add3A_173 = arith.addf %add3A_171, %slice3A_172 : vector<8x128xf32>
    %slice3A_174 = vector.extract_strided_slice %add3A_126 {offsets = [192, 0], sizes = [8, 128], strides = [1, 1]} : vector<256x128xf32> to vector<8x128xf32>
    %add3A_175 = arith.addf %add3A_173, %slice3A_174 : vector<8x128xf32>
    %slice3A_176 = vector.extract_strided_slice %add3A_126 {offsets = [200, 0], sizes = [8, 128], strides = [1, 1]} : vector<256x128xf32> to vector<8x128xf32>
    %add3A_177 = arith.addf %add3A_175, %slice3A_176 : vector<8x128xf32>
    %slice3A_178 = vector.extract_strided_slice %add3A_126 {offsets = [208, 0], sizes = [8, 128], strides = [1, 1]} : vector<256x128xf32> to vector<8x128xf32>
    %add3A_179 = arith.addf %add3A_177, %slice3A_178 : vector<8x128xf32>
    %slice3A_180 = vector.extract_strided_slice %add3A_126 {offsets = [216, 0], sizes = [8, 128], strides = [1, 1]} : vector<256x128xf32> to vector<8x128xf32>
    %add3A_181 = arith.addf %add3A_179, %slice3A_180 : vector<8x128xf32>
    %slice3A_182 = vector.extract_strided_slice %add3A_126 {offsets = [224, 0], sizes = [8, 128], strides = [1, 1]} : vector<256x128xf32> to vector<8x128xf32>
    %add3A_183 = arith.addf %add3A_181, %slice3A_182 : vector<8x128xf32>
    %slice3A_184 = vector.extract_strided_slice %add3A_126 {offsets = [232, 0], sizes = [8, 128], strides = [1, 1]} : vector<256x128xf32> to vector<8x128xf32>
    %add3A_185 = arith.addf %add3A_183, %slice3A_184 : vector<8x128xf32>
    %slice3A_186 = vector.extract_strided_slice %add3A_126 {offsets = [240, 0], sizes = [8, 128], strides = [1, 1]} : vector<256x128xf32> to vector<8x128xf32>
    %add3A_187 = arith.addf %add3A_185, %slice3A_186 : vector<8x128xf32>
    %slice3A_188 = vector.extract_strided_slice %add3A_126 {offsets = [248, 0], sizes = [8, 128], strides = [1, 1]} : vector<256x128xf32> to vector<8x128xf32>
    %add3A_189 = arith.addf %add3A_187, %slice3A_188 : vector<8x128xf32>
    %add3A_190 = arith.addf %get3A_110, %add3A_189 : vector<8x128xf32>
    %swap3A_191 = arith.constant 0 : index
    %swap3A_192 = arith.constant 0 : index
    %swap3A_193 = vector.load %arg6[%swap3A_191, %swap3A_192] : memref<8x128xf32, #tpu.memory_space<vmem>>, vector<8x128xf32>
    tpu.vector_store %arg6[%swap3A_191, %swap3A_192], %add3A_190 {strides = array<i32>} : memref<8x128xf32, #tpu.memory_space<vmem>>, vector<8x128xf32>,
    %get3A_194 = arith.constant 0 : index
    %get3A_195 = arith.constant 0 : index
    %get3A_196 = vector.load %arg7[%get3A_194, %get3A_195] : memref<8x128xf32, #tpu.memory_space<vmem>>, vector<8x128xf32>
    %slice3A_197 = vector.extract_strided_slice %mul3A {offsets = [0, 0], sizes = [256, 128], strides = [1, 1]} : vector<256x1024xf32> to vector<256x128xf32>
    %slice3A_198 = vector.extract_strided_slice %mul3A {offsets = [0, 128], sizes = [256, 128], strides = [1, 1]} : vector<256x1024xf32> to vector<256x128xf32>
    %add3A_199 = arith.addf %slice3A_197, %slice3A_198 : vector<256x128xf32>
    %slice3A_200 = vector.extract_strided_slice %mul3A {offsets = [0, 256], sizes = [256, 128], strides = [1, 1]} : vector<256x1024xf32> to vector<256x128xf32>
    %add3A_201 = arith.addf %add3A_199, %slice3A_200 : vector<256x128xf32>
    %slice3A_202 = vector.extract_strided_slice %mul3A {offsets = [0, 384], sizes = [256, 128], strides = [1, 1]} : vector<256x1024xf32> to vector<256x128xf32>
    %add3A_203 = arith.addf %add3A_201, %slice3A_202 : vector<256x128xf32>
    %slice3A_204 = vector.extract_strided_slice %mul3A {offsets = [0, 512], sizes = [256, 128], strides = [1, 1]} : vector<256x1024xf32> to vector<256x128xf32>
    %add3A_205 = arith.addf %add3A_203, %slice3A_204 : vector<256x128xf32>
    %slice3A_206 = vector.extract_strided_slice %mul3A {offsets = [0, 640], sizes = [256, 128], strides = [1, 1]} : vector<256x1024xf32> to vector<256x128xf32>
    %add3A_207 = arith.addf %add3A_205, %slice3A_206 : vector<256x128xf32>
    %slice3A_208 = vector.extract_strided_slice %mul3A {offsets = [0, 768], sizes = [256, 128], strides = [1, 1]} : vector<256x1024xf32> to vector<256x128xf32>
    %add3A_209 = arith.addf %add3A_207, %slice3A_208 : vector<256x128xf32>
    %slice3A_210 = vector.extract_strided_slice %mul3A {offsets = [0, 896], sizes = [256, 128], strides = [1, 1]} : vector<256x1024xf32> to vector<256x128xf32>
    %add3A_211 = arith.addf %add3A_209, %slice3A_210 : vector<256x128xf32>
    %slice3A_212 = vector.extract_strided_slice %add3A_211 {offsets = [0, 0], sizes = [8, 128], strides = [1, 1]} : vector<256x128xf32> to vector<8x128xf32>
    %slice3A_213 = vector.extract_strided_slice %add3A_211 {offsets = [8, 0], sizes = [8, 128], strides = [1, 1]} : vector<256x128xf32> to vector<8x128xf32>
    %add3A_214 = arith.addf %slice3A_212, %slice3A_213 : vector<8x128xf32>
    %slice3A_215 = vector.extract_strided_slice %add3A_211 {offsets = [16, 0], sizes = [8, 128], strides = [1, 1]} : vector<256x128xf32> to vector<8x128xf32>
    %add3A_216 = arith.addf %add3A_214, %slice3A_215 : vector<8x128xf32>
    %slice3A_217 = vector.extract_strided_slice %add3A_211 {offsets = [24, 0], sizes = [8, 128], strides = [1, 1]} : vector<256x128xf32> to vector<8x128xf32>
    %add3A_218 = arith.addf %add3A_216, %slice3A_217 : vector<8x128xf32>
    %slice3A_219 = vector.extract_strided_slice %add3A_211 {offsets = [32, 0], sizes = [8, 128], strides = [1, 1]} : vector<256x128xf32> to vector<8x128xf32>
    %add3A_220 = arith.addf %add3A_218, %slice3A_219 : vector<8x128xf32>
    %slice3A_221 = vector.extract_strided_slice %add3A_211 {offsets = [40, 0], sizes = [8, 128], strides = [1, 1]} : vector<256x128xf32> to vector<8x128xf32>
    %add3A_222 = arith.addf %add3A_220, %slice3A_221 : vector<8x128xf32>
    %slice3A_223 = vector.extract_strided_slice %add3A_211 {offsets = [48, 0], sizes = [8, 128], strides = [1, 1]} : vector<256x128xf32> to vector<8x128xf32>
    %add3A_224 = arith.addf %add3A_222, %slice3A_223 : vector<8x128xf32>
    %slice3A_225 = vector.extract_strided_slice %add3A_211 {offsets = [56, 0], sizes = [8, 128], strides = [1, 1]} : vector<256x128xf32> to vector<8x128xf32>
    %add3A_226 = arith.addf %add3A_224, %slice3A_225 : vector<8x128xf32>
    %slice3A_227 = vector.extract_strided_slice %add3A_211 {offsets = [64, 0], sizes = [8, 128], strides = [1, 1]} : vector<256x128xf32> to vector<8x128xf32>
    %add3A_228 = arith.addf %add3A_226, %slice3A_227 : vector<8x128xf32>
    %slice3A_229 = vector.extract_strided_slice %add3A_211 {offsets = [72, 0], sizes = [8, 128], strides = [1, 1]} : vector<256x128xf32> to vector<8x128xf32>
    %add3A_230 = arith.addf %add3A_228, %slice3A_229 : vector<8x128xf32>
    %slice3A_231 = vector.extract_strided_slice %add3A_211 {offsets = [80, 0], sizes = [8, 128], strides = [1, 1]} : vector<256x128xf32> to vector<8x128xf32>
    %add3A_232 = arith.addf %add3A_230, %slice3A_231 : vector<8x128xf32>
    %slice3A_233 = vector.extract_strided_slice %add3A_211 {offsets = [88, 0], sizes = [8, 128], strides = [1, 1]} : vector<256x128xf32> to vector<8x128xf32>
    %add3A_234 = arith.addf %add3A_232, %slice3A_233 : vector<8x128xf32>
    %slice3A_235 = vector.extract_strided_slice %add3A_211 {offsets = [96, 0], sizes = [8, 128], strides = [1, 1]} : vector<256x128xf32> to vector<8x128xf32>
    %add3A_236 = arith.addf %add3A_234, %slice3A_235 : vector<8x128xf32>
    %slice3A_237 = vector.extract_strided_slice %add3A_211 {offsets = [104, 0], sizes = [8, 128], strides = [1, 1]} : vector<256x128xf32> to vector<8x128xf32>
    %add3A_238 = arith.addf %add3A_236, %slice3A_237 : vector<8x128xf32>
    %slice3A_239 = vector.extract_strided_slice %add3A_211 {offsets = [112, 0], sizes = [8, 128], strides = [1, 1]} : vector<256x128xf32> to vector<8x128xf32>
    %add3A_240 = arith.addf %add3A_238, %slice3A_239 : vector<8x128xf32>
    %slice3A_241 = vector.extract_strided_slice %add3A_211 {offsets = [120, 0], sizes = [8, 128], strides = [1, 1]} : vector<256x128xf32> to vector<8x128xf32>
    %add3A_242 = arith.addf %add3A_240, %slice3A_241 : vector<8x128xf32>
    %slice3A_243 = vector.extract_strided_slice %add3A_211 {offsets = [128, 0], sizes = [8, 128], strides = [1, 1]} : vector<256x128xf32> to vector<8x128xf32>
    %add3A_244 = arith.addf %add3A_242, %slice3A_243 : vector<8x128xf32>
    %slice3A_245 = vector.extract_strided_slice %add3A_211 {offsets = [136, 0], sizes = [8, 128], strides = [1, 1]} : vector<256x128xf32> to vector<8x128xf32>
    %add3A_246 = arith.addf %add3A_244, %slice3A_245 : vector<8x128xf32>
    %slice3A_247 = vector.extract_strided_slice %add3A_211 {offsets = [144, 0], sizes = [8, 128], strides = [1, 1]} : vector<256x128xf32> to vector<8x128xf32>
    %add3A_248 = arith.addf %add3A_246, %slice3A_247 : vector<8x128xf32>
    %slice3A_249 = vector.extract_strided_slice %add3A_211 {offsets = [152, 0], sizes = [8, 128], strides = [1, 1]} : vector<256x128xf32> to vector<8x128xf32>
    %add3A_250 = arith.addf %add3A_248, %slice3A_249 : vector<8x128xf32>
    %slice3A_251 = vector.extract_strided_slice %add3A_211 {offsets = [160, 0], sizes = [8, 128], strides = [1, 1]} : vector<256x128xf32> to vector<8x128xf32>
    %add3A_252 = arith.addf %add3A_250, %slice3A_251 : vector<8x128xf32>
    %slice3A_253 = vector.extract_strided_slice %add3A_211 {offsets = [168, 0], sizes = [8, 128], strides = [1, 1]} : vector<256x128xf32> to vector<8x128xf32>
    %add3A_254 = arith.addf %add3A_252, %slice3A_253 : vector<8x128xf32>
    %slice3A_255 = vector.extract_strided_slice %add3A_211 {offsets = [176, 0], sizes = [8, 128], strides = [1, 1]} : vector<256x128xf32> to vector<8x128xf32>
    %add3A_256 = arith.addf %add3A_254, %slice3A_255 : vector<8x128xf32>
    %slice3A_257 = vector.extract_strided_slice %add3A_211 {offsets = [184, 0], sizes = [8, 128], strides = [1, 1]} : vector<256x128xf32> to vector<8x128xf32>
    %add3A_258 = arith.addf %add3A_256, %slice3A_257 : vector<8x128xf32>
    %slice3A_259 = vector.extract_strided_slice %add3A_211 {offsets = [192, 0], sizes = [8, 128], strides = [1, 1]} : vector<256x128xf32> to vector<8x128xf32>
    %add3A_260 = arith.addf %add3A_258, %slice3A_259 : vector<8x128xf32>
    %slice3A_261 = vector.extract_strided_slice %add3A_211 {offsets = [200, 0], sizes = [8, 128], strides = [1, 1]} : vector<256x128xf32> to vector<8x128xf32>
    %add3A_262 = arith.addf %add3A_260, %slice3A_261 : vector<8x128xf32>
    %slice3A_263 = vector.extract_strided_slice %add3A_211 {offsets = [208, 0], sizes = [8, 128], strides = [1, 1]} : vector<256x128xf32> to vector<8x128xf32>
    %add3A_264 = arith.addf %add3A_262, %slice3A_263 : vector<8x128xf32>
    %slice3A_265 = vector.extract_strided_slice %add3A_211 {offsets = [216, 0], sizes = [8, 128], strides = [1, 1]} : vector<256x128xf32> to vector<8x128xf32>
    %add3A_266 = arith.addf %add3A_264, %slice3A_265 : vector<8x128xf32>
    %slice3A_267 = vector.extract_strided_slice %add3A_211 {offsets = [224, 0], sizes = [8, 128], strides = [1, 1]} : vector<256x128xf32> to vector<8x128xf32>
    %add3A_268 = arith.addf %add3A_266, %slice3A_267 : vector<8x128xf32>
    %slice3A_269 = vector.extract_strided_slice %add3A_211 {offsets = [232, 0], sizes = [8, 128], strides = [1, 1]} : vector<256x128xf32> to vector<8x128xf32>
    %add3A_270 = arith.addf %add3A_268, %slice3A_269 : vector<8x128xf32>
    %slice3A_271 = vector.extract_strided_slice %add3A_211 {offsets = [240, 0], sizes = [8, 128], strides = [1, 1]} : vector<256x128xf32> to vector<8x128xf32>
    %add3A_272 = arith.addf %add3A_270, %slice3A_271 : vector<8x128xf32>
    %slice3A_273 = vector.extract_strided_slice %add3A_211 {offsets = [248, 0], sizes = [8, 128], strides = [1, 1]} : vector<256x128xf32> to vector<8x128xf32>
    %add3A_274 = arith.addf %add3A_272, %slice3A_273 : vector<8x128xf32>
    %add3A_275 = arith.addf %get3A_196, %add3A_274 : vector<8x128xf32>
    %swap3A_276 = arith.constant 0 : index
    %swap3A_277 = arith.constant 0 : index
    %swap3A_278 = vector.load %arg7[%swap3A_276, %swap3A_277] : memref<8x128xf32, #tpu.memory_space<vmem>>, vector<8x128xf32>
    tpu.vector_store %arg7[%swap3A_276, %swap3A_277], %add3A_275 {strides = array<i32>} : memref<8x128xf32, #tpu.memory_space<vmem>>, vector<8x128xf32>,
    return
  }
  func.func @transform_0(%arg0: i32) -> (i32, i32) {
    %c0_i32 = arith.constant 0 : i32
    %c0_i32_0 = arith.constant 0 : i32
    return %arg0, %c0_i32 : i32, i32
  }
  func.func @transform_1(%arg0: i32) -> (i32, i32) {
    %c0_i32 = arith.constant 0 : i32
    %c0_i32_0 = arith.constant 0 : i32
    return %arg0, %c0_i32 : i32, i32
  }
  func.func @transform_2(%arg0: i32) -> (i32, i32) {
    %c0_i32 = arith.constant 0 : i32
    %c0_i32_0 = arith.constant 0 : i32
    return %arg0, %c0_i32 : i32, i32
  }
  func.func @transform_3(%arg0: i32) -> (i32, i32) {
    %c0_i32 = arith.constant 0 : i32
    %c0_i32_0 = arith.constant 0 : i32
    return %arg0, %c0_i32 : i32, i32
  }
  func.func @transform_4(%arg0: i32) -> (i32, i32) {
    %c0_i32 = arith.constant 0 : i32
    %c0_i32_0 = arith.constant 0 : i32
    %c0_i32_1 = arith.constant 0 : i32
    return %c0_i32, %c0_i32_0 : i32, i32
  }
  func.func @transform_5(%arg0: i32) -> (i32, i32) {
    %c0_i32 = arith.constant 0 : i32
    %c0_i32_0 = arith.constant 0 : i32
    %c0_i32_1 = arith.constant 0 : i32
    return %c0_i32, %c0_i32_0 : i32, i32
  }
  func.func @transform_6(%arg0: i32) -> (i32, i32) {
    %c0_i32 = arith.constant 0 : i32
    %c0_i32_0 = arith.constant 0 : i32
    %c0_i32_1 = arith.constant 0 : i32
    return %c0_i32, %c0_i32_0 : i32, i32
  }
}

module attributes {stable_mosaic.version = 14 : i64} {
  func.func @_tc_decide1(%arg0: memref<32x16x128xf32, #tpu.memory_space<vmem>>, %arg1: memref<8x128xf32, #tpu.memory_space<vmem>>, %arg2: memref<8x128xi32, #tpu.memory_space<vmem>>, %arg3: memref<8x128xf32, #tpu.memory_space<vmem>>) attributes {dimension_semantics = [], scalar_prefetch = 0 : i64, scratch_operands = 0 : i64, tpu.core_type = #tpu.core_type<tc>} {
    %get3A = arith.constant 0 : index
    %get3A_0 = arith.constant 0 : index
    %get3A_1 = arith.constant 0 : index
    %get3A_2 = vector.load %arg0[%get3A, %get3A_0, %get3A_1] : memref<32x16x128xf32, #tpu.memory_space<vmem>>, vector<32x16x128xf32>
    %reduce_sum3A = arith.constant dense<0.000000e+00> : vector<16x128xf32>
    %reduce_sum3A_3 = vector.multi_reduction <add>, %get3A_2, %reduce_sum3A [0] : vector<32x16x128xf32> to vector<16x128xf32>
    %get3A_4 = arith.constant 0 : index
    %get3A_5 = arith.constant 0 : index
    %get3A_6 = vector.load %arg1[%get3A_4, %get3A_5] : memref<8x128xf32, #tpu.memory_space<vmem>>, vector<8x128xf32>
    %reduce_sum3A_7 = vector.shape_cast %get3A_6 : vector<8x128xf32> to vector<1x8x128xf32>
    %reduce_sum3A_8 = arith.constant dense<0.000000e+00> : vector<1xf32>
    %reduce_sum3A_9 = vector.multi_reduction <add>, %reduce_sum3A_7, %reduce_sum3A_8 [1, 2] : vector<1x8x128xf32> to vector<1xf32>
    %reduce_sum3A_10 = vector.shape_cast %reduce_sum3A_9 : vector<1xf32> to vector<1x1x1xf32>
    %reduce_sum3A_11 = vector.extract %reduce_sum3A_10[0, 0, 0] : f32 from vector<1x1x1xf32>
    %iota3A = tpu.iota {dimensions = array<i32: 0>} : vector<16x16xi32>
    %iota3A_12 = tpu.iota {dimensions = array<i32: 1>} : vector<16x16xi32>
    %lt3A = arith.cmpi slt, %iota3A, %iota3A_12 : vector<16x16xi32>
    %convert_element_type3A = arith.extui %lt3A : vector<16x16xi1> to vector<16x16xi32>
    %convert_element_type3A_13 = arith.sitofp %convert_element_type3A : vector<16x16xi32> to vector<16x16xf32>
    %iota3A_14 = tpu.iota {dimensions = array<i32: 0>} : vector<128x128xi32>
    %iota3A_15 = tpu.iota {dimensions = array<i32: 1>} : vector<128x128xi32>
    %gt3A = arith.cmpi sgt, %iota3A_14, %iota3A_15 : vector<128x128xi32>
    %convert_element_type3A_16 = arith.extui %gt3A : vector<128x128xi1> to vector<128x128xi32>
    %convert_element_type3A_17 = arith.sitofp %convert_element_type3A_16 : vector<128x128xi32> to vector<128x128xf32>
    %reduce_sum3A_18 = arith.constant dense<0.000000e+00> : vector<16xf32>
    %reduce_sum3A_19 = vector.multi_reduction <add>, %reduce_sum3A_3, %reduce_sum3A_18 [1] : vector<16x128xf32> to vector<16xf32>
    %broadcast_in_dim3A = vector.shape_cast %reduce_sum3A_19 : vector<16xf32> to vector<16x1xf32>
    %dot_general3A = arith.constant dense<0.000000e+00> : vector<16x1xf32>
    %dot_general3A_20 = tpu.matmul %convert_element_type3A_13, %broadcast_in_dim3A, %dot_general3A {dimension_numbers = #tpu.dot_dimension_numbers<[1], [0], [0], [1], [0, 0, 1, 1], [], []>, precision = #tpu.contract_precision<fp32>, transpose_lhs_hint = false} : vector<16x16xf32>, vector<16x1xf32>, vector<16x1xf32> -> vector<16x1xf32>
    %dot_general3A_21 = arith.constant dense<0.000000e+00> : vector<16x128xf32>
    %dot_general3A_22 = tpu.matmul %reduce_sum3A_3, %convert_element_type3A_17, %dot_general3A_21 {dimension_numbers = #tpu.dot_dimension_numbers<[1], [0], [0], [1], [0, 0, 1, 1], [], []>, precision = #tpu.contract_precision<fp32>, transpose_lhs_hint = false} : vector<16x128xf32>, vector<128x128xf32>, vector<16x128xf32> -> vector<16x128xf32>
    %add3A = vector.broadcast %dot_general3A_20 : vector<16x1xf32> to vector<16x128xf32>
    %add3A_23 = arith.addf %add3A, %dot_general3A_22 : vector<16x128xf32>
    %lt3A_24 = vector.broadcast %reduce_sum3A_11 : f32 to vector<16x128xf32>
    %lt3A_25 = arith.cmpf olt, %add3A_23, %lt3A_24 : vector<16x128xf32>
    %add3A_26 = arith.addf %add3A_23, %reduce_sum3A_3 : vector<16x128xf32>
    %ge3A = vector.broadcast %reduce_sum3A_11 : f32 to vector<16x128xf32>
    %ge3A_27 = arith.cmpf oge, %add3A_26, %ge3A : vector<16x128xf32>
    %and3A = arith.andi %lt3A_25, %ge3A_27 : vector<16x128xi1>
    %convert_element_type3A_28 = arith.extui %and3A : vector<16x128xi1> to vector<16x128xi32>
    %convert_element_type3A_29 = arith.sitofp %convert_element_type3A_28 : vector<16x128xi32> to vector<16x128xf32>
    %iota3A_30 = tpu.iota {dimensions = array<i32: 0>} : vector<16x128xi32>
    %iota3A_31 = tpu.iota {dimensions = array<i32: 1>} : vector<16x128xi32>
    %mul3A = arith.constant 128 : i32
    %mul3A_32 = vector.broadcast %mul3A : i32 to vector<16x128xi32>
    %mul3A_33 = arith.muli %iota3A_30, %mul3A_32 : vector<16x128xi32>
    %add3A_34 = arith.addi %mul3A_33, %iota3A_31 : vector<16x128xi32>
    %convert_element_type3A_35 = arith.sitofp %add3A_34 : vector<16x128xi32> to vector<16x128xf32>
    %mul3A_36 = arith.mulf %convert_element_type3A_35, %convert_element_type3A_29 : vector<16x128xf32>
    %reduce_sum3A_37 = vector.shape_cast %mul3A_36 : vector<16x128xf32> to vector<1x16x128xf32>
    %reduce_sum3A_38 = arith.constant dense<0.000000e+00> : vector<1xf32>
    %reduce_sum3A_39 = vector.multi_reduction <add>, %reduce_sum3A_37, %reduce_sum3A_38 [1, 2] : vector<1x16x128xf32> to vector<1xf32>
    %reduce_sum3A_40 = vector.shape_cast %reduce_sum3A_39 : vector<1xf32> to vector<1x1x1xf32>
    %reduce_sum3A_41 = vector.extract %reduce_sum3A_40[0, 0, 0] : f32 from vector<1x1x1xf32>
    %sub3A = vector.broadcast %reduce_sum3A_11 : f32 to vector<16x128xf32>
    %sub3A_42 = arith.subf %sub3A, %add3A_23 : vector<16x128xf32>
    %mul3A_43 = arith.mulf %convert_element_type3A_29, %sub3A_42 : vector<16x128xf32>
    %reduce_sum3A_44 = vector.shape_cast %mul3A_43 : vector<16x128xf32> to vector<1x16x128xf32>
    %reduce_sum3A_45 = arith.constant dense<0.000000e+00> : vector<1xf32>
    %reduce_sum3A_46 = vector.multi_reduction <add>, %reduce_sum3A_44, %reduce_sum3A_45 [1, 2] : vector<1x16x128xf32> to vector<1xf32>
    %reduce_sum3A_47 = vector.shape_cast %reduce_sum3A_46 : vector<1xf32> to vector<1x1x1xf32>
    %reduce_sum3A_48 = vector.extract %reduce_sum3A_47[0, 0, 0] : f32 from vector<1x1x1xf32>
    %convert_element_type3A_49 = arith.fptosi %reduce_sum3A_41 : f32 to i32
    %broadcast_in_dim3A_50 = vector.broadcast %convert_element_type3A_49 : i32 to vector<8x128xi32>
    %swap3A = arith.constant 0 : index
    %swap3A_51 = arith.constant 0 : index
    %swap3A_52 = vector.load %arg2[%swap3A, %swap3A_51] : memref<8x128xi32, #tpu.memory_space<vmem>>, vector<8x128xi32>
    tpu.vector_store %arg2[%swap3A, %swap3A_51], %broadcast_in_dim3A_50 {strides = array<i32>} : memref<8x128xi32, #tpu.memory_space<vmem>>, vector<8x128xi32>,
    %broadcast_in_dim3A_53 = vector.broadcast %reduce_sum3A_48 : f32 to vector<8x128xf32>
    %swap3A_54 = arith.constant 0 : index
    %swap3A_55 = arith.constant 0 : index
    %swap3A_56 = vector.load %arg3[%swap3A_54, %swap3A_55] : memref<8x128xf32, #tpu.memory_space<vmem>>, vector<8x128xf32>
    tpu.vector_store %arg3[%swap3A_54, %swap3A_55], %broadcast_in_dim3A_53 {strides = array<i32>} : memref<8x128xf32, #tpu.memory_space<vmem>>, vector<8x128xf32>,
    return
  }
}

module attributes {stable_mosaic.version = 14 : i64} {
  func.func @_tc_decide2(%arg0: memref<32x32x128xf32, #tpu.memory_space<vmem>>, %arg1: memref<8x128xi32, #tpu.memory_space<vmem>>, %arg2: memref<8x128xf32, #tpu.memory_space<vmem>>, %arg3: memref<8x128xf32, #tpu.memory_space<vmem>>) attributes {dimension_semantics = [], scalar_prefetch = 0 : i64, scratch_operands = 0 : i64, tpu.core_type = #tpu.core_type<tc>} {
    %get3A = arith.constant 0 : index
    %get3A_0 = arith.constant 0 : index
    %get3A_1 = arith.constant 0 : index
    %get3A_2 = vector.load %arg0[%get3A, %get3A_0, %get3A_1] : memref<32x32x128xf32, #tpu.memory_space<vmem>>, vector<32x32x128xf32>
    %reduce_sum3A = arith.constant dense<0.000000e+00> : vector<32x128xf32>
    %reduce_sum3A_3 = vector.multi_reduction <add>, %get3A_2, %reduce_sum3A [0] : vector<32x32x128xf32> to vector<32x128xf32>
    %get3A_4 = arith.constant 0 : index
    %get3A_5 = arith.constant 0 : index
    %get3A_6 = vector.load %arg2[%get3A_4, %get3A_5] : memref<8x128xf32, #tpu.memory_space<vmem>>, vector<1x1xf32>
    %get3A_7 = vector.extract %get3A_6[0, 0] : f32 from vector<1x1xf32>
    %iota3A = tpu.iota {dimensions = array<i32: 0>} : vector<32x32xi32>
    %iota3A_8 = tpu.iota {dimensions = array<i32: 1>} : vector<32x32xi32>
    %lt3A = arith.cmpi slt, %iota3A, %iota3A_8 : vector<32x32xi32>
    %convert_element_type3A = arith.extui %lt3A : vector<32x32xi1> to vector<32x32xi32>
    %convert_element_type3A_9 = arith.sitofp %convert_element_type3A : vector<32x32xi32> to vector<32x32xf32>
    %iota3A_10 = tpu.iota {dimensions = array<i32: 0>} : vector<128x128xi32>
    %iota3A_11 = tpu.iota {dimensions = array<i32: 1>} : vector<128x128xi32>
    %gt3A = arith.cmpi sgt, %iota3A_10, %iota3A_11 : vector<128x128xi32>
    %convert_element_type3A_12 = arith.extui %gt3A : vector<128x128xi1> to vector<128x128xi32>
    %convert_element_type3A_13 = arith.sitofp %convert_element_type3A_12 : vector<128x128xi32> to vector<128x128xf32>
    %reduce_sum3A_14 = arith.constant dense<0.000000e+00> : vector<32xf32>
    %reduce_sum3A_15 = vector.multi_reduction <add>, %reduce_sum3A_3, %reduce_sum3A_14 [1] : vector<32x128xf32> to vector<32xf32>
    %broadcast_in_dim3A = vector.shape_cast %reduce_sum3A_15 : vector<32xf32> to vector<32x1xf32>
    %dot_general3A = arith.constant dense<0.000000e+00> : vector<32x1xf32>
    %dot_general3A_16 = tpu.matmul %convert_element_type3A_9, %broadcast_in_dim3A, %dot_general3A {dimension_numbers = #tpu.dot_dimension_numbers<[1], [0], [0], [1], [0, 0, 1, 1], [], []>, precision = #tpu.contract_precision<fp32>, transpose_lhs_hint = false} : vector<32x32xf32>, vector<32x1xf32>, vector<32x1xf32> -> vector<32x1xf32>
    %dot_general3A_17 = arith.constant dense<0.000000e+00> : vector<32x128xf32>
    %dot_general3A_18 = tpu.matmul %reduce_sum3A_3, %convert_element_type3A_13, %dot_general3A_17 {dimension_numbers = #tpu.dot_dimension_numbers<[1], [0], [0], [1], [0, 0, 1, 1], [], []>, precision = #tpu.contract_precision<fp32>, transpose_lhs_hint = false} : vector<32x128xf32>, vector<128x128xf32>, vector<32x128xf32> -> vector<32x128xf32>
    %add3A = vector.broadcast %dot_general3A_16 : vector<32x1xf32> to vector<32x128xf32>
    %add3A_19 = arith.addf %add3A, %dot_general3A_18 : vector<32x128xf32>
    %lt3A_20 = vector.broadcast %get3A_7 : f32 to vector<32x128xf32>
    %lt3A_21 = arith.cmpf olt, %add3A_19, %lt3A_20 : vector<32x128xf32>
    %add3A_22 = arith.addf %add3A_19, %reduce_sum3A_3 : vector<32x128xf32>
    %ge3A = vector.broadcast %get3A_7 : f32 to vector<32x128xf32>
    %ge3A_23 = arith.cmpf oge, %add3A_22, %ge3A : vector<32x128xf32>
    %and3A = arith.andi %lt3A_21, %ge3A_23 : vector<32x128xi1>
    %convert_element_type3A_24 = arith.extui %and3A : vector<32x128xi1> to vector<32x128xi32>
    %convert_element_type3A_25 = arith.sitofp %convert_element_type3A_24 : vector<32x128xi32> to vector<32x128xf32>
    %iota3A_26 = tpu.iota {dimensions = array<i32: 0>} : vector<32x128xi32>
    %iota3A_27 = tpu.iota {dimensions = array<i32: 1>} : vector<32x128xi32>
    %mul3A = arith.constant 128 : i32
    %mul3A_28 = vector.broadcast %mul3A : i32 to vector<32x128xi32>
    %mul3A_29 = arith.muli %iota3A_26, %mul3A_28 : vector<32x128xi32>
    %add3A_30 = arith.addi %mul3A_29, %iota3A_27 : vector<32x128xi32>
    %convert_element_type3A_31 = arith.sitofp %add3A_30 : vector<32x128xi32> to vector<32x128xf32>
    %mul3A_32 = arith.mulf %convert_element_type3A_31, %convert_element_type3A_25 : vector<32x128xf32>
    %reduce_sum3A_33 = vector.shape_cast %mul3A_32 : vector<32x128xf32> to vector<1x32x128xf32>
    %reduce_sum3A_34 = arith.constant dense<0.000000e+00> : vector<1xf32>
    %reduce_sum3A_35 = vector.multi_reduction <add>, %reduce_sum3A_33, %reduce_sum3A_34 [1, 2] : vector<1x32x128xf32> to vector<1xf32>
    %reduce_sum3A_36 = vector.shape_cast %reduce_sum3A_35 : vector<1xf32> to vector<1x1x1xf32>
    %reduce_sum3A_37 = vector.extract %reduce_sum3A_36[0, 0, 0] : f32 from vector<1x1x1xf32>
    %get3A_38 = arith.constant 0 : index
    %get3A_39 = arith.constant 0 : index
    %get3A_40 = vector.load %arg1[%get3A_38, %get3A_39] : memref<8x128xi32, #tpu.memory_space<vmem>>, vector<1x1xi32>
    %get3A_41 = vector.extract %get3A_40[0, 0] : i32 from vector<1x1xi32>
    %shift_left3A = arith.constant 21 : i32
    %shift_left3A_42 = arith.shli %get3A_41, %shift_left3A : i32
    %convert_element_type3A_43 = arith.fptosi %reduce_sum3A_37 : f32 to i32
    %shift_left3A_44 = arith.constant 9 : i32
    %shift_left3A_45 = arith.shli %convert_element_type3A_43, %shift_left3A_44 : i32
    %or3A = arith.ori %shift_left3A_42, %shift_left3A_45 : i32
    %bitcast_convert_type3A = arith.bitcast %or3A : i32 to f32
    %broadcast_in_dim3A_46 = vector.broadcast %bitcast_convert_type3A : f32 to vector<8x128xf32>
    %swap3A = arith.constant 0 : index
    %swap3A_47 = arith.constant 0 : index
    %swap3A_48 = vector.load %arg3[%swap3A, %swap3A_47] : memref<8x128xf32, #tpu.memory_space<vmem>>, vector<8x128xf32>
    tpu.vector_store %arg3[%swap3A, %swap3A_47], %broadcast_in_dim3A_46 {strides = array<i32>} : memref<8x128xf32, #tpu.memory_space<vmem>>, vector<8x128xf32>,
    return
  }
}

module attributes {stable_mosaic.version = 14 : i64} {
  func.func @_tc_final(%arg0: i32, %arg1: memref<256x1024xf32, #tpu.memory_space<vmem>>, %arg2: memref<8x128xf32, #tpu.memory_space<vmem>>, %arg3: memref<8x128xf32, #tpu.memory_space<vmem>>, %arg4: memref<8x128xf32, #tpu.memory_space<vmem>>, %arg5: memref<8x128xf32, #tpu.memory_space<vmem>>, %arg6: memref<1x1xf32, #tpu.memory_space<vmem>>, %arg7: memref<8x128xf32, #tpu.memory_space<vmem>>, %arg8: memref<8x128xf32, #tpu.memory_space<vmem>>) attributes {dimension_semantics = [#tpu.dimension_semantics<arbitrary>], iteration_bounds = array<i64: 16>, scalar_prefetch = 0 : i64, scratch_operands = 2 : i64, tpu.core_type = #tpu.core_type<tc>, window_params = [{transform_indices = @transform_0, window_bounds = array<i64: 256, 1024>}, {pipeline_mode = #tpu.pipeline_mode<synchronous>, transform_indices = @transform_1, window_bounds = array<i64: 8, 128>}, {pipeline_mode = #tpu.pipeline_mode<synchronous>, transform_indices = @transform_2, window_bounds = array<i64: 8, 128>}, {pipeline_mode = #tpu.pipeline_mode<synchronous>, transform_indices = @transform_3, window_bounds = array<i64: 8, 128>}, {pipeline_mode = #tpu.pipeline_mode<synchronous>, transform_indices = @transform_4, window_bounds = array<i64: 8, 128>}, {pipeline_mode = #tpu.pipeline_mode<synchronous>, transform_indices = @transform_5, window_bounds = array<i64: 1, 1>}]} {
    %eq3A = arith.constant 0 : i32
    %eq3A_0 = arith.cmpi eq, %arg0, %eq3A : i32
    %convert_element_type3A = arith.extui %eq3A_0 : i1 to i32
    %cond3A = arith.constant 0 : i32
    %cond3A_1 = arith.cmpi ne, %convert_element_type3A, %cond3A : i32
    scf.if %cond3A_1 {
      %broadcast_in_dim3A = arith.constant 0.000000e+00 : f32
      %broadcast_in_dim3A_183 = vector.broadcast %broadcast_in_dim3A : f32 to vector<8x128xf32>
      %swap3A_184 = arith.constant 0 : index
      %swap3A_185 = arith.constant 0 : index
      %swap3A_186 = vector.load %arg7[%swap3A_184, %swap3A_185] : memref<8x128xf32, #tpu.memory_space<vmem>>, vector<8x128xf32>
      tpu.vector_store %arg7[%swap3A_184, %swap3A_185], %broadcast_in_dim3A_183 {strides = array<i32>} : memref<8x128xf32, #tpu.memory_space<vmem>>, vector<8x128xf32>,
      %broadcast_in_dim3A_187 = arith.constant 0.000000e+00 : f32
      %broadcast_in_dim3A_188 = vector.broadcast %broadcast_in_dim3A_187 : f32 to vector<8x128xf32>
      %swap3A_189 = arith.constant 0 : index
      %swap3A_190 = arith.constant 0 : index
      %swap3A_191 = vector.load %arg8[%swap3A_189, %swap3A_190] : memref<8x128xf32, #tpu.memory_space<vmem>>, vector<8x128xf32>
      tpu.vector_store %arg8[%swap3A_189, %swap3A_190], %broadcast_in_dim3A_188 {strides = array<i32>} : memref<8x128xf32, #tpu.memory_space<vmem>>, vector<8x128xf32>,
    } else {
    }
    %get3A = arith.constant 0 : index
    %get3A_2 = arith.constant 0 : index
    %get3A_3 = vector.load %arg2[%get3A, %get3A_2] : memref<8x128xf32, #tpu.memory_space<vmem>>, vector<1x1xf32>
    %get3A_4 = vector.extract %get3A_3[0, 0] : f32 from vector<1x1xf32>
    %get3A_5 = arith.constant 0 : index
    %get3A_6 = arith.constant 0 : index
    %get3A_7 = vector.load %arg1[%get3A_5, %get3A_6] : memref<256x1024xf32, #tpu.memory_space<vmem>>, vector<256x1024xf32>
    %gt3A = vector.broadcast %get3A_4 : f32 to vector<256x1024xf32>
    %gt3A_8 = arith.cmpf ogt, %get3A_7, %gt3A : vector<256x1024xf32>
    %convert_element_type3A_9 = arith.extui %gt3A_8 : vector<256x1024xi1> to vector<256x1024xi32>
    %convert_element_type3A_10 = arith.sitofp %convert_element_type3A_9 : vector<256x1024xi32> to vector<256x1024xf32>
    %get3A_11 = arith.constant 0 : index
    %get3A_12 = arith.constant 0 : index
    %get3A_13 = vector.load %arg7[%get3A_11, %get3A_12] : memref<8x128xf32, #tpu.memory_space<vmem>>, vector<8x128xf32>
    %mul3A = arith.mulf %get3A_7, %convert_element_type3A_10 : vector<256x1024xf32>
    %slice3A = vector.extract_strided_slice %mul3A {offsets = [0, 0], sizes = [256, 128], strides = [1, 1]} : vector<256x1024xf32> to vector<256x128xf32>
    %slice3A_14 = vector.extract_strided_slice %mul3A {offsets = [0, 128], sizes = [256, 128], strides = [1, 1]} : vector<256x1024xf32> to vector<256x128xf32>
    %add3A = arith.addf %slice3A, %slice3A_14 : vector<256x128xf32>
    %slice3A_15 = vector.extract_strided_slice %mul3A {offsets = [0, 256], sizes = [256, 128], strides = [1, 1]} : vector<256x1024xf32> to vector<256x128xf32>
    %add3A_16 = arith.addf %add3A, %slice3A_15 : vector<256x128xf32>
    %slice3A_17 = vector.extract_strided_slice %mul3A {offsets = [0, 384], sizes = [256, 128], strides = [1, 1]} : vector<256x1024xf32> to vector<256x128xf32>
    %add3A_18 = arith.addf %add3A_16, %slice3A_17 : vector<256x128xf32>
    %slice3A_19 = vector.extract_strided_slice %mul3A {offsets = [0, 512], sizes = [256, 128], strides = [1, 1]} : vector<256x1024xf32> to vector<256x128xf32>
    %add3A_20 = arith.addf %add3A_18, %slice3A_19 : vector<256x128xf32>
    %slice3A_21 = vector.extract_strided_slice %mul3A {offsets = [0, 640], sizes = [256, 128], strides = [1, 1]} : vector<256x1024xf32> to vector<256x128xf32>
    %add3A_22 = arith.addf %add3A_20, %slice3A_21 : vector<256x128xf32>
    %slice3A_23 = vector.extract_strided_slice %mul3A {offsets = [0, 768], sizes = [256, 128], strides = [1, 1]} : vector<256x1024xf32> to vector<256x128xf32>
    %add3A_24 = arith.addf %add3A_22, %slice3A_23 : vector<256x128xf32>
    %slice3A_25 = vector.extract_strided_slice %mul3A {offsets = [0, 896], sizes = [256, 128], strides = [1, 1]} : vector<256x1024xf32> to vector<256x128xf32>
    %add3A_26 = arith.addf %add3A_24, %slice3A_25 : vector<256x128xf32>
    %slice3A_27 = vector.extract_strided_slice %add3A_26 {offsets = [0, 0], sizes = [8, 128], strides = [1, 1]} : vector<256x128xf32> to vector<8x128xf32>
    %slice3A_28 = vector.extract_strided_slice %add3A_26 {offsets = [8, 0], sizes = [8, 128], strides = [1, 1]} : vector<256x128xf32> to vector<8x128xf32>
    %add3A_29 = arith.addf %slice3A_27, %slice3A_28 : vector<8x128xf32>
    %slice3A_30 = vector.extract_strided_slice %add3A_26 {offsets = [16, 0], sizes = [8, 128], strides = [1, 1]} : vector<256x128xf32> to vector<8x128xf32>
    %add3A_31 = arith.addf %add3A_29, %slice3A_30 : vector<8x128xf32>
    %slice3A_32 = vector.extract_strided_slice %add3A_26 {offsets = [24, 0], sizes = [8, 128], strides = [1, 1]} : vector<256x128xf32> to vector<8x128xf32>
    %add3A_33 = arith.addf %add3A_31, %slice3A_32 : vector<8x128xf32>
    %slice3A_34 = vector.extract_strided_slice %add3A_26 {offsets = [32, 0], sizes = [8, 128], strides = [1, 1]} : vector<256x128xf32> to vector<8x128xf32>
    %add3A_35 = arith.addf %add3A_33, %slice3A_34 : vector<8x128xf32>
    %slice3A_36 = vector.extract_strided_slice %add3A_26 {offsets = [40, 0], sizes = [8, 128], strides = [1, 1]} : vector<256x128xf32> to vector<8x128xf32>
    %add3A_37 = arith.addf %add3A_35, %slice3A_36 : vector<8x128xf32>
    %slice3A_38 = vector.extract_strided_slice %add3A_26 {offsets = [48, 0], sizes = [8, 128], strides = [1, 1]} : vector<256x128xf32> to vector<8x128xf32>
    %add3A_39 = arith.addf %add3A_37, %slice3A_38 : vector<8x128xf32>
    %slice3A_40 = vector.extract_strided_slice %add3A_26 {offsets = [56, 0], sizes = [8, 128], strides = [1, 1]} : vector<256x128xf32> to vector<8x128xf32>
    %add3A_41 = arith.addf %add3A_39, %slice3A_40 : vector<8x128xf32>
    %slice3A_42 = vector.extract_strided_slice %add3A_26 {offsets = [64, 0], sizes = [8, 128], strides = [1, 1]} : vector<256x128xf32> to vector<8x128xf32>
    %add3A_43 = arith.addf %add3A_41, %slice3A_42 : vector<8x128xf32>
    %slice3A_44 = vector.extract_strided_slice %add3A_26 {offsets = [72, 0], sizes = [8, 128], strides = [1, 1]} : vector<256x128xf32> to vector<8x128xf32>
    %add3A_45 = arith.addf %add3A_43, %slice3A_44 : vector<8x128xf32>
    %slice3A_46 = vector.extract_strided_slice %add3A_26 {offsets = [80, 0], sizes = [8, 128], strides = [1, 1]} : vector<256x128xf32> to vector<8x128xf32>
    %add3A_47 = arith.addf %add3A_45, %slice3A_46 : vector<8x128xf32>
    %slice3A_48 = vector.extract_strided_slice %add3A_26 {offsets = [88, 0], sizes = [8, 128], strides = [1, 1]} : vector<256x128xf32> to vector<8x128xf32>
    %add3A_49 = arith.addf %add3A_47, %slice3A_48 : vector<8x128xf32>
    %slice3A_50 = vector.extract_strided_slice %add3A_26 {offsets = [96, 0], sizes = [8, 128], strides = [1, 1]} : vector<256x128xf32> to vector<8x128xf32>
    %add3A_51 = arith.addf %add3A_49, %slice3A_50 : vector<8x128xf32>
    %slice3A_52 = vector.extract_strided_slice %add3A_26 {offsets = [104, 0], sizes = [8, 128], strides = [1, 1]} : vector<256x128xf32> to vector<8x128xf32>
    %add3A_53 = arith.addf %add3A_51, %slice3A_52 : vector<8x128xf32>
    %slice3A_54 = vector.extract_strided_slice %add3A_26 {offsets = [112, 0], sizes = [8, 128], strides = [1, 1]} : vector<256x128xf32> to vector<8x128xf32>
    %add3A_55 = arith.addf %add3A_53, %slice3A_54 : vector<8x128xf32>
    %slice3A_56 = vector.extract_strided_slice %add3A_26 {offsets = [120, 0], sizes = [8, 128], strides = [1, 1]} : vector<256x128xf32> to vector<8x128xf32>
    %add3A_57 = arith.addf %add3A_55, %slice3A_56 : vector<8x128xf32>
    %slice3A_58 = vector.extract_strided_slice %add3A_26 {offsets = [128, 0], sizes = [8, 128], strides = [1, 1]} : vector<256x128xf32> to vector<8x128xf32>
    %add3A_59 = arith.addf %add3A_57, %slice3A_58 : vector<8x128xf32>
    %slice3A_60 = vector.extract_strided_slice %add3A_26 {offsets = [136, 0], sizes = [8, 128], strides = [1, 1]} : vector<256x128xf32> to vector<8x128xf32>
    %add3A_61 = arith.addf %add3A_59, %slice3A_60 : vector<8x128xf32>
    %slice3A_62 = vector.extract_strided_slice %add3A_26 {offsets = [144, 0], sizes = [8, 128], strides = [1, 1]} : vector<256x128xf32> to vector<8x128xf32>
    %add3A_63 = arith.addf %add3A_61, %slice3A_62 : vector<8x128xf32>
    %slice3A_64 = vector.extract_strided_slice %add3A_26 {offsets = [152, 0], sizes = [8, 128], strides = [1, 1]} : vector<256x128xf32> to vector<8x128xf32>
    %add3A_65 = arith.addf %add3A_63, %slice3A_64 : vector<8x128xf32>
    %slice3A_66 = vector.extract_strided_slice %add3A_26 {offsets = [160, 0], sizes = [8, 128], strides = [1, 1]} : vector<256x128xf32> to vector<8x128xf32>
    %add3A_67 = arith.addf %add3A_65, %slice3A_66 : vector<8x128xf32>
    %slice3A_68 = vector.extract_strided_slice %add3A_26 {offsets = [168, 0], sizes = [8, 128], strides = [1, 1]} : vector<256x128xf32> to vector<8x128xf32>
    %add3A_69 = arith.addf %add3A_67, %slice3A_68 : vector<8x128xf32>
    %slice3A_70 = vector.extract_strided_slice %add3A_26 {offsets = [176, 0], sizes = [8, 128], strides = [1, 1]} : vector<256x128xf32> to vector<8x128xf32>
    %add3A_71 = arith.addf %add3A_69, %slice3A_70 : vector<8x128xf32>
    %slice3A_72 = vector.extract_strided_slice %add3A_26 {offsets = [184, 0], sizes = [8, 128], strides = [1, 1]} : vector<256x128xf32> to vector<8x128xf32>
    %add3A_73 = arith.addf %add3A_71, %slice3A_72 : vector<8x128xf32>
    %slice3A_74 = vector.extract_strided_slice %add3A_26 {offsets = [192, 0], sizes = [8, 128], strides = [1, 1]} : vector<256x128xf32> to vector<8x128xf32>
    %add3A_75 = arith.addf %add3A_73, %slice3A_74 : vector<8x128xf32>
    %slice3A_76 = vector.extract_strided_slice %add3A_26 {offsets = [200, 0], sizes = [8, 128], strides = [1, 1]} : vector<256x128xf32> to vector<8x128xf32>
    %add3A_77 = arith.addf %add3A_75, %slice3A_76 : vector<8x128xf32>
    %slice3A_78 = vector.extract_strided_slice %add3A_26 {offsets = [208, 0], sizes = [8, 128], strides = [1, 1]} : vector<256x128xf32> to vector<8x128xf32>
    %add3A_79 = arith.addf %add3A_77, %slice3A_78 : vector<8x128xf32>
    %slice3A_80 = vector.extract_strided_slice %add3A_26 {offsets = [216, 0], sizes = [8, 128], strides = [1, 1]} : vector<256x128xf32> to vector<8x128xf32>
    %add3A_81 = arith.addf %add3A_79, %slice3A_80 : vector<8x128xf32>
    %slice3A_82 = vector.extract_strided_slice %add3A_26 {offsets = [224, 0], sizes = [8, 128], strides = [1, 1]} : vector<256x128xf32> to vector<8x128xf32>
    %add3A_83 = arith.addf %add3A_81, %slice3A_82 : vector<8x128xf32>
    %slice3A_84 = vector.extract_strided_slice %add3A_26 {offsets = [232, 0], sizes = [8, 128], strides = [1, 1]} : vector<256x128xf32> to vector<8x128xf32>
    %add3A_85 = arith.addf %add3A_83, %slice3A_84 : vector<8x128xf32>
    %slice3A_86 = vector.extract_strided_slice %add3A_26 {offsets = [240, 0], sizes = [8, 128], strides = [1, 1]} : vector<256x128xf32> to vector<8x128xf32>
    %add3A_87 = arith.addf %add3A_85, %slice3A_86 : vector<8x128xf32>
    %slice3A_88 = vector.extract_strided_slice %add3A_26 {offsets = [248, 0], sizes = [8, 128], strides = [1, 1]} : vector<256x128xf32> to vector<8x128xf32>
    %add3A_89 = arith.addf %add3A_87, %slice3A_88 : vector<8x128xf32>
    %add3A_90 = arith.addf %get3A_13, %add3A_89 : vector<8x128xf32>
    %swap3A = arith.constant 0 : index
    %swap3A_91 = arith.constant 0 : index
    %swap3A_92 = vector.load %arg7[%swap3A, %swap3A_91] : memref<8x128xf32, #tpu.memory_space<vmem>>, vector<8x128xf32>
    tpu.vector_store %arg7[%swap3A, %swap3A_91], %add3A_90 {strides = array<i32>} : memref<8x128xf32, #tpu.memory_space<vmem>>, vector<8x128xf32>,
    %get3A_93 = arith.constant 0 : index
    %get3A_94 = arith.constant 0 : index
    %get3A_95 = vector.load %arg8[%get3A_93, %get3A_94] : memref<8x128xf32, #tpu.memory_space<vmem>>, vector<8x128xf32>
    %slice3A_96 = vector.extract_strided_slice %convert_element_type3A_10 {offsets = [0, 0], sizes = [256, 128], strides = [1, 1]} : vector<256x1024xf32> to vector<256x128xf32>
    %slice3A_97 = vector.extract_strided_slice %convert_element_type3A_10 {offsets = [0, 128], sizes = [256, 128], strides = [1, 1]} : vector<256x1024xf32> to vector<256x128xf32>
    %add3A_98 = arith.addf %slice3A_96, %slice3A_97 : vector<256x128xf32>
    %slice3A_99 = vector.extract_strided_slice %convert_element_type3A_10 {offsets = [0, 256], sizes = [256, 128], strides = [1, 1]} : vector<256x1024xf32> to vector<256x128xf32>
    %add3A_100 = arith.addf %add3A_98, %slice3A_99 : vector<256x128xf32>
    %slice3A_101 = vector.extract_strided_slice %convert_element_type3A_10 {offsets = [0, 384], sizes = [256, 128], strides = [1, 1]} : vector<256x1024xf32> to vector<256x128xf32>
    %add3A_102 = arith.addf %add3A_100, %slice3A_101 : vector<256x128xf32>
    %slice3A_103 = vector.extract_strided_slice %convert_element_type3A_10 {offsets = [0, 512], sizes = [256, 128], strides = [1, 1]} : vector<256x1024xf32> to vector<256x128xf32>
    %add3A_104 = arith.addf %add3A_102, %slice3A_103 : vector<256x128xf32>
    %slice3A_105 = vector.extract_strided_slice %convert_element_type3A_10 {offsets = [0, 640], sizes = [256, 128], strides = [1, 1]} : vector<256x1024xf32> to vector<256x128xf32>
    %add3A_106 = arith.addf %add3A_104, %slice3A_105 : vector<256x128xf32>
    %slice3A_107 = vector.extract_strided_slice %convert_element_type3A_10 {offsets = [0, 768], sizes = [256, 128], strides = [1, 1]} : vector<256x1024xf32> to vector<256x128xf32>
    %add3A_108 = arith.addf %add3A_106, %slice3A_107 : vector<256x128xf32>
    %slice3A_109 = vector.extract_strided_slice %convert_element_type3A_10 {offsets = [0, 896], sizes = [256, 128], strides = [1, 1]} : vector<256x1024xf32> to vector<256x128xf32>
    %add3A_110 = arith.addf %add3A_108, %slice3A_109 : vector<256x128xf32>
    %slice3A_111 = vector.extract_strided_slice %add3A_110 {offsets = [0, 0], sizes = [8, 128], strides = [1, 1]} : vector<256x128xf32> to vector<8x128xf32>
    %slice3A_112 = vector.extract_strided_slice %add3A_110 {offsets = [8, 0], sizes = [8, 128], strides = [1, 1]} : vector<256x128xf32> to vector<8x128xf32>
    %add3A_113 = arith.addf %slice3A_111, %slice3A_112 : vector<8x128xf32>
    %slice3A_114 = vector.extract_strided_slice %add3A_110 {offsets = [16, 0], sizes = [8, 128], strides = [1, 1]} : vector<256x128xf32> to vector<8x128xf32>
    %add3A_115 = arith.addf %add3A_113, %slice3A_114 : vector<8x128xf32>
    %slice3A_116 = vector.extract_strided_slice %add3A_110 {offsets = [24, 0], sizes = [8, 128], strides = [1, 1]} : vector<256x128xf32> to vector<8x128xf32>
    %add3A_117 = arith.addf %add3A_115, %slice3A_116 : vector<8x128xf32>
    %slice3A_118 = vector.extract_strided_slice %add3A_110 {offsets = [32, 0], sizes = [8, 128], strides = [1, 1]} : vector<256x128xf32> to vector<8x128xf32>
    %add3A_119 = arith.addf %add3A_117, %slice3A_118 : vector<8x128xf32>
    %slice3A_120 = vector.extract_strided_slice %add3A_110 {offsets = [40, 0], sizes = [8, 128], strides = [1, 1]} : vector<256x128xf32> to vector<8x128xf32>
    %add3A_121 = arith.addf %add3A_119, %slice3A_120 : vector<8x128xf32>
    %slice3A_122 = vector.extract_strided_slice %add3A_110 {offsets = [48, 0], sizes = [8, 128], strides = [1, 1]} : vector<256x128xf32> to vector<8x128xf32>
    %add3A_123 = arith.addf %add3A_121, %slice3A_122 : vector<8x128xf32>
    %slice3A_124 = vector.extract_strided_slice %add3A_110 {offsets = [56, 0], sizes = [8, 128], strides = [1, 1]} : vector<256x128xf32> to vector<8x128xf32>
    %add3A_125 = arith.addf %add3A_123, %slice3A_124 : vector<8x128xf32>
    %slice3A_126 = vector.extract_strided_slice %add3A_110 {offsets = [64, 0], sizes = [8, 128], strides = [1, 1]} : vector<256x128xf32> to vector<8x128xf32>
    %add3A_127 = arith.addf %add3A_125, %slice3A_126 : vector<8x128xf32>
    %slice3A_128 = vector.extract_strided_slice %add3A_110 {offsets = [72, 0], sizes = [8, 128], strides = [1, 1]} : vector<256x128xf32> to vector<8x128xf32>
    %add3A_129 = arith.addf %add3A_127, %slice3A_128 : vector<8x128xf32>
    %slice3A_130 = vector.extract_strided_slice %add3A_110 {offsets = [80, 0], sizes = [8, 128], strides = [1, 1]} : vector<256x128xf32> to vector<8x128xf32>
    %add3A_131 = arith.addf %add3A_129, %slice3A_130 : vector<8x128xf32>
    %slice3A_132 = vector.extract_strided_slice %add3A_110 {offsets = [88, 0], sizes = [8, 128], strides = [1, 1]} : vector<256x128xf32> to vector<8x128xf32>
    %add3A_133 = arith.addf %add3A_131, %slice3A_132 : vector<8x128xf32>
    %slice3A_134 = vector.extract_strided_slice %add3A_110 {offsets = [96, 0], sizes = [8, 128], strides = [1, 1]} : vector<256x128xf32> to vector<8x128xf32>
    %add3A_135 = arith.addf %add3A_133, %slice3A_134 : vector<8x128xf32>
    %slice3A_136 = vector.extract_strided_slice %add3A_110 {offsets = [104, 0], sizes = [8, 128], strides = [1, 1]} : vector<256x128xf32> to vector<8x128xf32>
    %add3A_137 = arith.addf %add3A_135, %slice3A_136 : vector<8x128xf32>
    %slice3A_138 = vector.extract_strided_slice %add3A_110 {offsets = [112, 0], sizes = [8, 128], strides = [1, 1]} : vector<256x128xf32> to vector<8x128xf32>
    %add3A_139 = arith.addf %add3A_137, %slice3A_138 : vector<8x128xf32>
    %slice3A_140 = vector.extract_strided_slice %add3A_110 {offsets = [120, 0], sizes = [8, 128], strides = [1, 1]} : vector<256x128xf32> to vector<8x128xf32>
    %add3A_141 = arith.addf %add3A_139, %slice3A_140 : vector<8x128xf32>
    %slice3A_142 = vector.extract_strided_slice %add3A_110 {offsets = [128, 0], sizes = [8, 128], strides = [1, 1]} : vector<256x128xf32> to vector<8x128xf32>
    %add3A_143 = arith.addf %add3A_141, %slice3A_142 : vector<8x128xf32>
    %slice3A_144 = vector.extract_strided_slice %add3A_110 {offsets = [136, 0], sizes = [8, 128], strides = [1, 1]} : vector<256x128xf32> to vector<8x128xf32>
    %add3A_145 = arith.addf %add3A_143, %slice3A_144 : vector<8x128xf32>
    %slice3A_146 = vector.extract_strided_slice %add3A_110 {offsets = [144, 0], sizes = [8, 128], strides = [1, 1]} : vector<256x128xf32> to vector<8x128xf32>
    %add3A_147 = arith.addf %add3A_145, %slice3A_146 : vector<8x128xf32>
    %slice3A_148 = vector.extract_strided_slice %add3A_110 {offsets = [152, 0], sizes = [8, 128], strides = [1, 1]} : vector<256x128xf32> to vector<8x128xf32>
    %add3A_149 = arith.addf %add3A_147, %slice3A_148 : vector<8x128xf32>
    %slice3A_150 = vector.extract_strided_slice %add3A_110 {offsets = [160, 0], sizes = [8, 128], strides = [1, 1]} : vector<256x128xf32> to vector<8x128xf32>
    %add3A_151 = arith.addf %add3A_149, %slice3A_150 : vector<8x128xf32>
    %slice3A_152 = vector.extract_strided_slice %add3A_110 {offsets = [168, 0], sizes = [8, 128], strides = [1, 1]} : vector<256x128xf32> to vector<8x128xf32>
    %add3A_153 = arith.addf %add3A_151, %slice3A_152 : vector<8x128xf32>
    %slice3A_154 = vector.extract_strided_slice %add3A_110 {offsets = [176, 0], sizes = [8, 128], strides = [1, 1]} : vector<256x128xf32> to vector<8x128xf32>
    %add3A_155 = arith.addf %add3A_153, %slice3A_154 : vector<8x128xf32>
    %slice3A_156 = vector.extract_strided_slice %add3A_110 {offsets = [184, 0], sizes = [8, 128], strides = [1, 1]} : vector<256x128xf32> to vector<8x128xf32>
    %add3A_157 = arith.addf %add3A_155, %slice3A_156 : vector<8x128xf32>
    %slice3A_158 = vector.extract_strided_slice %add3A_110 {offsets = [192, 0], sizes = [8, 128], strides = [1, 1]} : vector<256x128xf32> to vector<8x128xf32>
    %add3A_159 = arith.addf %add3A_157, %slice3A_158 : vector<8x128xf32>
    %slice3A_160 = vector.extract_strided_slice %add3A_110 {offsets = [200, 0], sizes = [8, 128], strides = [1, 1]} : vector<256x128xf32> to vector<8x128xf32>
    %add3A_161 = arith.addf %add3A_159, %slice3A_160 : vector<8x128xf32>
    %slice3A_162 = vector.extract_strided_slice %add3A_110 {offsets = [208, 0], sizes = [8, 128], strides = [1, 1]} : vector<256x128xf32> to vector<8x128xf32>
    %add3A_163 = arith.addf %add3A_161, %slice3A_162 : vector<8x128xf32>
    %slice3A_164 = vector.extract_strided_slice %add3A_110 {offsets = [216, 0], sizes = [8, 128], strides = [1, 1]} : vector<256x128xf32> to vector<8x128xf32>
    %add3A_165 = arith.addf %add3A_163, %slice3A_164 : vector<8x128xf32>
    %slice3A_166 = vector.extract_strided_slice %add3A_110 {offsets = [224, 0], sizes = [8, 128], strides = [1, 1]} : vector<256x128xf32> to vector<8x128xf32>
    %add3A_167 = arith.addf %add3A_165, %slice3A_166 : vector<8x128xf32>
    %slice3A_168 = vector.extract_strided_slice %add3A_110 {offsets = [232, 0], sizes = [8, 128], strides = [1, 1]} : vector<256x128xf32> to vector<8x128xf32>
    %add3A_169 = arith.addf %add3A_167, %slice3A_168 : vector<8x128xf32>
    %slice3A_170 = vector.extract_strided_slice %add3A_110 {offsets = [240, 0], sizes = [8, 128], strides = [1, 1]} : vector<256x128xf32> to vector<8x128xf32>
    %add3A_171 = arith.addf %add3A_169, %slice3A_170 : vector<8x128xf32>
    %slice3A_172 = vector.extract_strided_slice %add3A_110 {offsets = [248, 0], sizes = [8, 128], strides = [1, 1]} : vector<256x128xf32> to vector<8x128xf32>
    %add3A_173 = arith.addf %add3A_171, %slice3A_172 : vector<8x128xf32>
    %add3A_174 = arith.addf %get3A_95, %add3A_173 : vector<8x128xf32>
    %swap3A_175 = arith.constant 0 : index
    %swap3A_176 = arith.constant 0 : index
    %swap3A_177 = vector.load %arg8[%swap3A_175, %swap3A_176] : memref<8x128xf32, #tpu.memory_space<vmem>>, vector<8x128xf32>
    tpu.vector_store %arg8[%swap3A_175, %swap3A_176], %add3A_174 {strides = array<i32>} : memref<8x128xf32, #tpu.memory_space<vmem>>, vector<8x128xf32>,
    %eq3A_178 = arith.constant 15 : i32
    %eq3A_179 = arith.cmpi eq, %arg0, %eq3A_178 : i32
    %convert_element_type3A_180 = arith.extui %eq3A_179 : i1 to i32
    %cond3A_181 = arith.constant 0 : i32
    %cond3A_182 = arith.cmpi ne, %convert_element_type3A_180, %cond3A_181 : i32
    scf.if %cond3A_182 {
      %get3A_183 = arith.constant 0 : index
      %get3A_184 = arith.constant 0 : index
      %get3A_185 = vector.load %arg3[%get3A_183, %get3A_184] : memref<8x128xf32, #tpu.memory_space<vmem>>, vector<8x128xf32>
      %reduce_sum3A = vector.shape_cast %get3A_185 : vector<8x128xf32> to vector<1x8x128xf32>
      %reduce_sum3A_186 = arith.constant dense<0.000000e+00> : vector<1xf32>
      %reduce_sum3A_187 = vector.multi_reduction <add>, %reduce_sum3A, %reduce_sum3A_186 [1, 2] : vector<1x8x128xf32> to vector<1xf32>
      %reduce_sum3A_188 = vector.shape_cast %reduce_sum3A_187 : vector<1xf32> to vector<1x1x1xf32>
      %reduce_sum3A_189 = vector.extract %reduce_sum3A_188[0, 0, 0] : f32 from vector<1x1x1xf32>
      %get3A_190 = arith.constant 0 : index
      %get3A_191 = arith.constant 0 : index
      %get3A_192 = vector.load %arg4[%get3A_190, %get3A_191] : memref<8x128xf32, #tpu.memory_space<vmem>>, vector<8x128xf32>
      %reduce_sum3A_193 = vector.shape_cast %get3A_192 : vector<8x128xf32> to vector<1x8x128xf32>
      %reduce_sum3A_194 = arith.constant dense<0.000000e+00> : vector<1xf32>
      %reduce_sum3A_195 = vector.multi_reduction <add>, %reduce_sum3A_193, %reduce_sum3A_194 [1, 2] : vector<1x8x128xf32> to vector<1xf32>
      %reduce_sum3A_196 = vector.shape_cast %reduce_sum3A_195 : vector<1xf32> to vector<1x1x1xf32>
      %reduce_sum3A_197 = vector.extract %reduce_sum3A_196[0, 0, 0] : f32 from vector<1x1x1xf32>
      %get3A_198 = arith.constant 0 : index
      %get3A_199 = arith.constant 0 : index
      %get3A_200 = vector.load %arg5[%get3A_198, %get3A_199] : memref<8x128xf32, #tpu.memory_space<vmem>>, vector<8x128xf32>
      %reduce_sum3A_201 = vector.shape_cast %get3A_200 : vector<8x128xf32> to vector<1x8x128xf32>
      %reduce_sum3A_202 = arith.constant dense<0.000000e+00> : vector<1xf32>
      %reduce_sum3A_203 = vector.multi_reduction <add>, %reduce_sum3A_201, %reduce_sum3A_202 [1, 2] : vector<1x8x128xf32> to vector<1xf32>
      %reduce_sum3A_204 = vector.shape_cast %reduce_sum3A_203 : vector<1xf32> to vector<1x1x1xf32>
      %reduce_sum3A_205 = vector.extract %reduce_sum3A_204[0, 0, 0] : f32 from vector<1x1x1xf32>
      %get3A_206 = arith.constant 0 : index
      %get3A_207 = arith.constant 0 : index
      %get3A_208 = vector.load %arg7[%get3A_206, %get3A_207] : memref<8x128xf32, #tpu.memory_space<vmem>>, vector<8x128xf32>
      %reduce_sum3A_209 = vector.shape_cast %get3A_208 : vector<8x128xf32> to vector<1x8x128xf32>
      %reduce_sum3A_210 = arith.constant dense<0.000000e+00> : vector<1xf32>
      %reduce_sum3A_211 = vector.multi_reduction <add>, %reduce_sum3A_209, %reduce_sum3A_210 [1, 2] : vector<1x8x128xf32> to vector<1xf32>
      %reduce_sum3A_212 = vector.shape_cast %reduce_sum3A_211 : vector<1xf32> to vector<1x1x1xf32>
      %reduce_sum3A_213 = vector.extract %reduce_sum3A_212[0, 0, 0] : f32 from vector<1x1x1xf32>
      %get3A_214 = arith.constant 0 : index
      %get3A_215 = arith.constant 0 : index
      %get3A_216 = vector.load %arg8[%get3A_214, %get3A_215] : memref<8x128xf32, #tpu.memory_space<vmem>>, vector<8x128xf32>
      %reduce_sum3A_217 = vector.shape_cast %get3A_216 : vector<8x128xf32> to vector<1x8x128xf32>
      %reduce_sum3A_218 = arith.constant dense<0.000000e+00> : vector<1xf32>
      %reduce_sum3A_219 = vector.multi_reduction <add>, %reduce_sum3A_217, %reduce_sum3A_218 [1, 2] : vector<1x8x128xf32> to vector<1xf32>
      %reduce_sum3A_220 = vector.shape_cast %reduce_sum3A_219 : vector<1xf32> to vector<1x1x1xf32>
      %reduce_sum3A_221 = vector.extract %reduce_sum3A_220[0, 0, 0] : f32 from vector<1x1x1xf32>
      %sub3A = arith.subf %reduce_sum3A_189, %reduce_sum3A_221 : f32
      %mul3A_222 = arith.mulf %sub3A, %get3A_4 : f32
      %add3A_223 = arith.addf %reduce_sum3A_213, %mul3A_222 : f32
      %add3A_224 = arith.addf %reduce_sum3A_197, %reduce_sum3A_205 : f32
      %div3A = arith.constant 0x4A800000 : f32
      %div3A_225 = arith.divf %add3A_224, %div3A : f32
      %add3A_226 = arith.addf %reduce_sum3A_197, %add3A_223 : f32
      %mul3A_227 = arith.constant 2.000000e+00 : f32
      %mul3A_228 = arith.mulf %mul3A_227, %reduce_sum3A_189 : f32
      %div3A_229 = arith.divf %add3A_226, %mul3A_228 : f32
      %add3A_230 = arith.addf %div3A_229, %div3A_225 : f32
      %broadcast_in_dim3A = vector.broadcast %add3A_230 : f32 to vector<1x1xf32>
      %swap3A_231 = arith.constant 0 : index
      %swap3A_232 = arith.constant 0 : index
      %swap3A_233 = vector.load %arg6[%swap3A_231, %swap3A_232] : memref<1x1xf32, #tpu.memory_space<vmem>>, vector<1x1xf32>
      tpu.vector_store %arg6[%swap3A_231, %swap3A_232], %broadcast_in_dim3A {strides = array<i32>} : memref<1x1xf32, #tpu.memory_space<vmem>>, vector<1x1xf32>,
    } else {
    }
    return
  }
  func.func @transform_0(%arg0: i32) -> (i32, i32) {
    %c0_i32 = arith.constant 0 : i32
    %c0_i32_0 = arith.constant 0 : i32
    return %arg0, %c0_i32 : i32, i32
  }
  func.func @transform_1(%arg0: i32) -> (i32, i32) {
    %c0_i32 = arith.constant 0 : i32
    %c0_i32_0 = arith.constant 0 : i32
    %c0_i32_1 = arith.constant 0 : i32
    return %c0_i32, %c0_i32_0 : i32, i32
  }
  func.func @transform_2(%arg0: i32) -> (i32, i32) {
    %c0_i32 = arith.constant 0 : i32
    %c0_i32_0 = arith.constant 0 : i32
    %c0_i32_1 = arith.constant 0 : i32
    return %c0_i32, %c0_i32_0 : i32, i32
  }
  func.func @transform_3(%arg0: i32) -> (i32, i32) {
    %c0_i32 = arith.constant 0 : i32
    %c0_i32_0 = arith.constant 0 : i32
    %c0_i32_1 = arith.constant 0 : i32
    return %c0_i32, %c0_i32_0 : i32, i32
  }
  func.func @transform_4(%arg0: i32) -> (i32, i32) {
    %c0_i32 = arith.constant 0 : i32
    %c0_i32_0 = arith.constant 0 : i32
    %c0_i32_1 = arith.constant 0 : i32
    return %c0_i32, %c0_i32_0 : i32, i32
  }
  func.func @transform_5(%arg0: i32) -> (i32, i32) {
    %c0_i32 = arith.constant 0 : i32
    %c0_i32_0 = arith.constant 0 : i32
    %c0_i32_1 = arith.constant 0 : i32
    return %c0_i32, %c0_i32_0 : i32, i32
  }
}

</mosaic_0001>

<sc_bundles>
// kernel: kernel.11.cloned.1.call-start
scs
__scs_entry_jumppad:
0x0: {  	(pc) =	sbr.rel $0x88, $3  }
0x1: {  	(tag) =	ssettag $0x0;
	lr =	simm.s32 $0x1  }
0x2: {  	[smem:$0x3F9F] =	sst lr;
	_ =	strace $0xD0000000  }
0x3: {  	_ = 	snop  }
0x4: {  	_ = 	snop  }
0x5: {  	_ = 	snop  }
0x6: {  	_ = 	snop  }
0x7: {  	_ = 	snop  }
__scs_overlays_trampoline_lowered:
0x8: {  	[smem:$0x3FAE] =	sst s0  }
0x9: {  	[smem:$0x3FAF] =	sst s1  }
0xa: {  	[smem:$0x3FB0] =	sst s2  }
0xb: {  	[smem:$0x3FB1] =	sst s3  }
0xc: {  	[smem:$0x3FB2] =	sst s4  }
0xd: {  	[smem:$0x3FB3] =	sst s5  }
0xe: {  	[smem:$0x3FB4] =	sst s6  }
0xf: {  	[smem:$0x3FB5] =	sst s7  }
0x10: {  	[smem:$0x3FB6] =	sst s8  }
0x11: {  	[smem:$0x3FB7] =	sst s9;
	s0 =	simm.s32 @!p0 $0x0  }
0x12: {  	s1 =	sld [smem:$0x3F9D];
	s0 =	simm.s32 @p0 $0x1  }
0x13: {  	[smem:$0x3FB8] =	sst s0;
	s0 =	simm.s32 @!p1 $0x0  }
0x14: {  	s2 =	sld [smem:$0x3F9C];
	s0 =	simm.s32 @p1 $0x1  }
0x15: {  	[smem:$0x3FB9] =	sst s0;
	s0 =	simm.s32 @!p2 $0x0  }
0x16: {  	s3 =	sld [smem:$0x3FDB];
	s0 =	simm.s32 @p2 $0x1  }
0x17: {  	s4 =	simm.s32 $0x1BF5;
	[smem:$0x3FBB] =	sst s0  }
0x18: {  	s0 =	sld [smem:$0x3F9E];
	_ =	swait.ge [sflag:s4], $0x0  }
0x19: {  	s7 =	sld [smem:$0x3F9F]  }
0x1a: {  	s8 =	sadd.s32 $0xFFFFE003, lr  }
0x1b: {  	s9 =	sadd.s32 $0xFFFFFEF7, lr;
	s5 =	simm.s32 $0xFFFFFFFF;
	p2 =	slt.u32 s8, $0xFFFFF086  }
0x1c: {  	p1 =	slt.u32 s9, $0xF7A;
	s5 =	simm.s32 @!p2 $0x0  }
0x1d: {  	s5 =	simm.s32 @p1 $0x1;
	p0 =	seq.s32 s7, s2  }
0x1e: {  	s7 =	smul.u32 @!p0 $0xF7A, s2;
	p2 =	seq.s32 @!p0 s5, $0x0  }
0x1f: {  	s9 =	smul.u32 $0xF7A, s1;
	s8 =	simm.s32 @!p0 $0x1BF5;
	p2 =	por !p2, p0  }
0x20: {  	[sflag:s8] =	ssyncset.s32 @!p0 $0xFFFFF086;
	s6 =	sadd.s32 @!p0 s3, s7;
	s7 =	simm.s32 @!p0 $0x108  }
0x21: {  	s3 =	sadd.s32 s3, s9;
	s6 =	sadd.s32 @!p0 $0x88, s6;
	s7 =	simm.s32 @p2 $0x1082  }
0x22: {  	[simem:s7], [sflag:s8] =	dma.local @!p0 [hbm:s6], $0xF7A  }
0x23: {  	s9 =	sor.u32 $0xD0000000, s2;
	s6 =	simm.s32 $0x108;
	_ =	swait.ge @!p0 [sflag:s8], $0x0  }
0x24: {  	s3 =	sadd.s32 $0x88, s3;
	s6 =	simm.s32 @!p1 $0x1082;
	[sflag:s4] =	ssyncset.s32 $0xFFFFF086  }
0x25: {  	[simem:s6], [sflag:s4] =	dma.local [hbm:s3], $0xF7A  }
0x26: {  	[smem:$0x3F9F] =	sst s1;
	(tag) =	ssettag s2;
	_ =	strace s9  }
0x27: {  	s1 =	sld [smem:$0x3FAF]  }
0x28: {  	s2 =	sld [smem:$0x3FB0]  }
0x29: {  	s4 =	sld [smem:$0x3FB2]  }
0x2a: {  	p0 =	seq.s32 s5, $0x0;
	s5 =	sld [smem:$0x3FB3]  }
0x2b: {  	s6 =	sld [smem:$0x3FB4]  }
0x2c: {  	s7 =	sld [smem:$0x3FB5]  }
0x2d: {  	s3 =	simm.s32 $0x108;
	s8 =	sld [smem:$0x3FB6]  }
0x2e: {  	s3 =	simm.s32 @!p0 $0x1082;
	s9 =	sld [smem:$0x3FB7]  }
0x2f: {  	lr =	sadd.s32 s0, s3;
	s0 =	sld [smem:$0x3FAE]  }
0x30: {  	s3 =	sld [smem:$0x3FB1]  }
0x31: {  	[smem:$0x3FBA] =	sst s10  }
0x32: {  	s10 =	sld [smem:$0x3FB8];
	_ =	sdelay $0x3  }
0x33: {  	p0 =	seq.s32 s10, $0x1;
	s10 =	sld [smem:$0x3FBA];
	_ =	sdelay $0x3  }
0x34: {  	[smem:$0x3FBA] =	sst s10  }
0x35: {  	s10 =	sld [smem:$0x3FB9];
	_ =	sdelay $0x3  }
0x36: {  	p1 =	seq.s32 s10, $0x1;
	s10 =	sld [smem:$0x3FBA];
	_ =	sdelay $0x3  }
0x37: {  	[smem:$0x3FBA] =	sst s10  }
0x38: {  	s10 =	sld [smem:$0x3FBB]  }
0x39: {  	_ = 	snop;
	(pc) =	sbr.ind lr, $3  }
0x3a: {  	_ = 	snop  }
0x3b: {  	_ = 	snop  }
0x3c: {  	p2 =	seq.s32 s10, $0x1;
	s10 =	sld [smem:$0x3FBA]  }
0x3d: {  	_ =	shalt  }
0x3e: {  	_ =	shalt  }
0x3f: {  	_ =	shalt  }
0x40: {  	_ =	shalt  }
0x41: {  	_ =	shalt  }
0x42: {  	_ =	shalt  }
0x43: {  	_ =	shalt  }
0x44: {  	_ =	shalt  }
0x45: {  	_ =	shalt  }
0x46: {  	_ =	shalt  }
0x47: {  	_ =	shalt  }
0x48: {  	_ =	shalt  }
0x49: {  	_ =	shalt  }
0x4a: {  	_ =	shalt  }
0x4b: {  	_ =	shalt  }
0x4c: {  	_ =	shalt  }
0x4d: {  	_ =	shalt  }
0x4e: {  	_ =	shalt  }
0x4f: {  	_ =	shalt  }
0x50: {  	_ =	shalt  }
0x51: {  	_ =	shalt  }
0x52: {  	_ =	shalt  }
0x53: {  	_ =	shalt  }
0x54: {  	_ =	shalt  }
0x55: {  	_ =	shalt  }
0x56: {  	_ =	shalt  }
0x57: {  	_ =	shalt  }
0x58: {  	_ =	shalt  }
0x59: {  	_ =	shalt  }
0x5a: {  	_ =	shalt  }
0x5b: {  	_ =	shalt  }
0x5c: {  	_ =	shalt  }
0x5d: {  	_ =	shalt  }
0x5e: {  	_ =	shalt  }
0x5f: {  	_ =	shalt  }
0x60: {  	_ =	shalt  }
0x61: {  	_ =	shalt  }
0x62: {  	_ =	shalt  }
0x63: {  	_ =	shalt  }
0x64: {  	_ =	shalt  }
0x65: {  	_ =	shalt  }
0x66: {  	_ =	shalt  }
0x67: {  	_ =	shalt  }
0x68: {  	_ =	shalt  }
0x69: {  	_ =	shalt  }
0x6a: {  	_ =	shalt  }
0x6b: {  	_ =	shalt  }
0x6c: {  	_ =	shalt  }
0x6d: {  	_ =	shalt  }
0x6e: {  	_ =	shalt  }
0x6f: {  	_ =	shalt  }
0x70: {  	_ =	shalt  }
0x71: {  	_ =	shalt  }
0x72: {  	_ =	shalt  }
0x73: {  	_ =	shalt  }
0x74: {  	_ =	shalt  }
0x75: {  	_ =	shalt  }
0x76: {  	_ =	shalt  }
0x77: {  	_ =	shalt  }
0x78: {  	_ =	shalt  }
0x79: {  	_ =	shalt  }
0x7a: {  	_ =	shalt  }
0x7b: {  	_ =	shalt  }
0x7c: {  	_ =	shalt  }
0x7d: {  	_ =	shalt  }
0x7e: {  	_ =	shalt  }
0x7f: {  	_ =	shalt  }
0x80: {  	_ =	shalt  }
0x81: {  	_ =	shalt  }
0x82: {  	_ =	shalt  }
0x83: {  	_ =	shalt  }
0x84: {  	_ =	shalt  }
0x85: {  	_ =	shalt  }
0x86: {  	_ =	shalt  }
0x87: {  	_ =	shalt  }
.Lfunc_end0:
.L_simem_size_0:
called_computation.1_lowered:
.L_overlay_start_0:
0x88: {  	s2 =	sld [smem:$0x3FD9]  }
0x89: {  	s3 =	sld [smem:$0x3FFE];
	_ =	sdelay $0x1  }
0x8a: {  	s1 =	srdreg.scid  }
0x8b: {  	s0 =	sand.u32 $0x1, s1  }
0x8c: {  	s17 =	sshll.u32 s0, $0xA;
	s2 =	sadd.s32 s3, s2  }
0x8d: {  	s2 =	sadd.s32 s2, s17  }
0x8e: {  	[smem:$0x3FC6] =	sst s2  }
0x8f: {  	_ = 	snop  }
0x90: {  	s2 =	sld [smem:$0x3FD0];
	(tm) =	ssettm $0x1  }
0x91: {  	s18 =	sld [smem:$0x3FFB];
	_ =	sdelay $0x3  }
0x92: {  	_ =	strace s18  }
0x93: {  	s3 =	sld [smem:$0x3FFC];
	_ =	sdelay $0x3  }
0x94: {  	_ =	strace s3  }
0x95: {  	s3 =	sld [smem:$0x3FFD];
	_ =	sdelay $0x3  }
0x96: {  	_ =	strace s3  }
0x97: {  	_ =	strace $0x8FFFFFFF  }
0x98: {  	s19 =	sld [smem:$0x3FDB];
	_ =	sdelay $0x1  }
0x99: {  	s4 =	simm.s32 $_scs_section_size  }
0x9a: {  	s5 =	simm.s32 $_size__tile_overlayer_lowered;
	s6 =	simm.s32 $_tile_overlayer_lowered  }
0x9b: {  	s22 =	simm.s32 $0x1BFF;
	s21 =	sshll.u32 s6, $0x1;
	s3 =	sadd.s32 s4, s19  }
0x9c: {  	s7 =	simm.s32 $0x0;
	s20 =	sshll.u32 s5, $0x1;
	s5 =	sadd.s32 s21, s3  }
0x9d: {  	[timem:s7], [sflag:s22] =	dma.local [hbm:s5], s20  }
0x9e: {  	_ =	swait.ge [sflag:s22], s20  }
0x9f: {  	s4 =	ssub.s32 $0x0, s20;
	[sflag:s22] =	ssyncset.done $0x0  }
0xa0: {  	[sflag:s22] =	ssyncadd.s32 s4;
	_ =	sdelay $0x1  }
0xa1: {  	s23 =	simm.s32 $0x1B8B  }
0xa2: {  	_ =	swait.ge [sflag:s23], $0x1  }
0xa3: {  	[sflag:s23] =	ssyncset.done $0x0  }
0xa4: {  	s25 =	simm.s32 $0x1B8E;
	s24 =	sld [smem:$0x3FFE];
	[sflag:s23] =	ssyncadd.s32 $0xFFFFFFFF  }
0xa5: {  	s26 =	simm.s32 $execute0_lowered;
	[smem:$0x3FD2] =	sst s25  }
0xa6: {  	s5 =	sshll.u32 s26, $0x1;
	_ =	strace $0x80000049;
	[dreg:$0x1] =	wrdreg $0xFFFFFFFF  }
0xa7: {  	s28 =	simm.s32 $_size_execute0_lowered;
	s3 =	sadd.s32 s3, s5;
	[dreg:$0x0] =	wrdreg $0x0  }
0xa8: {  	s5 =	sshll.u32 s28, $0x1;
	[dreg:$0x2] =	wrdreg s3  }
0xa9: {  	[dreg:$0x3] =	wrdreg s5  }
0xaa: {  	[dreg:$0x4] =	wrdreg $0xC0  }
0xab: {  	_ =	task [dreg:s7], $0x5FFFF  }
0xac: {  	[dreg:$0x1] =	wrdreg $0xFFFFFFFF  }
0xad: {  	[dreg:$0x0] =	wrdreg $0x60  }
0xae: {  	[dreg:$0x2] =	wrdreg s24  }
0xaf: {  	[dreg:$0x3] =	wrdreg s2  }
0xb0: {  	[dreg:$0x4] =	wrdreg $0x9  }
0xb1: {  	_ =	task.clear_ibuf [dreg:s7], $0x5FFFF;
	_ =	strace $0x90000049  }
0xb2: {  	s29 =	simm.s32 $0x9;
	_ =	strace $0x8000004B  }
0xb3: {  	_ =	swait.ge [sflag:s29], $0x1  }
0xb4: {  	[sflag:s29] =	ssyncadd.s32 $0xFFFFFFFF  }
0xb5: {  	_ =	strace $0x9000004B  }
0xb6: {  	_ =	sfence  }
0xb7: {  	s30 =	sld [smem:$0x0];
	_ =	sdelay $0x2  }
0xb8: {  	s31 =	sshll.u32 s1, $0xD;
	s1 =	sshrl.u32 s1, $0x2  }
0xb9: {  	s3 =	sand.u32 $0x4000, s31;
	s1 =	sadd.s32 s1, s30  }
0xba: {  	s0 =	sor.u32 s3, s0;
	s1 =	sshll.u32 s1, $0x11  }
0xbb: {  	s0 =	sor.u32 s1, s0  }
0xbc: {  	s0 =	sadd.s32 $0x8F2B, s0  }
0xbd: {  	[sflag:s0] =	ssyncadd.remote.s32 $0x1  }
0xbe: {  	_ =	sfence.sel $0xFFFF  }
0xbf: {  	[dreg:$0x0] =	wrdreg $0xFFFFFFFF;
	(pc) =	sbr.abs _section_cstart, $3  }
0xc0: {  	[dreg:$0x1] =	wrdreg $0xFFFFFFFF  }
0xc1: {  	_ =	task.clear_ibuf [dreg:s7], $0x2FFFF;
	_ =	strace $0x9FFFFFFF  }
0xc2: {  	(tm) =	ssettm $0x7FFFFFFF  }
0xc3: {  	_ =	shalt  }
tec
execute0_lowered:
.L_overlay_start_1:
0x0: {  	(tag) =	ssettag $0x1  }
0x1: {  	s4 =	rddreg [dreg:$0x0]  }
0x2: {  	s2 =	rddreg [dreg:$0x1]  }
0x3: {  	s0 =	rddreg [dreg:$0x2];
	s5 =	srdreg.scid  }
0x4: {  	s1 =	stileid.u32;
	s3 =	simm.s32 $0x0;
	s11 =	simm.s32 $0x3  }
0x5: {  	s12 =	simm.s32 $0x8000;
	s13 =	simm.s32 $0x1;
	s14 =	simm.s32 $0x10080  }
0x6: {  	s15 =	simm.s32 $0x2;
	s16 =	simm.s32 $0x80;
	s17 =	simm.s32 $0x400  }
0x7: {  	s18 =	simm.s32 $0x0;
	s5 =	sand.u32 $0x1, s5;
	s6 =	sshll.u32 s1, $0x1  }
0x8: {  	[smem:$0x7FF] =	sst s3;
	s8 =	sshll.u32 s1, $0xA;
	s6 =	sor.u32 s5, s6  }
0x9: {  	_ =	strace $0x8000004A;
	s8 =	sand.u32 $0x3000, s8;
	s5 =	ssub.s32 $0x2, s5  }
0xa: {  	s7 =	sshll.u32 s6, $0xE;
	s8 =	sadd.s32 s8, s4;
	s31 =	sshrl.u32 s5, $0x1  }
0xb: {  	s6 =	sshll.u32 s6, $0x4;
	s7 =	sadd.s32 s7, s4;
	s9 =	ssub.s32 s5, s31  }
0xc: {  	s10 =	sand.u32 $0x70, s6;
	s4 =	sadd.s32 $0x80600, s7;
	s5 =	sadd.s32 $0x81600, s7  }
0xd: {  	s6 =	sadd.s32 $0x82600, s7;
	s8 =	sadd.s32 s10, s8;
	s7 =	sadd.s32 $0x83600, s7  }
0xe: {  	v0 =	vimm.f32 $0.0e+00;
	v1 =	vimm.f32 $1.000000000e+00;
	s9 =	smax.u32 s9, $0x1;
	s10 =	simm.s32 $0x10000;
	s8 =	sadd.s32 $0x100600, s8  }
.LBB2_1:
0xf: {  	s19 =	simm.s32 $0x40;
	s20 =	simm.s32 $0x0  }
.LBB2_2:
0x10: {  	p0 =	sne.s32 s19, $0x3FC0;
	[tilespmem:s20+$0x10080] =	vst v0;
	s20 =	smov.u32 s19;
	s19 =	sadd.s32 $0x40, s19  }
.Ltmp0:
0x11: {  	(pc) =	sbr.rel @p0 .LBB2_2-.Ltmp0, $2  }
0x12: {  	_ =	sdelay $0x2  }
0x13: {  	s20 =	sshra.s32 s20, $0x2  }
0x14: {  	[tilespmem:s20+$0x10080] =	vst v0  }
0x15: {  	[tilespmem:s10], [sflag:$0x3] =	stream.linear.gather [hbm4b:s2+s3], $0x80, $0x38;
	[tilespmem:$0x11080] =	vst v63  }
0x16: {  	_ =	swait.ge [sflag:s11], $0x80  }
0x17: {  	[sflag:s11] =	ssyncset.done $0x0  }
0x18: {  	[sflag:s11] =	ssyncadd.s32 $0xFFFFFF80  }
0x19: {  	v2 =	vld [tilespmem:$0x10000];
	[tilespmem:s3], [sflag:$0x1] =	stream.linear.gather [hbm4b:s4+s3], $0x8000, $0x38  }
0x1a: {  	_ = 	snop  }
0x1b: {  	[tilespmem:s12], [sflag:$0x2] =	stream.linear.gather [hbm4b:s5+s3], $0x8000, $0x38;
	[tilespmem:$0x11080] =	vst v63  }
0x1c: {  	_ =	swait.ge [sflag:s13], $0x8000  }
0x1d: {  	[sflag:s13] =	ssyncset.done $0x0  }
0x1e: {  	s19 =	simm.s32 $0xFFFFFFF0;
	s20 =	simm.s32 $0x80;
	[sflag:s13] =	ssyncadd.s32 $0xFFFF8000  }
.LBB2_4:
0x1f: {  	v3 =	vld [tilespmem:s20+$0xFFFFFF80];
	_ =	sdelay $0x4  }
0x20: {  	v4 =	vshrl.u32 v3, $0x15  }
0x21: {  	v3 =	vshrl.u32 v3, $0x9;
	vm0 =	veq.s32 v4, v2  }
0x22: {  	v3 =	vand.u32 $0xFFF, v3;
	_ =	sdelay $0x4  }
0x23: {  	[tilespmem:v3+s14+$0x0] =	vst.idx.add.f32.msk vm0, v1  }
0x24: {  	v3 =	vld [tilespmem:s20+$0xFFFFFF90];
	_ =	sdelay $0x4  }
0x25: {  	v49 =	vshrl.u32 v3, $0x15  }
0x26: {  	v3 =	vshrl.u32 v3, $0x9;
	vm13 =	veq.s32 v49, v2  }
0x27: {  	v3 =	vand.u32 $0xFFF, v3;
	_ =	sdelay $0x4  }
0x28: {  	[tilespmem:v3+s14+$0x0] =	vst.idx.add.f32.msk vm13, v1  }
0x29: {  	v3 =	vld [tilespmem:s20+$0xFFFFFFA0];
	_ =	sdelay $0x4  }
0x2a: {  	v50 =	vshrl.u32 v3, $0x15  }
0x2b: {  	v3 =	vshrl.u32 v3, $0x9;
	vm14 =	veq.s32 v50, v2  }
0x2c: {  	v3 =	vand.u32 $0xFFF, v3;
	_ =	sdelay $0x4  }
0x2d: {  	[tilespmem:v3+s14+$0x0] =	vst.idx.add.f32.msk vm14, v1  }
0x2e: {  	v3 =	vld [tilespmem:s20+$0xFFFFFFB0];
	_ =	sdelay $0x4  }
0x2f: {  	v51 =	vshrl.u32 v3, $0x15  }
0x30: {  	v3 =	vshrl.u32 v3, $0x9;
	vm15 =	veq.s32 v51, v2  }
0x31: {  	v3 =	vand.u32 $0xFFF, v3;
	_ =	sdelay $0x4  }
0x32: {  	[tilespmem:v3+s14+$0x0] =	vst.idx.add.f32.msk vm15, v1  }
0x33: {  	v3 =	vld [tilespmem:s20+$0xFFFFFFC0];
	_ =	sdelay $0x4  }
0x34: {  	v52 =	vshrl.u32 v3, $0x15  }
0x35: {  	v3 =	vshrl.u32 v3, $0x9;
	vm4 =	veq.s32 v52, v2  }
0x36: {  	v3 =	vand.u32 $0xFFF, v3;
	_ =	sdelay $0x4  }
0x37: {  	[tilespmem:v3+s14+$0x0] =	vst.idx.add.f32.msk vm4, v1  }
0x38: {  	v3 =	vld [tilespmem:s20+$0xFFFFFFD0];
	_ =	sdelay $0x4  }
0x39: {  	v53 =	vshrl.u32 v3, $0x15  }
0x3a: {  	v3 =	vshrl.u32 v3, $0x9;
	vm5 =	veq.s32 v53, v2  }
0x3b: {  	v3 =	vand.u32 $0xFFF, v3;
	_ =	sdelay $0x4  }
0x3c: {  	[tilespmem:v3+s14+$0x0] =	vst.idx.add.f32.msk vm5, v1  }
0x3d: {  	v3 =	vld [tilespmem:s20+$0xFFFFFFE0];
	_ =	sdelay $0x4  }
0x3e: {  	v54 =	vshrl.u32 v3, $0x15  }
0x3f: {  	v3 =	vshrl.u32 v3, $0x9;
	vm6 =	veq.s32 v54, v2  }
0x40: {  	v3 =	vand.u32 $0xFFF, v3;
	_ =	sdelay $0x4  }
0x41: {  	[tilespmem:v3+s14+$0x0] =	vst.idx.add.f32.msk vm6, v1  }
0x42: {  	v3 =	vld [tilespmem:s20+$0xFFFFFFF0];
	_ =	sdelay $0x4  }
0x43: {  	v55 =	vshrl.u32 v3, $0x15  }
0x44: {  	v3 =	vshrl.u32 v3, $0x9;
	vm7 =	veq.s32 v55, v2  }
0x45: {  	v3 =	vand.u32 $0xFFF, v3;
	_ =	sdelay $0x4  }
0x46: {  	[tilespmem:v3+s14+$0x0] =	vst.idx.add.f32.msk vm7, v1  }
0x47: {  	v3 =	vld [tilespmem:s20+$0x0];
	_ =	sdelay $0x4  }
0x48: {  	v56 =	vshrl.u32 v3, $0x15  }
0x49: {  	v3 =	vshrl.u32 v3, $0x9;
	vm8 =	veq.s32 v56, v2  }
0x4a: {  	v3 =	vand.u32 $0xFFF, v3;
	_ =	sdelay $0x4  }
0x4b: {  	[tilespmem:v3+s14+$0x0] =	vst.idx.add.f32.msk vm8, v1  }
0x4c: {  	v3 =	vld [tilespmem:s20+$0x10];
	_ =	sdelay $0x4  }
0x4d: {  	v57 =	vshrl.u32 v3, $0x15  }
0x4e: {  	v3 =	vshrl.u32 v3, $0x9;
	vm9 =	veq.s32 v57, v2  }
0x4f: {  	v3 =	vand.u32 $0xFFF, v3;
	_ =	sdelay $0x4  }
0x50: {  	[tilespmem:v3+s14+$0x0] =	vst.idx.add.f32.msk vm9, v1  }
0x51: {  	v3 =	vld [tilespmem:s20+$0x20];
	_ =	sdelay $0x4  }
0x52: {  	v58 =	vshrl.u32 v3, $0x15  }
0x53: {  	v3 =	vshrl.u32 v3, $0x9;
	vm10 =	veq.s32 v58, v2  }
0x54: {  	v3 =	vand.u32 $0xFFF, v3;
	_ =	sdelay $0x4  }
0x55: {  	[tilespmem:v3+s14+$0x0] =	vst.idx.add.f32.msk vm10, v1  }
0x56: {  	v3 =	vld [tilespmem:s20+$0x30];
	_ =	sdelay $0x4  }
0x57: {  	v59 =	vshrl.u32 v3, $0x15  }
0x58: {  	v3 =	vshrl.u32 v3, $0x9;
	vm11 =	veq.s32 v59, v2  }
0x59: {  	v3 =	vand.u32 $0xFFF, v3;
	_ =	sdelay $0x4  }
0x5a: {  	[tilespmem:v3+s14+$0x0] =	vst.idx.add.f32.msk vm11, v1  }
0x5b: {  	v3 =	vld [tilespmem:s20+$0x40];
	_ =	sdelay $0x4  }
0x5c: {  	v60 =	vshrl.u32 v3, $0x15  }
0x5d: {  	v3 =	vshrl.u32 v3, $0x9;
	vm12 =	veq.s32 v60, v2  }
0x5e: {  	v3 =	vand.u32 $0xFFF, v3;
	_ =	sdelay $0x4  }
0x5f: {  	[tilespmem:v3+s14+$0x0] =	vst.idx.add.f32.msk vm12, v1  }
0x60: {  	v3 =	vld [tilespmem:s20+$0x50];
	_ =	sdelay $0x4  }
0x61: {  	v61 =	vshrl.u32 v3, $0x15  }
0x62: {  	v3 =	vshrl.u32 v3, $0x9;
	vm13 =	veq.s32 v61, v2  }
0x63: {  	v3 =	vand.u32 $0xFFF, v3;
	_ =	sdelay $0x4  }
0x64: {  	[tilespmem:v3+s14+$0x0] =	vst.idx.add.f32.msk vm13, v1  }
0x65: {  	v3 =	vld [tilespmem:s20+$0x60];
	_ =	sdelay $0x4  }
0x66: {  	v62 =	vshrl.u32 v3, $0x15  }
0x67: {  	v3 =	vshrl.u32 v3, $0x9;
	vm14 =	veq.s32 v62, v2  }
0x68: {  	v3 =	vand.u32 $0xFFF, v3;
	_ =	sdelay $0x4  }
0x69: {  	[tilespmem:v3+s14+$0x0] =	vst.idx.add.f32.msk vm14, v1  }
0x6a: {  	v3 =	vld [tilespmem:s20+$0x70];
	_ =	sdelay $0x4  }
0x6b: {  	v63 =	vshrl.u32 v3, $0x15  }
0x6c: {  	s19 =	sadd.s32 $0x10, s19;
	v3 =	vshrl.u32 v3, $0x9;
	vm15 =	veq.s32 v63, v2  }
0x6d: {  	p0 =	slt.u32 s19, $0x7F0;
	v3 =	vand.u32 $0xFFF, v3  }
.Ltmp1:
0x6e: {  	_ = 	snop;
	(pc) =	sbr.rel @p0 .LBB2_4-.Ltmp1, $2  }
0x6f: {  	_ =	sdelay $0x2  }
0x70: {  	s20 =	sadd.s32 $0x100, s20;
	[tilespmem:v3+s14+$0x0] =	vst.idx.add.f32.msk vm15, v1  }
0x71: {  	[tilespmem:s3], [sflag:$0x1] =	stream.linear.gather [hbm4b:s6+s3], $0x8000, $0x38;
	[tilespmem:$0x11080] =	vst v63  }
0x72: {  	_ =	swait.ge [sflag:s15], $0x8000  }
0x73: {  	[sflag:s15] =	ssyncset.done $0x0  }
0x74: {  	s19 =	simm.s32 $0xFFFFFFF0;
	s20 =	simm.s32 $0x8080;
	[sflag:s15] =	ssyncadd.s32 $0xFFFF8000  }
.LBB2_6:
0x75: {  	v3 =	vld [tilespmem:s20+$0xFFFFFF80];
	_ =	sdelay $0x4  }
0x76: {  	v4 =	vshrl.u32 v3, $0x15  }
0x77: {  	v3 =	vshrl.u32 v3, $0x9;
	vm0 =	veq.s32 v4, v2  }
0x78: {  	v3 =	vand.u32 $0xFFF, v3;
	_ =	sdelay $0x4  }
0x79: {  	[tilespmem:v3+s14+$0x0] =	vst.idx.add.f32.msk vm0, v1  }
0x7a: {  	v3 =	vld [tilespmem:s20+$0xFFFFFF90];
	_ =	sdelay $0x4  }
0x7b: {  	v49 =	vshrl.u32 v3, $0x15  }
0x7c: {  	v3 =	vshrl.u32 v3, $0x9;
	vm13 =	veq.s32 v49, v2  }
0x7d: {  	v3 =	vand.u32 $0xFFF, v3;
	_ =	sdelay $0x4  }
0x7e: {  	[tilespmem:v3+s14+$0x0] =	vst.idx.add.f32.msk vm13, v1  }
0x7f: {  	v3 =	vld [tilespmem:s20+$0xFFFFFFA0];
	_ =	sdelay $0x4  }
0x80: {  	v50 =	vshrl.u32 v3, $0x15  }
0x81: {  	v3 =	vshrl.u32 v3, $0x9;
	vm14 =	veq.s32 v50, v2  }
0x82: {  	v3 =	vand.u32 $0xFFF, v3;
	_ =	sdelay $0x4  }
0x83: {  	[tilespmem:v3+s14+$0x0] =	vst.idx.add.f32.msk vm14, v1  }
0x84: {  	v3 =	vld [tilespmem:s20+$0xFFFFFFB0];
	_ =	sdelay $0x4  }
0x85: {  	v51 =	vshrl.u32 v3, $0x15  }
0x86: {  	v3 =	vshrl.u32 v3, $0x9;
	vm15 =	veq.s32 v51, v2  }
0x87: {  	v3 =	vand.u32 $0xFFF, v3;
	_ =	sdelay $0x4  }
0x88: {  	[tilespmem:v3+s14+$0x0] =	vst.idx.add.f32.msk vm15, v1  }
0x89: {  	v3 =	vld [tilespmem:s20+$0xFFFFFFC0];
	_ =	sdelay $0x4  }
0x8a: {  	v52 =	vshrl.u32 v3, $0x15  }
0x8b: {  	v3 =	vshrl.u32 v3, $0x9;
	vm4 =	veq.s32 v52, v2  }
0x8c: {  	v3 =	vand.u32 $0xFFF, v3;
	_ =	sdelay $0x4  }
0x8d: {  	[tilespmem:v3+s14+$0x0] =	vst.idx.add.f32.msk vm4, v1  }
0x8e: {  	v3 =	vld [tilespmem:s20+$0xFFFFFFD0];
	_ =	sdelay $0x4  }
0x8f: {  	v53 =	vshrl.u32 v3, $0x15  }
0x90: {  	v3 =	vshrl.u32 v3, $0x9;
	vm5 =	veq.s32 v53, v2  }
0x91: {  	v3 =	vand.u32 $0xFFF, v3;
	_ =	sdelay $0x4  }
0x92: {  	[tilespmem:v3+s14+$0x0] =	vst.idx.add.f32.msk vm5, v1  }
0x93: {  	v3 =	vld [tilespmem:s20+$0xFFFFFFE0];
	_ =	sdelay $0x4  }
0x94: {  	v54 =	vshrl.u32 v3, $0x15  }
0x95: {  	v3 =	vshrl.u32 v3, $0x9;
	vm6 =	veq.s32 v54, v2  }
0x96: {  	v3 =	vand.u32 $0xFFF, v3;
	_ =	sdelay $0x4  }
0x97: {  	[tilespmem:v3+s14+$0x0] =	vst.idx.add.f32.msk vm6, v1  }
0x98: {  	v3 =	vld [tilespmem:s20+$0xFFFFFFF0];
	_ =	sdelay $0x4  }
0x99: {  	v55 =	vshrl.u32 v3, $0x15  }
0x9a: {  	v3 =	vshrl.u32 v3, $0x9;
	vm7 =	veq.s32 v55, v2  }
0x9b: {  	v3 =	vand.u32 $0xFFF, v3;
	_ =	sdelay $0x4  }
0x9c: {  	[tilespmem:v3+s14+$0x0] =	vst.idx.add.f32.msk vm7, v1  }
0x9d: {  	v3 =	vld [tilespmem:s20+$0x0];
	_ =	sdelay $0x4  }
0x9e: {  	v56 =	vshrl.u32 v3, $0x15  }
0x9f: {  	v3 =	vshrl.u32 v3, $0x9;
	vm8 =	veq.s32 v56, v2  }
0xa0: {  	v3 =	vand.u32 $0xFFF, v3;
	_ =	sdelay $0x4  }
0xa1: {  	[tilespmem:v3+s14+$0x0] =	vst.idx.add.f32.msk vm8, v1  }
0xa2: {  	v3 =	vld [tilespmem:s20+$0x10];
	_ =	sdelay $0x4  }
0xa3: {  	v57 =	vshrl.u32 v3, $0x15  }
0xa4: {  	v3 =	vshrl.u32 v3, $0x9;
	vm9 =	veq.s32 v57, v2  }
0xa5: {  	v3 =	vand.u32 $0xFFF, v3;
	_ =	sdelay $0x4  }
0xa6: {  	[tilespmem:v3+s14+$0x0] =	vst.idx.add.f32.msk vm9, v1  }
0xa7: {  	v3 =	vld [tilespmem:s20+$0x20];
	_ =	sdelay $0x4  }
0xa8: {  	v58 =	vshrl.u32 v3, $0x15  }
0xa9: {  	v3 =	vshrl.u32 v3, $0x9;
	vm10 =	veq.s32 v58, v2  }
0xaa: {  	v3 =	vand.u32 $0xFFF, v3;
	_ =	sdelay $0x4  }
0xab: {  	[tilespmem:v3+s14+$0x0] =	vst.idx.add.f32.msk vm10, v1  }
0xac: {  	v3 =	vld [tilespmem:s20+$0x30];
	_ =	sdelay $0x4  }
0xad: {  	v59 =	vshrl.u32 v3, $0x15  }
0xae: {  	v3 =	vshrl.u32 v3, $0x9;
	vm11 =	veq.s32 v59, v2  }
0xaf: {  	v3 =	vand.u32 $0xFFF, v3;
	_ =	sdelay $0x4  }
0xb0: {  	[tilespmem:v3+s14+$0x0] =	vst.idx.add.f32.msk vm11, v1  }
0xb1: {  	v3 =	vld [tilespmem:s20+$0x40];
	_ =	sdelay $0x4  }
0xb2: {  	v60 =	vshrl.u32 v3, $0x15  }
0xb3: {  	v3 =	vshrl.u32 v3, $0x9;
	vm12 =	veq.s32 v60, v2  }
0xb4: {  	v3 =	vand.u32 $0xFFF, v3;
	_ =	sdelay $0x4  }
0xb5: {  	[tilespmem:v3+s14+$0x0] =	vst.idx.add.f32.msk vm12, v1  }
0xb6: {  	v3 =	vld [tilespmem:s20+$0x50];
	_ =	sdelay $0x4  }
0xb7: {  	v61 =	vshrl.u32 v3, $0x15  }
0xb8: {  	v3 =	vshrl.u32 v3, $0x9;
	vm13 =	veq.s32 v61, v2  }
0xb9: {  	v3 =	vand.u32 $0xFFF, v3;
	_ =	sdelay $0x4  }
0xba: {  	[tilespmem:v3+s14+$0x0] =	vst.idx.add.f32.msk vm13, v1  }
0xbb: {  	v3 =	vld [tilespmem:s20+$0x60];
	_ =	sdelay $0x4  }
0xbc: {  	v62 =	vshrl.u32 v3, $0x15  }
0xbd: {  	v3 =	vshrl.u32 v3, $0x9;
	vm14 =	veq.s32 v62, v2  }
0xbe: {  	v3 =	vand.u32 $0xFFF, v3;
	_ =	sdelay $0x4  }
0xbf: {  	[tilespmem:v3+s14+$0x0] =	vst.idx.add.f32.msk vm14, v1  }
0xc0: {  	v3 =	vld [tilespmem:s20+$0x70];
	_ =	sdelay $0x4  }
0xc1: {  	v63 =	vshrl.u32 v3, $0x15  }
0xc2: {  	s19 =	sadd.s32 $0x10, s19;
	v3 =	vshrl.u32 v3, $0x9;
	vm15 =	veq.s32 v63, v2  }
0xc3: {  	p0 =	slt.u32 s19, $0x7F0;
	v3 =	vand.u32 $0xFFF, v3  }
.Ltmp2:
0xc4: {  	_ = 	snop;
	(pc) =	sbr.rel @p0 .LBB2_6-.Ltmp2, $2  }
0xc5: {  	_ =	sdelay $0x2  }
0xc6: {  	s20 =	sadd.s32 $0x100, s20;
	[tilespmem:v3+s14+$0x0] =	vst.idx.add.f32.msk vm15, v1  }
0xc7: {  	[tilespmem:s12], [sflag:$0x2] =	stream.linear.gather [hbm4b:s7+s3], $0x8000, $0x38;
	[tilespmem:$0x11080] =	vst v63  }
0xc8: {  	_ =	swait.ge [sflag:s13], $0x8000  }
0xc9: {  	[sflag:s13] =	ssyncset.done $0x0  }
0xca: {  	s19 =	simm.s32 $0xFFFFFFF0;
	s20 =	simm.s32 $0x80;
	[sflag:s13] =	ssyncadd.s32 $0xFFFF8000  }
.LBB2_8:
0xcb: {  	v3 =	vld [tilespmem:s20+$0xFFFFFF80];
	_ =	sdelay $0x4  }
0xcc: {  	v4 =	vshrl.u32 v3, $0x15  }
0xcd: {  	v3 =	vshrl.u32 v3, $0x9;
	vm0 =	veq.s32 v4, v2  }
0xce: {  	v3 =	vand.u32 $0xFFF, v3;
	_ =	sdelay $0x4  }
0xcf: {  	[tilespmem:v3+s14+$0x0] =	vst.idx.add.f32.msk vm0, v1  }
0xd0: {  	v3 =	vld [tilespmem:s20+$0xFFFFFF90];
	_ =	sdelay $0x4  }
0xd1: {  	v49 =	vshrl.u32 v3, $0x15  }
0xd2: {  	v3 =	vshrl.u32 v3, $0x9;
	vm13 =	veq.s32 v49, v2  }
0xd3: {  	v3 =	vand.u32 $0xFFF, v3;
	_ =	sdelay $0x4  }
0xd4: {  	[tilespmem:v3+s14+$0x0] =	vst.idx.add.f32.msk vm13, v1  }
0xd5: {  	v3 =	vld [tilespmem:s20+$0xFFFFFFA0];
	_ =	sdelay $0x4  }
0xd6: {  	v50 =	vshrl.u32 v3, $0x15  }
0xd7: {  	v3 =	vshrl.u32 v3, $0x9;
	vm14 =	veq.s32 v50, v2  }
0xd8: {  	v3 =	vand.u32 $0xFFF, v3;
	_ =	sdelay $0x4  }
0xd9: {  	[tilespmem:v3+s14+$0x0] =	vst.idx.add.f32.msk vm14, v1  }
0xda: {  	v3 =	vld [tilespmem:s20+$0xFFFFFFB0];
	_ =	sdelay $0x4  }
0xdb: {  	v51 =	vshrl.u32 v3, $0x15  }
0xdc: {  	v3 =	vshrl.u32 v3, $0x9;
	vm15 =	veq.s32 v51, v2  }
0xdd: {  	v3 =	vand.u32 $0xFFF, v3;
	_ =	sdelay $0x4  }
0xde: {  	[tilespmem:v3+s14+$0x0] =	vst.idx.add.f32.msk vm15, v1  }
0xdf: {  	v3 =	vld [tilespmem:s20+$0xFFFFFFC0];
	_ =	sdelay $0x4  }
0xe0: {  	v52 =	vshrl.u32 v3, $0x15  }
0xe1: {  	v3 =	vshrl.u32 v3, $0x9;
	vm4 =	veq.s32 v52, v2  }
0xe2: {  	v3 =	vand.u32 $0xFFF, v3;
	_ =	sdelay $0x4  }
0xe3: {  	[tilespmem:v3+s14+$0x0] =	vst.idx.add.f32.msk vm4, v1  }
0xe4: {  	v3 =	vld [tilespmem:s20+$0xFFFFFFD0];
	_ =	sdelay $0x4  }
0xe5: {  	v53 =	vshrl.u32 v3, $0x15  }
0xe6: {  	v3 =	vshrl.u32 v3, $0x9;
	vm5 =	veq.s32 v53, v2  }
0xe7: {  	v3 =	vand.u32 $0xFFF, v3;
	_ =	sdelay $0x4  }
0xe8: {  	[tilespmem:v3+s14+$0x0] =	vst.idx.add.f32.msk vm5, v1  }
0xe9: {  	v3 =	vld [tilespmem:s20+$0xFFFFFFE0];
	_ =	sdelay $0x4  }
0xea: {  	v54 =	vshrl.u32 v3, $0x15  }
0xeb: {  	v3 =	vshrl.u32 v3, $0x9;
	vm6 =	veq.s32 v54, v2  }
0xec: {  	v3 =	vand.u32 $0xFFF, v3;
	_ =	sdelay $0x4  }
0xed: {  	[tilespmem:v3+s14+$0x0] =	vst.idx.add.f32.msk vm6, v1  }
0xee: {  	v3 =	vld [tilespmem:s20+$0xFFFFFFF0];
	_ =	sdelay $0x4  }
0xef: {  	v55 =	vshrl.u32 v3, $0x15  }
0xf0: {  	v3 =	vshrl.u32 v3, $0x9;
	vm7 =	veq.s32 v55, v2  }
0xf1: {  	v3 =	vand.u32 $0xFFF, v3;
	_ =	sdelay $0x4  }
0xf2: {  	[tilespmem:v3+s14+$0x0] =	vst.idx.add.f32.msk vm7, v1  }
0xf3: {  	v3 =	vld [tilespmem:s20+$0x0];
	_ =	sdelay $0x4  }
0xf4: {  	v56 =	vshrl.u32 v3, $0x15  }
0xf5: {  	v3 =	vshrl.u32 v3, $0x9;
	vm8 =	veq.s32 v56, v2  }
0xf6: {  	v3 =	vand.u32 $0xFFF, v3;
	_ =	sdelay $0x4  }
0xf7: {  	[tilespmem:v3+s14+$0x0] =	vst.idx.add.f32.msk vm8, v1  }
0xf8: {  	v3 =	vld [tilespmem:s20+$0x10];
	_ =	sdelay $0x4  }
0xf9: {  	v57 =	vshrl.u32 v3, $0x15  }
0xfa: {  	v3 =	vshrl.u32 v3, $0x9;
	vm9 =	veq.s32 v57, v2  }
0xfb: {  	v3 =	vand.u32 $0xFFF, v3;
	_ =	sdelay $0x4  }
0xfc: {  	[tilespmem:v3+s14+$0x0] =	vst.idx.add.f32.msk vm9, v1  }
0xfd: {  	v3 =	vld [tilespmem:s20+$0x20];
	_ =	sdelay $0x4  }
0xfe: {  	v58 =	vshrl.u32 v3, $0x15  }
0xff: {  	v3 =	vshrl.u32 v3, $0x9;
	vm10 =	veq.s32 v58, v2  }
0x100: {  	v3 =	vand.u32 $0xFFF, v3;
	_ =	sdelay $0x4  }
0x101: {  	[tilespmem:v3+s14+$0x0] =	vst.idx.add.f32.msk vm10, v1  }
0x102: {  	v3 =	vld [tilespmem:s20+$0x30];
	_ =	sdelay $0x4  }
0x103: {  	v59 =	vshrl.u32 v3, $0x15  }
0x104: {  	v3 =	vshrl.u32 v3, $0x9;
	vm11 =	veq.s32 v59, v2  }
0x105: {  	v3 =	vand.u32 $0xFFF, v3;
	_ =	sdelay $0x4  }
0x106: {  	[tilespmem:v3+s14+$0x0] =	vst.idx.add.f32.msk vm11, v1  }
0x107: {  	v3 =	vld [tilespmem:s20+$0x40];
	_ =	sdelay $0x4  }
0x108: {  	v60 =	vshrl.u32 v3, $0x15  }
0x109: {  	v3 =	vshrl.u32 v3, $0x9;
	vm12 =	veq.s32 v60, v2  }
0x10a: {  	v3 =	vand.u32 $0xFFF, v3;
	_ =	sdelay $0x4  }
0x10b: {  	[tilespmem:v3+s14+$0x0] =	vst.idx.add.f32.msk vm12, v1  }
0x10c: {  	v3 =	vld [tilespmem:s20+$0x50];
	_ =	sdelay $0x4  }
0x10d: {  	v61 =	vshrl.u32 v3, $0x15  }
0x10e: {  	v3 =	vshrl.u32 v3, $0x9;
	vm13 =	veq.s32 v61, v2  }
0x10f: {  	v3 =	vand.u32 $0xFFF, v3;
	_ =	sdelay $0x4  }
0x110: {  	[tilespmem:v3+s14+$0x0] =	vst.idx.add.f32.msk vm13, v1  }
0x111: {  	v3 =	vld [tilespmem:s20+$0x60];
	_ =	sdelay $0x4  }
0x112: {  	v62 =	vshrl.u32 v3, $0x15  }
0x113: {  	v3 =	vshrl.u32 v3, $0x9;
	vm14 =	veq.s32 v62, v2  }
0x114: {  	v3 =	vand.u32 $0xFFF, v3;
	_ =	sdelay $0x4  }
0x115: {  	[tilespmem:v3+s14+$0x0] =	vst.idx.add.f32.msk vm14, v1  }
0x116: {  	v3 =	vld [tilespmem:s20+$0x70];
	_ =	sdelay $0x4  }
0x117: {  	v63 =	vshrl.u32 v3, $0x15  }
0x118: {  	s19 =	sadd.s32 $0x10, s19;
	v3 =	vshrl.u32 v3, $0x9;
	vm15 =	veq.s32 v63, v2  }
0x119: {  	p0 =	slt.u32 s19, $0x7F0;
	v3 =	vand.u32 $0xFFF, v3  }
.Ltmp3:
0x11a: {  	_ = 	snop;
	(pc) =	sbr.rel @p0 .LBB2_8-.Ltmp3, $2  }
0x11b: {  	_ =	sdelay $0x2  }
0x11c: {  	s20 =	sadd.s32 $0x100, s20;
	[tilespmem:v3+s14+$0x0] =	vst.idx.add.f32.msk vm15, v1  }
0x11d: {  	_ =	swait.ge [sflag:s15], $0x8000  }
0x11e: {  	[sflag:s15] =	ssyncset.done $0x0  }
0x11f: {  	s19 =	simm.s32 $0xFFFFFFF0;
	s20 =	simm.s32 $0x8080;
	[sflag:s15] =	ssyncadd.s32 $0xFFFF8000  }
.LBB2_10:
0x120: {  	v3 =	vld [tilespmem:s20+$0xFFFFFF80];
	_ =	sdelay $0x4  }
0x121: {  	v4 =	vshrl.u32 v3, $0x15  }
0x122: {  	v3 =	vshrl.u32 v3, $0x9;
	vm0 =	veq.s32 v4, v2  }
0x123: {  	v3 =	vand.u32 $0xFFF, v3;
	_ =	sdelay $0x4  }
0x124: {  	[tilespmem:v3+s14+$0x0] =	vst.idx.add.f32.msk vm0, v1  }
0x125: {  	v3 =	vld [tilespmem:s20+$0xFFFFFF90];
	_ =	sdelay $0x4  }
0x126: {  	v49 =	vshrl.u32 v3, $0x15  }
0x127: {  	v3 =	vshrl.u32 v3, $0x9;
	vm13 =	veq.s32 v49, v2  }
0x128: {  	v3 =	vand.u32 $0xFFF, v3;
	_ =	sdelay $0x4  }
0x129: {  	[tilespmem:v3+s14+$0x0] =	vst.idx.add.f32.msk vm13, v1  }
0x12a: {  	v3 =	vld [tilespmem:s20+$0xFFFFFFA0];
	_ =	sdelay $0x4  }
0x12b: {  	v50 =	vshrl.u32 v3, $0x15  }
0x12c: {  	v3 =	vshrl.u32 v3, $0x9;
	vm14 =	veq.s32 v50, v2  }
0x12d: {  	v3 =	vand.u32 $0xFFF, v3;
	_ =	sdelay $0x4  }
0x12e: {  	[tilespmem:v3+s14+$0x0] =	vst.idx.add.f32.msk vm14, v1  }
0x12f: {  	v3 =	vld [tilespmem:s20+$0xFFFFFFB0];
	_ =	sdelay $0x4  }
0x130: {  	v51 =	vshrl.u32 v3, $0x15  }
0x131: {  	v3 =	vshrl.u32 v3, $0x9;
	vm15 =	veq.s32 v51, v2  }
0x132: {  	v3 =	vand.u32 $0xFFF, v3;
	_ =	sdelay $0x4  }
0x133: {  	[tilespmem:v3+s14+$0x0] =	vst.idx.add.f32.msk vm15, v1  }
0x134: {  	v3 =	vld [tilespmem:s20+$0xFFFFFFC0];
	_ =	sdelay $0x4  }
0x135: {  	v52 =	vshrl.u32 v3, $0x15  }
0x136: {  	v3 =	vshrl.u32 v3, $0x9;
	vm4 =	veq.s32 v52, v2  }
0x137: {  	v3 =	vand.u32 $0xFFF, v3;
	_ =	sdelay $0x4  }
0x138: {  	[tilespmem:v3+s14+$0x0] =	vst.idx.add.f32.msk vm4, v1  }
0x139: {  	v3 =	vld [tilespmem:s20+$0xFFFFFFD0];
	_ =	sdelay $0x4  }
0x13a: {  	v53 =	vshrl.u32 v3, $0x15  }
0x13b: {  	v3 =	vshrl.u32 v3, $0x9;
	vm5 =	veq.s32 v53, v2  }
0x13c: {  	v3 =	vand.u32 $0xFFF, v3;
	_ =	sdelay $0x4  }
0x13d: {  	[tilespmem:v3+s14+$0x0] =	vst.idx.add.f32.msk vm5, v1  }
0x13e: {  	v3 =	vld [tilespmem:s20+$0xFFFFFFE0];
	_ =	sdelay $0x4  }
0x13f: {  	v54 =	vshrl.u32 v3, $0x15  }
0x140: {  	v3 =	vshrl.u32 v3, $0x9;
	vm6 =	veq.s32 v54, v2  }
0x141: {  	v3 =	vand.u32 $0xFFF, v3;
	_ =	sdelay $0x4  }
0x142: {  	[tilespmem:v3+s14+$0x0] =	vst.idx.add.f32.msk vm6, v1  }
0x143: {  	v3 =	vld [tilespmem:s20+$0xFFFFFFF0];
	_ =	sdelay $0x4  }
0x144: {  	v55 =	vshrl.u32 v3, $0x15  }
0x145: {  	v3 =	vshrl.u32 v3, $0x9;
	vm7 =	veq.s32 v55, v2  }
0x146: {  	v3 =	vand.u32 $0xFFF, v3;
	_ =	sdelay $0x4  }
0x147: {  	[tilespmem:v3+s14+$0x0] =	vst.idx.add.f32.msk vm7, v1  }
0x148: {  	v3 =	vld [tilespmem:s20+$0x0];
	_ =	sdelay $0x4  }
0x149: {  	v56 =	vshrl.u32 v3, $0x15  }
0x14a: {  	v3 =	vshrl.u32 v3, $0x9;
	vm8 =	veq.s32 v56, v2  }
0x14b: {  	v3 =	vand.u32 $0xFFF, v3;
	_ =	sdelay $0x4  }
0x14c: {  	[tilespmem:v3+s14+$0x0] =	vst.idx.add.f32.msk vm8, v1  }
0x14d: {  	v3 =	vld [tilespmem:s20+$0x10];
	_ =	sdelay $0x4  }
0x14e: {  	v57 =	vshrl.u32 v3, $0x15  }
0x14f: {  	v3 =	vshrl.u32 v3, $0x9;
	vm9 =	veq.s32 v57, v2  }
0x150: {  	v3 =	vand.u32 $0xFFF, v3;
	_ =	sdelay $0x4  }
0x151: {  	[tilespmem:v3+s14+$0x0] =	vst.idx.add.f32.msk vm9, v1  }
0x152: {  	v3 =	vld [tilespmem:s20+$0x20];
	_ =	sdelay $0x4  }
0x153: {  	v58 =	vshrl.u32 v3, $0x15  }
0x154: {  	v3 =	vshrl.u32 v3, $0x9;
	vm10 =	veq.s32 v58, v2  }
0x155: {  	v3 =	vand.u32 $0xFFF, v3;
	_ =	sdelay $0x4  }
0x156: {  	[tilespmem:v3+s14+$0x0] =	vst.idx.add.f32.msk vm10, v1  }
0x157: {  	v3 =	vld [tilespmem:s20+$0x30];
	_ =	sdelay $0x4  }
0x158: {  	v59 =	vshrl.u32 v3, $0x15  }
0x159: {  	v3 =	vshrl.u32 v3, $0x9;
	vm11 =	veq.s32 v59, v2  }
0x15a: {  	v3 =	vand.u32 $0xFFF, v3;
	_ =	sdelay $0x4  }
0x15b: {  	[tilespmem:v3+s14+$0x0] =	vst.idx.add.f32.msk vm11, v1  }
0x15c: {  	v3 =	vld [tilespmem:s20+$0x40];
	_ =	sdelay $0x4  }
0x15d: {  	v60 =	vshrl.u32 v3, $0x15  }
0x15e: {  	v3 =	vshrl.u32 v3, $0x9;
	vm12 =	veq.s32 v60, v2  }
0x15f: {  	v3 =	vand.u32 $0xFFF, v3;
	_ =	sdelay $0x4  }
0x160: {  	[tilespmem:v3+s14+$0x0] =	vst.idx.add.f32.msk vm12, v1  }
0x161: {  	v3 =	vld [tilespmem:s20+$0x50];
	_ =	sdelay $0x4  }
0x162: {  	v61 =	vshrl.u32 v3, $0x15  }
0x163: {  	v3 =	vshrl.u32 v3, $0x9;
	vm13 =	veq.s32 v61, v2  }
0x164: {  	v3 =	vand.u32 $0xFFF, v3;
	_ =	sdelay $0x4  }
0x165: {  	[tilespmem:v3+s14+$0x0] =	vst.idx.add.f32.msk vm13, v1  }
0x166: {  	v3 =	vld [tilespmem:s20+$0x60];
	_ =	sdelay $0x4  }
0x167: {  	v62 =	vshrl.u32 v3, $0x15  }
0x168: {  	v3 =	vshrl.u32 v3, $0x9;
	vm14 =	veq.s32 v62, v2  }
0x169: {  	v3 =	vand.u32 $0xFFF, v3;
	_ =	sdelay $0x4  }
0x16a: {  	[tilespmem:v3+s14+$0x0] =	vst.idx.add.f32.msk vm14, v1  }
0x16b: {  	v3 =	vld [tilespmem:s20+$0x70];
	_ =	sdelay $0x4  }
0x16c: {  	v63 =	vshrl.u32 v3, $0x15  }
0x16d: {  	s19 =	sadd.s32 $0x10, s19;
	v3 =	vshrl.u32 v3, $0x9;
	vm15 =	veq.s32 v63, v2  }
0x16e: {  	p0 =	slt.u32 s19, $0x7F0;
	v3 =	vand.u32 $0xFFF, v3  }
.Ltmp4:
0x16f: {  	_ = 	snop;
	(pc) =	sbr.rel @p0 .LBB2_10-.Ltmp4, $2  }
0x170: {  	_ =	sdelay $0x2  }
0x171: {  	s20 =	sadd.s32 $0x100, s20;
	[tilespmem:v3+s14+$0x0] =	vst.idx.add.f32.msk vm15, v1  }
0x172: {  	s18 =	sadd.s32 $0x1, s18  }
0x173: {  	p0 =	sne.s32 s18, s9  }
.Ltmp5:
0x174: {  	_ = 	snop;
	(pc) =	sbr.rel @p0 .LBB2_1-.Ltmp5, $4  }
0x175: {  	[hbm4b:s8+s16] =	stream.strided.scatter [tilespmem:s14], [sflag:$0x3], $0x1000, s17, s16, $0x38;
	[tilespmem:$0x11080] =	vst v63  }
0x176: {  	_ =	swait.ge [sflag:s11], $0x1000  }
0x177: {  	[sflag:s11] =	ssyncset.done $0x0  }
0x178: {  	[sflag:s11] =	ssyncadd.s32 $0xFFFFF000  }
0x179: {  	_ =	sfence.sel $0x180000  }
0x17a: {  	[bflag:$0x0] =	sbarrier.arrive $0xFFFF  }
0x17b: {  	p0 =	sne.s32 s1, $0x0;
	_ =	strace $0x9000004A  }
0x17c: {  	s0 =	sadd.s32 @!p0 $0x100000, s0;
	[bflag:$0x2] =	sbarrier.arrive $0xFFFF  }
0x17d: {  	[sflag:s0] =	ssyncadd.tile.s32 @!p0 $0x1;
	_ =	shalt  }
.Lfunc_end2:
_tile_overlayer_lowered:
.L_overlay_start_2:
0x17e: {  	(tag) =	ssettag $0x2  }
0x17f: {  	s0 =	rddreg [dreg:$0x0];
	s2 =	stileid.u32  }
0x180: {  	s1 =	rddreg [dreg:$0x1];
	p0 =	sne.s32 s2, $0x0  }
0x181: {  	s3 =	rddreg [dreg:$0x2];
	[bflag:$0x3] =	sbarrier.arrive $0xFFFF;
	s2 =	simm.s32 @!p0 $0x1C03  }
0x182: {  	[timem:s3], [sflag:s2] =	dma.local @!p0 [hbm:s0], s1  }
0x183: {  	s0 =	simm.s32 @!p0 $0x3  }
0x184: {  	_ =	swait.ge @!p0 [sflag:s0], s1  }
0x185: {  	s1 =	ssub.s32 @!p0 $0x0, s1;
	[sflag:s0] =	ssyncset.done @!p0 $0x0  }
0x186: {  	[sflag:s0] =	ssyncadd.s32 @!p0 s1  }
0x187: {  	[bflag:$0x3] =	sbarrier.arrive $0xFFFF  }
0x188: {  	_ =	shalt  }

// kernel: kernel.8.cloned.1.call-start
scs
__scs_entry_jumppad:
0x0: {  	(pc) =	sbr.rel $0x88, $3  }
0x1: {  	(tag) =	ssettag $0x0;
	lr =	simm.s32 $0x1  }
0x2: {  	[smem:$0x3F9F] =	sst lr;
	_ =	strace $0xD0000000  }
0x3: {  	_ = 	snop  }
0x4: {  	_ = 	snop  }
0x5: {  	_ = 	snop  }
0x6: {  	_ = 	snop  }
0x7: {  	_ = 	snop  }
__scs_overlays_trampoline_lowered:
0x8: {  	[smem:$0x3FAE] =	sst s0  }
0x9: {  	[smem:$0x3FAF] =	sst s1  }
0xa: {  	[smem:$0x3FB0] =	sst s2  }
0xb: {  	[smem:$0x3FB1] =	sst s3  }
0xc: {  	[smem:$0x3FB2] =	sst s4  }
0xd: {  	[smem:$0x3FB3] =	sst s5  }
0xe: {  	[smem:$0x3FB4] =	sst s6  }
0xf: {  	[smem:$0x3FB5] =	sst s7  }
0x10: {  	[smem:$0x3FB6] =	sst s8  }
0x11: {  	[smem:$0x3FB7] =	sst s9;
	s0 =	simm.s32 @!p0 $0x0  }
0x12: {  	s1 =	sld [smem:$0x3F9D];
	s0 =	simm.s32 @p0 $0x1  }
0x13: {  	[smem:$0x3FB8] =	sst s0;
	s0 =	simm.s32 @!p1 $0x0  }
0x14: {  	s2 =	sld [smem:$0x3F9C];
	s0 =	simm.s32 @p1 $0x1  }
0x15: {  	[smem:$0x3FB9] =	sst s0;
	s0 =	simm.s32 @!p2 $0x0  }
0x16: {  	s3 =	sld [smem:$0x3FDB];
	s0 =	simm.s32 @p2 $0x1  }
0x17: {  	s4 =	simm.s32 $0x1BF5;
	[smem:$0x3FBB] =	sst s0  }
0x18: {  	s0 =	sld [smem:$0x3F9E];
	_ =	swait.ge [sflag:s4], $0x0  }
0x19: {  	s7 =	sld [smem:$0x3F9F]  }
0x1a: {  	s8 =	sadd.s32 $0xFFFFE003, lr  }
0x1b: {  	s9 =	sadd.s32 $0xFFFFFEF7, lr;
	s5 =	simm.s32 $0xFFFFFFFF;
	p2 =	slt.u32 s8, $0xFFFFF086  }
0x1c: {  	p1 =	slt.u32 s9, $0xF7A;
	s5 =	simm.s32 @!p2 $0x0  }
0x1d: {  	s5 =	simm.s32 @p1 $0x1;
	p0 =	seq.s32 s7, s2  }
0x1e: {  	s7 =	smul.u32 @!p0 $0xF7A, s2;
	p2 =	seq.s32 @!p0 s5, $0x0  }
0x1f: {  	s9 =	smul.u32 $0xF7A, s1;
	s8 =	simm.s32 @!p0 $0x1BF5;
	p2 =	por !p2, p0  }
0x20: {  	[sflag:s8] =	ssyncset.s32 @!p0 $0xFFFFF086;
	s6 =	sadd.s32 @!p0 s3, s7;
	s7 =	simm.s32 @!p0 $0x108  }
0x21: {  	s3 =	sadd.s32 s3, s9;
	s6 =	sadd.s32 @!p0 $0x88, s6;
	s7 =	simm.s32 @p2 $0x1082  }
0x22: {  	[simem:s7], [sflag:s8] =	dma.local @!p0 [hbm:s6], $0xF7A  }
0x23: {  	s9 =	sor.u32 $0xD0000000, s2;
	s6 =	simm.s32 $0x108;
	_ =	swait.ge @!p0 [sflag:s8], $0x0  }
0x24: {  	s3 =	sadd.s32 $0x88, s3;
	s6 =	simm.s32 @!p1 $0x1082;
	[sflag:s4] =	ssyncset.s32 $0xFFFFF086  }
0x25: {  	[simem:s6], [sflag:s4] =	dma.local [hbm:s3], $0xF7A  }
0x26: {  	[smem:$0x3F9F] =	sst s1;
	(tag) =	ssettag s2;
	_ =	strace s9  }
0x27: {  	s1 =	sld [smem:$0x3FAF]  }
0x28: {  	s2 =	sld [smem:$0x3FB0]  }
0x29: {  	s4 =	sld [smem:$0x3FB2]  }
0x2a: {  	p0 =	seq.s32 s5, $0x0;
	s5 =	sld [smem:$0x3FB3]  }
0x2b: {  	s6 =	sld [smem:$0x3FB4]  }
0x2c: {  	s7 =	sld [smem:$0x3FB5]  }
0x2d: {  	s3 =	simm.s32 $0x108;
	s8 =	sld [smem:$0x3FB6]  }
0x2e: {  	s3 =	simm.s32 @!p0 $0x1082;
	s9 =	sld [smem:$0x3FB7]  }
0x2f: {  	lr =	sadd.s32 s0, s3;
	s0 =	sld [smem:$0x3FAE]  }
0x30: {  	s3 =	sld [smem:$0x3FB1]  }
0x31: {  	[smem:$0x3FBA] =	sst s10  }
0x32: {  	s10 =	sld [smem:$0x3FB8];
	_ =	sdelay $0x3  }
0x33: {  	p0 =	seq.s32 s10, $0x1;
	s10 =	sld [smem:$0x3FBA];
	_ =	sdelay $0x3  }
0x34: {  	[smem:$0x3FBA] =	sst s10  }
0x35: {  	s10 =	sld [smem:$0x3FB9];
	_ =	sdelay $0x3  }
0x36: {  	p1 =	seq.s32 s10, $0x1;
	s10 =	sld [smem:$0x3FBA];
	_ =	sdelay $0x3  }
0x37: {  	[smem:$0x3FBA] =	sst s10  }
0x38: {  	s10 =	sld [smem:$0x3FBB]  }
0x39: {  	_ = 	snop;
	(pc) =	sbr.ind lr, $3  }
0x3a: {  	_ = 	snop  }
0x3b: {  	_ = 	snop  }
0x3c: {  	p2 =	seq.s32 s10, $0x1;
	s10 =	sld [smem:$0x3FBA]  }
0x3d: {  	_ =	shalt  }
0x3e: {  	_ =	shalt  }
0x3f: {  	_ =	shalt  }
0x40: {  	_ =	shalt  }
0x41: {  	_ =	shalt  }
0x42: {  	_ =	shalt  }
0x43: {  	_ =	shalt  }
0x44: {  	_ =	shalt  }
0x45: {  	_ =	shalt  }
0x46: {  	_ =	shalt  }
0x47: {  	_ =	shalt  }
0x48: {  	_ =	shalt  }
0x49: {  	_ =	shalt  }
0x4a: {  	_ =	shalt  }
0x4b: {  	_ =	shalt  }
0x4c: {  	_ =	shalt  }
0x4d: {  	_ =	shalt  }
0x4e: {  	_ =	shalt  }
0x4f: {  	_ =	shalt  }
0x50: {  	_ =	shalt  }
0x51: {  	_ =	shalt  }
0x52: {  	_ =	shalt  }
0x53: {  	_ =	shalt  }
0x54: {  	_ =	shalt  }
0x55: {  	_ =	shalt  }
0x56: {  	_ =	shalt  }
0x57: {  	_ =	shalt  }
0x58: {  	_ =	shalt  }
0x59: {  	_ =	shalt  }
0x5a: {  	_ =	shalt  }
0x5b: {  	_ =	shalt  }
0x5c: {  	_ =	shalt  }
0x5d: {  	_ =	shalt  }
0x5e: {  	_ =	shalt  }
0x5f: {  	_ =	shalt  }
0x60: {  	_ =	shalt  }
0x61: {  	_ =	shalt  }
0x62: {  	_ =	shalt  }
0x63: {  	_ =	shalt  }
0x64: {  	_ =	shalt  }
0x65: {  	_ =	shalt  }
0x66: {  	_ =	shalt  }
0x67: {  	_ =	shalt  }
0x68: {  	_ =	shalt  }
0x69: {  	_ =	shalt  }
0x6a: {  	_ =	shalt  }
0x6b: {  	_ =	shalt  }
0x6c: {  	_ =	shalt  }
0x6d: {  	_ =	shalt  }
0x6e: {  	_ =	shalt  }
0x6f: {  	_ =	shalt  }
0x70: {  	_ =	shalt  }
0x71: {  	_ =	shalt  }
0x72: {  	_ =	shalt  }
0x73: {  	_ =	shalt  }
0x74: {  	_ =	shalt  }
0x75: {  	_ =	shalt  }
0x76: {  	_ =	shalt  }
0x77: {  	_ =	shalt  }
0x78: {  	_ =	shalt  }
0x79: {  	_ =	shalt  }
0x7a: {  	_ =	shalt  }
0x7b: {  	_ =	shalt  }
0x7c: {  	_ =	shalt  }
0x7d: {  	_ =	shalt  }
0x7e: {  	_ =	shalt  }
0x7f: {  	_ =	shalt  }
0x80: {  	_ =	shalt  }
0x81: {  	_ =	shalt  }
0x82: {  	_ =	shalt  }
0x83: {  	_ =	shalt  }
0x84: {  	_ =	shalt  }
0x85: {  	_ =	shalt  }
0x86: {  	_ =	shalt  }
0x87: {  	_ =	shalt  }
.Lfunc_end0:
.L_simem_size_0:
called_computation_lowered:
.L_overlay_start_0:
0x88: {  	s2 =	sld [smem:$0x3FD9]  }
0x89: {  	s3 =	sld [smem:$0x3FFE];
	_ =	sdelay $0x1  }
0x8a: {  	s1 =	srdreg.scid  }
0x8b: {  	s0 =	sand.u32 $0x1, s1  }
0x8c: {  	s16 =	sshll.u32 s0, $0xA;
	s2 =	sadd.s32 s3, s2  }
0x8d: {  	s2 =	sadd.s32 s2, s16  }
0x8e: {  	[smem:$0x3FC6] =	sst s2  }
0x8f: {  	_ = 	snop  }
0x90: {  	(tm) =	ssettm $0x1  }
0x91: {  	s17 =	sld [smem:$0x3FFB];
	_ =	sdelay $0x3  }
0x92: {  	_ =	strace s17  }
0x93: {  	s2 =	sld [smem:$0x3FFC];
	_ =	sdelay $0x3  }
0x94: {  	_ =	strace s2  }
0x95: {  	s2 =	sld [smem:$0x3FFD];
	_ =	sdelay $0x3  }
0x96: {  	_ =	strace s2  }
0x97: {  	_ =	strace $0x8FFFFFFF  }
0x98: {  	s18 =	sld [smem:$0x3FDB];
	_ =	sdelay $0x1  }
0x99: {  	s19 =	simm.s32 $_scs_section_size  }
0x9a: {  	s4 =	simm.s32 $_size__tile_overlayer_lowered;
	s5 =	simm.s32 $_tile_overlayer_lowered  }
0x9b: {  	s22 =	simm.s32 $0x1BFF;
	s21 =	sshll.u32 s5, $0x1;
	s2 =	sadd.s32 s19, s18  }
0x9c: {  	s6 =	simm.s32 $0x0;
	s20 =	sshll.u32 s4, $0x1;
	s4 =	sadd.s32 s21, s2  }
0x9d: {  	[timem:s6], [sflag:s22] =	dma.local [hbm:s4], s20  }
0x9e: {  	_ =	swait.ge [sflag:s22], s20  }
0x9f: {  	s3 =	ssub.s32 $0x0, s20;
	[sflag:s22] =	ssyncset.done $0x0  }
0xa0: {  	[sflag:s22] =	ssyncadd.s32 s3;
	_ =	sdelay $0x1  }
0xa1: {  	s23 =	simm.s32 $0x1B8B  }
0xa2: {  	_ =	swait.ge [sflag:s23], $0x1  }
0xa3: {  	[sflag:s23] =	ssyncset.done $0x0  }
0xa4: {  	s25 =	simm.s32 $0x1B8E;
	s24 =	sld [smem:$0x3FFE];
	[sflag:s23] =	ssyncadd.s32 $0xFFFFFFFF  }
0xa5: {  	s26 =	simm.s32 $execute0_lowered;
	[smem:$0x3FD2] =	sst s25  }
0xa6: {  	s4 =	sshll.u32 s26, $0x1;
	_ =	strace $0x80000046;
	[dreg:$0x1] =	wrdreg $0xFFFFFFFF  }
0xa7: {  	s28 =	simm.s32 $_size_execute0_lowered;
	s2 =	sadd.s32 s2, s4;
	[dreg:$0x0] =	wrdreg $0x0  }
0xa8: {  	s4 =	sshll.u32 s28, $0x1;
	[dreg:$0x2] =	wrdreg s2  }
0xa9: {  	[dreg:$0x3] =	wrdreg s4  }
0xaa: {  	[dreg:$0x4] =	wrdreg $0xC0  }
0xab: {  	_ =	task [dreg:s6], $0x5FFFF  }
0xac: {  	[dreg:$0x1] =	wrdreg $0xFFFFFFFF  }
0xad: {  	[dreg:$0x0] =	wrdreg $0x60  }
0xae: {  	[dreg:$0x2] =	wrdreg s24  }
0xaf: {  	[dreg:$0x3] =	wrdreg $0x9  }
0xb0: {  	_ =	task.clear_ibuf [dreg:s6], $0x4FFFF;
	_ =	strace $0x90000046  }
0xb1: {  	s29 =	simm.s32 $0x9;
	_ =	strace $0x80000048  }
0xb2: {  	_ =	swait.ge [sflag:s29], $0x1  }
0xb3: {  	[sflag:s29] =	ssyncadd.s32 $0xFFFFFFFF  }
0xb4: {  	_ =	strace $0x90000048  }
0xb5: {  	_ =	sfence  }
0xb6: {  	s30 =	sld [smem:$0x0];
	_ =	sdelay $0x2  }
0xb7: {  	s31 =	sshll.u32 s1, $0xD;
	s1 =	sshrl.u32 s1, $0x2  }
0xb8: {  	s3 =	sand.u32 $0x4000, s31;
	s1 =	sadd.s32 s1, s30  }
0xb9: {  	s0 =	sor.u32 s3, s0;
	s1 =	sshll.u32 s1, $0x11  }
0xba: {  	s0 =	sor.u32 s1, s0  }
0xbb: {  	s0 =	sadd.s32 $0x8F2B, s0  }
0xbc: {  	[sflag:s0] =	ssyncadd.remote.s32 $0x1  }
0xbd: {  	_ =	sfence.sel $0xFFFF  }
0xbe: {  	[dreg:$0x0] =	wrdreg $0xFFFFFFFF;
	(pc) =	sbr.abs _section_cstart, $3  }
0xbf: {  	[dreg:$0x1] =	wrdreg $0xFFFFFFFF  }
0xc0: {  	_ =	task.clear_ibuf [dreg:s6], $0x2FFFF;
	_ =	strace $0x9FFFFFFF  }
0xc1: {  	(tm) =	ssettm $0x7FFFFFFF  }
tec
execute0_lowered:
.L_overlay_start_1:
0x0: {  	(tag) =	ssettag $0x1  }
0x1: {  	s3 =	rddreg [dreg:$0x0]  }
0x2: {  	s0 =	rddreg [dreg:$0x1]  }
0x3: {  	s4 =	srdreg.scid;
	s1 =	stileid.u32;
	s2 =	simm.s32 $0x0  }
0x4: {  	s9 =	simm.s32 $0x8000;
	s10 =	simm.s32 $0x1;
	s11 =	simm.s32 $0x10000  }
0x5: {  	s12 =	simm.s32 $0x2;
	s13 =	simm.s32 $0x80;
	s14 =	simm.s32 $0x400  }
0x6: {  	s15 =	simm.s32 $0x3;
	s16 =	simm.s32 $0x0;
	s4 =	sand.u32 $0x1, s4  }
0x7: {  	s5 =	sshll.u32 s1, $0x1;
	[smem:$0x7FF] =	sst s2;
	s7 =	sshll.u32 s1, $0x9  }
0x8: {  	s5 =	sor.u32 s4, s5;
	_ =	strace $0x80000047;
	s4 =	ssub.s32 $0x2, s4  }
0x9: {  	s7 =	sand.u32 $0x1800, s7;
	s6 =	sshll.u32 s5, $0xE;
	s8 =	sshrl.u32 s4, $0x1  }
0xa: {  	s5 =	sshll.u32 s5, $0x4;
	s7 =	sadd.s32 s7, s3;
	s6 =	sadd.s32 s6, s3  }
0xb: {  	s8 =	ssub.s32 s4, s8;
	s5 =	sand.u32 $0x70, s5;
	s3 =	sadd.s32 $0x80600, s6  }
0xc: {  	s4 =	sadd.s32 $0x81600, s6;
	s7 =	sadd.s32 s5, s7;
	s5 =	sadd.s32 $0x82600, s6  }
0xd: {  	v0 =	vimm.f32 $0.0e+00;
	v1 =	vimm.f32 $1.000000000e+00;
	s6 =	sadd.s32 $0x83600, s6;
	s8 =	smax.u32 s8, $0x1;
	s7 =	sadd.s32 $0x100600, s7  }
.LBB2_1:
0xe: {  	s17 =	simm.s32 $0x40;
	s18 =	simm.s32 $0x0  }
.LBB2_2:
0xf: {  	p0 =	sne.s32 s17, $0x1FC0;
	[tilespmem:s18+$0x10000] =	vst v0;
	s18 =	smov.u32 s17;
	s17 =	sadd.s32 $0x40, s17  }
.Ltmp0:
0x10: {  	(pc) =	sbr.rel @p0 .LBB2_2-.Ltmp0, $2  }
0x11: {  	_ =	sdelay $0x2  }
0x12: {  	s18 =	sshra.s32 s18, $0x2  }
0x13: {  	[tilespmem:s18+$0x10000] =	vst v0  }
0x14: {  	[tilespmem:s2], [sflag:$0x1] =	stream.linear.gather [hbm4b:s3+s2], $0x8000, $0x38;
	[tilespmem:$0x10800] =	vst v63  }
0x15: {  	_ = 	snop  }
0x16: {  	[tilespmem:s9], [sflag:$0x2] =	stream.linear.gather [hbm4b:s4+s2], $0x8000, $0x38;
	[tilespmem:$0x10800] =	vst v63  }
0x17: {  	_ =	swait.ge [sflag:s10], $0x8000  }
0x18: {  	[sflag:s10] =	ssyncset.done $0x0  }
0x19: {  	s17 =	simm.s32 $0xFFFFFFF0;
	s18 =	simm.s32 $0x80;
	[sflag:s10] =	ssyncadd.s32 $0xFFFF8000  }
.LBB2_4:
0x1a: {  	v2 =	vld [tilespmem:s18+$0xFFFFFF80];
	_ =	sdelay $0x4  }
0x1b: {  	v2 =	vshrl.u32 v2, $0x15;
	_ =	sdelay $0x4  }
0x1c: {  	[tilespmem:v2+s11+$0x0] =	vst.idx.add.f32.msk $0xffff, v1  }
0x1d: {  	v2 =	vld [tilespmem:s18+$0xFFFFFF90];
	_ =	sdelay $0x4  }
0x1e: {  	v2 =	vshrl.u32 v2, $0x15;
	_ =	sdelay $0x4  }
0x1f: {  	[tilespmem:v2+s11+$0x0] =	vst.idx.add.f32.msk $0xffff, v1  }
0x20: {  	v2 =	vld [tilespmem:s18+$0xFFFFFFA0];
	_ =	sdelay $0x4  }
0x21: {  	v2 =	vshrl.u32 v2, $0x15;
	_ =	sdelay $0x4  }
0x22: {  	[tilespmem:v2+s11+$0x0] =	vst.idx.add.f32.msk $0xffff, v1  }
0x23: {  	v2 =	vld [tilespmem:s18+$0xFFFFFFB0];
	_ =	sdelay $0x4  }
0x24: {  	v2 =	vshrl.u32 v2, $0x15;
	_ =	sdelay $0x4  }
0x25: {  	[tilespmem:v2+s11+$0x0] =	vst.idx.add.f32.msk $0xffff, v1  }
0x26: {  	v2 =	vld [tilespmem:s18+$0xFFFFFFC0];
	_ =	sdelay $0x4  }
0x27: {  	v2 =	vshrl.u32 v2, $0x15;
	_ =	sdelay $0x4  }
0x28: {  	[tilespmem:v2+s11+$0x0] =	vst.idx.add.f32.msk $0xffff, v1  }
0x29: {  	v2 =	vld [tilespmem:s18+$0xFFFFFFD0];
	_ =	sdelay $0x4  }
0x2a: {  	v2 =	vshrl.u32 v2, $0x15;
	_ =	sdelay $0x4  }
0x2b: {  	[tilespmem:v2+s11+$0x0] =	vst.idx.add.f32.msk $0xffff, v1  }
0x2c: {  	v2 =	vld [tilespmem:s18+$0xFFFFFFE0];
	_ =	sdelay $0x4  }
0x2d: {  	v2 =	vshrl.u32 v2, $0x15;
	_ =	sdelay $0x4  }
0x2e: {  	[tilespmem:v2+s11+$0x0] =	vst.idx.add.f32.msk $0xffff, v1  }
0x2f: {  	v2 =	vld [tilespmem:s18+$0xFFFFFFF0];
	_ =	sdelay $0x4  }
0x30: {  	v2 =	vshrl.u32 v2, $0x15;
	_ =	sdelay $0x4  }
0x31: {  	[tilespmem:v2+s11+$0x0] =	vst.idx.add.f32.msk $0xffff, v1  }
0x32: {  	v2 =	vld [tilespmem:s18+$0x0];
	_ =	sdelay $0x4  }
0x33: {  	v2 =	vshrl.u32 v2, $0x15;
	_ =	sdelay $0x4  }
0x34: {  	[tilespmem:v2+s11+$0x0] =	vst.idx.add.f32.msk $0xffff, v1  }
0x35: {  	v2 =	vld [tilespmem:s18+$0x10];
	_ =	sdelay $0x4  }
0x36: {  	v2 =	vshrl.u32 v2, $0x15;
	_ =	sdelay $0x4  }
0x37: {  	[tilespmem:v2+s11+$0x0] =	vst.idx.add.f32.msk $0xffff, v1  }
0x38: {  	v2 =	vld [tilespmem:s18+$0x20];
	_ =	sdelay $0x4  }
0x39: {  	v2 =	vshrl.u32 v2, $0x15;
	_ =	sdelay $0x4  }
0x3a: {  	[tilespmem:v2+s11+$0x0] =	vst.idx.add.f32.msk $0xffff, v1  }
0x3b: {  	v2 =	vld [tilespmem:s18+$0x30];
	_ =	sdelay $0x4  }
0x3c: {  	v2 =	vshrl.u32 v2, $0x15;
	_ =	sdelay $0x4  }
0x3d: {  	[tilespmem:v2+s11+$0x0] =	vst.idx.add.f32.msk $0xffff, v1  }
0x3e: {  	v2 =	vld [tilespmem:s18+$0x40];
	_ =	sdelay $0x4  }
0x3f: {  	v2 =	vshrl.u32 v2, $0x15;
	_ =	sdelay $0x4  }
0x40: {  	[tilespmem:v2+s11+$0x0] =	vst.idx.add.f32.msk $0xffff, v1  }
0x41: {  	v2 =	vld [tilespmem:s18+$0x50];
	_ =	sdelay $0x4  }
0x42: {  	v2 =	vshrl.u32 v2, $0x15;
	_ =	sdelay $0x4  }
0x43: {  	[tilespmem:v2+s11+$0x0] =	vst.idx.add.f32.msk $0xffff, v1  }
0x44: {  	v2 =	vld [tilespmem:s18+$0x60];
	_ =	sdelay $0x4  }
0x45: {  	v2 =	vshrl.u32 v2, $0x15;
	_ =	sdelay $0x4  }
0x46: {  	[tilespmem:v2+s11+$0x0] =	vst.idx.add.f32.msk $0xffff, v1  }
0x47: {  	v2 =	vld [tilespmem:s18+$0x70];
	_ =	sdelay $0x3  }
0x48: {  	s17 =	sadd.s32 $0x10, s17  }
0x49: {  	p0 =	slt.u32 s17, $0x7F0;
	v2 =	vshrl.u32 v2, $0x15  }
.Ltmp1:
0x4a: {  	_ = 	snop;
	(pc) =	sbr.rel @p0 .LBB2_4-.Ltmp1, $2  }
0x4b: {  	_ =	sdelay $0x2  }
0x4c: {  	s18 =	sadd.s32 $0x100, s18;
	[tilespmem:v2+s11+$0x0] =	vst.idx.add.f32.msk $0xffff, v1  }
0x4d: {  	[tilespmem:s2], [sflag:$0x1] =	stream.linear.gather [hbm4b:s5+s2], $0x8000, $0x38;
	[tilespmem:$0x10800] =	vst v63  }
0x4e: {  	_ =	swait.ge [sflag:s12], $0x8000  }
0x4f: {  	[sflag:s12] =	ssyncset.done $0x0  }
0x50: {  	s17 =	simm.s32 $0xFFFFFFF0;
	s18 =	simm.s32 $0x8080;
	[sflag:s12] =	ssyncadd.s32 $0xFFFF8000  }
.LBB2_6:
0x51: {  	v2 =	vld [tilespmem:s18+$0xFFFFFF80];
	_ =	sdelay $0x4  }
0x52: {  	v2 =	vshrl.u32 v2, $0x15;
	_ =	sdelay $0x4  }
0x53: {  	[tilespmem:v2+s11+$0x0] =	vst.idx.add.f32.msk $0xffff, v1  }
0x54: {  	v2 =	vld [tilespmem:s18+$0xFFFFFF90];
	_ =	sdelay $0x4  }
0x55: {  	v2 =	vshrl.u32 v2, $0x15;
	_ =	sdelay $0x4  }
0x56: {  	[tilespmem:v2+s11+$0x0] =	vst.idx.add.f32.msk $0xffff, v1  }
0x57: {  	v2 =	vld [tilespmem:s18+$0xFFFFFFA0];
	_ =	sdelay $0x4  }
0x58: {  	v2 =	vshrl.u32 v2, $0x15;
	_ =	sdelay $0x4  }
0x59: {  	[tilespmem:v2+s11+$0x0] =	vst.idx.add.f32.msk $0xffff, v1  }
0x5a: {  	v2 =	vld [tilespmem:s18+$0xFFFFFFB0];
	_ =	sdelay $0x4  }
0x5b: {  	v2 =	vshrl.u32 v2, $0x15;
	_ =	sdelay $0x4  }
0x5c: {  	[tilespmem:v2+s11+$0x0] =	vst.idx.add.f32.msk $0xffff, v1  }
0x5d: {  	v2 =	vld [tilespmem:s18+$0xFFFFFFC0];
	_ =	sdelay $0x4  }
0x5e: {  	v2 =	vshrl.u32 v2, $0x15;
	_ =	sdelay $0x4  }
0x5f: {  	[tilespmem:v2+s11+$0x0] =	vst.idx.add.f32.msk $0xffff, v1  }
0x60: {  	v2 =	vld [tilespmem:s18+$0xFFFFFFD0];
	_ =	sdelay $0x4  }
0x61: {  	v2 =	vshrl.u32 v2, $0x15;
	_ =	sdelay $0x4  }
0x62: {  	[tilespmem:v2+s11+$0x0] =	vst.idx.add.f32.msk $0xffff, v1  }
0x63: {  	v2 =	vld [tilespmem:s18+$0xFFFFFFE0];
	_ =	sdelay $0x4  }
0x64: {  	v2 =	vshrl.u32 v2, $0x15;
	_ =	sdelay $0x4  }
0x65: {  	[tilespmem:v2+s11+$0x0] =	vst.idx.add.f32.msk $0xffff, v1  }
0x66: {  	v2 =	vld [tilespmem:s18+$0xFFFFFFF0];
	_ =	sdelay $0x4  }
0x67: {  	v2 =	vshrl.u32 v2, $0x15;
	_ =	sdelay $0x4  }
0x68: {  	[tilespmem:v2+s11+$0x0] =	vst.idx.add.f32.msk $0xffff, v1  }
0x69: {  	v2 =	vld [tilespmem:s18+$0x0];
	_ =	sdelay $0x4  }
0x6a: {  	v2 =	vshrl.u32 v2, $0x15;
	_ =	sdelay $0x4  }
0x6b: {  	[tilespmem:v2+s11+$0x0] =	vst.idx.add.f32.msk $0xffff, v1  }
0x6c: {  	v2 =	vld [tilespmem:s18+$0x10];
	_ =	sdelay $0x4  }
0x6d: {  	v2 =	vshrl.u32 v2, $0x15;
	_ =	sdelay $0x4  }
0x6e: {  	[tilespmem:v2+s11+$0x0] =	vst.idx.add.f32.msk $0xffff, v1  }
0x6f: {  	v2 =	vld [tilespmem:s18+$0x20];
	_ =	sdelay $0x4  }
0x70: {  	v2 =	vshrl.u32 v2, $0x15;
	_ =	sdelay $0x4  }
0x71: {  	[tilespmem:v2+s11+$0x0] =	vst.idx.add.f32.msk $0xffff, v1  }
0x72: {  	v2 =	vld [tilespmem:s18+$0x30];
	_ =	sdelay $0x4  }
0x73: {  	v2 =	vshrl.u32 v2, $0x15;
	_ =	sdelay $0x4  }
0x74: {  	[tilespmem:v2+s11+$0x0] =	vst.idx.add.f32.msk $0xffff, v1  }
0x75: {  	v2 =	vld [tilespmem:s18+$0x40];
	_ =	sdelay $0x4  }
0x76: {  	v2 =	vshrl.u32 v2, $0x15;
	_ =	sdelay $0x4  }
0x77: {  	[tilespmem:v2+s11+$0x0] =	vst.idx.add.f32.msk $0xffff, v1  }
0x78: {  	v2 =	vld [tilespmem:s18+$0x50];
	_ =	sdelay $0x4  }
0x79: {  	v2 =	vshrl.u32 v2, $0x15;
	_ =	sdelay $0x4  }
0x7a: {  	[tilespmem:v2+s11+$0x0] =	vst.idx.add.f32.msk $0xffff, v1  }
0x7b: {  	v2 =	vld [tilespmem:s18+$0x60];
	_ =	sdelay $0x4  }
0x7c: {  	v2 =	vshrl.u32 v2, $0x15;
	_ =	sdelay $0x4  }
0x7d: {  	[tilespmem:v2+s11+$0x0] =	vst.idx.add.f32.msk $0xffff, v1  }
0x7e: {  	v2 =	vld [tilespmem:s18+$0x70];
	_ =	sdelay $0x3  }
0x7f: {  	s17 =	sadd.s32 $0x10, s17  }
0x80: {  	p0 =	slt.u32 s17, $0x7F0;
	v2 =	vshrl.u32 v2, $0x15  }
.Ltmp2:
0x81: {  	_ = 	snop;
	(pc) =	sbr.rel @p0 .LBB2_6-.Ltmp2, $2  }
0x82: {  	_ =	sdelay $0x2  }
0x83: {  	s18 =	sadd.s32 $0x100, s18;
	[tilespmem:v2+s11+$0x0] =	vst.idx.add.f32.msk $0xffff, v1  }
0x84: {  	[tilespmem:s9], [sflag:$0x2] =	stream.linear.gather [hbm4b:s6+s2], $0x8000, $0x38;
	[tilespmem:$0x10800] =	vst v63  }
0x85: {  	_ =	swait.ge [sflag:s10], $0x8000  }
0x86: {  	[sflag:s10] =	ssyncset.done $0x0  }
0x87: {  	s17 =	simm.s32 $0xFFFFFFF0;
	s18 =	simm.s32 $0x80;
	[sflag:s10] =	ssyncadd.s32 $0xFFFF8000  }
.LBB2_8:
0x88: {  	v2 =	vld [tilespmem:s18+$0xFFFFFF80];
	_ =	sdelay $0x4  }
0x89: {  	v2 =	vshrl.u32 v2, $0x15;
	_ =	sdelay $0x4  }
0x8a: {  	[tilespmem:v2+s11+$0x0] =	vst.idx.add.f32.msk $0xffff, v1  }
0x8b: {  	v2 =	vld [tilespmem:s18+$0xFFFFFF90];
	_ =	sdelay $0x4  }
0x8c: {  	v2 =	vshrl.u32 v2, $0x15;
	_ =	sdelay $0x4  }
0x8d: {  	[tilespmem:v2+s11+$0x0] =	vst.idx.add.f32.msk $0xffff, v1  }
0x8e: {  	v2 =	vld [tilespmem:s18+$0xFFFFFFA0];
	_ =	sdelay $0x4  }
0x8f: {  	v2 =	vshrl.u32 v2, $0x15;
	_ =	sdelay $0x4  }
0x90: {  	[tilespmem:v2+s11+$0x0] =	vst.idx.add.f32.msk $0xffff, v1  }
0x91: {  	v2 =	vld [tilespmem:s18+$0xFFFFFFB0];
	_ =	sdelay $0x4  }
0x92: {  	v2 =	vshrl.u32 v2, $0x15;
	_ =	sdelay $0x4  }
0x93: {  	[tilespmem:v2+s11+$0x0] =	vst.idx.add.f32.msk $0xffff, v1  }
0x94: {  	v2 =	vld [tilespmem:s18+$0xFFFFFFC0];
	_ =	sdelay $0x4  }
0x95: {  	v2 =	vshrl.u32 v2, $0x15;
	_ =	sdelay $0x4  }
0x96: {  	[tilespmem:v2+s11+$0x0] =	vst.idx.add.f32.msk $0xffff, v1  }
0x97: {  	v2 =	vld [tilespmem:s18+$0xFFFFFFD0];
	_ =	sdelay $0x4  }
0x98: {  	v2 =	vshrl.u32 v2, $0x15;
	_ =	sdelay $0x4  }
0x99: {  	[tilespmem:v2+s11+$0x0] =	vst.idx.add.f32.msk $0xffff, v1  }
0x9a: {  	v2 =	vld [tilespmem:s18+$0xFFFFFFE0];
	_ =	sdelay $0x4  }
0x9b: {  	v2 =	vshrl.u32 v2, $0x15;
	_ =	sdelay $0x4  }
0x9c: {  	[tilespmem:v2+s11+$0x0] =	vst.idx.add.f32.msk $0xffff, v1  }
0x9d: {  	v2 =	vld [tilespmem:s18+$0xFFFFFFF0];
	_ =	sdelay $0x4  }
0x9e: {  	v2 =	vshrl.u32 v2, $0x15;
	_ =	sdelay $0x4  }
0x9f: {  	[tilespmem:v2+s11+$0x0] =	vst.idx.add.f32.msk $0xffff, v1  }
0xa0: {  	v2 =	vld [tilespmem:s18+$0x0];
	_ =	sdelay $0x4  }
0xa1: {  	v2 =	vshrl.u32 v2, $0x15;
	_ =	sdelay $0x4  }
0xa2: {  	[tilespmem:v2+s11+$0x0] =	vst.idx.add.f32.msk $0xffff, v1  }
0xa3: {  	v2 =	vld [tilespmem:s18+$0x10];
	_ =	sdelay $0x4  }
0xa4: {  	v2 =	vshrl.u32 v2, $0x15;
	_ =	sdelay $0x4  }
0xa5: {  	[tilespmem:v2+s11+$0x0] =	vst.idx.add.f32.msk $0xffff, v1  }
0xa6: {  	v2 =	vld [tilespmem:s18+$0x20];
	_ =	sdelay $0x4  }
0xa7: {  	v2 =	vshrl.u32 v2, $0x15;
	_ =	sdelay $0x4  }
0xa8: {  	[tilespmem:v2+s11+$0x0] =	vst.idx.add.f32.msk $0xffff, v1  }
0xa9: {  	v2 =	vld [tilespmem:s18+$0x30];
	_ =	sdelay $0x4  }
0xaa: {  	v2 =	vshrl.u32 v2, $0x15;
	_ =	sdelay $0x4  }
0xab: {  	[tilespmem:v2+s11+$0x0] =	vst.idx.add.f32.msk $0xffff, v1  }
0xac: {  	v2 =	vld [tilespmem:s18+$0x40];
	_ =	sdelay $0x4  }
0xad: {  	v2 =	vshrl.u32 v2, $0x15;
	_ =	sdelay $0x4  }
0xae: {  	[tilespmem:v2+s11+$0x0] =	vst.idx.add.f32.msk $0xffff, v1  }
0xaf: {  	v2 =	vld [tilespmem:s18+$0x50];
	_ =	sdelay $0x4  }
0xb0: {  	v2 =	vshrl.u32 v2, $0x15;
	_ =	sdelay $0x4  }
0xb1: {  	[tilespmem:v2+s11+$0x0] =	vst.idx.add.f32.msk $0xffff, v1  }
0xb2: {  	v2 =	vld [tilespmem:s18+$0x60];
	_ =	sdelay $0x4  }
0xb3: {  	v2 =	vshrl.u32 v2, $0x15;
	_ =	sdelay $0x4  }
0xb4: {  	[tilespmem:v2+s11+$0x0] =	vst.idx.add.f32.msk $0xffff, v1  }
0xb5: {  	v2 =	vld [tilespmem:s18+$0x70];
	_ =	sdelay $0x3  }
0xb6: {  	s17 =	sadd.s32 $0x10, s17  }
0xb7: {  	p0 =	slt.u32 s17, $0x7F0;
	v2 =	vshrl.u32 v2, $0x15  }
.Ltmp3:
0xb8: {  	_ = 	snop;
	(pc) =	sbr.rel @p0 .LBB2_8-.Ltmp3, $2  }
0xb9: {  	_ =	sdelay $0x2  }
0xba: {  	s18 =	sadd.s32 $0x100, s18;
	[tilespmem:v2+s11+$0x0] =	vst.idx.add.f32.msk $0xffff, v1  }
0xbb: {  	_ =	swait.ge [sflag:s12], $0x8000  }
0xbc: {  	[sflag:s12] =	ssyncset.done $0x0  }
0xbd: {  	s17 =	simm.s32 $0xFFFFFFF0;
	s18 =	simm.s32 $0x8080;
	[sflag:s12] =	ssyncadd.s32 $0xFFFF8000  }
.LBB2_10:
0xbe: {  	v2 =	vld [tilespmem:s18+$0xFFFFFF80];
	_ =	sdelay $0x4  }
0xbf: {  	v2 =	vshrl.u32 v2, $0x15;
	_ =	sdelay $0x4  }
0xc0: {  	[tilespmem:v2+s11+$0x0] =	vst.idx.add.f32.msk $0xffff, v1  }
0xc1: {  	v2 =	vld [tilespmem:s18+$0xFFFFFF90];
	_ =	sdelay $0x4  }
0xc2: {  	v2 =	vshrl.u32 v2, $0x15;
	_ =	sdelay $0x4  }
0xc3: {  	[tilespmem:v2+s11+$0x0] =	vst.idx.add.f32.msk $0xffff, v1  }
0xc4: {  	v2 =	vld [tilespmem:s18+$0xFFFFFFA0];
	_ =	sdelay $0x4  }
0xc5: {  	v2 =	vshrl.u32 v2, $0x15;
	_ =	sdelay $0x4  }
0xc6: {  	[tilespmem:v2+s11+$0x0] =	vst.idx.add.f32.msk $0xffff, v1  }
0xc7: {  	v2 =	vld [tilespmem:s18+$0xFFFFFFB0];
	_ =	sdelay $0x4  }
0xc8: {  	v2 =	vshrl.u32 v2, $0x15;
	_ =	sdelay $0x4  }
0xc9: {  	[tilespmem:v2+s11+$0x0] =	vst.idx.add.f32.msk $0xffff, v1  }
0xca: {  	v2 =	vld [tilespmem:s18+$0xFFFFFFC0];
	_ =	sdelay $0x4  }
0xcb: {  	v2 =	vshrl.u32 v2, $0x15;
	_ =	sdelay $0x4  }
0xcc: {  	[tilespmem:v2+s11+$0x0] =	vst.idx.add.f32.msk $0xffff, v1  }
0xcd: {  	v2 =	vld [tilespmem:s18+$0xFFFFFFD0];
	_ =	sdelay $0x4  }
0xce: {  	v2 =	vshrl.u32 v2, $0x15;
	_ =	sdelay $0x4  }
0xcf: {  	[tilespmem:v2+s11+$0x0] =	vst.idx.add.f32.msk $0xffff, v1  }
0xd0: {  	v2 =	vld [tilespmem:s18+$0xFFFFFFE0];
	_ =	sdelay $0x4  }
0xd1: {  	v2 =	vshrl.u32 v2, $0x15;
	_ =	sdelay $0x4  }
0xd2: {  	[tilespmem:v2+s11+$0x0] =	vst.idx.add.f32.msk $0xffff, v1  }
0xd3: {  	v2 =	vld [tilespmem:s18+$0xFFFFFFF0];
	_ =	sdelay $0x4  }
0xd4: {  	v2 =	vshrl.u32 v2, $0x15;
	_ =	sdelay $0x4  }
0xd5: {  	[tilespmem:v2+s11+$0x0] =	vst.idx.add.f32.msk $0xffff, v1  }
0xd6: {  	v2 =	vld [tilespmem:s18+$0x0];
	_ =	sdelay $0x4  }
0xd7: {  	v2 =	vshrl.u32 v2, $0x15;
	_ =	sdelay $0x4  }
0xd8: {  	[tilespmem:v2+s11+$0x0] =	vst.idx.add.f32.msk $0xffff, v1  }
0xd9: {  	v2 =	vld [tilespmem:s18+$0x10];
	_ =	sdelay $0x4  }
0xda: {  	v2 =	vshrl.u32 v2, $0x15;
	_ =	sdelay $0x4  }
0xdb: {  	[tilespmem:v2+s11+$0x0] =	vst.idx.add.f32.msk $0xffff, v1  }
0xdc: {  	v2 =	vld [tilespmem:s18+$0x20];
	_ =	sdelay $0x4  }
0xdd: {  	v2 =	vshrl.u32 v2, $0x15;
	_ =	sdelay $0x4  }
0xde: {  	[tilespmem:v2+s11+$0x0] =	vst.idx.add.f32.msk $0xffff, v1  }
0xdf: {  	v2 =	vld [tilespmem:s18+$0x30];
	_ =	sdelay $0x4  }
0xe0: {  	v2 =	vshrl.u32 v2, $0x15;
	_ =	sdelay $0x4  }
0xe1: {  	[tilespmem:v2+s11+$0x0] =	vst.idx.add.f32.msk $0xffff, v1  }
0xe2: {  	v2 =	vld [tilespmem:s18+$0x40];
	_ =	sdelay $0x4  }
0xe3: {  	v2 =	vshrl.u32 v2, $0x15;
	_ =	sdelay $0x4  }
0xe4: {  	[tilespmem:v2+s11+$0x0] =	vst.idx.add.f32.msk $0xffff, v1  }
0xe5: {  	v2 =	vld [tilespmem:s18+$0x50];
	_ =	sdelay $0x4  }
0xe6: {  	v2 =	vshrl.u32 v2, $0x15;
	_ =	sdelay $0x4  }
0xe7: {  	[tilespmem:v2+s11+$0x0] =	vst.idx.add.f32.msk $0xffff, v1  }
0xe8: {  	v2 =	vld [tilespmem:s18+$0x60];
	_ =	sdelay $0x4  }
0xe9: {  	v2 =	vshrl.u32 v2, $0x15;
	_ =	sdelay $0x4  }
0xea: {  	[tilespmem:v2+s11+$0x0] =	vst.idx.add.f32.msk $0xffff, v1  }
0xeb: {  	v2 =	vld [tilespmem:s18+$0x70];
	_ =	sdelay $0x3  }
0xec: {  	s17 =	sadd.s32 $0x10, s17  }
0xed: {  	p0 =	slt.u32 s17, $0x7F0;
	v2 =	vshrl.u32 v2, $0x15  }
.Ltmp4:
0xee: {  	_ = 	snop;
	(pc) =	sbr.rel @p0 .LBB2_10-.Ltmp4, $2  }
0xef: {  	_ =	sdelay $0x2  }
0xf0: {  	s18 =	sadd.s32 $0x100, s18;
	[tilespmem:v2+s11+$0x0] =	vst.idx.add.f32.msk $0xffff, v1  }
0xf1: {  	s16 =	sadd.s32 $0x1, s16  }
0xf2: {  	p0 =	sne.s32 s16, s8  }
.Ltmp5:
0xf3: {  	_ = 	snop;
	(pc) =	sbr.rel @p0 .LBB2_1-.Ltmp5, $4  }
0xf4: {  	[hbm4b:s7+s13] =	stream.strided.scatter [tilespmem:s11], [sflag:$0x3], $0x800, s14, s13, $0x38;
	[tilespmem:$0x10800] =	vst v63  }
0xf5: {  	_ =	swait.ge [sflag:s15], $0x800  }
0xf6: {  	[sflag:s15] =	ssyncset.done $0x0  }
0xf7: {  	[sflag:s15] =	ssyncadd.s32 $0xFFFFF800  }
0xf8: {  	_ =	sfence.sel $0x180000  }
0xf9: {  	[bflag:$0x0] =	sbarrier.arrive $0xFFFF  }
0xfa: {  	p0 =	sne.s32 s1, $0x0;
	_ =	strace $0x90000047  }
0xfb: {  	s0 =	sadd.s32 @!p0 $0x100000, s0;
	[bflag:$0x2] =	sbarrier.arrive $0xFFFF  }
0xfc: {  	[sflag:s0] =	ssyncadd.tile.s32 @!p0 $0x1;
	_ =	shalt  }
.Lfunc_end2:
_tile_overlayer_lowered:
.L_overlay_start_2:
0xfd: {  	(tag) =	ssettag $0x2  }
0xfe: {  	s0 =	rddreg [dreg:$0x0];
	s2 =	stileid.u32  }
0xff: {  	s1 =	rddreg [dreg:$0x1];
	p0 =	sne.s32 s2, $0x0  }
0x100: {  	s3 =	rddreg [dreg:$0x2];
	[bflag:$0x3] =	sbarrier.arrive $0xFFFF;
	s2 =	simm.s32 @!p0 $0x1C03  }
0x101: {  	[timem:s3], [sflag:s2] =	dma.local @!p0 [hbm:s0], s1  }
0x102: {  	s0 =	simm.s32 @!p0 $0x3  }
0x103: {  	_ =	swait.ge @!p0 [sflag:s0], s1  }
0x104: {  	s1 =	ssub.s32 @!p0 $0x0, s1;
	[sflag:s0] =	ssyncset.done @!p0 $0x0  }
0x105: {  	[sflag:s0] =	ssyncadd.s32 @!p0 s1  }
0x106: {  	[bflag:$0x3] =	sbarrier.arrive $0xFFFF  }
0x107: {  	_ =	shalt  }

</sc_bundles>
